<compile_context>
chip_gen: v7x
topology: tpu7x:2x2x1
jax: 0.10.2.dev20260603
libtpu: 0.0.44.dev20260713+nightly
codegen_flags: <defaults>
</compile_context>

<pallas_src>
import functools

import jax
import jax.numpy as jnp
from jax import lax
from jax.experimental import pallas as pl
from jax.experimental.pallas import tpu as pltpu
from jax.experimental.pallas import tpu_sc as plsc

N = 10000
E = 320000
H = 128
NC = 2
NS = 16
NW = NC * NS
EPW = E // NW
K = 80
WINS = EPW // K
NB = 3
WMAIN = WINS - 2
NP = 10112
RPS = NP // NS


def _sc_segsum(g, src, dst, zeros):
    mesh = plsc.VectorSubcoreMesh(core_axis_name="c", subcore_axis_name="s")

    @functools.partial(
        pl.kernel,
        out_type=jax.ShapeDtypeStruct((NC, N, H), jnp.float32),
        mesh=mesh,
        scratch_types=[
            pltpu.VMEM((NB, K), jnp.int32),
            pltpu.VMEM((NB, K), jnp.int32),
            pltpu.VMEM((NB, K, H), jnp.float32),
            pltpu.VMEM_SHARED((NP, H), jnp.float32),
            pltpu.SemaphoreType.DMA((NB,)),
            pltpu.SemaphoreType.DMA((NB,)),
            pltpu.SemaphoreType.DMA,
            pltpu.SemaphoreType.DMA((NB,)),
            pltpu.SemaphoreType.DMA((NB,)),
        ],
    )
    def k(g_hbm, sr, dr, z_hbm, out_hbm, isring, dring, bufs, acc,
          isems, dsems, zsem, gsems, ssems):
        cid = lax.axis_index("c")
        sid = lax.axis_index("s")
        wid = sid * NC + cid
        row0 = sid * RPS
        ebase = wid * EPW

        for i in range(NB):
            pltpu.async_copy(sr.at[pl.ds(ebase + i * K, K)], isring.at[i],
                             isems.at[i])
        for i in range(NB - 1):
            pltpu.async_copy(dr.at[pl.ds(ebase + i * K, K)], dring.at[i],
                             dsems.at[i])
        zc = pltpu.async_copy(z_hbm, acc.at[pl.ds(row0, RPS)], zsem)

        for b in range(NB - 1):
            pltpu.make_async_copy(sr.at[pl.ds(ebase, K)], isring.at[b],
                                  isems.at[b]).wait()
            pltpu.async_copy(g_hbm.at[isring.at[b]], bufs.at[b],
                             gsems.at[b])
        zc.wait()
        plsc.subcore_barrier()

        def visit(w, b):
            bn = (b + 2) % NB

            @pl.when(w + 2 < WINS)
            def _():
                @pl.when(w >= 1)
                def _():
                    pltpu.make_async_copy(bufs.at[bn], acc.at[dring.at[b]],
                                          ssems.at[bn]).wait()
                pltpu.async_copy(dr.at[pl.ds(ebase + (w + 2) * K, K)],
                                 dring.at[bn], dsems.at[bn])
                pltpu.make_async_copy(sr.at[pl.ds(ebase, K)],
                                      isring.at[bn], isems.at[bn]).wait()
                pltpu.async_copy(g_hbm.at[isring.at[bn]], bufs.at[bn],
                                 gsems.at[bn])

            pltpu.make_async_copy(g_hbm.at[isring.at[b]], bufs.at[b],
                                  gsems.at[b]).wait()
            pltpu.make_async_copy(dr.at[pl.ds(ebase, K)], dring.at[b],
                                  dsems.at[b]).wait()
            pltpu.async_copy(bufs.at[b], acc.at[dring.at[b]],
                             ssems.at[b], add=True)

            @pl.when(w + NB < WINS)
            def _():
                pltpu.async_copy(sr.at[pl.ds(ebase + (w + NB) * K, K)],
                                 isring.at[b], isems.at[b])

        @pl.loop(0, WMAIN, step=NB)
        def _(w0):
            for u in range(NB):
                visit(w0 + u, u)

        visit(WMAIN, WMAIN % NB)
        visit(WMAIN + 1, (WMAIN + 1) % NB)
        for b in range(NB):
            pltpu.make_async_copy(bufs.at[b], acc.at[dring.at[0]],
                                  ssems.at[b]).wait()
        plsc.subcore_barrier()

        @pl.when(sid < NS - 1)
        def _():
            pltpu.sync_copy(acc.at[pl.ds(row0, RPS)],
                            out_hbm.at[cid].at[pl.ds(row0, RPS)])

        @pl.when(sid == NS - 1)
        def _():
            pltpu.sync_copy(acc.at[pl.ds((NS - 1) * RPS, N - (NS - 1) * RPS)],
                            out_hbm.at[cid].at[pl.ds((NS - 1) * RPS,
                                                     N - (NS - 1) * RPS)])

    return k(g, src, dst, zeros)


def _dot_t(a, b):
    return lax.dot_general(a, b, (((1,), (1,)), ((), ())),
                           preferred_element_type=jnp.float32)


GRID = 10
NCHUNK = N // GRID
ECHUNK = E // GRID

_W_SPEC = pl.BlockSpec((H, H), lambda i: (0, 0))
_B_SPEC = pl.BlockSpec((1, H), lambda i: (0, 0))
_ROW_SPEC = pl.BlockSpec((NCHUNK, H), lambda i: (i, 0))
_P_SPEC = pl.BlockSpec((NC, NCHUNK, H), lambda i: (0, i, 0))


def _tc_pre(x, wr, wo, br, edge_index):
    def body(x_ref, wr_ref, wo_ref, br_ref, e_ref, g_ref, r_ref, src_ref,
             dst_ref):
        xv = x_ref[...]
        g_ref[...] = _dot_t(xv, wr_ref[...])
        r_ref[...] = _dot_t(xv, wo_ref[...]) + br_ref[...]
        src_ref[...] = e_ref[0, :]
        dst_ref[...] = e_ref[1, :]

    return pl.pallas_call(
        body,
        out_shape=(jax.ShapeDtypeStruct((N, H), jnp.float32),
                   jax.ShapeDtypeStruct((N, H), jnp.float32),
                   jax.ShapeDtypeStruct((E,), jnp.int32),
                   jax.ShapeDtypeStruct((E,), jnp.int32)),
    )(x, wr, wo, br.reshape(1, H), edge_index)


def _tc_mid(p, r_prev, wr, wo, br):
    def body(p_ref, rp_ref, wr_ref, wo_ref, br_ref, g_ref, r_ref):
        h = jnp.maximum(p_ref[0] + p_ref[1] + rp_ref[...], 0.0)
        g_ref[...] = _dot_t(h, wr_ref[...])
        r_ref[...] = _dot_t(h, wo_ref[...]) + br_ref[...]

    return pl.pallas_call(
        body,
        out_shape=(jax.ShapeDtypeStruct((N, H), jnp.float32),
                   jax.ShapeDtypeStruct((N, H), jnp.float32)),
    )(p, r_prev, wr, wo, br.reshape(1, H))


def _tc_fin(p, r_prev, lin_w, lin_b):
    c = lin_w.shape[0]

    def body(p_ref, rp_ref, lw_ref, lb_ref, o_ref):
        h = jnp.maximum(p_ref[0] + p_ref[1] + rp_ref[...], 0.0)
        emb = jnp.sum(h, axis=0, keepdims=True) * (1.0 / N)
        o_ref[...] = _dot_t(emb, lw_ref[...]) + lb_ref[...]

    return pl.pallas_call(
        body,
        out_shape=jax.ShapeDtypeStruct((1, c), jnp.float32),
    )(p, r_prev, lin_w, lin_b.reshape(1, c))


def kernel(x, edge_index, W_rel1, b_rel1, W_root1, W_rel2, b_rel2, W_root2,
           W_rel3, b_rel3, W_root3, lin_W, lin_b):
    zeros = jnp.zeros((RPS, H), jnp.float32)

    g1, r1, src, dst = _tc_pre(x, W_rel1, W_root1, b_rel1, edge_index)
    p1 = _sc_segsum(g1, src, dst, zeros)
    g2, r2 = _tc_mid(p1, r1, W_rel2, W_root2, b_rel2)
    p2 = _sc_segsum(g2, src, dst, zeros)
    g3, r3 = _tc_mid(p2, r2, W_rel3, W_root3, b_rel3)
    p3 = _sc_segsum(g3, src, dst, zeros)
    return _tc_fin(p3, r3, lin_W, lin_b)

# --- scband reference (transcript-rebuilt; emitter-appended) ---
"""Pipeline reference for scband-graph-conv-48455821033981 (READ-ONLY COPY).

The authoritative reference and input builder live on the scoring server;
editing this copy changes nothing except your own understanding.
"""

import jax, jax.numpy as jnp
import numpy as np

N = 10000
E = 320000
F_IN = 128
H = 128
C = 10


def setup_inputs(seed: int = 0) -> dict:
    key = jax.random.key(seed)
    ks = jax.random.split(key, 13)
    x = jax.random.normal(ks[0], (N, F_IN), dtype=jnp.float32)
    edge_index = jax.random.randint(ks[1], (2, E), 0, N, dtype=jnp.int32)
    s_in = 1.0 / np.sqrt(F_IN)
    s_h = 1.0 / np.sqrt(H)
    W_rel1 = jax.random.normal(ks[2], (H, F_IN), dtype=jnp.float32) * s_in
    b_rel1 = jax.random.normal(ks[3], (H,), dtype=jnp.float32) * s_in
    W_root1 = jax.random.normal(ks[4], (H, F_IN), dtype=jnp.float32) * s_in
    W_rel2 = jax.random.normal(ks[5], (H, H), dtype=jnp.float32) * s_h
    b_rel2 = jax.random.normal(ks[6], (H,), dtype=jnp.float32) * s_h
    W_root2 = jax.random.normal(ks[7], (H, H), dtype=jnp.float32) * s_h
    W_rel3 = jax.random.normal(ks[8], (H, H), dtype=jnp.float32) * s_h
    b_rel3 = jax.random.normal(ks[9], (H,), dtype=jnp.float32) * s_h
    W_root3 = jax.random.normal(ks[10], (H, H), dtype=jnp.float32) * s_h
    lin_W = jax.random.normal(ks[11], (C, H), dtype=jnp.float32) * s_h
    lin_b = jax.random.normal(ks[12], (C,), dtype=jnp.float32) * s_h
    return {"x": x, "edge_index": edge_index,
            "W_rel1": W_rel1, "b_rel1": b_rel1, "W_root1": W_root1,
            "W_rel2": W_rel2, "b_rel2": b_rel2, "W_root2": W_root2,
            "W_rel3": W_rel3, "b_rel3": b_rel3, "W_root3": W_root3,
            "lin_W": lin_W, "lin_b": lin_b}


def reference(x, edge_index, W_rel1, b_rel1, W_root1, W_rel2, b_rel2, W_root2,
              W_rel3, b_rel3, W_root3, lin_W, lin_b):
    src = edge_index[0]
    dst = edge_index[1]

    def conv(h, Wr, br, Wo):
        # PyG GraphConv: lin_rel(aggr_add(x_j -> dst)) + lin_root(x)
        msgs = jnp.take(h, src, axis=0)
        agg = jax.ops.segment_sum(msgs, dst, num_segments=h.shape[0])
        return agg @ Wr.T + br + h @ Wo.T

    h = jax.nn.relu(conv(x, W_rel1, b_rel1, W_root1))
    h = jax.nn.relu(conv(h, W_rel2, b_rel2, W_root2))
    h = jax.nn.relu(conv(h, W_rel3, b_rel3, W_root3))
    emb = jnp.mean(h, axis=0, keepdims=True)
    out = emb @ lin_W.T + lin_b
    return out

if __name__ == "__main__":
    import jax
    _d = setup_inputs()
    print(jax.jit(kernel)(*tuple(_d.values())))

</pallas_src>

<mosaic_0001>
#map = affine_map<(d0, d1) -> (0, 0)>
#map1 = affine_map<(d0, d1) -> (0)>
#map2 = affine_map<(d0, d1) -> (0, 0, 0)>
module attributes {stable_mosaic.version = 14 : i64} {
  func.func @k(%arg0: i32, %arg1: i32, %arg2: memref<10000x128xf32, #tpu.memory_space<hbm>>, %arg3: memref<320000xi32, #tpu.memory_space<hbm>>, %arg4: memref<320000xi32, #tpu.memory_space<hbm>>, %arg5: memref<632x128xf32, #tpu.memory_space<hbm>>, %arg6: memref<2x10000x128xf32, #tpu.memory_space<hbm>>, %arg7: memref<3x80xi32, #tpu.memory_space<vmem>>, %arg8: memref<3x80xi32, #tpu.memory_space<vmem>>, %arg9: memref<3x80x128xf32, #tpu.memory_space<vmem>>, %arg10: memref<10112x128xf32, #tpu.memory_space<vmem_shared>>, %arg11: memref<3x!tpu.dma_semaphore, #tpu.memory_space<semaphore_mem>>, %arg12: memref<3x!tpu.dma_semaphore, #tpu.memory_space<semaphore_mem>>, %arg13: memref<!tpu.dma_semaphore, #tpu.memory_space<semaphore_mem>>, %arg14: memref<3x!tpu.dma_semaphore, #tpu.memory_space<semaphore_mem>>, %arg15: memref<3x!tpu.dma_semaphore, #tpu.memory_space<semaphore_mem>>) attributes {dimension_semantics = [#tpu.dimension_semantics<core_parallel>, #tpu.dimension_semantics<subcore_parallel>], iteration_bounds = array<i64: 2, 16>, scalar_prefetch = 0 : i64, scratch_operands = 9 : i64, tpu.core_type = #tpu.core_type<sc_vector_subcore>, window_params = [{transform_indices = #map}, {transform_indices = #map1}, {transform_indices = #map1}, {transform_indices = #map}, {transform_indices = #map2}]} {
    %mul3A = arith.constant 2 : i32
    %mul3A_0 = arith.muli %arg1, %mul3A : i32
    %add3A = arith.addi %mul3A_0, %arg0 : i32
    %mul3A_1 = arith.constant 632 : i32
    %mul3A_2 = arith.muli %arg1, %mul3A_1 : i32
    %mul3A_3 = arith.constant 10000 : i32
    %mul3A_4 = arith.muli %add3A, %mul3A_3 : i32
    %add3A_5 = arith.constant 0 : i32
    %add3A_6 = arith.addi %mul3A_4, %add3A_5 : i32
    %dma_start3A = arith.constant 0 : i32
    %dma_start3A_7 = arith.constant 0 : i32
    %dma_start3A_8 = arith.constant 0 : i32
    %dma_start3A_9 = tpu.memref_slice %arg7[%dma_start3A, %dma_start3A_8] : memref<3x80xi32, #tpu.memory_space<vmem>> -> memref<1x80xi32, #tpu.memory_space<vmem>>
    %dma_start3A_10 = tpu.memref_squeeze %dma_start3A_9 : memref<1x80xi32, #tpu.memory_space<vmem>> -> memref<80xi32, #tpu.memory_space<vmem>>
    %dma_start3A_11 = tpu.memref_slice %arg3[%add3A_6] : memref<320000xi32, #tpu.memory_space<hbm>> -> memref<80xi32, #tpu.memory_space<hbm>>
    %dma_start3A_12 = tpu.memref_slice %arg11[%dma_start3A_7] : memref<3x!tpu.dma_semaphore, #tpu.memory_space<semaphore_mem>> -> memref<1x!tpu.dma_semaphore, #tpu.memory_space<semaphore_mem>>
    %dma_start3A_13 = tpu.memref_squeeze %dma_start3A_12 : memref<1x!tpu.dma_semaphore, #tpu.memory_space<semaphore_mem>> -> memref<!tpu.dma_semaphore, #tpu.memory_space<semaphore_mem>>
    %dma_start3A_14 = arith.constant 0 : i32
    %dma_start3A_15 = tpu.memref_slice %arg7[%dma_start3A, %dma_start3A_14] : memref<3x80xi32, #tpu.memory_space<vmem>> -> memref<1x80xi32, #tpu.memory_space<vmem>>
    %dma_start3A_16 = tpu.memref_squeeze %dma_start3A_15 : memref<1x80xi32, #tpu.memory_space<vmem>> -> memref<80xi32, #tpu.memory_space<vmem>>
    %dma_start3A_17 = tpu.memref_slice %arg3[%add3A_6] : memref<320000xi32, #tpu.memory_space<hbm>> -> memref<80xi32, #tpu.memory_space<hbm>>
    tpu.enqueue_dma source(%dma_start3A_17 : memref<80xi32, #tpu.memory_space<hbm>>) target(%dma_start3A_16 : memref<80xi32, #tpu.memory_space<vmem>>) target_semaphore(%dma_start3A_13 : memref<!tpu.dma_semaphore, #tpu.memory_space<semaphore_mem>>)
    %add3A_18 = arith.constant 80 : i32
    %add3A_19 = arith.addi %mul3A_4, %add3A_18 : i32
    %dma_start3A_20 = arith.constant 1 : i32
    %dma_start3A_21 = arith.constant 1 : i32
    %dma_start3A_22 = arith.constant 0 : i32
    %dma_start3A_23 = tpu.memref_slice %arg7[%dma_start3A_20, %dma_start3A_22] : memref<3x80xi32, #tpu.memory_space<vmem>> -> memref<1x80xi32, #tpu.memory_space<vmem>>
    %dma_start3A_24 = tpu.memref_squeeze %dma_start3A_23 : memref<1x80xi32, #tpu.memory_space<vmem>> -> memref<80xi32, #tpu.memory_space<vmem>>
    %dma_start3A_25 = tpu.memref_slice %arg3[%add3A_19] : memref<320000xi32, #tpu.memory_space<hbm>> -> memref<80xi32, #tpu.memory_space<hbm>>
    %dma_start3A_26 = tpu.memref_slice %arg11[%dma_start3A_21] : memref<3x!tpu.dma_semaphore, #tpu.memory_space<semaphore_mem>> -> memref<1x!tpu.dma_semaphore, #tpu.memory_space<semaphore_mem>>
    %dma_start3A_27 = tpu.memref_squeeze %dma_start3A_26 : memref<1x!tpu.dma_semaphore, #tpu.memory_space<semaphore_mem>> -> memref<!tpu.dma_semaphore, #tpu.memory_space<semaphore_mem>>
    %dma_start3A_28 = arith.constant 0 : i32
    %dma_start3A_29 = tpu.memref_slice %arg7[%dma_start3A_20, %dma_start3A_28] : memref<3x80xi32, #tpu.memory_space<vmem>> -> memref<1x80xi32, #tpu.memory_space<vmem>>
    %dma_start3A_30 = tpu.memref_squeeze %dma_start3A_29 : memref<1x80xi32, #tpu.memory_space<vmem>> -> memref<80xi32, #tpu.memory_space<vmem>>
    %dma_start3A_31 = tpu.memref_slice %arg3[%add3A_19] : memref<320000xi32, #tpu.memory_space<hbm>> -> memref<80xi32, #tpu.memory_space<hbm>>
    tpu.enqueue_dma source(%dma_start3A_31 : memref<80xi32, #tpu.memory_space<hbm>>) target(%dma_start3A_30 : memref<80xi32, #tpu.memory_space<vmem>>) target_semaphore(%dma_start3A_27 : memref<!tpu.dma_semaphore, #tpu.memory_space<semaphore_mem>>)
    %add3A_32 = arith.constant 160 : i32
    %add3A_33 = arith.addi %mul3A_4, %add3A_32 : i32
    %dma_start3A_34 = arith.constant 2 : i32
    %dma_start3A_35 = arith.constant 2 : i32
    %dma_start3A_36 = arith.constant 0 : i32
    %dma_start3A_37 = tpu.memref_slice %arg7[%dma_start3A_34, %dma_start3A_36] : memref<3x80xi32, #tpu.memory_space<vmem>> -> memref<1x80xi32, #tpu.memory_space<vmem>>
    %dma_start3A_38 = tpu.memref_squeeze %dma_start3A_37 : memref<1x80xi32, #tpu.memory_space<vmem>> -> memref<80xi32, #tpu.memory_space<vmem>>
    %dma_start3A_39 = tpu.memref_slice %arg3[%add3A_33] : memref<320000xi32, #tpu.memory_space<hbm>> -> memref<80xi32, #tpu.memory_space<hbm>>
    %dma_start3A_40 = tpu.memref_slice %arg11[%dma_start3A_35] : memref<3x!tpu.dma_semaphore, #tpu.memory_space<semaphore_mem>> -> memref<1x!tpu.dma_semaphore, #tpu.memory_space<semaphore_mem>>
    %dma_start3A_41 = tpu.memref_squeeze %dma_start3A_40 : memref<1x!tpu.dma_semaphore, #tpu.memory_space<semaphore_mem>> -> memref<!tpu.dma_semaphore, #tpu.memory_space<semaphore_mem>>
    %dma_start3A_42 = arith.constant 0 : i32
    %dma_start3A_43 = tpu.memref_slice %arg7[%dma_start3A_34, %dma_start3A_42] : memref<3x80xi32, #tpu.memory_space<vmem>> -> memref<1x80xi32, #tpu.memory_space<vmem>>
    %dma_start3A_44 = tpu.memref_squeeze %dma_start3A_43 : memref<1x80xi32, #tpu.memory_space<vmem>> -> memref<80xi32, #tpu.memory_space<vmem>>
    %dma_start3A_45 = tpu.memref_slice %arg3[%add3A_33] : memref<320000xi32, #tpu.memory_space<hbm>> -> memref<80xi32, #tpu.memory_space<hbm>>
    tpu.enqueue_dma source(%dma_start3A_45 : memref<80xi32, #tpu.memory_space<hbm>>) target(%dma_start3A_44 : memref<80xi32, #tpu.memory_space<vmem>>) target_semaphore(%dma_start3A_41 : memref<!tpu.dma_semaphore, #tpu.memory_space<semaphore_mem>>)
    %add3A_46 = arith.constant 0 : i32
    %add3A_47 = arith.addi %mul3A_4, %add3A_46 : i32
    %dma_start3A_48 = arith.constant 0 : i32
    %dma_start3A_49 = arith.constant 0 : i32
    %dma_start3A_50 = arith.constant 0 : i32
    %dma_start3A_51 = tpu.memref_slice %arg8[%dma_start3A_48, %dma_start3A_50] : memref<3x80xi32, #tpu.memory_space<vmem>> -> memref<1x80xi32, #tpu.memory_space<vmem>>
    %dma_start3A_52 = tpu.memref_squeeze %dma_start3A_51 : memref<1x80xi32, #tpu.memory_space<vmem>> -> memref<80xi32, #tpu.memory_space<vmem>>
    %dma_start3A_53 = tpu.memref_slice %arg4[%add3A_47] : memref<320000xi32, #tpu.memory_space<hbm>> -> memref<80xi32, #tpu.memory_space<hbm>>
    %dma_start3A_54 = tpu.memref_slice %arg12[%dma_start3A_49] : memref<3x!tpu.dma_semaphore, #tpu.memory_space<semaphore_mem>> -> memref<1x!tpu.dma_semaphore, #tpu.memory_space<semaphore_mem>>
    %dma_start3A_55 = tpu.memref_squeeze %dma_start3A_54 : memref<1x!tpu.dma_semaphore, #tpu.memory_space<semaphore_mem>> -> memref<!tpu.dma_semaphore, #tpu.memory_space<semaphore_mem>>
    %dma_start3A_56 = arith.constant 0 : i32
    %dma_start3A_57 = tpu.memref_slice %arg8[%dma_start3A_48, %dma_start3A_56] : memref<3x80xi32, #tpu.memory_space<vmem>> -> memref<1x80xi32, #tpu.memory_space<vmem>>
    %dma_start3A_58 = tpu.memref_squeeze %dma_start3A_57 : memref<1x80xi32, #tpu.memory_space<vmem>> -> memref<80xi32, #tpu.memory_space<vmem>>
    %dma_start3A_59 = tpu.memref_slice %arg4[%add3A_47] : memref<320000xi32, #tpu.memory_space<hbm>> -> memref<80xi32, #tpu.memory_space<hbm>>
    tpu.enqueue_dma source(%dma_start3A_59 : memref<80xi32, #tpu.memory_space<hbm>>) target(%dma_start3A_58 : memref<80xi32, #tpu.memory_space<vmem>>) target_semaphore(%dma_start3A_55 : memref<!tpu.dma_semaphore, #tpu.memory_space<semaphore_mem>>)
    %add3A_60 = arith.constant 80 : i32
    %add3A_61 = arith.addi %mul3A_4, %add3A_60 : i32
    %dma_start3A_62 = arith.constant 1 : i32
    %dma_start3A_63 = arith.constant 1 : i32
    %dma_start3A_64 = arith.constant 0 : i32
    %dma_start3A_65 = tpu.memref_slice %arg8[%dma_start3A_62, %dma_start3A_64] : memref<3x80xi32, #tpu.memory_space<vmem>> -> memref<1x80xi32, #tpu.memory_space<vmem>>
    %dma_start3A_66 = tpu.memref_squeeze %dma_start3A_65 : memref<1x80xi32, #tpu.memory_space<vmem>> -> memref<80xi32, #tpu.memory_space<vmem>>
    %dma_start3A_67 = tpu.memref_slice %arg4[%add3A_61] : memref<320000xi32, #tpu.memory_space<hbm>> -> memref<80xi32, #tpu.memory_space<hbm>>
    %dma_start3A_68 = tpu.memref_slice %arg12[%dma_start3A_63] : memref<3x!tpu.dma_semaphore, #tpu.memory_space<semaphore_mem>> -> memref<1x!tpu.dma_semaphore, #tpu.memory_space<semaphore_mem>>
    %dma_start3A_69 = tpu.memref_squeeze %dma_start3A_68 : memref<1x!tpu.dma_semaphore, #tpu.memory_space<semaphore_mem>> -> memref<!tpu.dma_semaphore, #tpu.memory_space<semaphore_mem>>
    %dma_start3A_70 = arith.constant 0 : i32
    %dma_start3A_71 = tpu.memref_slice %arg8[%dma_start3A_62, %dma_start3A_70] : memref<3x80xi32, #tpu.memory_space<vmem>> -> memref<1x80xi32, #tpu.memory_space<vmem>>
    %dma_start3A_72 = tpu.memref_squeeze %dma_start3A_71 : memref<1x80xi32, #tpu.memory_space<vmem>> -> memref<80xi32, #tpu.memory_space<vmem>>
    %dma_start3A_73 = tpu.memref_slice %arg4[%add3A_61] : memref<320000xi32, #tpu.memory_space<hbm>> -> memref<80xi32, #tpu.memory_space<hbm>>
    tpu.enqueue_dma source(%dma_start3A_73 : memref<80xi32, #tpu.memory_space<hbm>>) target(%dma_start3A_72 : memref<80xi32, #tpu.memory_space<vmem>>) target_semaphore(%dma_start3A_69 : memref<!tpu.dma_semaphore, #tpu.memory_space<semaphore_mem>>)
    %dma_start3A_74 = arith.constant 0 : i32
    %dma_start3A_75 = tpu.memref_slice %arg10[%mul3A_2, %dma_start3A_74] : memref<10112x128xf32, #tpu.memory_space<vmem_shared>> -> memref<632x128xf32, #tpu.memory_space<vmem_shared>>
    tpu.enqueue_dma source(%arg5 : memref<632x128xf32, #tpu.memory_space<hbm>>) target(%dma_start3A_75 : memref<632x128xf32, #tpu.memory_space<vmem_shared>>) target_semaphore(%arg13 : memref<!tpu.dma_semaphore, #tpu.memory_space<semaphore_mem>>)
    %dma_wait3A = arith.constant 0 : i32
    %dma_wait3A_76 = arith.constant 0 : i32
    %dma_wait3A_77 = arith.constant 0 : i32
    %dma_wait3A_78 = tpu.memref_slice %arg7[%dma_wait3A, %dma_wait3A_77] : memref<3x80xi32, #tpu.memory_space<vmem>> -> memref<1x80xi32, #tpu.memory_space<vmem>>
    %dma_wait3A_79 = tpu.memref_squeeze %dma_wait3A_78 : memref<1x80xi32, #tpu.memory_space<vmem>> -> memref<80xi32, #tpu.memory_space<vmem>>
    %dma_wait3A_80 = tpu.memref_slice %arg3[%mul3A_4] : memref<320000xi32, #tpu.memory_space<hbm>> -> memref<80xi32, #tpu.memory_space<hbm>>
    %dma_wait3A_81 = tpu.memref_slice %arg11[%dma_wait3A_76] : memref<3x!tpu.dma_semaphore, #tpu.memory_space<semaphore_mem>> -> memref<1x!tpu.dma_semaphore, #tpu.memory_space<semaphore_mem>>
    %dma_wait3A_82 = tpu.memref_squeeze %dma_wait3A_81 : memref<1x!tpu.dma_semaphore, #tpu.memory_space<semaphore_mem>> -> memref<!tpu.dma_semaphore, #tpu.memory_space<semaphore_mem>>
    %dma_wait3A_83 = arith.constant 0 : i32
    %dma_wait3A_84 = tpu.memref_slice %arg7[%dma_wait3A, %dma_wait3A_83] : memref<3x80xi32, #tpu.memory_space<vmem>> -> memref<1x80xi32, #tpu.memory_space<vmem>>
    %dma_wait3A_85 = tpu.memref_squeeze %dma_wait3A_84 : memref<1x80xi32, #tpu.memory_space<vmem>> -> memref<80xi32, #tpu.memory_space<vmem>>
    %dma_wait3A_86 = tpu.memref_slice %arg3[%mul3A_4] : memref<320000xi32, #tpu.memory_space<hbm>> -> memref<80xi32, #tpu.memory_space<hbm>>
    tpu.wait_dma2 semaphore(%dma_wait3A_82 : memref<!tpu.dma_semaphore, #tpu.memory_space<semaphore_mem>>) src(%dma_wait3A_86 : memref<80xi32, #tpu.memory_space<hbm>>) dst(%dma_wait3A_85 : memref<80xi32, #tpu.memory_space<vmem>>)
    %dma_start3A_87 = arith.constant 0 : i32
    %dma_start3A_88 = arith.constant 0 : i32
    %dma_start3A_89 = arith.constant 0 : i32
    %dma_start3A_90 = arith.constant 0 : i32
    %dma_start3A_91 = arith.constant 0 : i32
    %dma_start3A_92 = tpu.memref_slice %arg9[%dma_start3A_88, %dma_start3A_90, %dma_start3A_91] : memref<3x80x128xf32, #tpu.memory_space<vmem>> -> memref<1x80x128xf32, #tpu.memory_space<vmem>>
    %dma_start3A_93 = tpu.memref_squeeze %dma_start3A_92 : memref<1x80x128xf32, #tpu.memory_space<vmem>> -> memref<80x128xf32, #tpu.memory_space<vmem>>
    %dma_start3A_94 = arith.constant 0 : i32
    %dma_start3A_95 = tpu.memref_slice %arg7[%dma_start3A_87, %dma_start3A_94] : memref<3x80xi32, #tpu.memory_space<vmem>> -> memref<1x80xi32, #tpu.memory_space<vmem>>
    %dma_start3A_96 = tpu.memref_squeeze %dma_start3A_95 : memref<1x80xi32, #tpu.memory_space<vmem>> -> memref<80xi32, #tpu.memory_space<vmem>>
    %dma_start3A_97 = arith.constant 0 : i32
    %dma_start3A_98 = arith.constant 0 : i32
    %dma_start3A_99 = tpu.memref_slice %arg2[%dma_start3A_97, %dma_start3A_98] : memref<10000x128xf32, #tpu.memory_space<hbm>> -> memref<10000x128xf32, #tpu.memory_space<hbm>>
    %dma_start3A_100 = tpu.memref_slice %arg14[%dma_start3A_89] : memref<3x!tpu.dma_semaphore, #tpu.memory_space<semaphore_mem>> -> memref<1x!tpu.dma_semaphore, #tpu.memory_space<semaphore_mem>>
    %dma_start3A_101 = tpu.memref_squeeze %dma_start3A_100 : memref<1x!tpu.dma_semaphore, #tpu.memory_space<semaphore_mem>> -> memref<!tpu.dma_semaphore, #tpu.memory_space<semaphore_mem>>
    tpu.enqueue_indirect_dma source(%dma_start3A_99 : memref<10000x128xf32, #tpu.memory_space<hbm>>) target(%dma_start3A_93 : memref<80x128xf32, #tpu.memory_space<vmem>>) offsets(%dma_start3A_96 : memref<80xi32, #tpu.memory_space<vmem>>) semaphore(%dma_start3A_101 : memref<!tpu.dma_semaphore, #tpu.memory_space<semaphore_mem>>)
    %dma_wait3A_102 = arith.constant 1 : i32
    %dma_wait3A_103 = arith.constant 1 : i32
    %dma_wait3A_104 = arith.constant 0 : i32
    %dma_wait3A_105 = tpu.memref_slice %arg7[%dma_wait3A_102, %dma_wait3A_104] : memref<3x80xi32, #tpu.memory_space<vmem>> -> memref<1x80xi32, #tpu.memory_space<vmem>>
    %dma_wait3A_106 = tpu.memref_squeeze %dma_wait3A_105 : memref<1x80xi32, #tpu.memory_space<vmem>> -> memref<80xi32, #tpu.memory_space<vmem>>
    %dma_wait3A_107 = tpu.memref_slice %arg3[%mul3A_4] : memref<320000xi32, #tpu.memory_space<hbm>> -> memref<80xi32, #tpu.memory_space<hbm>>
    %dma_wait3A_108 = tpu.memref_slice %arg11[%dma_wait3A_103] : memref<3x!tpu.dma_semaphore, #tpu.memory_space<semaphore_mem>> -> memref<1x!tpu.dma_semaphore, #tpu.memory_space<semaphore_mem>>
    %dma_wait3A_109 = tpu.memref_squeeze %dma_wait3A_108 : memref<1x!tpu.dma_semaphore, #tpu.memory_space<semaphore_mem>> -> memref<!tpu.dma_semaphore, #tpu.memory_space<semaphore_mem>>
    %dma_wait3A_110 = arith.constant 0 : i32
    %dma_wait3A_111 = tpu.memref_slice %arg7[%dma_wait3A_102, %dma_wait3A_110] : memref<3x80xi32, #tpu.memory_space<vmem>> -> memref<1x80xi32, #tpu.memory_space<vmem>>
    %dma_wait3A_112 = tpu.memref_squeeze %dma_wait3A_111 : memref<1x80xi32, #tpu.memory_space<vmem>> -> memref<80xi32, #tpu.memory_space<vmem>>
    %dma_wait3A_113 = tpu.memref_slice %arg3[%mul3A_4] : memref<320000xi32, #tpu.memory_space<hbm>> -> memref<80xi32, #tpu.memory_space<hbm>>
    tpu.wait_dma2 semaphore(%dma_wait3A_109 : memref<!tpu.dma_semaphore, #tpu.memory_space<semaphore_mem>>) src(%dma_wait3A_113 : memref<80xi32, #tpu.memory_space<hbm>>) dst(%dma_wait3A_112 : memref<80xi32, #tpu.memory_space<vmem>>)
    %dma_start3A_114 = arith.constant 1 : i32
    %dma_start3A_115 = arith.constant 1 : i32
    %dma_start3A_116 = arith.constant 1 : i32
    %dma_start3A_117 = arith.constant 0 : i32
    %dma_start3A_118 = arith.constant 0 : i32
    %dma_start3A_119 = tpu.memref_slice %arg9[%dma_start3A_115, %dma_start3A_117, %dma_start3A_118] : memref<3x80x128xf32, #tpu.memory_space<vmem>> -> memref<1x80x128xf32, #tpu.memory_space<vmem>>
    %dma_start3A_120 = tpu.memref_squeeze %dma_start3A_119 : memref<1x80x128xf32, #tpu.memory_space<vmem>> -> memref<80x128xf32, #tpu.memory_space<vmem>>
    %dma_start3A_121 = arith.constant 0 : i32
    %dma_start3A_122 = tpu.memref_slice %arg7[%dma_start3A_114, %dma_start3A_121] : memref<3x80xi32, #tpu.memory_space<vmem>> -> memref<1x80xi32, #tpu.memory_space<vmem>>
    %dma_start3A_123 = tpu.memref_squeeze %dma_start3A_122 : memref<1x80xi32, #tpu.memory_space<vmem>> -> memref<80xi32, #tpu.memory_space<vmem>>
    %dma_start3A_124 = arith.constant 0 : i32
    %dma_start3A_125 = arith.constant 0 : i32
    %dma_start3A_126 = tpu.memref_slice %arg2[%dma_start3A_124, %dma_start3A_125] : memref<10000x128xf32, #tpu.memory_space<hbm>> -> memref<10000x128xf32, #tpu.memory_space<hbm>>
    %dma_start3A_127 = tpu.memref_slice %arg14[%dma_start3A_116] : memref<3x!tpu.dma_semaphore, #tpu.memory_space<semaphore_mem>> -> memref<1x!tpu.dma_semaphore, #tpu.memory_space<semaphore_mem>>
    %dma_start3A_128 = tpu.memref_squeeze %dma_start3A_127 : memref<1x!tpu.dma_semaphore, #tpu.memory_space<semaphore_mem>> -> memref<!tpu.dma_semaphore, #tpu.memory_space<semaphore_mem>>
    tpu.enqueue_indirect_dma source(%dma_start3A_126 : memref<10000x128xf32, #tpu.memory_space<hbm>>) target(%dma_start3A_120 : memref<80x128xf32, #tpu.memory_space<vmem>>) offsets(%dma_start3A_123 : memref<80xi32, #tpu.memory_space<vmem>>) semaphore(%dma_start3A_128 : memref<!tpu.dma_semaphore, #tpu.memory_space<semaphore_mem>>)
    %dma_wait3A_129 = arith.constant 0 : i32
    %dma_wait3A_130 = tpu.memref_slice %arg10[%mul3A_2, %dma_wait3A_129] : memref<10112x128xf32, #tpu.memory_space<vmem_shared>> -> memref<632x128xf32, #tpu.memory_space<vmem_shared>>
    tpu.wait_dma2 semaphore(%arg13 : memref<!tpu.dma_semaphore, #tpu.memory_space<semaphore_mem>>) src(%arg5 : memref<632x128xf32, #tpu.memory_space<hbm>>) dst(%dma_wait3A_130 : memref<632x128xf32, #tpu.memory_space<vmem_shared>>)
    %barrier3A = arith.constant 0 : index
    tpu.barrier barrier_id(%barrier3A)
    %scan3A = arith.constant 0 : i32
    %scan3A_131 = arith.constant 41 : i32
    %scan3A_132 = arith.addi %scan3A, %scan3A_131 : i32
    %scan3A_133 = arith.constant 1 : i32
    scf.for %scan3A_271 = %scan3A to %scan3A_132 step %scan3A_133  : i32 {
      %mul3A_272 = arith.constant 3 : i32
      %mul3A_273 = arith.muli %scan3A_271, %mul3A_272 : i32
      %add3A_274 = arith.constant 0 : i32
      %add3A_275 = arith.addi %add3A_274, %mul3A_273 : i32
      %add3A_276 = arith.constant 0 : i32
      %add3A_277 = arith.addi %add3A_275, %add3A_276 : i32
      %add3A_278 = arith.constant 2 : i32
      %add3A_279 = arith.addi %add3A_277, %add3A_278 : i32
      %lt3A_280 = arith.constant 125 : i32
      %lt3A_281 = arith.cmpi slt, %add3A_279, %lt3A_280 : i32
      %convert_element_type3A_282 = arith.extui %lt3A_281 : i1 to i32
      %cond3A_283 = arith.constant 0 : i32
      %cond3A_284 = arith.cmpi ne, %convert_element_type3A_282, %cond3A_283 : i32
      scf.if %cond3A_284 {
        %ge3A = arith.constant 1 : i32
        %ge3A_450 = arith.cmpi sge, %add3A_277, %ge3A : i32
        %convert_element_type3A_451 = arith.extui %ge3A_450 : i1 to i32
        %cond3A_452 = arith.constant 0 : i32
        %cond3A_453 = arith.cmpi ne, %convert_element_type3A_451, %cond3A_452 : i32
        scf.if %cond3A_453 {
          %dma_wait3A_498 = arith.constant 2 : i32
          %dma_wait3A_499 = arith.constant 0 : i32
          %dma_wait3A_500 = arith.constant 2 : i32
          %dma_wait3A_501 = arith.constant 0 : i32
          %dma_wait3A_502 = arith.constant 0 : i32
          %dma_wait3A_503 = tpu.memref_slice %arg9[%dma_wait3A_498, %dma_wait3A_501, %dma_wait3A_502] : memref<3x80x128xf32, #tpu.memory_space<vmem>> -> memref<1x80x128xf32, #tpu.memory_space<vmem>>
          %dma_wait3A_504 = tpu.memref_squeeze %dma_wait3A_503 : memref<1x80x128xf32, #tpu.memory_space<vmem>> -> memref<80x128xf32, #tpu.memory_space<vmem>>
          %dma_wait3A_505 = arith.constant 0 : i32
          %dma_wait3A_506 = tpu.memref_slice %arg8[%dma_wait3A_499, %dma_wait3A_505] : memref<3x80xi32, #tpu.memory_space<vmem>> -> memref<1x80xi32, #tpu.memory_space<vmem>>
          %dma_wait3A_507 = tpu.memref_squeeze %dma_wait3A_506 : memref<1x80xi32, #tpu.memory_space<vmem>> -> memref<80xi32, #tpu.memory_space<vmem>>
          %dma_wait3A_508 = arith.constant 0 : i32
          %dma_wait3A_509 = arith.constant 0 : i32
          %dma_wait3A_510 = tpu.memref_slice %arg10[%dma_wait3A_508, %dma_wait3A_509] : memref<10112x128xf32, #tpu.memory_space<vmem_shared>> -> memref<10112x128xf32, #tpu.memory_space<vmem_shared>>
          %dma_wait3A_511 = tpu.memref_slice %arg15[%dma_wait3A_500] : memref<3x!tpu.dma_semaphore, #tpu.memory_space<semaphore_mem>> -> memref<1x!tpu.dma_semaphore, #tpu.memory_space<semaphore_mem>>
          %dma_wait3A_512 = tpu.memref_squeeze %dma_wait3A_511 : memref<1x!tpu.dma_semaphore, #tpu.memory_space<semaphore_mem>> -> memref<!tpu.dma_semaphore, #tpu.memory_space<semaphore_mem>>
          tpu.wait_indirect_dma semaphore(%dma_wait3A_512 : memref<!tpu.dma_semaphore, #tpu.memory_space<semaphore_mem>>) src(%dma_wait3A_504 : memref<80x128xf32, #tpu.memory_space<vmem>>) dst(%dma_wait3A_510 : memref<10112x128xf32, #tpu.memory_space<vmem_shared>>)
        } else {
        }
        %add3A_454 = arith.constant 2 : i32
        %add3A_455 = arith.addi %add3A_277, %add3A_454 : i32
        %mul3A_456 = arith.constant 80 : i32
        %mul3A_457 = arith.muli %add3A_455, %mul3A_456 : i32
        %add3A_458 = arith.addi %mul3A_4, %mul3A_457 : i32
        %dma_start3A_459 = arith.constant 2 : i32
        %dma_start3A_460 = arith.constant 2 : i32
        %dma_start3A_461 = arith.constant 0 : i32
        %dma_start3A_462 = tpu.memref_slice %arg8[%dma_start3A_459, %dma_start3A_461] : memref<3x80xi32, #tpu.memory_space<vmem>> -> memref<1x80xi32, #tpu.memory_space<vmem>>
        %dma_start3A_463 = tpu.memref_squeeze %dma_start3A_462 : memref<1x80xi32, #tpu.memory_space<vmem>> -> memref<80xi32, #tpu.memory_space<vmem>>
        %dma_start3A_464 = tpu.memref_slice %arg4[%add3A_458] : memref<320000xi32, #tpu.memory_space<hbm>> -> memref<80xi32, #tpu.memory_space<hbm>>
        %dma_start3A_465 = tpu.memref_slice %arg12[%dma_start3A_460] : memref<3x!tpu.dma_semaphore, #tpu.memory_space<semaphore_mem>> -> memref<1x!tpu.dma_semaphore, #tpu.memory_space<semaphore_mem>>
        %dma_start3A_466 = tpu.memref_squeeze %dma_start3A_465 : memref<1x!tpu.dma_semaphore, #tpu.memory_space<semaphore_mem>> -> memref<!tpu.dma_semaphore, #tpu.memory_space<semaphore_mem>>
        %dma_start3A_467 = arith.constant 0 : i32
        %dma_start3A_468 = tpu.memref_slice %arg8[%dma_start3A_459, %dma_start3A_467] : memref<3x80xi32, #tpu.memory_space<vmem>> -> memref<1x80xi32, #tpu.memory_space<vmem>>
        %dma_start3A_469 = tpu.memref_squeeze %dma_start3A_468 : memref<1x80xi32, #tpu.memory_space<vmem>> -> memref<80xi32, #tpu.memory_space<vmem>>
        %dma_start3A_470 = tpu.memref_slice %arg4[%add3A_458] : memref<320000xi32, #tpu.memory_space<hbm>> -> memref<80xi32, #tpu.memory_space<hbm>>
        tpu.enqueue_dma source(%dma_start3A_470 : memref<80xi32, #tpu.memory_space<hbm>>) target(%dma_start3A_469 : memref<80xi32, #tpu.memory_space<vmem>>) target_semaphore(%dma_start3A_466 : memref<!tpu.dma_semaphore, #tpu.memory_space<semaphore_mem>>)
        %dma_wait3A_471 = arith.constant 2 : i32
        %dma_wait3A_472 = arith.constant 2 : i32
        %dma_wait3A_473 = arith.constant 0 : i32
        %dma_wait3A_474 = tpu.memref_slice %arg7[%dma_wait3A_471, %dma_wait3A_473] : memref<3x80xi32, #tpu.memory_space<vmem>> -> memref<1x80xi32, #tpu.memory_space<vmem>>
        %dma_wait3A_475 = tpu.memref_squeeze %dma_wait3A_474 : memref<1x80xi32, #tpu.memory_space<vmem>> -> memref<80xi32, #tpu.memory_space<vmem>>
        %dma_wait3A_476 = tpu.memref_slice %arg3[%mul3A_4] : memref<320000xi32, #tpu.memory_space<hbm>> -> memref<80xi32, #tpu.memory_space<hbm>>
        %dma_wait3A_477 = tpu.memref_slice %arg11[%dma_wait3A_472] : memref<3x!tpu.dma_semaphore, #tpu.memory_space<semaphore_mem>> -> memref<1x!tpu.dma_semaphore, #tpu.memory_space<semaphore_mem>>
        %dma_wait3A_478 = tpu.memref_squeeze %dma_wait3A_477 : memref<1x!tpu.dma_semaphore, #tpu.memory_space<semaphore_mem>> -> memref<!tpu.dma_semaphore, #tpu.memory_space<semaphore_mem>>
        %dma_wait3A_479 = arith.constant 0 : i32
        %dma_wait3A_480 = tpu.memref_slice %arg7[%dma_wait3A_471, %dma_wait3A_479] : memref<3x80xi32, #tpu.memory_space<vmem>> -> memref<1x80xi32, #tpu.memory_space<vmem>>
        %dma_wait3A_481 = tpu.memref_squeeze %dma_wait3A_480 : memref<1x80xi32, #tpu.memory_space<vmem>> -> memref<80xi32, #tpu.memory_space<vmem>>
        %dma_wait3A_482 = tpu.memref_slice %arg3[%mul3A_4] : memref<320000xi32, #tpu.memory_space<hbm>> -> memref<80xi32, #tpu.memory_space<hbm>>
        tpu.wait_dma2 semaphore(%dma_wait3A_478 : memref<!tpu.dma_semaphore, #tpu.memory_space<semaphore_mem>>) src(%dma_wait3A_482 : memref<80xi32, #tpu.memory_space<hbm>>) dst(%dma_wait3A_481 : memref<80xi32, #tpu.memory_space<vmem>>)
        %dma_start3A_483 = arith.constant 2 : i32
        %dma_start3A_484 = arith.constant 2 : i32
        %dma_start3A_485 = arith.constant 2 : i32
        %dma_start3A_486 = arith.constant 0 : i32
        %dma_start3A_487 = arith.constant 0 : i32
        %dma_start3A_488 = tpu.memref_slice %arg9[%dma_start3A_484, %dma_start3A_486, %dma_start3A_487] : memref<3x80x128xf32, #tpu.memory_space<vmem>> -> memref<1x80x128xf32, #tpu.memory_space<vmem>>
        %dma_start3A_489 = tpu.memref_squeeze %dma_start3A_488 : memref<1x80x128xf32, #tpu.memory_space<vmem>> -> memref<80x128xf32, #tpu.memory_space<vmem>>
        %dma_start3A_490 = arith.constant 0 : i32
        %dma_start3A_491 = tpu.memref_slice %arg7[%dma_start3A_483, %dma_start3A_490] : memref<3x80xi32, #tpu.memory_space<vmem>> -> memref<1x80xi32, #tpu.memory_space<vmem>>
        %dma_start3A_492 = tpu.memref_squeeze %dma_start3A_491 : memref<1x80xi32, #tpu.memory_space<vmem>> -> memref<80xi32, #tpu.memory_space<vmem>>
        %dma_start3A_493 = arith.constant 0 : i32
        %dma_start3A_494 = arith.constant 0 : i32
        %dma_start3A_495 = tpu.memref_slice %arg2[%dma_start3A_493, %dma_start3A_494] : memref<10000x128xf32, #tpu.memory_space<hbm>> -> memref<10000x128xf32, #tpu.memory_space<hbm>>
        %dma_start3A_496 = tpu.memref_slice %arg14[%dma_start3A_485] : memref<3x!tpu.dma_semaphore, #tpu.memory_space<semaphore_mem>> -> memref<1x!tpu.dma_semaphore, #tpu.memory_space<semaphore_mem>>
        %dma_start3A_497 = tpu.memref_squeeze %dma_start3A_496 : memref<1x!tpu.dma_semaphore, #tpu.memory_space<semaphore_mem>> -> memref<!tpu.dma_semaphore, #tpu.memory_space<semaphore_mem>>
        tpu.enqueue_indirect_dma source(%dma_start3A_495 : memref<10000x128xf32, #tpu.memory_space<hbm>>) target(%dma_start3A_489 : memref<80x128xf32, #tpu.memory_space<vmem>>) offsets(%dma_start3A_492 : memref<80xi32, #tpu.memory_space<vmem>>) semaphore(%dma_start3A_497 : memref<!tpu.dma_semaphore, #tpu.memory_space<semaphore_mem>>)
      } else {
      }
      %dma_wait3A_285 = arith.constant 0 : i32
      %dma_wait3A_286 = arith.constant 0 : i32
      %dma_wait3A_287 = arith.constant 0 : i32
      %dma_wait3A_288 = arith.constant 0 : i32
      %dma_wait3A_289 = arith.constant 0 : i32
      %dma_wait3A_290 = tpu.memref_slice %arg9[%dma_wait3A_286, %dma_wait3A_288, %dma_wait3A_289] : memref<3x80x128xf32, #tpu.memory_space<vmem>> -> memref<1x80x128xf32, #tpu.memory_space<vmem>>
      %dma_wait3A_291 = tpu.memref_squeeze %dma_wait3A_290 : memref<1x80x128xf32, #tpu.memory_space<vmem>> -> memref<80x128xf32, #tpu.memory_space<vmem>>
      %dma_wait3A_292 = arith.constant 0 : i32
      %dma_wait3A_293 = tpu.memref_slice %arg7[%dma_wait3A_285, %dma_wait3A_292] : memref<3x80xi32, #tpu.memory_space<vmem>> -> memref<1x80xi32, #tpu.memory_space<vmem>>
      %dma_wait3A_294 = tpu.memref_squeeze %dma_wait3A_293 : memref<1x80xi32, #tpu.memory_space<vmem>> -> memref<80xi32, #tpu.memory_space<vmem>>
      %dma_wait3A_295 = arith.constant 0 : i32
      %dma_wait3A_296 = arith.constant 0 : i32
      %dma_wait3A_297 = tpu.memref_slice %arg2[%dma_wait3A_295, %dma_wait3A_296] : memref<10000x128xf32, #tpu.memory_space<hbm>> -> memref<10000x128xf32, #tpu.memory_space<hbm>>
      %dma_wait3A_298 = tpu.memref_slice %arg14[%dma_wait3A_287] : memref<3x!tpu.dma_semaphore, #tpu.memory_space<semaphore_mem>> -> memref<1x!tpu.dma_semaphore, #tpu.memory_space<semaphore_mem>>
      %dma_wait3A_299 = tpu.memref_squeeze %dma_wait3A_298 : memref<1x!tpu.dma_semaphore, #tpu.memory_space<semaphore_mem>> -> memref<!tpu.dma_semaphore, #tpu.memory_space<semaphore_mem>>
      tpu.wait_indirect_dma semaphore(%dma_wait3A_299 : memref<!tpu.dma_semaphore, #tpu.memory_space<semaphore_mem>>) src(%dma_wait3A_297 : memref<10000x128xf32, #tpu.memory_space<hbm>>) dst(%dma_wait3A_291 : memref<80x128xf32, #tpu.memory_space<vmem>>)
      %dma_wait3A_300 = arith.constant 0 : i32
      %dma_wait3A_301 = arith.constant 0 : i32
      %dma_wait3A_302 = arith.constant 0 : i32
      %dma_wait3A_303 = tpu.memref_slice %arg8[%dma_wait3A_300, %dma_wait3A_302] : memref<3x80xi32, #tpu.memory_space<vmem>> -> memref<1x80xi32, #tpu.memory_space<vmem>>
      %dma_wait3A_304 = tpu.memref_squeeze %dma_wait3A_303 : memref<1x80xi32, #tpu.memory_space<vmem>> -> memref<80xi32, #tpu.memory_space<vmem>>
      %dma_wait3A_305 = tpu.memref_slice %arg4[%mul3A_4] : memref<320000xi32, #tpu.memory_space<hbm>> -> memref<80xi32, #tpu.memory_space<hbm>>
      %dma_wait3A_306 = tpu.memref_slice %arg12[%dma_wait3A_301] : memref<3x!tpu.dma_semaphore, #tpu.memory_space<semaphore_mem>> -> memref<1x!tpu.dma_semaphore, #tpu.memory_space<semaphore_mem>>
      %dma_wait3A_307 = tpu.memref_squeeze %dma_wait3A_306 : memref<1x!tpu.dma_semaphore, #tpu.memory_space<semaphore_mem>> -> memref<!tpu.dma_semaphore, #tpu.memory_space<semaphore_mem>>
      %dma_wait3A_308 = arith.constant 0 : i32
      %dma_wait3A_309 = tpu.memref_slice %arg8[%dma_wait3A_300, %dma_wait3A_308] : memref<3x80xi32, #tpu.memory_space<vmem>> -> memref<1x80xi32, #tpu.memory_space<vmem>>
      %dma_wait3A_310 = tpu.memref_squeeze %dma_wait3A_309 : memref<1x80xi32, #tpu.memory_space<vmem>> -> memref<80xi32, #tpu.memory_space<vmem>>
      %dma_wait3A_311 = tpu.memref_slice %arg4[%mul3A_4] : memref<320000xi32, #tpu.memory_space<hbm>> -> memref<80xi32, #tpu.memory_space<hbm>>
      tpu.wait_dma2 semaphore(%dma_wait3A_307 : memref<!tpu.dma_semaphore, #tpu.memory_space<semaphore_mem>>) src(%dma_wait3A_311 : memref<80xi32, #tpu.memory_space<hbm>>) dst(%dma_wait3A_310 : memref<80xi32, #tpu.memory_space<vmem>>)
      %dma_start3A_312 = arith.constant 0 : i32
      %dma_start3A_313 = arith.constant 0 : i32
      %dma_start3A_314 = arith.constant 0 : i32
      %dma_start3A_315 = arith.constant 0 : i32
      %dma_start3A_316 = arith.constant 0 : i32
      %dma_start3A_317 = tpu.memref_slice %arg9[%dma_start3A_312, %dma_start3A_315, %dma_start3A_316] : memref<3x80x128xf32, #tpu.memory_space<vmem>> -> memref<1x80x128xf32, #tpu.memory_space<vmem>>
      %dma_start3A_318 = tpu.memref_squeeze %dma_start3A_317 : memref<1x80x128xf32, #tpu.memory_space<vmem>> -> memref<80x128xf32, #tpu.memory_space<vmem>>
      %dma_start3A_319 = arith.constant 0 : i32
      %dma_start3A_320 = tpu.memref_slice %arg8[%dma_start3A_313, %dma_start3A_319] : memref<3x80xi32, #tpu.memory_space<vmem>> -> memref<1x80xi32, #tpu.memory_space<vmem>>
      %dma_start3A_321 = tpu.memref_squeeze %dma_start3A_320 : memref<1x80xi32, #tpu.memory_space<vmem>> -> memref<80xi32, #tpu.memory_space<vmem>>
      %dma_start3A_322 = arith.constant 0 : i32
      %dma_start3A_323 = arith.constant 0 : i32
      %dma_start3A_324 = tpu.memref_slice %arg10[%dma_start3A_322, %dma_start3A_323] : memref<10112x128xf32, #tpu.memory_space<vmem_shared>> -> memref<10112x128xf32, #tpu.memory_space<vmem_shared>>
      %dma_start3A_325 = tpu.memref_slice %arg15[%dma_start3A_314] : memref<3x!tpu.dma_semaphore, #tpu.memory_space<semaphore_mem>> -> memref<1x!tpu.dma_semaphore, #tpu.memory_space<semaphore_mem>>
      %dma_start3A_326 = tpu.memref_squeeze %dma_start3A_325 : memref<1x!tpu.dma_semaphore, #tpu.memory_space<semaphore_mem>> -> memref<!tpu.dma_semaphore, #tpu.memory_space<semaphore_mem>>
      tpu.enqueue_indirect_dma source(%dma_start3A_318 : memref<80x128xf32, #tpu.memory_space<vmem>>) target(%dma_start3A_324 : memref<10112x128xf32, #tpu.memory_space<vmem_shared>>) offsets(%dma_start3A_321 : memref<80xi32, #tpu.memory_space<vmem>>) semaphore(%dma_start3A_326 : memref<!tpu.dma_semaphore, #tpu.memory_space<semaphore_mem>>) {add = true}
      %add3A_327 = arith.constant 3 : i32
      %add3A_328 = arith.addi %add3A_277, %add3A_327 : i32
      %lt3A_329 = arith.constant 125 : i32
      %lt3A_330 = arith.cmpi slt, %add3A_328, %lt3A_329 : i32
      %convert_element_type3A_331 = arith.extui %lt3A_330 : i1 to i32
      %cond3A_332 = arith.constant 0 : i32
      %cond3A_333 = arith.cmpi ne, %convert_element_type3A_331, %cond3A_332 : i32
      scf.if %cond3A_333 {
        %add3A_450 = arith.constant 3 : i32
        %add3A_451 = arith.addi %add3A_277, %add3A_450 : i32
        %mul3A_452 = arith.constant 80 : i32
        %mul3A_453 = arith.muli %add3A_451, %mul3A_452 : i32
        %add3A_454 = arith.addi %mul3A_4, %mul3A_453 : i32
        %dma_start3A_455 = arith.constant 0 : i32
        %dma_start3A_456 = arith.constant 0 : i32
        %dma_start3A_457 = arith.constant 0 : i32
        %dma_start3A_458 = tpu.memref_slice %arg7[%dma_start3A_455, %dma_start3A_457] : memref<3x80xi32, #tpu.memory_space<vmem>> -> memref<1x80xi32, #tpu.memory_space<vmem>>
        %dma_start3A_459 = tpu.memref_squeeze %dma_start3A_458 : memref<1x80xi32, #tpu.memory_space<vmem>> -> memref<80xi32, #tpu.memory_space<vmem>>
        %dma_start3A_460 = tpu.memref_slice %arg3[%add3A_454] : memref<320000xi32, #tpu.memory_space<hbm>> -> memref<80xi32, #tpu.memory_space<hbm>>
        %dma_start3A_461 = tpu.memref_slice %arg11[%dma_start3A_456] : memref<3x!tpu.dma_semaphore, #tpu.memory_space<semaphore_mem>> -> memref<1x!tpu.dma_semaphore, #tpu.memory_space<semaphore_mem>>
        %dma_start3A_462 = tpu.memref_squeeze %dma_start3A_461 : memref<1x!tpu.dma_semaphore, #tpu.memory_space<semaphore_mem>> -> memref<!tpu.dma_semaphore, #tpu.memory_space<semaphore_mem>>
        %dma_start3A_463 = arith.constant 0 : i32
        %dma_start3A_464 = tpu.memref_slice %arg7[%dma_start3A_455, %dma_start3A_463] : memref<3x80xi32, #tpu.memory_space<vmem>> -> memref<1x80xi32, #tpu.memory_space<vmem>>
        %dma_start3A_465 = tpu.memref_squeeze %dma_start3A_464 : memref<1x80xi32, #tpu.memory_space<vmem>> -> memref<80xi32, #tpu.memory_space<vmem>>
        %dma_start3A_466 = tpu.memref_slice %arg3[%add3A_454] : memref<320000xi32, #tpu.memory_space<hbm>> -> memref<80xi32, #tpu.memory_space<hbm>>
        tpu.enqueue_dma source(%dma_start3A_466 : memref<80xi32, #tpu.memory_space<hbm>>) target(%dma_start3A_465 : memref<80xi32, #tpu.memory_space<vmem>>) target_semaphore(%dma_start3A_462 : memref<!tpu.dma_semaphore, #tpu.memory_space<semaphore_mem>>)
      } else {
      }
      %add3A_334 = arith.constant 1 : i32
      %add3A_335 = arith.addi %add3A_275, %add3A_334 : i32
      %add3A_336 = arith.constant 2 : i32
      %add3A_337 = arith.addi %add3A_335, %add3A_336 : i32
      %lt3A_338 = arith.constant 125 : i32
      %lt3A_339 = arith.cmpi slt, %add3A_337, %lt3A_338 : i32
      %convert_element_type3A_340 = arith.extui %lt3A_339 : i1 to i32
      %cond3A_341 = arith.constant 0 : i32
      %cond3A_342 = arith.cmpi ne, %convert_element_type3A_340, %cond3A_341 : i32
      scf.if %cond3A_342 {
        %ge3A = arith.constant 1 : i32
        %ge3A_450 = arith.cmpi sge, %add3A_335, %ge3A : i32
        %convert_element_type3A_451 = arith.extui %ge3A_450 : i1 to i32
        %cond3A_452 = arith.constant 0 : i32
        %cond3A_453 = arith.cmpi ne, %convert_element_type3A_451, %cond3A_452 : i32
        scf.if %cond3A_453 {
          %dma_wait3A_498 = arith.constant 0 : i32
          %dma_wait3A_499 = arith.constant 1 : i32
          %dma_wait3A_500 = arith.constant 0 : i32
          %dma_wait3A_501 = arith.constant 0 : i32
          %dma_wait3A_502 = arith.constant 0 : i32
          %dma_wait3A_503 = tpu.memref_slice %arg9[%dma_wait3A_498, %dma_wait3A_501, %dma_wait3A_502] : memref<3x80x128xf32, #tpu.memory_space<vmem>> -> memref<1x80x128xf32, #tpu.memory_space<vmem>>
          %dma_wait3A_504 = tpu.memref_squeeze %dma_wait3A_503 : memref<1x80x128xf32, #tpu.memory_space<vmem>> -> memref<80x128xf32, #tpu.memory_space<vmem>>
          %dma_wait3A_505 = arith.constant 0 : i32
          %dma_wait3A_506 = tpu.memref_slice %arg8[%dma_wait3A_499, %dma_wait3A_505] : memref<3x80xi32, #tpu.memory_space<vmem>> -> memref<1x80xi32, #tpu.memory_space<vmem>>
          %dma_wait3A_507 = tpu.memref_squeeze %dma_wait3A_506 : memref<1x80xi32, #tpu.memory_space<vmem>> -> memref<80xi32, #tpu.memory_space<vmem>>
          %dma_wait3A_508 = arith.constant 0 : i32
          %dma_wait3A_509 = arith.constant 0 : i32
          %dma_wait3A_510 = tpu.memref_slice %arg10[%dma_wait3A_508, %dma_wait3A_509] : memref<10112x128xf32, #tpu.memory_space<vmem_shared>> -> memref<10112x128xf32, #tpu.memory_space<vmem_shared>>
          %dma_wait3A_511 = tpu.memref_slice %arg15[%dma_wait3A_500] : memref<3x!tpu.dma_semaphore, #tpu.memory_space<semaphore_mem>> -> memref<1x!tpu.dma_semaphore, #tpu.memory_space<semaphore_mem>>
          %dma_wait3A_512 = tpu.memref_squeeze %dma_wait3A_511 : memref<1x!tpu.dma_semaphore, #tpu.memory_space<semaphore_mem>> -> memref<!tpu.dma_semaphore, #tpu.memory_space<semaphore_mem>>
          tpu.wait_indirect_dma semaphore(%dma_wait3A_512 : memref<!tpu.dma_semaphore, #tpu.memory_space<semaphore_mem>>) src(%dma_wait3A_504 : memref<80x128xf32, #tpu.memory_space<vmem>>) dst(%dma_wait3A_510 : memref<10112x128xf32, #tpu.memory_space<vmem_shared>>)
        } else {
        }
        %add3A_454 = arith.constant 2 : i32
        %add3A_455 = arith.addi %add3A_335, %add3A_454 : i32
        %mul3A_456 = arith.constant 80 : i32
        %mul3A_457 = arith.muli %add3A_455, %mul3A_456 : i32
        %add3A_458 = arith.addi %mul3A_4, %mul3A_457 : i32
        %dma_start3A_459 = arith.constant 0 : i32
        %dma_start3A_460 = arith.constant 0 : i32
        %dma_start3A_461 = arith.constant 0 : i32
        %dma_start3A_462 = tpu.memref_slice %arg8[%dma_start3A_459, %dma_start3A_461] : memref<3x80xi32, #tpu.memory_space<vmem>> -> memref<1x80xi32, #tpu.memory_space<vmem>>
        %dma_start3A_463 = tpu.memref_squeeze %dma_start3A_462 : memref<1x80xi32, #tpu.memory_space<vmem>> -> memref<80xi32, #tpu.memory_space<vmem>>
        %dma_start3A_464 = tpu.memref_slice %arg4[%add3A_458] : memref<320000xi32, #tpu.memory_space<hbm>> -> memref<80xi32, #tpu.memory_space<hbm>>
        %dma_start3A_465 = tpu.memref_slice %arg12[%dma_start3A_460] : memref<3x!tpu.dma_semaphore, #tpu.memory_space<semaphore_mem>> -> memref<1x!tpu.dma_semaphore, #tpu.memory_space<semaphore_mem>>
        %dma_start3A_466 = tpu.memref_squeeze %dma_start3A_465 : memref<1x!tpu.dma_semaphore, #tpu.memory_space<semaphore_mem>> -> memref<!tpu.dma_semaphore, #tpu.memory_space<semaphore_mem>>
        %dma_start3A_467 = arith.constant 0 : i32
        %dma_start3A_468 = tpu.memref_slice %arg8[%dma_start3A_459, %dma_start3A_467] : memref<3x80xi32, #tpu.memory_space<vmem>> -> memref<1x80xi32, #tpu.memory_space<vmem>>
        %dma_start3A_469 = tpu.memref_squeeze %dma_start3A_468 : memref<1x80xi32, #tpu.memory_space<vmem>> -> memref<80xi32, #tpu.memory_space<vmem>>
        %dma_start3A_470 = tpu.memref_slice %arg4[%add3A_458] : memref<320000xi32, #tpu.memory_space<hbm>> -> memref<80xi32, #tpu.memory_space<hbm>>
        tpu.enqueue_dma source(%dma_start3A_470 : memref<80xi32, #tpu.memory_space<hbm>>) target(%dma_start3A_469 : memref<80xi32, #tpu.memory_space<vmem>>) target_semaphore(%dma_start3A_466 : memref<!tpu.dma_semaphore, #tpu.memory_space<semaphore_mem>>)
        %dma_wait3A_471 = arith.constant 0 : i32
        %dma_wait3A_472 = arith.constant 0 : i32
        %dma_wait3A_473 = arith.constant 0 : i32
        %dma_wait3A_474 = tpu.memref_slice %arg7[%dma_wait3A_471, %dma_wait3A_473] : memref<3x80xi32, #tpu.memory_space<vmem>> -> memref<1x80xi32, #tpu.memory_space<vmem>>
        %dma_wait3A_475 = tpu.memref_squeeze %dma_wait3A_474 : memref<1x80xi32, #tpu.memory_space<vmem>> -> memref<80xi32, #tpu.memory_space<vmem>>
        %dma_wait3A_476 = tpu.memref_slice %arg3[%mul3A_4] : memref<320000xi32, #tpu.memory_space<hbm>> -> memref<80xi32, #tpu.memory_space<hbm>>
        %dma_wait3A_477 = tpu.memref_slice %arg11[%dma_wait3A_472] : memref<3x!tpu.dma_semaphore, #tpu.memory_space<semaphore_mem>> -> memref<1x!tpu.dma_semaphore, #tpu.memory_space<semaphore_mem>>
        %dma_wait3A_478 = tpu.memref_squeeze %dma_wait3A_477 : memref<1x!tpu.dma_semaphore, #tpu.memory_space<semaphore_mem>> -> memref<!tpu.dma_semaphore, #tpu.memory_space<semaphore_mem>>
        %dma_wait3A_479 = arith.constant 0 : i32
        %dma_wait3A_480 = tpu.memref_slice %arg7[%dma_wait3A_471, %dma_wait3A_479] : memref<3x80xi32, #tpu.memory_space<vmem>> -> memref<1x80xi32, #tpu.memory_space<vmem>>
        %dma_wait3A_481 = tpu.memref_squeeze %dma_wait3A_480 : memref<1x80xi32, #tpu.memory_space<vmem>> -> memref<80xi32, #tpu.memory_space<vmem>>
        %dma_wait3A_482 = tpu.memref_slice %arg3[%mul3A_4] : memref<320000xi32, #tpu.memory_space<hbm>> -> memref<80xi32, #tpu.memory_space<hbm>>
        tpu.wait_dma2 semaphore(%dma_wait3A_478 : memref<!tpu.dma_semaphore, #tpu.memory_space<semaphore_mem>>) src(%dma_wait3A_482 : memref<80xi32, #tpu.memory_space<hbm>>) dst(%dma_wait3A_481 : memref<80xi32, #tpu.memory_space<vmem>>)
        %dma_start3A_483 = arith.constant 0 : i32
        %dma_start3A_484 = arith.constant 0 : i32
        %dma_start3A_485 = arith.constant 0 : i32
        %dma_start3A_486 = arith.constant 0 : i32
        %dma_start3A_487 = arith.constant 0 : i32
        %dma_start3A_488 = tpu.memref_slice %arg9[%dma_start3A_484, %dma_start3A_486, %dma_start3A_487] : memref<3x80x128xf32, #tpu.memory_space<vmem>> -> memref<1x80x128xf32, #tpu.memory_space<vmem>>
        %dma_start3A_489 = tpu.memref_squeeze %dma_start3A_488 : memref<1x80x128xf32, #tpu.memory_space<vmem>> -> memref<80x128xf32, #tpu.memory_space<vmem>>
        %dma_start3A_490 = arith.constant 0 : i32
        %dma_start3A_491 = tpu.memref_slice %arg7[%dma_start3A_483, %dma_start3A_490] : memref<3x80xi32, #tpu.memory_space<vmem>> -> memref<1x80xi32, #tpu.memory_space<vmem>>
        %dma_start3A_492 = tpu.memref_squeeze %dma_start3A_491 : memref<1x80xi32, #tpu.memory_space<vmem>> -> memref<80xi32, #tpu.memory_space<vmem>>
        %dma_start3A_493 = arith.constant 0 : i32
        %dma_start3A_494 = arith.constant 0 : i32
        %dma_start3A_495 = tpu.memref_slice %arg2[%dma_start3A_493, %dma_start3A_494] : memref<10000x128xf32, #tpu.memory_space<hbm>> -> memref<10000x128xf32, #tpu.memory_space<hbm>>
        %dma_start3A_496 = tpu.memref_slice %arg14[%dma_start3A_485] : memref<3x!tpu.dma_semaphore, #tpu.memory_space<semaphore_mem>> -> memref<1x!tpu.dma_semaphore, #tpu.memory_space<semaphore_mem>>
        %dma_start3A_497 = tpu.memref_squeeze %dma_start3A_496 : memref<1x!tpu.dma_semaphore, #tpu.memory_space<semaphore_mem>> -> memref<!tpu.dma_semaphore, #tpu.memory_space<semaphore_mem>>
        tpu.enqueue_indirect_dma source(%dma_start3A_495 : memref<10000x128xf32, #tpu.memory_space<hbm>>) target(%dma_start3A_489 : memref<80x128xf32, #tpu.memory_space<vmem>>) offsets(%dma_start3A_492 : memref<80xi32, #tpu.memory_space<vmem>>) semaphore(%dma_start3A_497 : memref<!tpu.dma_semaphore, #tpu.memory_space<semaphore_mem>>)
      } else {
      }
      %dma_wait3A_343 = arith.constant 1 : i32
      %dma_wait3A_344 = arith.constant 1 : i32
      %dma_wait3A_345 = arith.constant 1 : i32
      %dma_wait3A_346 = arith.constant 0 : i32
      %dma_wait3A_347 = arith.constant 0 : i32
      %dma_wait3A_348 = tpu.memref_slice %arg9[%dma_wait3A_344, %dma_wait3A_346, %dma_wait3A_347] : memref<3x80x128xf32, #tpu.memory_space<vmem>> -> memref<1x80x128xf32, #tpu.memory_space<vmem>>
      %dma_wait3A_349 = tpu.memref_squeeze %dma_wait3A_348 : memref<1x80x128xf32, #tpu.memory_space<vmem>> -> memref<80x128xf32, #tpu.memory_space<vmem>>
      %dma_wait3A_350 = arith.constant 0 : i32
      %dma_wait3A_351 = tpu.memref_slice %arg7[%dma_wait3A_343, %dma_wait3A_350] : memref<3x80xi32, #tpu.memory_space<vmem>> -> memref<1x80xi32, #tpu.memory_space<vmem>>
      %dma_wait3A_352 = tpu.memref_squeeze %dma_wait3A_351 : memref<1x80xi32, #tpu.memory_space<vmem>> -> memref<80xi32, #tpu.memory_space<vmem>>
      %dma_wait3A_353 = arith.constant 0 : i32
      %dma_wait3A_354 = arith.constant 0 : i32
      %dma_wait3A_355 = tpu.memref_slice %arg2[%dma_wait3A_353, %dma_wait3A_354] : memref<10000x128xf32, #tpu.memory_space<hbm>> -> memref<10000x128xf32, #tpu.memory_space<hbm>>
      %dma_wait3A_356 = tpu.memref_slice %arg14[%dma_wait3A_345] : memref<3x!tpu.dma_semaphore, #tpu.memory_space<semaphore_mem>> -> memref<1x!tpu.dma_semaphore, #tpu.memory_space<semaphore_mem>>
      %dma_wait3A_357 = tpu.memref_squeeze %dma_wait3A_356 : memref<1x!tpu.dma_semaphore, #tpu.memory_space<semaphore_mem>> -> memref<!tpu.dma_semaphore, #tpu.memory_space<semaphore_mem>>
      tpu.wait_indirect_dma semaphore(%dma_wait3A_357 : memref<!tpu.dma_semaphore, #tpu.memory_space<semaphore_mem>>) src(%dma_wait3A_355 : memref<10000x128xf32, #tpu.memory_space<hbm>>) dst(%dma_wait3A_349 : memref<80x128xf32, #tpu.memory_space<vmem>>)
      %dma_wait3A_358 = arith.constant 1 : i32
      %dma_wait3A_359 = arith.constant 1 : i32
      %dma_wait3A_360 = arith.constant 0 : i32
      %dma_wait3A_361 = tpu.memref_slice %arg8[%dma_wait3A_358, %dma_wait3A_360] : memref<3x80xi32, #tpu.memory_space<vmem>> -> memref<1x80xi32, #tpu.memory_space<vmem>>
      %dma_wait3A_362 = tpu.memref_squeeze %dma_wait3A_361 : memref<1x80xi32, #tpu.memory_space<vmem>> -> memref<80xi32, #tpu.memory_space<vmem>>
      %dma_wait3A_363 = tpu.memref_slice %arg4[%mul3A_4] : memref<320000xi32, #tpu.memory_space<hbm>> -> memref<80xi32, #tpu.memory_space<hbm>>
      %dma_wait3A_364 = tpu.memref_slice %arg12[%dma_wait3A_359] : memref<3x!tpu.dma_semaphore, #tpu.memory_space<semaphore_mem>> -> memref<1x!tpu.dma_semaphore, #tpu.memory_space<semaphore_mem>>
      %dma_wait3A_365 = tpu.memref_squeeze %dma_wait3A_364 : memref<1x!tpu.dma_semaphore, #tpu.memory_space<semaphore_mem>> -> memref<!tpu.dma_semaphore, #tpu.memory_space<semaphore_mem>>
      %dma_wait3A_366 = arith.constant 0 : i32
      %dma_wait3A_367 = tpu.memref_slice %arg8[%dma_wait3A_358, %dma_wait3A_366] : memref<3x80xi32, #tpu.memory_space<vmem>> -> memref<1x80xi32, #tpu.memory_space<vmem>>
      %dma_wait3A_368 = tpu.memref_squeeze %dma_wait3A_367 : memref<1x80xi32, #tpu.memory_space<vmem>> -> memref<80xi32, #tpu.memory_space<vmem>>
      %dma_wait3A_369 = tpu.memref_slice %arg4[%mul3A_4] : memref<320000xi32, #tpu.memory_space<hbm>> -> memref<80xi32, #tpu.memory_space<hbm>>
      tpu.wait_dma2 semaphore(%dma_wait3A_365 : memref<!tpu.dma_semaphore, #tpu.memory_space<semaphore_mem>>) src(%dma_wait3A_369 : memref<80xi32, #tpu.memory_space<hbm>>) dst(%dma_wait3A_368 : memref<80xi32, #tpu.memory_space<vmem>>)
      %dma_start3A_370 = arith.constant 1 : i32
      %dma_start3A_371 = arith.constant 1 : i32
      %dma_start3A_372 = arith.constant 1 : i32
      %dma_start3A_373 = arith.constant 0 : i32
      %dma_start3A_374 = arith.constant 0 : i32
      %dma_start3A_375 = tpu.memref_slice %arg9[%dma_start3A_370, %dma_start3A_373, %dma_start3A_374] : memref<3x80x128xf32, #tpu.memory_space<vmem>> -> memref<1x80x128xf32, #tpu.memory_space<vmem>>
      %dma_start3A_376 = tpu.memref_squeeze %dma_start3A_375 : memref<1x80x128xf32, #tpu.memory_space<vmem>> -> memref<80x128xf32, #tpu.memory_space<vmem>>
      %dma_start3A_377 = arith.constant 0 : i32
      %dma_start3A_378 = tpu.memref_slice %arg8[%dma_start3A_371, %dma_start3A_377] : memref<3x80xi32, #tpu.memory_space<vmem>> -> memref<1x80xi32, #tpu.memory_space<vmem>>
      %dma_start3A_379 = tpu.memref_squeeze %dma_start3A_378 : memref<1x80xi32, #tpu.memory_space<vmem>> -> memref<80xi32, #tpu.memory_space<vmem>>
      %dma_start3A_380 = arith.constant 0 : i32
      %dma_start3A_381 = arith.constant 0 : i32
      %dma_start3A_382 = tpu.memref_slice %arg10[%dma_start3A_380, %dma_start3A_381] : memref<10112x128xf32, #tpu.memory_space<vmem_shared>> -> memref<10112x128xf32, #tpu.memory_space<vmem_shared>>
      %dma_start3A_383 = tpu.memref_slice %arg15[%dma_start3A_372] : memref<3x!tpu.dma_semaphore, #tpu.memory_space<semaphore_mem>> -> memref<1x!tpu.dma_semaphore, #tpu.memory_space<semaphore_mem>>
      %dma_start3A_384 = tpu.memref_squeeze %dma_start3A_383 : memref<1x!tpu.dma_semaphore, #tpu.memory_space<semaphore_mem>> -> memref<!tpu.dma_semaphore, #tpu.memory_space<semaphore_mem>>
      tpu.enqueue_indirect_dma source(%dma_start3A_376 : memref<80x128xf32, #tpu.memory_space<vmem>>) target(%dma_start3A_382 : memref<10112x128xf32, #tpu.memory_space<vmem_shared>>) offsets(%dma_start3A_379 : memref<80xi32, #tpu.memory_space<vmem>>) semaphore(%dma_start3A_384 : memref<!tpu.dma_semaphore, #tpu.memory_space<semaphore_mem>>) {add = true}
      %add3A_385 = arith.constant 3 : i32
      %add3A_386 = arith.addi %add3A_335, %add3A_385 : i32
      %lt3A_387 = arith.constant 125 : i32
      %lt3A_388 = arith.cmpi slt, %add3A_386, %lt3A_387 : i32
      %convert_element_type3A_389 = arith.extui %lt3A_388 : i1 to i32
      %cond3A_390 = arith.constant 0 : i32
      %cond3A_391 = arith.cmpi ne, %convert_element_type3A_389, %cond3A_390 : i32
      scf.if %cond3A_391 {
        %add3A_450 = arith.constant 3 : i32
        %add3A_451 = arith.addi %add3A_335, %add3A_450 : i32
        %mul3A_452 = arith.constant 80 : i32
        %mul3A_453 = arith.muli %add3A_451, %mul3A_452 : i32
        %add3A_454 = arith.addi %mul3A_4, %mul3A_453 : i32
        %dma_start3A_455 = arith.constant 1 : i32
        %dma_start3A_456 = arith.constant 1 : i32
        %dma_start3A_457 = arith.constant 0 : i32
        %dma_start3A_458 = tpu.memref_slice %arg7[%dma_start3A_455, %dma_start3A_457] : memref<3x80xi32, #tpu.memory_space<vmem>> -> memref<1x80xi32, #tpu.memory_space<vmem>>
        %dma_start3A_459 = tpu.memref_squeeze %dma_start3A_458 : memref<1x80xi32, #tpu.memory_space<vmem>> -> memref<80xi32, #tpu.memory_space<vmem>>
        %dma_start3A_460 = tpu.memref_slice %arg3[%add3A_454] : memref<320000xi32, #tpu.memory_space<hbm>> -> memref<80xi32, #tpu.memory_space<hbm>>
        %dma_start3A_461 = tpu.memref_slice %arg11[%dma_start3A_456] : memref<3x!tpu.dma_semaphore, #tpu.memory_space<semaphore_mem>> -> memref<1x!tpu.dma_semaphore, #tpu.memory_space<semaphore_mem>>
        %dma_start3A_462 = tpu.memref_squeeze %dma_start3A_461 : memref<1x!tpu.dma_semaphore, #tpu.memory_space<semaphore_mem>> -> memref<!tpu.dma_semaphore, #tpu.memory_space<semaphore_mem>>
        %dma_start3A_463 = arith.constant 0 : i32
        %dma_start3A_464 = tpu.memref_slice %arg7[%dma_start3A_455, %dma_start3A_463] : memref<3x80xi32, #tpu.memory_space<vmem>> -> memref<1x80xi32, #tpu.memory_space<vmem>>
        %dma_start3A_465 = tpu.memref_squeeze %dma_start3A_464 : memref<1x80xi32, #tpu.memory_space<vmem>> -> memref<80xi32, #tpu.memory_space<vmem>>
        %dma_start3A_466 = tpu.memref_slice %arg3[%add3A_454] : memref<320000xi32, #tpu.memory_space<hbm>> -> memref<80xi32, #tpu.memory_space<hbm>>
        tpu.enqueue_dma source(%dma_start3A_466 : memref<80xi32, #tpu.memory_space<hbm>>) target(%dma_start3A_465 : memref<80xi32, #tpu.memory_space<vmem>>) target_semaphore(%dma_start3A_462 : memref<!tpu.dma_semaphore, #tpu.memory_space<semaphore_mem>>)
      } else {
      }
      %add3A_392 = arith.constant 2 : i32
      %add3A_393 = arith.addi %add3A_275, %add3A_392 : i32
      %add3A_394 = arith.constant 2 : i32
      %add3A_395 = arith.addi %add3A_393, %add3A_394 : i32
      %lt3A_396 = arith.constant 125 : i32
      %lt3A_397 = arith.cmpi slt, %add3A_395, %lt3A_396 : i32
      %convert_element_type3A_398 = arith.extui %lt3A_397 : i1 to i32
      %cond3A_399 = arith.constant 0 : i32
      %cond3A_400 = arith.cmpi ne, %convert_element_type3A_398, %cond3A_399 : i32
      scf.if %cond3A_400 {
        %ge3A = arith.constant 1 : i32
        %ge3A_450 = arith.cmpi sge, %add3A_393, %ge3A : i32
        %convert_element_type3A_451 = arith.extui %ge3A_450 : i1 to i32
        %cond3A_452 = arith.constant 0 : i32
        %cond3A_453 = arith.cmpi ne, %convert_element_type3A_451, %cond3A_452 : i32
        scf.if %cond3A_453 {
          %dma_wait3A_498 = arith.constant 1 : i32
          %dma_wait3A_499 = arith.constant 2 : i32
          %dma_wait3A_500 = arith.constant 1 : i32
          %dma_wait3A_501 = arith.constant 0 : i32
          %dma_wait3A_502 = arith.constant 0 : i32
          %dma_wait3A_503 = tpu.memref_slice %arg9[%dma_wait3A_498, %dma_wait3A_501, %dma_wait3A_502] : memref<3x80x128xf32, #tpu.memory_space<vmem>> -> memref<1x80x128xf32, #tpu.memory_space<vmem>>
          %dma_wait3A_504 = tpu.memref_squeeze %dma_wait3A_503 : memref<1x80x128xf32, #tpu.memory_space<vmem>> -> memref<80x128xf32, #tpu.memory_space<vmem>>
          %dma_wait3A_505 = arith.constant 0 : i32
          %dma_wait3A_506 = tpu.memref_slice %arg8[%dma_wait3A_499, %dma_wait3A_505] : memref<3x80xi32, #tpu.memory_space<vmem>> -> memref<1x80xi32, #tpu.memory_space<vmem>>
          %dma_wait3A_507 = tpu.memref_squeeze %dma_wait3A_506 : memref<1x80xi32, #tpu.memory_space<vmem>> -> memref<80xi32, #tpu.memory_space<vmem>>
          %dma_wait3A_508 = arith.constant 0 : i32
          %dma_wait3A_509 = arith.constant 0 : i32
          %dma_wait3A_510 = tpu.memref_slice %arg10[%dma_wait3A_508, %dma_wait3A_509] : memref<10112x128xf32, #tpu.memory_space<vmem_shared>> -> memref<10112x128xf32, #tpu.memory_space<vmem_shared>>
          %dma_wait3A_511 = tpu.memref_slice %arg15[%dma_wait3A_500] : memref<3x!tpu.dma_semaphore, #tpu.memory_space<semaphore_mem>> -> memref<1x!tpu.dma_semaphore, #tpu.memory_space<semaphore_mem>>
          %dma_wait3A_512 = tpu.memref_squeeze %dma_wait3A_511 : memref<1x!tpu.dma_semaphore, #tpu.memory_space<semaphore_mem>> -> memref<!tpu.dma_semaphore, #tpu.memory_space<semaphore_mem>>
          tpu.wait_indirect_dma semaphore(%dma_wait3A_512 : memref<!tpu.dma_semaphore, #tpu.memory_space<semaphore_mem>>) src(%dma_wait3A_504 : memref<80x128xf32, #tpu.memory_space<vmem>>) dst(%dma_wait3A_510 : memref<10112x128xf32, #tpu.memory_space<vmem_shared>>)
        } else {
        }
        %add3A_454 = arith.constant 2 : i32
        %add3A_455 = arith.addi %add3A_393, %add3A_454 : i32
        %mul3A_456 = arith.constant 80 : i32
        %mul3A_457 = arith.muli %add3A_455, %mul3A_456 : i32
        %add3A_458 = arith.addi %mul3A_4, %mul3A_457 : i32
        %dma_start3A_459 = arith.constant 1 : i32
        %dma_start3A_460 = arith.constant 1 : i32
        %dma_start3A_461 = arith.constant 0 : i32
        %dma_start3A_462 = tpu.memref_slice %arg8[%dma_start3A_459, %dma_start3A_461] : memref<3x80xi32, #tpu.memory_space<vmem>> -> memref<1x80xi32, #tpu.memory_space<vmem>>
        %dma_start3A_463 = tpu.memref_squeeze %dma_start3A_462 : memref<1x80xi32, #tpu.memory_space<vmem>> -> memref<80xi32, #tpu.memory_space<vmem>>
        %dma_start3A_464 = tpu.memref_slice %arg4[%add3A_458] : memref<320000xi32, #tpu.memory_space<hbm>> -> memref<80xi32, #tpu.memory_space<hbm>>
        %dma_start3A_465 = tpu.memref_slice %arg12[%dma_start3A_460] : memref<3x!tpu.dma_semaphore, #tpu.memory_space<semaphore_mem>> -> memref<1x!tpu.dma_semaphore, #tpu.memory_space<semaphore_mem>>
        %dma_start3A_466 = tpu.memref_squeeze %dma_start3A_465 : memref<1x!tpu.dma_semaphore, #tpu.memory_space<semaphore_mem>> -> memref<!tpu.dma_semaphore, #tpu.memory_space<semaphore_mem>>
        %dma_start3A_467 = arith.constant 0 : i32
        %dma_start3A_468 = tpu.memref_slice %arg8[%dma_start3A_459, %dma_start3A_467] : memref<3x80xi32, #tpu.memory_space<vmem>> -> memref<1x80xi32, #tpu.memory_space<vmem>>
        %dma_start3A_469 = tpu.memref_squeeze %dma_start3A_468 : memref<1x80xi32, #tpu.memory_space<vmem>> -> memref<80xi32, #tpu.memory_space<vmem>>
        %dma_start3A_470 = tpu.memref_slice %arg4[%add3A_458] : memref<320000xi32, #tpu.memory_space<hbm>> -> memref<80xi32, #tpu.memory_space<hbm>>
        tpu.enqueue_dma source(%dma_start3A_470 : memref<80xi32, #tpu.memory_space<hbm>>) target(%dma_start3A_469 : memref<80xi32, #tpu.memory_space<vmem>>) target_semaphore(%dma_start3A_466 : memref<!tpu.dma_semaphore, #tpu.memory_space<semaphore_mem>>)
        %dma_wait3A_471 = arith.constant 1 : i32
        %dma_wait3A_472 = arith.constant 1 : i32
        %dma_wait3A_473 = arith.constant 0 : i32
        %dma_wait3A_474 = tpu.memref_slice %arg7[%dma_wait3A_471, %dma_wait3A_473] : memref<3x80xi32, #tpu.memory_space<vmem>> -> memref<1x80xi32, #tpu.memory_space<vmem>>
        %dma_wait3A_475 = tpu.memref_squeeze %dma_wait3A_474 : memref<1x80xi32, #tpu.memory_space<vmem>> -> memref<80xi32, #tpu.memory_space<vmem>>
        %dma_wait3A_476 = tpu.memref_slice %arg3[%mul3A_4] : memref<320000xi32, #tpu.memory_space<hbm>> -> memref<80xi32, #tpu.memory_space<hbm>>
        %dma_wait3A_477 = tpu.memref_slice %arg11[%dma_wait3A_472] : memref<3x!tpu.dma_semaphore, #tpu.memory_space<semaphore_mem>> -> memref<1x!tpu.dma_semaphore, #tpu.memory_space<semaphore_mem>>
        %dma_wait3A_478 = tpu.memref_squeeze %dma_wait3A_477 : memref<1x!tpu.dma_semaphore, #tpu.memory_space<semaphore_mem>> -> memref<!tpu.dma_semaphore, #tpu.memory_space<semaphore_mem>>
        %dma_wait3A_479 = arith.constant 0 : i32
        %dma_wait3A_480 = tpu.memref_slice %arg7[%dma_wait3A_471, %dma_wait3A_479] : memref<3x80xi32, #tpu.memory_space<vmem>> -> memref<1x80xi32, #tpu.memory_space<vmem>>
        %dma_wait3A_481 = tpu.memref_squeeze %dma_wait3A_480 : memref<1x80xi32, #tpu.memory_space<vmem>> -> memref<80xi32, #tpu.memory_space<vmem>>
        %dma_wait3A_482 = tpu.memref_slice %arg3[%mul3A_4] : memref<320000xi32, #tpu.memory_space<hbm>> -> memref<80xi32, #tpu.memory_space<hbm>>
        tpu.wait_dma2 semaphore(%dma_wait3A_478 : memref<!tpu.dma_semaphore, #tpu.memory_space<semaphore_mem>>) src(%dma_wait3A_482 : memref<80xi32, #tpu.memory_space<hbm>>) dst(%dma_wait3A_481 : memref<80xi32, #tpu.memory_space<vmem>>)
        %dma_start3A_483 = arith.constant 1 : i32
        %dma_start3A_484 = arith.constant 1 : i32
        %dma_start3A_485 = arith.constant 1 : i32
        %dma_start3A_486 = arith.constant 0 : i32
        %dma_start3A_487 = arith.constant 0 : i32
        %dma_start3A_488 = tpu.memref_slice %arg9[%dma_start3A_484, %dma_start3A_486, %dma_start3A_487] : memref<3x80x128xf32, #tpu.memory_space<vmem>> -> memref<1x80x128xf32, #tpu.memory_space<vmem>>
        %dma_start3A_489 = tpu.memref_squeeze %dma_start3A_488 : memref<1x80x128xf32, #tpu.memory_space<vmem>> -> memref<80x128xf32, #tpu.memory_space<vmem>>
        %dma_start3A_490 = arith.constant 0 : i32
        %dma_start3A_491 = tpu.memref_slice %arg7[%dma_start3A_483, %dma_start3A_490] : memref<3x80xi32, #tpu.memory_space<vmem>> -> memref<1x80xi32, #tpu.memory_space<vmem>>
        %dma_start3A_492 = tpu.memref_squeeze %dma_start3A_491 : memref<1x80xi32, #tpu.memory_space<vmem>> -> memref<80xi32, #tpu.memory_space<vmem>>
        %dma_start3A_493 = arith.constant 0 : i32
        %dma_start3A_494 = arith.constant 0 : i32
        %dma_start3A_495 = tpu.memref_slice %arg2[%dma_start3A_493, %dma_start3A_494] : memref<10000x128xf32, #tpu.memory_space<hbm>> -> memref<10000x128xf32, #tpu.memory_space<hbm>>
        %dma_start3A_496 = tpu.memref_slice %arg14[%dma_start3A_485] : memref<3x!tpu.dma_semaphore, #tpu.memory_space<semaphore_mem>> -> memref<1x!tpu.dma_semaphore, #tpu.memory_space<semaphore_mem>>
        %dma_start3A_497 = tpu.memref_squeeze %dma_start3A_496 : memref<1x!tpu.dma_semaphore, #tpu.memory_space<semaphore_mem>> -> memref<!tpu.dma_semaphore, #tpu.memory_space<semaphore_mem>>
        tpu.enqueue_indirect_dma source(%dma_start3A_495 : memref<10000x128xf32, #tpu.memory_space<hbm>>) target(%dma_start3A_489 : memref<80x128xf32, #tpu.memory_space<vmem>>) offsets(%dma_start3A_492 : memref<80xi32, #tpu.memory_space<vmem>>) semaphore(%dma_start3A_497 : memref<!tpu.dma_semaphore, #tpu.memory_space<semaphore_mem>>)
      } else {
      }
      %dma_wait3A_401 = arith.constant 2 : i32
      %dma_wait3A_402 = arith.constant 2 : i32
      %dma_wait3A_403 = arith.constant 2 : i32
      %dma_wait3A_404 = arith.constant 0 : i32
      %dma_wait3A_405 = arith.constant 0 : i32
      %dma_wait3A_406 = tpu.memref_slice %arg9[%dma_wait3A_402, %dma_wait3A_404, %dma_wait3A_405] : memref<3x80x128xf32, #tpu.memory_space<vmem>> -> memref<1x80x128xf32, #tpu.memory_space<vmem>>
      %dma_wait3A_407 = tpu.memref_squeeze %dma_wait3A_406 : memref<1x80x128xf32, #tpu.memory_space<vmem>> -> memref<80x128xf32, #tpu.memory_space<vmem>>
      %dma_wait3A_408 = arith.constant 0 : i32
      %dma_wait3A_409 = tpu.memref_slice %arg7[%dma_wait3A_401, %dma_wait3A_408] : memref<3x80xi32, #tpu.memory_space<vmem>> -> memref<1x80xi32, #tpu.memory_space<vmem>>
      %dma_wait3A_410 = tpu.memref_squeeze %dma_wait3A_409 : memref<1x80xi32, #tpu.memory_space<vmem>> -> memref<80xi32, #tpu.memory_space<vmem>>
      %dma_wait3A_411 = arith.constant 0 : i32
      %dma_wait3A_412 = arith.constant 0 : i32
      %dma_wait3A_413 = tpu.memref_slice %arg2[%dma_wait3A_411, %dma_wait3A_412] : memref<10000x128xf32, #tpu.memory_space<hbm>> -> memref<10000x128xf32, #tpu.memory_space<hbm>>
      %dma_wait3A_414 = tpu.memref_slice %arg14[%dma_wait3A_403] : memref<3x!tpu.dma_semaphore, #tpu.memory_space<semaphore_mem>> -> memref<1x!tpu.dma_semaphore, #tpu.memory_space<semaphore_mem>>
      %dma_wait3A_415 = tpu.memref_squeeze %dma_wait3A_414 : memref<1x!tpu.dma_semaphore, #tpu.memory_space<semaphore_mem>> -> memref<!tpu.dma_semaphore, #tpu.memory_space<semaphore_mem>>
      tpu.wait_indirect_dma semaphore(%dma_wait3A_415 : memref<!tpu.dma_semaphore, #tpu.memory_space<semaphore_mem>>) src(%dma_wait3A_413 : memref<10000x128xf32, #tpu.memory_space<hbm>>) dst(%dma_wait3A_407 : memref<80x128xf32, #tpu.memory_space<vmem>>)
      %dma_wait3A_416 = arith.constant 2 : i32
      %dma_wait3A_417 = arith.constant 2 : i32
      %dma_wait3A_418 = arith.constant 0 : i32
      %dma_wait3A_419 = tpu.memref_slice %arg8[%dma_wait3A_416, %dma_wait3A_418] : memref<3x80xi32, #tpu.memory_space<vmem>> -> memref<1x80xi32, #tpu.memory_space<vmem>>
      %dma_wait3A_420 = tpu.memref_squeeze %dma_wait3A_419 : memref<1x80xi32, #tpu.memory_space<vmem>> -> memref<80xi32, #tpu.memory_space<vmem>>
      %dma_wait3A_421 = tpu.memref_slice %arg4[%mul3A_4] : memref<320000xi32, #tpu.memory_space<hbm>> -> memref<80xi32, #tpu.memory_space<hbm>>
      %dma_wait3A_422 = tpu.memref_slice %arg12[%dma_wait3A_417] : memref<3x!tpu.dma_semaphore, #tpu.memory_space<semaphore_mem>> -> memref<1x!tpu.dma_semaphore, #tpu.memory_space<semaphore_mem>>
      %dma_wait3A_423 = tpu.memref_squeeze %dma_wait3A_422 : memref<1x!tpu.dma_semaphore, #tpu.memory_space<semaphore_mem>> -> memref<!tpu.dma_semaphore, #tpu.memory_space<semaphore_mem>>
      %dma_wait3A_424 = arith.constant 0 : i32
      %dma_wait3A_425 = tpu.memref_slice %arg8[%dma_wait3A_416, %dma_wait3A_424] : memref<3x80xi32, #tpu.memory_space<vmem>> -> memref<1x80xi32, #tpu.memory_space<vmem>>
      %dma_wait3A_426 = tpu.memref_squeeze %dma_wait3A_425 : memref<1x80xi32, #tpu.memory_space<vmem>> -> memref<80xi32, #tpu.memory_space<vmem>>
      %dma_wait3A_427 = tpu.memref_slice %arg4[%mul3A_4] : memref<320000xi32, #tpu.memory_space<hbm>> -> memref<80xi32, #tpu.memory_space<hbm>>
      tpu.wait_dma2 semaphore(%dma_wait3A_423 : memref<!tpu.dma_semaphore, #tpu.memory_space<semaphore_mem>>) src(%dma_wait3A_427 : memref<80xi32, #tpu.memory_space<hbm>>) dst(%dma_wait3A_426 : memref<80xi32, #tpu.memory_space<vmem>>)
      %dma_start3A_428 = arith.constant 2 : i32
      %dma_start3A_429 = arith.constant 2 : i32
      %dma_start3A_430 = arith.constant 2 : i32
      %dma_start3A_431 = arith.constant 0 : i32
      %dma_start3A_432 = arith.constant 0 : i32
      %dma_start3A_433 = tpu.memref_slice %arg9[%dma_start3A_428, %dma_start3A_431, %dma_start3A_432] : memref<3x80x128xf32, #tpu.memory_space<vmem>> -> memref<1x80x128xf32, #tpu.memory_space<vmem>>
      %dma_start3A_434 = tpu.memref_squeeze %dma_start3A_433 : memref<1x80x128xf32, #tpu.memory_space<vmem>> -> memref<80x128xf32, #tpu.memory_space<vmem>>
      %dma_start3A_435 = arith.constant 0 : i32
      %dma_start3A_436 = tpu.memref_slice %arg8[%dma_start3A_429, %dma_start3A_435] : memref<3x80xi32, #tpu.memory_space<vmem>> -> memref<1x80xi32, #tpu.memory_space<vmem>>
      %dma_start3A_437 = tpu.memref_squeeze %dma_start3A_436 : memref<1x80xi32, #tpu.memory_space<vmem>> -> memref<80xi32, #tpu.memory_space<vmem>>
      %dma_start3A_438 = arith.constant 0 : i32
      %dma_start3A_439 = arith.constant 0 : i32
      %dma_start3A_440 = tpu.memref_slice %arg10[%dma_start3A_438, %dma_start3A_439] : memref<10112x128xf32, #tpu.memory_space<vmem_shared>> -> memref<10112x128xf32, #tpu.memory_space<vmem_shared>>
      %dma_start3A_441 = tpu.memref_slice %arg15[%dma_start3A_430] : memref<3x!tpu.dma_semaphore, #tpu.memory_space<semaphore_mem>> -> memref<1x!tpu.dma_semaphore, #tpu.memory_space<semaphore_mem>>
      %dma_start3A_442 = tpu.memref_squeeze %dma_start3A_441 : memref<1x!tpu.dma_semaphore, #tpu.memory_space<semaphore_mem>> -> memref<!tpu.dma_semaphore, #tpu.memory_space<semaphore_mem>>
      tpu.enqueue_indirect_dma source(%dma_start3A_434 : memref<80x128xf32, #tpu.memory_space<vmem>>) target(%dma_start3A_440 : memref<10112x128xf32, #tpu.memory_space<vmem_shared>>) offsets(%dma_start3A_437 : memref<80xi32, #tpu.memory_space<vmem>>) semaphore(%dma_start3A_442 : memref<!tpu.dma_semaphore, #tpu.memory_space<semaphore_mem>>) {add = true}
      %add3A_443 = arith.constant 3 : i32
      %add3A_444 = arith.addi %add3A_393, %add3A_443 : i32
      %lt3A_445 = arith.constant 125 : i32
      %lt3A_446 = arith.cmpi slt, %add3A_444, %lt3A_445 : i32
      %convert_element_type3A_447 = arith.extui %lt3A_446 : i1 to i32
      %cond3A_448 = arith.constant 0 : i32
      %cond3A_449 = arith.cmpi ne, %convert_element_type3A_447, %cond3A_448 : i32
      scf.if %cond3A_449 {
        %add3A_450 = arith.constant 3 : i32
        %add3A_451 = arith.addi %add3A_393, %add3A_450 : i32
        %mul3A_452 = arith.constant 80 : i32
        %mul3A_453 = arith.muli %add3A_451, %mul3A_452 : i32
        %add3A_454 = arith.addi %mul3A_4, %mul3A_453 : i32
        %dma_start3A_455 = arith.constant 2 : i32
        %dma_start3A_456 = arith.constant 2 : i32
        %dma_start3A_457 = arith.constant 0 : i32
        %dma_start3A_458 = tpu.memref_slice %arg7[%dma_start3A_455, %dma_start3A_457] : memref<3x80xi32, #tpu.memory_space<vmem>> -> memref<1x80xi32, #tpu.memory_space<vmem>>
        %dma_start3A_459 = tpu.memref_squeeze %dma_start3A_458 : memref<1x80xi32, #tpu.memory_space<vmem>> -> memref<80xi32, #tpu.memory_space<vmem>>
        %dma_start3A_460 = tpu.memref_slice %arg3[%add3A_454] : memref<320000xi32, #tpu.memory_space<hbm>> -> memref<80xi32, #tpu.memory_space<hbm>>
        %dma_start3A_461 = tpu.memref_slice %arg11[%dma_start3A_456] : memref<3x!tpu.dma_semaphore, #tpu.memory_space<semaphore_mem>> -> memref<1x!tpu.dma_semaphore, #tpu.memory_space<semaphore_mem>>
        %dma_start3A_462 = tpu.memref_squeeze %dma_start3A_461 : memref<1x!tpu.dma_semaphore, #tpu.memory_space<semaphore_mem>> -> memref<!tpu.dma_semaphore, #tpu.memory_space<semaphore_mem>>
        %dma_start3A_463 = arith.constant 0 : i32
        %dma_start3A_464 = tpu.memref_slice %arg7[%dma_start3A_455, %dma_start3A_463] : memref<3x80xi32, #tpu.memory_space<vmem>> -> memref<1x80xi32, #tpu.memory_space<vmem>>
        %dma_start3A_465 = tpu.memref_squeeze %dma_start3A_464 : memref<1x80xi32, #tpu.memory_space<vmem>> -> memref<80xi32, #tpu.memory_space<vmem>>
        %dma_start3A_466 = tpu.memref_slice %arg3[%add3A_454] : memref<320000xi32, #tpu.memory_space<hbm>> -> memref<80xi32, #tpu.memory_space<hbm>>
        tpu.enqueue_dma source(%dma_start3A_466 : memref<80xi32, #tpu.memory_space<hbm>>) target(%dma_start3A_465 : memref<80xi32, #tpu.memory_space<vmem>>) target_semaphore(%dma_start3A_462 : memref<!tpu.dma_semaphore, #tpu.memory_space<semaphore_mem>>)
      } else {
      }
    }
    %scan3A_134 = arith.constant 41 : i32
    %dma_wait3A_135 = arith.constant 0 : i32
    %dma_wait3A_136 = arith.constant 0 : i32
    %dma_wait3A_137 = arith.constant 0 : i32
    %dma_wait3A_138 = arith.constant 0 : i32
    %dma_wait3A_139 = arith.constant 0 : i32
    %dma_wait3A_140 = tpu.memref_slice %arg9[%dma_wait3A_136, %dma_wait3A_138, %dma_wait3A_139] : memref<3x80x128xf32, #tpu.memory_space<vmem>> -> memref<1x80x128xf32, #tpu.memory_space<vmem>>
    %dma_wait3A_141 = tpu.memref_squeeze %dma_wait3A_140 : memref<1x80x128xf32, #tpu.memory_space<vmem>> -> memref<80x128xf32, #tpu.memory_space<vmem>>
    %dma_wait3A_142 = arith.constant 0 : i32
    %dma_wait3A_143 = tpu.memref_slice %arg7[%dma_wait3A_135, %dma_wait3A_142] : memref<3x80xi32, #tpu.memory_space<vmem>> -> memref<1x80xi32, #tpu.memory_space<vmem>>
    %dma_wait3A_144 = tpu.memref_squeeze %dma_wait3A_143 : memref<1x80xi32, #tpu.memory_space<vmem>> -> memref<80xi32, #tpu.memory_space<vmem>>
    %dma_wait3A_145 = arith.constant 0 : i32
    %dma_wait3A_146 = arith.constant 0 : i32
    %dma_wait3A_147 = tpu.memref_slice %arg2[%dma_wait3A_145, %dma_wait3A_146] : memref<10000x128xf32, #tpu.memory_space<hbm>> -> memref<10000x128xf32, #tpu.memory_space<hbm>>
    %dma_wait3A_148 = tpu.memref_slice %arg14[%dma_wait3A_137] : memref<3x!tpu.dma_semaphore, #tpu.memory_space<semaphore_mem>> -> memref<1x!tpu.dma_semaphore, #tpu.memory_space<semaphore_mem>>
    %dma_wait3A_149 = tpu.memref_squeeze %dma_wait3A_148 : memref<1x!tpu.dma_semaphore, #tpu.memory_space<semaphore_mem>> -> memref<!tpu.dma_semaphore, #tpu.memory_space<semaphore_mem>>
    tpu.wait_indirect_dma semaphore(%dma_wait3A_149 : memref<!tpu.dma_semaphore, #tpu.memory_space<semaphore_mem>>) src(%dma_wait3A_147 : memref<10000x128xf32, #tpu.memory_space<hbm>>) dst(%dma_wait3A_141 : memref<80x128xf32, #tpu.memory_space<vmem>>)
    %dma_wait3A_150 = arith.constant 0 : i32
    %dma_wait3A_151 = arith.constant 0 : i32
    %dma_wait3A_152 = arith.constant 0 : i32
    %dma_wait3A_153 = tpu.memref_slice %arg8[%dma_wait3A_150, %dma_wait3A_152] : memref<3x80xi32, #tpu.memory_space<vmem>> -> memref<1x80xi32, #tpu.memory_space<vmem>>
    %dma_wait3A_154 = tpu.memref_squeeze %dma_wait3A_153 : memref<1x80xi32, #tpu.memory_space<vmem>> -> memref<80xi32, #tpu.memory_space<vmem>>
    %dma_wait3A_155 = tpu.memref_slice %arg4[%mul3A_4] : memref<320000xi32, #tpu.memory_space<hbm>> -> memref<80xi32, #tpu.memory_space<hbm>>
    %dma_wait3A_156 = tpu.memref_slice %arg12[%dma_wait3A_151] : memref<3x!tpu.dma_semaphore, #tpu.memory_space<semaphore_mem>> -> memref<1x!tpu.dma_semaphore, #tpu.memory_space<semaphore_mem>>
    %dma_wait3A_157 = tpu.memref_squeeze %dma_wait3A_156 : memref<1x!tpu.dma_semaphore, #tpu.memory_space<semaphore_mem>> -> memref<!tpu.dma_semaphore, #tpu.memory_space<semaphore_mem>>
    %dma_wait3A_158 = arith.constant 0 : i32
    %dma_wait3A_159 = tpu.memref_slice %arg8[%dma_wait3A_150, %dma_wait3A_158] : memref<3x80xi32, #tpu.memory_space<vmem>> -> memref<1x80xi32, #tpu.memory_space<vmem>>
    %dma_wait3A_160 = tpu.memref_squeeze %dma_wait3A_159 : memref<1x80xi32, #tpu.memory_space<vmem>> -> memref<80xi32, #tpu.memory_space<vmem>>
    %dma_wait3A_161 = tpu.memref_slice %arg4[%mul3A_4] : memref<320000xi32, #tpu.memory_space<hbm>> -> memref<80xi32, #tpu.memory_space<hbm>>
    tpu.wait_dma2 semaphore(%dma_wait3A_157 : memref<!tpu.dma_semaphore, #tpu.memory_space<semaphore_mem>>) src(%dma_wait3A_161 : memref<80xi32, #tpu.memory_space<hbm>>) dst(%dma_wait3A_160 : memref<80xi32, #tpu.memory_space<vmem>>)
    %dma_start3A_162 = arith.constant 0 : i32
    %dma_start3A_163 = arith.constant 0 : i32
    %dma_start3A_164 = arith.constant 0 : i32
    %dma_start3A_165 = arith.constant 0 : i32
    %dma_start3A_166 = arith.constant 0 : i32
    %dma_start3A_167 = tpu.memref_slice %arg9[%dma_start3A_162, %dma_start3A_165, %dma_start3A_166] : memref<3x80x128xf32, #tpu.memory_space<vmem>> -> memref<1x80x128xf32, #tpu.memory_space<vmem>>
    %dma_start3A_168 = tpu.memref_squeeze %dma_start3A_167 : memref<1x80x128xf32, #tpu.memory_space<vmem>> -> memref<80x128xf32, #tpu.memory_space<vmem>>
    %dma_start3A_169 = arith.constant 0 : i32
    %dma_start3A_170 = tpu.memref_slice %arg8[%dma_start3A_163, %dma_start3A_169] : memref<3x80xi32, #tpu.memory_space<vmem>> -> memref<1x80xi32, #tpu.memory_space<vmem>>
    %dma_start3A_171 = tpu.memref_squeeze %dma_start3A_170 : memref<1x80xi32, #tpu.memory_space<vmem>> -> memref<80xi32, #tpu.memory_space<vmem>>
    %dma_start3A_172 = arith.constant 0 : i32
    %dma_start3A_173 = arith.constant 0 : i32
    %dma_start3A_174 = tpu.memref_slice %arg10[%dma_start3A_172, %dma_start3A_173] : memref<10112x128xf32, #tpu.memory_space<vmem_shared>> -> memref<10112x128xf32, #tpu.memory_space<vmem_shared>>
    %dma_start3A_175 = tpu.memref_slice %arg15[%dma_start3A_164] : memref<3x!tpu.dma_semaphore, #tpu.memory_space<semaphore_mem>> -> memref<1x!tpu.dma_semaphore, #tpu.memory_space<semaphore_mem>>
    %dma_start3A_176 = tpu.memref_squeeze %dma_start3A_175 : memref<1x!tpu.dma_semaphore, #tpu.memory_space<semaphore_mem>> -> memref<!tpu.dma_semaphore, #tpu.memory_space<semaphore_mem>>
    tpu.enqueue_indirect_dma source(%dma_start3A_168 : memref<80x128xf32, #tpu.memory_space<vmem>>) target(%dma_start3A_174 : memref<10112x128xf32, #tpu.memory_space<vmem_shared>>) offsets(%dma_start3A_171 : memref<80xi32, #tpu.memory_space<vmem>>) semaphore(%dma_start3A_176 : memref<!tpu.dma_semaphore, #tpu.memory_space<semaphore_mem>>) {add = true}
    %dma_wait3A_177 = arith.constant 1 : i32
    %dma_wait3A_178 = arith.constant 1 : i32
    %dma_wait3A_179 = arith.constant 1 : i32
    %dma_wait3A_180 = arith.constant 0 : i32
    %dma_wait3A_181 = arith.constant 0 : i32
    %dma_wait3A_182 = tpu.memref_slice %arg9[%dma_wait3A_178, %dma_wait3A_180, %dma_wait3A_181] : memref<3x80x128xf32, #tpu.memory_space<vmem>> -> memref<1x80x128xf32, #tpu.memory_space<vmem>>
    %dma_wait3A_183 = tpu.memref_squeeze %dma_wait3A_182 : memref<1x80x128xf32, #tpu.memory_space<vmem>> -> memref<80x128xf32, #tpu.memory_space<vmem>>
    %dma_wait3A_184 = arith.constant 0 : i32
    %dma_wait3A_185 = tpu.memref_slice %arg7[%dma_wait3A_177, %dma_wait3A_184] : memref<3x80xi32, #tpu.memory_space<vmem>> -> memref<1x80xi32, #tpu.memory_space<vmem>>
    %dma_wait3A_186 = tpu.memref_squeeze %dma_wait3A_185 : memref<1x80xi32, #tpu.memory_space<vmem>> -> memref<80xi32, #tpu.memory_space<vmem>>
    %dma_wait3A_187 = arith.constant 0 : i32
    %dma_wait3A_188 = arith.constant 0 : i32
    %dma_wait3A_189 = tpu.memref_slice %arg2[%dma_wait3A_187, %dma_wait3A_188] : memref<10000x128xf32, #tpu.memory_space<hbm>> -> memref<10000x128xf32, #tpu.memory_space<hbm>>
    %dma_wait3A_190 = tpu.memref_slice %arg14[%dma_wait3A_179] : memref<3x!tpu.dma_semaphore, #tpu.memory_space<semaphore_mem>> -> memref<1x!tpu.dma_semaphore, #tpu.memory_space<semaphore_mem>>
    %dma_wait3A_191 = tpu.memref_squeeze %dma_wait3A_190 : memref<1x!tpu.dma_semaphore, #tpu.memory_space<semaphore_mem>> -> memref<!tpu.dma_semaphore, #tpu.memory_space<semaphore_mem>>
    tpu.wait_indirect_dma semaphore(%dma_wait3A_191 : memref<!tpu.dma_semaphore, #tpu.memory_space<semaphore_mem>>) src(%dma_wait3A_189 : memref<10000x128xf32, #tpu.memory_space<hbm>>) dst(%dma_wait3A_183 : memref<80x128xf32, #tpu.memory_space<vmem>>)
    %dma_wait3A_192 = arith.constant 1 : i32
    %dma_wait3A_193 = arith.constant 1 : i32
    %dma_wait3A_194 = arith.constant 0 : i32
    %dma_wait3A_195 = tpu.memref_slice %arg8[%dma_wait3A_192, %dma_wait3A_194] : memref<3x80xi32, #tpu.memory_space<vmem>> -> memref<1x80xi32, #tpu.memory_space<vmem>>
    %dma_wait3A_196 = tpu.memref_squeeze %dma_wait3A_195 : memref<1x80xi32, #tpu.memory_space<vmem>> -> memref<80xi32, #tpu.memory_space<vmem>>
    %dma_wait3A_197 = tpu.memref_slice %arg4[%mul3A_4] : memref<320000xi32, #tpu.memory_space<hbm>> -> memref<80xi32, #tpu.memory_space<hbm>>
    %dma_wait3A_198 = tpu.memref_slice %arg12[%dma_wait3A_193] : memref<3x!tpu.dma_semaphore, #tpu.memory_space<semaphore_mem>> -> memref<1x!tpu.dma_semaphore, #tpu.memory_space<semaphore_mem>>
    %dma_wait3A_199 = tpu.memref_squeeze %dma_wait3A_198 : memref<1x!tpu.dma_semaphore, #tpu.memory_space<semaphore_mem>> -> memref<!tpu.dma_semaphore, #tpu.memory_space<semaphore_mem>>
    %dma_wait3A_200 = arith.constant 0 : i32
    %dma_wait3A_201 = tpu.memref_slice %arg8[%dma_wait3A_192, %dma_wait3A_200] : memref<3x80xi32, #tpu.memory_space<vmem>> -> memref<1x80xi32, #tpu.memory_space<vmem>>
    %dma_wait3A_202 = tpu.memref_squeeze %dma_wait3A_201 : memref<1x80xi32, #tpu.memory_space<vmem>> -> memref<80xi32, #tpu.memory_space<vmem>>
    %dma_wait3A_203 = tpu.memref_slice %arg4[%mul3A_4] : memref<320000xi32, #tpu.memory_space<hbm>> -> memref<80xi32, #tpu.memory_space<hbm>>
    tpu.wait_dma2 semaphore(%dma_wait3A_199 : memref<!tpu.dma_semaphore, #tpu.memory_space<semaphore_mem>>) src(%dma_wait3A_203 : memref<80xi32, #tpu.memory_space<hbm>>) dst(%dma_wait3A_202 : memref<80xi32, #tpu.memory_space<vmem>>)
    %dma_start3A_204 = arith.constant 1 : i32
    %dma_start3A_205 = arith.constant 1 : i32
    %dma_start3A_206 = arith.constant 1 : i32
    %dma_start3A_207 = arith.constant 0 : i32
    %dma_start3A_208 = arith.constant 0 : i32
    %dma_start3A_209 = tpu.memref_slice %arg9[%dma_start3A_204, %dma_start3A_207, %dma_start3A_208] : memref<3x80x128xf32, #tpu.memory_space<vmem>> -> memref<1x80x128xf32, #tpu.memory_space<vmem>>
    %dma_start3A_210 = tpu.memref_squeeze %dma_start3A_209 : memref<1x80x128xf32, #tpu.memory_space<vmem>> -> memref<80x128xf32, #tpu.memory_space<vmem>>
    %dma_start3A_211 = arith.constant 0 : i32
    %dma_start3A_212 = tpu.memref_slice %arg8[%dma_start3A_205, %dma_start3A_211] : memref<3x80xi32, #tpu.memory_space<vmem>> -> memref<1x80xi32, #tpu.memory_space<vmem>>
    %dma_start3A_213 = tpu.memref_squeeze %dma_start3A_212 : memref<1x80xi32, #tpu.memory_space<vmem>> -> memref<80xi32, #tpu.memory_space<vmem>>
    %dma_start3A_214 = arith.constant 0 : i32
    %dma_start3A_215 = arith.constant 0 : i32
    %dma_start3A_216 = tpu.memref_slice %arg10[%dma_start3A_214, %dma_start3A_215] : memref<10112x128xf32, #tpu.memory_space<vmem_shared>> -> memref<10112x128xf32, #tpu.memory_space<vmem_shared>>
    %dma_start3A_217 = tpu.memref_slice %arg15[%dma_start3A_206] : memref<3x!tpu.dma_semaphore, #tpu.memory_space<semaphore_mem>> -> memref<1x!tpu.dma_semaphore, #tpu.memory_space<semaphore_mem>>
    %dma_start3A_218 = tpu.memref_squeeze %dma_start3A_217 : memref<1x!tpu.dma_semaphore, #tpu.memory_space<semaphore_mem>> -> memref<!tpu.dma_semaphore, #tpu.memory_space<semaphore_mem>>
    tpu.enqueue_indirect_dma source(%dma_start3A_210 : memref<80x128xf32, #tpu.memory_space<vmem>>) target(%dma_start3A_216 : memref<10112x128xf32, #tpu.memory_space<vmem_shared>>) offsets(%dma_start3A_213 : memref<80xi32, #tpu.memory_space<vmem>>) semaphore(%dma_start3A_218 : memref<!tpu.dma_semaphore, #tpu.memory_space<semaphore_mem>>) {add = true}
    %dma_wait3A_219 = arith.constant 0 : i32
    %dma_wait3A_220 = arith.constant 0 : i32
    %dma_wait3A_221 = arith.constant 0 : i32
    %dma_wait3A_222 = arith.constant 0 : i32
    %dma_wait3A_223 = arith.constant 0 : i32
    %dma_wait3A_224 = tpu.memref_slice %arg9[%dma_wait3A_219, %dma_wait3A_222, %dma_wait3A_223] : memref<3x80x128xf32, #tpu.memory_space<vmem>> -> memref<1x80x128xf32, #tpu.memory_space<vmem>>
    %dma_wait3A_225 = tpu.memref_squeeze %dma_wait3A_224 : memref<1x80x128xf32, #tpu.memory_space<vmem>> -> memref<80x128xf32, #tpu.memory_space<vmem>>
    %dma_wait3A_226 = arith.constant 0 : i32
    %dma_wait3A_227 = tpu.memref_slice %arg8[%dma_wait3A_220, %dma_wait3A_226] : memref<3x80xi32, #tpu.memory_space<vmem>> -> memref<1x80xi32, #tpu.memory_space<vmem>>
    %dma_wait3A_228 = tpu.memref_squeeze %dma_wait3A_227 : memref<1x80xi32, #tpu.memory_space<vmem>> -> memref<80xi32, #tpu.memory_space<vmem>>
    %dma_wait3A_229 = arith.constant 0 : i32
    %dma_wait3A_230 = arith.constant 0 : i32
    %dma_wait3A_231 = tpu.memref_slice %arg10[%dma_wait3A_229, %dma_wait3A_230] : memref<10112x128xf32, #tpu.memory_space<vmem_shared>> -> memref<10112x128xf32, #tpu.memory_space<vmem_shared>>
    %dma_wait3A_232 = tpu.memref_slice %arg15[%dma_wait3A_221] : memref<3x!tpu.dma_semaphore, #tpu.memory_space<semaphore_mem>> -> memref<1x!tpu.dma_semaphore, #tpu.memory_space<semaphore_mem>>
    %dma_wait3A_233 = tpu.memref_squeeze %dma_wait3A_232 : memref<1x!tpu.dma_semaphore, #tpu.memory_space<semaphore_mem>> -> memref<!tpu.dma_semaphore, #tpu.memory_space<semaphore_mem>>
    tpu.wait_indirect_dma semaphore(%dma_wait3A_233 : memref<!tpu.dma_semaphore, #tpu.memory_space<semaphore_mem>>) src(%dma_wait3A_225 : memref<80x128xf32, #tpu.memory_space<vmem>>) dst(%dma_wait3A_231 : memref<10112x128xf32, #tpu.memory_space<vmem_shared>>)
    %dma_wait3A_234 = arith.constant 1 : i32
    %dma_wait3A_235 = arith.constant 0 : i32
    %dma_wait3A_236 = arith.constant 1 : i32
    %dma_wait3A_237 = arith.constant 0 : i32
    %dma_wait3A_238 = arith.constant 0 : i32
    %dma_wait3A_239 = tpu.memref_slice %arg9[%dma_wait3A_234, %dma_wait3A_237, %dma_wait3A_238] : memref<3x80x128xf32, #tpu.memory_space<vmem>> -> memref<1x80x128xf32, #tpu.memory_space<vmem>>
    %dma_wait3A_240 = tpu.memref_squeeze %dma_wait3A_239 : memref<1x80x128xf32, #tpu.memory_space<vmem>> -> memref<80x128xf32, #tpu.memory_space<vmem>>
    %dma_wait3A_241 = arith.constant 0 : i32
    %dma_wait3A_242 = tpu.memref_slice %arg8[%dma_wait3A_235, %dma_wait3A_241] : memref<3x80xi32, #tpu.memory_space<vmem>> -> memref<1x80xi32, #tpu.memory_space<vmem>>
    %dma_wait3A_243 = tpu.memref_squeeze %dma_wait3A_242 : memref<1x80xi32, #tpu.memory_space<vmem>> -> memref<80xi32, #tpu.memory_space<vmem>>
    %dma_wait3A_244 = arith.constant 0 : i32
    %dma_wait3A_245 = arith.constant 0 : i32
    %dma_wait3A_246 = tpu.memref_slice %arg10[%dma_wait3A_244, %dma_wait3A_245] : memref<10112x128xf32, #tpu.memory_space<vmem_shared>> -> memref<10112x128xf32, #tpu.memory_space<vmem_shared>>
    %dma_wait3A_247 = tpu.memref_slice %arg15[%dma_wait3A_236] : memref<3x!tpu.dma_semaphore, #tpu.memory_space<semaphore_mem>> -> memref<1x!tpu.dma_semaphore, #tpu.memory_space<semaphore_mem>>
    %dma_wait3A_248 = tpu.memref_squeeze %dma_wait3A_247 : memref<1x!tpu.dma_semaphore, #tpu.memory_space<semaphore_mem>> -> memref<!tpu.dma_semaphore, #tpu.memory_space<semaphore_mem>>
    tpu.wait_indirect_dma semaphore(%dma_wait3A_248 : memref<!tpu.dma_semaphore, #tpu.memory_space<semaphore_mem>>) src(%dma_wait3A_240 : memref<80x128xf32, #tpu.memory_space<vmem>>) dst(%dma_wait3A_246 : memref<10112x128xf32, #tpu.memory_space<vmem_shared>>)
    %dma_wait3A_249 = arith.constant 2 : i32
    %dma_wait3A_250 = arith.constant 0 : i32
    %dma_wait3A_251 = arith.constant 2 : i32
    %dma_wait3A_252 = arith.constant 0 : i32
    %dma_wait3A_253 = arith.constant 0 : i32
    %dma_wait3A_254 = tpu.memref_slice %arg9[%dma_wait3A_249, %dma_wait3A_252, %dma_wait3A_253] : memref<3x80x128xf32, #tpu.memory_space<vmem>> -> memref<1x80x128xf32, #tpu.memory_space<vmem>>
    %dma_wait3A_255 = tpu.memref_squeeze %dma_wait3A_254 : memref<1x80x128xf32, #tpu.memory_space<vmem>> -> memref<80x128xf32, #tpu.memory_space<vmem>>
    %dma_wait3A_256 = arith.constant 0 : i32
    %dma_wait3A_257 = tpu.memref_slice %arg8[%dma_wait3A_250, %dma_wait3A_256] : memref<3x80xi32, #tpu.memory_space<vmem>> -> memref<1x80xi32, #tpu.memory_space<vmem>>
    %dma_wait3A_258 = tpu.memref_squeeze %dma_wait3A_257 : memref<1x80xi32, #tpu.memory_space<vmem>> -> memref<80xi32, #tpu.memory_space<vmem>>
    %dma_wait3A_259 = arith.constant 0 : i32
    %dma_wait3A_260 = arith.constant 0 : i32
    %dma_wait3A_261 = tpu.memref_slice %arg10[%dma_wait3A_259, %dma_wait3A_260] : memref<10112x128xf32, #tpu.memory_space<vmem_shared>> -> memref<10112x128xf32, #tpu.memory_space<vmem_shared>>
    %dma_wait3A_262 = tpu.memref_slice %arg15[%dma_wait3A_251] : memref<3x!tpu.dma_semaphore, #tpu.memory_space<semaphore_mem>> -> memref<1x!tpu.dma_semaphore, #tpu.memory_space<semaphore_mem>>
    %dma_wait3A_263 = tpu.memref_squeeze %dma_wait3A_262 : memref<1x!tpu.dma_semaphore, #tpu.memory_space<semaphore_mem>> -> memref<!tpu.dma_semaphore, #tpu.memory_space<semaphore_mem>>
    tpu.wait_indirect_dma semaphore(%dma_wait3A_263 : memref<!tpu.dma_semaphore, #tpu.memory_space<semaphore_mem>>) src(%dma_wait3A_255 : memref<80x128xf32, #tpu.memory_space<vmem>>) dst(%dma_wait3A_261 : memref<10112x128xf32, #tpu.memory_space<vmem_shared>>)
    %barrier3A_264 = arith.constant 0 : index
    tpu.barrier barrier_id(%barrier3A_264)
    %lt3A = arith.constant 15 : i32
    %lt3A_265 = arith.cmpi slt, %arg1, %lt3A : i32
    %convert_element_type3A = arith.extui %lt3A_265 : i1 to i32
    %cond3A = arith.constant 0 : i32
    %cond3A_266 = arith.cmpi ne, %convert_element_type3A, %cond3A : i32
    scf.if %cond3A_266 {
      "tpu.region"() ({
        %run_scoped3A = tpu.sem_alloc : memref<!tpu.dma_semaphore, #tpu.memory_space<semaphore_mem>>
        %dma_start3A_271 = arith.constant 0 : i32
        %dma_start3A_272 = arith.constant 0 : i32
        %dma_start3A_273 = tpu.memref_slice %arg6[%arg0, %dma_start3A_271, %dma_start3A_272] : memref<2x10000x128xf32, #tpu.memory_space<hbm>> -> memref<1x10000x128xf32, #tpu.memory_space<hbm>>
        %dma_start3A_274 = tpu.memref_squeeze %dma_start3A_273 : memref<1x10000x128xf32, #tpu.memory_space<hbm>> -> memref<10000x128xf32, #tpu.memory_space<hbm>>
        %dma_start3A_275 = arith.constant 0 : i32
        %dma_start3A_276 = tpu.memref_slice %dma_start3A_274[%mul3A_2, %dma_start3A_275] : memref<10000x128xf32, #tpu.memory_space<hbm>> -> memref<632x128xf32, #tpu.memory_space<hbm>>
        %dma_start3A_277 = arith.constant 0 : i32
        %dma_start3A_278 = tpu.memref_slice %arg10[%mul3A_2, %dma_start3A_277] : memref<10112x128xf32, #tpu.memory_space<vmem_shared>> -> memref<632x128xf32, #tpu.memory_space<vmem_shared>>
        tpu.enqueue_dma source(%dma_start3A_278 : memref<632x128xf32, #tpu.memory_space<vmem_shared>>) target(%dma_start3A_276 : memref<632x128xf32, #tpu.memory_space<hbm>>) target_semaphore(%run_scoped3A : memref<!tpu.dma_semaphore, #tpu.memory_space<semaphore_mem>>)
        %dma_wait3A_279 = arith.constant 0 : i32
        %dma_wait3A_280 = arith.constant 0 : i32
        %dma_wait3A_281 = tpu.memref_slice %arg6[%arg0, %dma_wait3A_279, %dma_wait3A_280] : memref<2x10000x128xf32, #tpu.memory_space<hbm>> -> memref<1x10000x128xf32, #tpu.memory_space<hbm>>
        %dma_wait3A_282 = tpu.memref_squeeze %dma_wait3A_281 : memref<1x10000x128xf32, #tpu.memory_space<hbm>> -> memref<10000x128xf32, #tpu.memory_space<hbm>>
        %dma_wait3A_283 = arith.constant 0 : i32
        %dma_wait3A_284 = tpu.memref_slice %dma_wait3A_282[%mul3A_2, %dma_wait3A_283] : memref<10000x128xf32, #tpu.memory_space<hbm>> -> memref<632x128xf32, #tpu.memory_space<hbm>>
        %dma_wait3A_285 = arith.constant 0 : i32
        %dma_wait3A_286 = tpu.memref_slice %arg10[%mul3A_2, %dma_wait3A_285] : memref<10112x128xf32, #tpu.memory_space<vmem_shared>> -> memref<632x128xf32, #tpu.memory_space<vmem_shared>>
        tpu.wait_dma2 semaphore(%run_scoped3A : memref<!tpu.dma_semaphore, #tpu.memory_space<semaphore_mem>>) src(%dma_wait3A_286 : memref<632x128xf32, #tpu.memory_space<vmem_shared>>) dst(%dma_wait3A_284 : memref<632x128xf32, #tpu.memory_space<hbm>>)
        tpu.yield
      }) : () -> ()
    } else {
    }
    %eq3A = arith.constant 15 : i32
    %eq3A_267 = arith.cmpi eq, %arg1, %eq3A : i32
    %convert_element_type3A_268 = arith.extui %eq3A_267 : i1 to i32
    %cond3A_269 = arith.constant 0 : i32
    %cond3A_270 = arith.cmpi ne, %convert_element_type3A_268, %cond3A_269 : i32
    scf.if %cond3A_270 {
      "tpu.region"() ({
        %run_scoped3A = tpu.sem_alloc : memref<!tpu.dma_semaphore, #tpu.memory_space<semaphore_mem>>
        %dma_start3A_271 = arith.constant 0 : i32
        %dma_start3A_272 = arith.constant 0 : i32
        %dma_start3A_273 = tpu.memref_slice %arg6[%arg0, %dma_start3A_271, %dma_start3A_272] : memref<2x10000x128xf32, #tpu.memory_space<hbm>> -> memref<1x10000x128xf32, #tpu.memory_space<hbm>>
        %dma_start3A_274 = tpu.memref_squeeze %dma_start3A_273 : memref<1x10000x128xf32, #tpu.memory_space<hbm>> -> memref<10000x128xf32, #tpu.memory_space<hbm>>
        %dma_start3A_275 = arith.constant 9480 : i32
        %dma_start3A_276 = arith.constant 0 : i32
        %dma_start3A_277 = tpu.memref_slice %dma_start3A_274[%dma_start3A_275, %dma_start3A_276] : memref<10000x128xf32, #tpu.memory_space<hbm>> -> memref<520x128xf32, #tpu.memory_space<hbm>>
        %dma_start3A_278 = arith.constant 9480 : i32
        %dma_start3A_279 = arith.constant 0 : i32
        %dma_start3A_280 = tpu.memref_slice %arg10[%dma_start3A_278, %dma_start3A_279] : memref<10112x128xf32, #tpu.memory_space<vmem_shared>> -> memref<520x128xf32, #tpu.memory_space<vmem_shared>>
        tpu.enqueue_dma source(%dma_start3A_280 : memref<520x128xf32, #tpu.memory_space<vmem_shared>>) target(%dma_start3A_277 : memref<520x128xf32, #tpu.memory_space<hbm>>) target_semaphore(%run_scoped3A : memref<!tpu.dma_semaphore, #tpu.memory_space<semaphore_mem>>)
        %dma_wait3A_281 = arith.constant 0 : i32
        %dma_wait3A_282 = arith.constant 0 : i32
        %dma_wait3A_283 = tpu.memref_slice %arg6[%arg0, %dma_wait3A_281, %dma_wait3A_282] : memref<2x10000x128xf32, #tpu.memory_space<hbm>> -> memref<1x10000x128xf32, #tpu.memory_space<hbm>>
        %dma_wait3A_284 = tpu.memref_squeeze %dma_wait3A_283 : memref<1x10000x128xf32, #tpu.memory_space<hbm>> -> memref<10000x128xf32, #tpu.memory_space<hbm>>
        %dma_wait3A_285 = arith.constant 9480 : i32
        %dma_wait3A_286 = arith.constant 0 : i32
        %dma_wait3A_287 = tpu.memref_slice %dma_wait3A_284[%dma_wait3A_285, %dma_wait3A_286] : memref<10000x128xf32, #tpu.memory_space<hbm>> -> memref<520x128xf32, #tpu.memory_space<hbm>>
        %dma_wait3A_288 = arith.constant 9480 : i32
        %dma_wait3A_289 = arith.constant 0 : i32
        %dma_wait3A_290 = tpu.memref_slice %arg10[%dma_wait3A_288, %dma_wait3A_289] : memref<10112x128xf32, #tpu.memory_space<vmem_shared>> -> memref<520x128xf32, #tpu.memory_space<vmem_shared>>
        tpu.wait_dma2 semaphore(%run_scoped3A : memref<!tpu.dma_semaphore, #tpu.memory_space<semaphore_mem>>) src(%dma_wait3A_290 : memref<520x128xf32, #tpu.memory_space<vmem_shared>>) dst(%dma_wait3A_287 : memref<520x128xf32, #tpu.memory_space<hbm>>)
        tpu.yield
      }) : () -> ()
    } else {
    }
    return
  }
}

#map = affine_map<(d0, d1) -> (0, 0)>
#map1 = affine_map<(d0, d1) -> (0)>
#map2 = affine_map<(d0, d1) -> (0, 0, 0)>
module attributes {stable_mosaic.version = 14 : i64} {
  func.func @k(%arg0: i32, %arg1: i32, %arg2: memref<10000x128xf32, #tpu.memory_space<hbm>>, %arg3: memref<320000xi32, #tpu.memory_space<hbm>>, %arg4: memref<320000xi32, #tpu.memory_space<hbm>>, %arg5: memref<632x128xf32, #tpu.memory_space<hbm>>, %arg6: memref<2x10000x128xf32, #tpu.memory_space<hbm>>, %arg7: memref<3x80xi32, #tpu.memory_space<vmem>>, %arg8: memref<3x80xi32, #tpu.memory_space<vmem>>, %arg9: memref<3x80x128xf32, #tpu.memory_space<vmem>>, %arg10: memref<10112x128xf32, #tpu.memory_space<vmem_shared>>, %arg11: memref<3x!tpu.dma_semaphore, #tpu.memory_space<semaphore_mem>>, %arg12: memref<3x!tpu.dma_semaphore, #tpu.memory_space<semaphore_mem>>, %arg13: memref<!tpu.dma_semaphore, #tpu.memory_space<semaphore_mem>>, %arg14: memref<3x!tpu.dma_semaphore, #tpu.memory_space<semaphore_mem>>, %arg15: memref<3x!tpu.dma_semaphore, #tpu.memory_space<semaphore_mem>>) attributes {dimension_semantics = [#tpu.dimension_semantics<core_parallel>, #tpu.dimension_semantics<subcore_parallel>], iteration_bounds = array<i64: 2, 16>, scalar_prefetch = 0 : i64, scratch_operands = 9 : i64, tpu.core_type = #tpu.core_type<sc_vector_subcore>, window_params = [{transform_indices = #map}, {transform_indices = #map1}, {transform_indices = #map1}, {transform_indices = #map}, {transform_indices = #map2}]} {
    %mul3A = arith.constant 2 : i32
    %mul3A_0 = arith.muli %arg1, %mul3A : i32
    %add3A = arith.addi %mul3A_0, %arg0 : i32
    %mul3A_1 = arith.constant 632 : i32
    %mul3A_2 = arith.muli %arg1, %mul3A_1 : i32
    %mul3A_3 = arith.constant 10000 : i32
    %mul3A_4 = arith.muli %add3A, %mul3A_3 : i32
    %add3A_5 = arith.constant 0 : i32
    %add3A_6 = arith.addi %mul3A_4, %add3A_5 : i32
    %dma_start3A = arith.constant 0 : i32
    %dma_start3A_7 = arith.constant 0 : i32
    %dma_start3A_8 = arith.constant 0 : i32
    %dma_start3A_9 = tpu.memref_slice %arg7[%dma_start3A, %dma_start3A_8] : memref<3x80xi32, #tpu.memory_space<vmem>> -> memref<1x80xi32, #tpu.memory_space<vmem>>
    %dma_start3A_10 = tpu.memref_squeeze %dma_start3A_9 : memref<1x80xi32, #tpu.memory_space<vmem>> -> memref<80xi32, #tpu.memory_space<vmem>>
    %dma_start3A_11 = tpu.memref_slice %arg3[%add3A_6] : memref<320000xi32, #tpu.memory_space<hbm>> -> memref<80xi32, #tpu.memory_space<hbm>>
    %dma_start3A_12 = tpu.memref_slice %arg11[%dma_start3A_7] : memref<3x!tpu.dma_semaphore, #tpu.memory_space<semaphore_mem>> -> memref<1x!tpu.dma_semaphore, #tpu.memory_space<semaphore_mem>>
    %dma_start3A_13 = tpu.memref_squeeze %dma_start3A_12 : memref<1x!tpu.dma_semaphore, #tpu.memory_space<semaphore_mem>> -> memref<!tpu.dma_semaphore, #tpu.memory_space<semaphore_mem>>
    %dma_start3A_14 = arith.constant 0 : i32
    %dma_start3A_15 = tpu.memref_slice %arg7[%dma_start3A, %dma_start3A_14] : memref<3x80xi32, #tpu.memory_space<vmem>> -> memref<1x80xi32, #tpu.memory_space<vmem>>
    %dma_start3A_16 = tpu.memref_squeeze %dma_start3A_15 : memref<1x80xi32, #tpu.memory_space<vmem>> -> memref<80xi32, #tpu.memory_space<vmem>>
    %dma_start3A_17 = tpu.memref_slice %arg3[%add3A_6] : memref<320000xi32, #tpu.memory_space<hbm>> -> memref<80xi32, #tpu.memory_space<hbm>>
    tpu.enqueue_dma source(%dma_start3A_17 : memref<80xi32, #tpu.memory_space<hbm>>) target(%dma_start3A_16 : memref<80xi32, #tpu.memory_space<vmem>>) target_semaphore(%dma_start3A_13 : memref<!tpu.dma_semaphore, #tpu.memory_space<semaphore_mem>>)
    %add3A_18 = arith.constant 80 : i32
    %add3A_19 = arith.addi %mul3A_4, %add3A_18 : i32
    %dma_start3A_20 = arith.constant 1 : i32
    %dma_start3A_21 = arith.constant 1 : i32
    %dma_start3A_22 = arith.constant 0 : i32
    %dma_start3A_23 = tpu.memref_slice %arg7[%dma_start3A_20, %dma_start3A_22] : memref<3x80xi32, #tpu.memory_space<vmem>> -> memref<1x80xi32, #tpu.memory_space<vmem>>
    %dma_start3A_24 = tpu.memref_squeeze %dma_start3A_23 : memref<1x80xi32, #tpu.memory_space<vmem>> -> memref<80xi32, #tpu.memory_space<vmem>>
    %dma_start3A_25 = tpu.memref_slice %arg3[%add3A_19] : memref<320000xi32, #tpu.memory_space<hbm>> -> memref<80xi32, #tpu.memory_space<hbm>>
    %dma_start3A_26 = tpu.memref_slice %arg11[%dma_start3A_21] : memref<3x!tpu.dma_semaphore, #tpu.memory_space<semaphore_mem>> -> memref<1x!tpu.dma_semaphore, #tpu.memory_space<semaphore_mem>>
    %dma_start3A_27 = tpu.memref_squeeze %dma_start3A_26 : memref<1x!tpu.dma_semaphore, #tpu.memory_space<semaphore_mem>> -> memref<!tpu.dma_semaphore, #tpu.memory_space<semaphore_mem>>
    %dma_start3A_28 = arith.constant 0 : i32
    %dma_start3A_29 = tpu.memref_slice %arg7[%dma_start3A_20, %dma_start3A_28] : memref<3x80xi32, #tpu.memory_space<vmem>> -> memref<1x80xi32, #tpu.memory_space<vmem>>
    %dma_start3A_30 = tpu.memref_squeeze %dma_start3A_29 : memref<1x80xi32, #tpu.memory_space<vmem>> -> memref<80xi32, #tpu.memory_space<vmem>>
    %dma_start3A_31 = tpu.memref_slice %arg3[%add3A_19] : memref<320000xi32, #tpu.memory_space<hbm>> -> memref<80xi32, #tpu.memory_space<hbm>>
    tpu.enqueue_dma source(%dma_start3A_31 : memref<80xi32, #tpu.memory_space<hbm>>) target(%dma_start3A_30 : memref<80xi32, #tpu.memory_space<vmem>>) target_semaphore(%dma_start3A_27 : memref<!tpu.dma_semaphore, #tpu.memory_space<semaphore_mem>>)
    %add3A_32 = arith.constant 160 : i32
    %add3A_33 = arith.addi %mul3A_4, %add3A_32 : i32
    %dma_start3A_34 = arith.constant 2 : i32
    %dma_start3A_35 = arith.constant 2 : i32
    %dma_start3A_36 = arith.constant 0 : i32
    %dma_start3A_37 = tpu.memref_slice %arg7[%dma_start3A_34, %dma_start3A_36] : memref<3x80xi32, #tpu.memory_space<vmem>> -> memref<1x80xi32, #tpu.memory_space<vmem>>
    %dma_start3A_38 = tpu.memref_squeeze %dma_start3A_37 : memref<1x80xi32, #tpu.memory_space<vmem>> -> memref<80xi32, #tpu.memory_space<vmem>>
    %dma_start3A_39 = tpu.memref_slice %arg3[%add3A_33] : memref<320000xi32, #tpu.memory_space<hbm>> -> memref<80xi32, #tpu.memory_space<hbm>>
    %dma_start3A_40 = tpu.memref_slice %arg11[%dma_start3A_35] : memref<3x!tpu.dma_semaphore, #tpu.memory_space<semaphore_mem>> -> memref<1x!tpu.dma_semaphore, #tpu.memory_space<semaphore_mem>>
    %dma_start3A_41 = tpu.memref_squeeze %dma_start3A_40 : memref<1x!tpu.dma_semaphore, #tpu.memory_space<semaphore_mem>> -> memref<!tpu.dma_semaphore, #tpu.memory_space<semaphore_mem>>
    %dma_start3A_42 = arith.constant 0 : i32
    %dma_start3A_43 = tpu.memref_slice %arg7[%dma_start3A_34, %dma_start3A_42] : memref<3x80xi32, #tpu.memory_space<vmem>> -> memref<1x80xi32, #tpu.memory_space<vmem>>
    %dma_start3A_44 = tpu.memref_squeeze %dma_start3A_43 : memref<1x80xi32, #tpu.memory_space<vmem>> -> memref<80xi32, #tpu.memory_space<vmem>>
    %dma_start3A_45 = tpu.memref_slice %arg3[%add3A_33] : memref<320000xi32, #tpu.memory_space<hbm>> -> memref<80xi32, #tpu.memory_space<hbm>>
    tpu.enqueue_dma source(%dma_start3A_45 : memref<80xi32, #tpu.memory_space<hbm>>) target(%dma_start3A_44 : memref<80xi32, #tpu.memory_space<vmem>>) target_semaphore(%dma_start3A_41 : memref<!tpu.dma_semaphore, #tpu.memory_space<semaphore_mem>>)
    %add3A_46 = arith.constant 0 : i32
    %add3A_47 = arith.addi %mul3A_4, %add3A_46 : i32
    %dma_start3A_48 = arith.constant 0 : i32
    %dma_start3A_49 = arith.constant 0 : i32
    %dma_start3A_50 = arith.constant 0 : i32
    %dma_start3A_51 = tpu.memref_slice %arg8[%dma_start3A_48, %dma_start3A_50] : memref<3x80xi32, #tpu.memory_space<vmem>> -> memref<1x80xi32, #tpu.memory_space<vmem>>
    %dma_start3A_52 = tpu.memref_squeeze %dma_start3A_51 : memref<1x80xi32, #tpu.memory_space<vmem>> -> memref<80xi32, #tpu.memory_space<vmem>>
    %dma_start3A_53 = tpu.memref_slice %arg4[%add3A_47] : memref<320000xi32, #tpu.memory_space<hbm>> -> memref<80xi32, #tpu.memory_space<hbm>>
    %dma_start3A_54 = tpu.memref_slice %arg12[%dma_start3A_49] : memref<3x!tpu.dma_semaphore, #tpu.memory_space<semaphore_mem>> -> memref<1x!tpu.dma_semaphore, #tpu.memory_space<semaphore_mem>>
    %dma_start3A_55 = tpu.memref_squeeze %dma_start3A_54 : memref<1x!tpu.dma_semaphore, #tpu.memory_space<semaphore_mem>> -> memref<!tpu.dma_semaphore, #tpu.memory_space<semaphore_mem>>
    %dma_start3A_56 = arith.constant 0 : i32
    %dma_start3A_57 = tpu.memref_slice %arg8[%dma_start3A_48, %dma_start3A_56] : memref<3x80xi32, #tpu.memory_space<vmem>> -> memref<1x80xi32, #tpu.memory_space<vmem>>
    %dma_start3A_58 = tpu.memref_squeeze %dma_start3A_57 : memref<1x80xi32, #tpu.memory_space<vmem>> -> memref<80xi32, #tpu.memory_space<vmem>>
    %dma_start3A_59 = tpu.memref_slice %arg4[%add3A_47] : memref<320000xi32, #tpu.memory_space<hbm>> -> memref<80xi32, #tpu.memory_space<hbm>>
    tpu.enqueue_dma source(%dma_start3A_59 : memref<80xi32, #tpu.memory_space<hbm>>) target(%dma_start3A_58 : memref<80xi32, #tpu.memory_space<vmem>>) target_semaphore(%dma_start3A_55 : memref<!tpu.dma_semaphore, #tpu.memory_space<semaphore_mem>>)
    %add3A_60 = arith.constant 80 : i32
    %add3A_61 = arith.addi %mul3A_4, %add3A_60 : i32
    %dma_start3A_62 = arith.constant 1 : i32
    %dma_start3A_63 = arith.constant 1 : i32
    %dma_start3A_64 = arith.constant 0 : i32
    %dma_start3A_65 = tpu.memref_slice %arg8[%dma_start3A_62, %dma_start3A_64] : memref<3x80xi32, #tpu.memory_space<vmem>> -> memref<1x80xi32, #tpu.memory_space<vmem>>
    %dma_start3A_66 = tpu.memref_squeeze %dma_start3A_65 : memref<1x80xi32, #tpu.memory_space<vmem>> -> memref<80xi32, #tpu.memory_space<vmem>>
    %dma_start3A_67 = tpu.memref_slice %arg4[%add3A_61] : memref<320000xi32, #tpu.memory_space<hbm>> -> memref<80xi32, #tpu.memory_space<hbm>>
    %dma_start3A_68 = tpu.memref_slice %arg12[%dma_start3A_63] : memref<3x!tpu.dma_semaphore, #tpu.memory_space<semaphore_mem>> -> memref<1x!tpu.dma_semaphore, #tpu.memory_space<semaphore_mem>>
    %dma_start3A_69 = tpu.memref_squeeze %dma_start3A_68 : memref<1x!tpu.dma_semaphore, #tpu.memory_space<semaphore_mem>> -> memref<!tpu.dma_semaphore, #tpu.memory_space<semaphore_mem>>
    %dma_start3A_70 = arith.constant 0 : i32
    %dma_start3A_71 = tpu.memref_slice %arg8[%dma_start3A_62, %dma_start3A_70] : memref<3x80xi32, #tpu.memory_space<vmem>> -> memref<1x80xi32, #tpu.memory_space<vmem>>
    %dma_start3A_72 = tpu.memref_squeeze %dma_start3A_71 : memref<1x80xi32, #tpu.memory_space<vmem>> -> memref<80xi32, #tpu.memory_space<vmem>>
    %dma_start3A_73 = tpu.memref_slice %arg4[%add3A_61] : memref<320000xi32, #tpu.memory_space<hbm>> -> memref<80xi32, #tpu.memory_space<hbm>>
    tpu.enqueue_dma source(%dma_start3A_73 : memref<80xi32, #tpu.memory_space<hbm>>) target(%dma_start3A_72 : memref<80xi32, #tpu.memory_space<vmem>>) target_semaphore(%dma_start3A_69 : memref<!tpu.dma_semaphore, #tpu.memory_space<semaphore_mem>>)
    %dma_start3A_74 = arith.constant 0 : i32
    %dma_start3A_75 = tpu.memref_slice %arg10[%mul3A_2, %dma_start3A_74] : memref<10112x128xf32, #tpu.memory_space<vmem_shared>> -> memref<632x128xf32, #tpu.memory_space<vmem_shared>>
    tpu.enqueue_dma source(%arg5 : memref<632x128xf32, #tpu.memory_space<hbm>>) target(%dma_start3A_75 : memref<632x128xf32, #tpu.memory_space<vmem_shared>>) target_semaphore(%arg13 : memref<!tpu.dma_semaphore, #tpu.memory_space<semaphore_mem>>)
    %dma_wait3A = arith.constant 0 : i32
    %dma_wait3A_76 = arith.constant 0 : i32
    %dma_wait3A_77 = arith.constant 0 : i32
    %dma_wait3A_78 = tpu.memref_slice %arg7[%dma_wait3A, %dma_wait3A_77] : memref<3x80xi32, #tpu.memory_space<vmem>> -> memref<1x80xi32, #tpu.memory_space<vmem>>
    %dma_wait3A_79 = tpu.memref_squeeze %dma_wait3A_78 : memref<1x80xi32, #tpu.memory_space<vmem>> -> memref<80xi32, #tpu.memory_space<vmem>>
    %dma_wait3A_80 = tpu.memref_slice %arg3[%mul3A_4] : memref<320000xi32, #tpu.memory_space<hbm>> -> memref<80xi32, #tpu.memory_space<hbm>>
    %dma_wait3A_81 = tpu.memref_slice %arg11[%dma_wait3A_76] : memref<3x!tpu.dma_semaphore, #tpu.memory_space<semaphore_mem>> -> memref<1x!tpu.dma_semaphore, #tpu.memory_space<semaphore_mem>>
    %dma_wait3A_82 = tpu.memref_squeeze %dma_wait3A_81 : memref<1x!tpu.dma_semaphore, #tpu.memory_space<semaphore_mem>> -> memref<!tpu.dma_semaphore, #tpu.memory_space<semaphore_mem>>
    %dma_wait3A_83 = arith.constant 0 : i32
    %dma_wait3A_84 = tpu.memref_slice %arg7[%dma_wait3A, %dma_wait3A_83] : memref<3x80xi32, #tpu.memory_space<vmem>> -> memref<1x80xi32, #tpu.memory_space<vmem>>
    %dma_wait3A_85 = tpu.memref_squeeze %dma_wait3A_84 : memref<1x80xi32, #tpu.memory_space<vmem>> -> memref<80xi32, #tpu.memory_space<vmem>>
    %dma_wait3A_86 = tpu.memref_slice %arg3[%mul3A_4] : memref<320000xi32, #tpu.memory_space<hbm>> -> memref<80xi32, #tpu.memory_space<hbm>>
    tpu.wait_dma2 semaphore(%dma_wait3A_82 : memref<!tpu.dma_semaphore, #tpu.memory_space<semaphore_mem>>) src(%dma_wait3A_86 : memref<80xi32, #tpu.memory_space<hbm>>) dst(%dma_wait3A_85 : memref<80xi32, #tpu.memory_space<vmem>>)
    %dma_start3A_87 = arith.constant 0 : i32
    %dma_start3A_88 = arith.constant 0 : i32
    %dma_start3A_89 = arith.constant 0 : i32
    %dma_start3A_90 = arith.constant 0 : i32
    %dma_start3A_91 = arith.constant 0 : i32
    %dma_start3A_92 = tpu.memref_slice %arg9[%dma_start3A_88, %dma_start3A_90, %dma_start3A_91] : memref<3x80x128xf32, #tpu.memory_space<vmem>> -> memref<1x80x128xf32, #tpu.memory_space<vmem>>
    %dma_start3A_93 = tpu.memref_squeeze %dma_start3A_92 : memref<1x80x128xf32, #tpu.memory_space<vmem>> -> memref<80x128xf32, #tpu.memory_space<vmem>>
    %dma_start3A_94 = arith.constant 0 : i32
    %dma_start3A_95 = tpu.memref_slice %arg7[%dma_start3A_87, %dma_start3A_94] : memref<3x80xi32, #tpu.memory_space<vmem>> -> memref<1x80xi32, #tpu.memory_space<vmem>>
    %dma_start3A_96 = tpu.memref_squeeze %dma_start3A_95 : memref<1x80xi32, #tpu.memory_space<vmem>> -> memref<80xi32, #tpu.memory_space<vmem>>
    %dma_start3A_97 = arith.constant 0 : i32
    %dma_start3A_98 = arith.constant 0 : i32
    %dma_start3A_99 = tpu.memref_slice %arg2[%dma_start3A_97, %dma_start3A_98] : memref<10000x128xf32, #tpu.memory_space<hbm>> -> memref<10000x128xf32, #tpu.memory_space<hbm>>
    %dma_start3A_100 = tpu.memref_slice %arg14[%dma_start3A_89] : memref<3x!tpu.dma_semaphore, #tpu.memory_space<semaphore_mem>> -> memref<1x!tpu.dma_semaphore, #tpu.memory_space<semaphore_mem>>
    %dma_start3A_101 = tpu.memref_squeeze %dma_start3A_100 : memref<1x!tpu.dma_semaphore, #tpu.memory_space<semaphore_mem>> -> memref<!tpu.dma_semaphore, #tpu.memory_space<semaphore_mem>>
    tpu.enqueue_indirect_dma source(%dma_start3A_99 : memref<10000x128xf32, #tpu.memory_space<hbm>>) target(%dma_start3A_93 : memref<80x128xf32, #tpu.memory_space<vmem>>) offsets(%dma_start3A_96 : memref<80xi32, #tpu.memory_space<vmem>>) semaphore(%dma_start3A_101 : memref<!tpu.dma_semaphore, #tpu.memory_space<semaphore_mem>>)
    %dma_wait3A_102 = arith.constant 1 : i32
    %dma_wait3A_103 = arith.constant 1 : i32
    %dma_wait3A_104 = arith.constant 0 : i32
    %dma_wait3A_105 = tpu.memref_slice %arg7[%dma_wait3A_102, %dma_wait3A_104] : memref<3x80xi32, #tpu.memory_space<vmem>> -> memref<1x80xi32, #tpu.memory_space<vmem>>
    %dma_wait3A_106 = tpu.memref_squeeze %dma_wait3A_105 : memref<1x80xi32, #tpu.memory_space<vmem>> -> memref<80xi32, #tpu.memory_space<vmem>>
    %dma_wait3A_107 = tpu.memref_slice %arg3[%mul3A_4] : memref<320000xi32, #tpu.memory_space<hbm>> -> memref<80xi32, #tpu.memory_space<hbm>>
    %dma_wait3A_108 = tpu.memref_slice %arg11[%dma_wait3A_103] : memref<3x!tpu.dma_semaphore, #tpu.memory_space<semaphore_mem>> -> memref<1x!tpu.dma_semaphore, #tpu.memory_space<semaphore_mem>>
    %dma_wait3A_109 = tpu.memref_squeeze %dma_wait3A_108 : memref<1x!tpu.dma_semaphore, #tpu.memory_space<semaphore_mem>> -> memref<!tpu.dma_semaphore, #tpu.memory_space<semaphore_mem>>
    %dma_wait3A_110 = arith.constant 0 : i32
    %dma_wait3A_111 = tpu.memref_slice %arg7[%dma_wait3A_102, %dma_wait3A_110] : memref<3x80xi32, #tpu.memory_space<vmem>> -> memref<1x80xi32, #tpu.memory_space<vmem>>
    %dma_wait3A_112 = tpu.memref_squeeze %dma_wait3A_111 : memref<1x80xi32, #tpu.memory_space<vmem>> -> memref<80xi32, #tpu.memory_space<vmem>>
    %dma_wait3A_113 = tpu.memref_slice %arg3[%mul3A_4] : memref<320000xi32, #tpu.memory_space<hbm>> -> memref<80xi32, #tpu.memory_space<hbm>>
    tpu.wait_dma2 semaphore(%dma_wait3A_109 : memref<!tpu.dma_semaphore, #tpu.memory_space<semaphore_mem>>) src(%dma_wait3A_113 : memref<80xi32, #tpu.memory_space<hbm>>) dst(%dma_wait3A_112 : memref<80xi32, #tpu.memory_space<vmem>>)
    %dma_start3A_114 = arith.constant 1 : i32
    %dma_start3A_115 = arith.constant 1 : i32
    %dma_start3A_116 = arith.constant 1 : i32
    %dma_start3A_117 = arith.constant 0 : i32
    %dma_start3A_118 = arith.constant 0 : i32
    %dma_start3A_119 = tpu.memref_slice %arg9[%dma_start3A_115, %dma_start3A_117, %dma_start3A_118] : memref<3x80x128xf32, #tpu.memory_space<vmem>> -> memref<1x80x128xf32, #tpu.memory_space<vmem>>
    %dma_start3A_120 = tpu.memref_squeeze %dma_start3A_119 : memref<1x80x128xf32, #tpu.memory_space<vmem>> -> memref<80x128xf32, #tpu.memory_space<vmem>>
    %dma_start3A_121 = arith.constant 0 : i32
    %dma_start3A_122 = tpu.memref_slice %arg7[%dma_start3A_114, %dma_start3A_121] : memref<3x80xi32, #tpu.memory_space<vmem>> -> memref<1x80xi32, #tpu.memory_space<vmem>>
    %dma_start3A_123 = tpu.memref_squeeze %dma_start3A_122 : memref<1x80xi32, #tpu.memory_space<vmem>> -> memref<80xi32, #tpu.memory_space<vmem>>
    %dma_start3A_124 = arith.constant 0 : i32
    %dma_start3A_125 = arith.constant 0 : i32
    %dma_start3A_126 = tpu.memref_slice %arg2[%dma_start3A_124, %dma_start3A_125] : memref<10000x128xf32, #tpu.memory_space<hbm>> -> memref<10000x128xf32, #tpu.memory_space<hbm>>
    %dma_start3A_127 = tpu.memref_slice %arg14[%dma_start3A_116] : memref<3x!tpu.dma_semaphore, #tpu.memory_space<semaphore_mem>> -> memref<1x!tpu.dma_semaphore, #tpu.memory_space<semaphore_mem>>
    %dma_start3A_128 = tpu.memref_squeeze %dma_start3A_127 : memref<1x!tpu.dma_semaphore, #tpu.memory_space<semaphore_mem>> -> memref<!tpu.dma_semaphore, #tpu.memory_space<semaphore_mem>>
    tpu.enqueue_indirect_dma source(%dma_start3A_126 : memref<10000x128xf32, #tpu.memory_space<hbm>>) target(%dma_start3A_120 : memref<80x128xf32, #tpu.memory_space<vmem>>) offsets(%dma_start3A_123 : memref<80xi32, #tpu.memory_space<vmem>>) semaphore(%dma_start3A_128 : memref<!tpu.dma_semaphore, #tpu.memory_space<semaphore_mem>>)
    %dma_wait3A_129 = arith.constant 0 : i32
    %dma_wait3A_130 = tpu.memref_slice %arg10[%mul3A_2, %dma_wait3A_129] : memref<10112x128xf32, #tpu.memory_space<vmem_shared>> -> memref<632x128xf32, #tpu.memory_space<vmem_shared>>
    tpu.wait_dma2 semaphore(%arg13 : memref<!tpu.dma_semaphore, #tpu.memory_space<semaphore_mem>>) src(%arg5 : memref<632x128xf32, #tpu.memory_space<hbm>>) dst(%dma_wait3A_130 : memref<632x128xf32, #tpu.memory_space<vmem_shared>>)
    %barrier3A = arith.constant 0 : index
    tpu.barrier barrier_id(%barrier3A)
    %scan3A = arith.constant 0 : i32
    %scan3A_131 = arith.constant 41 : i32
    %scan3A_132 = arith.addi %scan3A, %scan3A_131 : i32
    %scan3A_133 = arith.constant 1 : i32
    scf.for %scan3A_271 = %scan3A to %scan3A_132 step %scan3A_133  : i32 {
      %mul3A_272 = arith.constant 3 : i32
      %mul3A_273 = arith.muli %scan3A_271, %mul3A_272 : i32
      %add3A_274 = arith.constant 0 : i32
      %add3A_275 = arith.addi %add3A_274, %mul3A_273 : i32
      %add3A_276 = arith.constant 0 : i32
      %add3A_277 = arith.addi %add3A_275, %add3A_276 : i32
      %add3A_278 = arith.constant 2 : i32
      %add3A_279 = arith.addi %add3A_277, %add3A_278 : i32
      %lt3A_280 = arith.constant 125 : i32
      %lt3A_281 = arith.cmpi slt, %add3A_279, %lt3A_280 : i32
      %convert_element_type3A_282 = arith.extui %lt3A_281 : i1 to i32
      %cond3A_283 = arith.constant 0 : i32
      %cond3A_284 = arith.cmpi ne, %convert_element_type3A_282, %cond3A_283 : i32
      scf.if %cond3A_284 {
        %ge3A = arith.constant 1 : i32
        %ge3A_450 = arith.cmpi sge, %add3A_277, %ge3A : i32
        %convert_element_type3A_451 = arith.extui %ge3A_450 : i1 to i32
        %cond3A_452 = arith.constant 0 : i32
        %cond3A_453 = arith.cmpi ne, %convert_element_type3A_451, %cond3A_452 : i32
        scf.if %cond3A_453 {
          %dma_wait3A_498 = arith.constant 2 : i32
          %dma_wait3A_499 = arith.constant 0 : i32
          %dma_wait3A_500 = arith.constant 2 : i32
          %dma_wait3A_501 = arith.constant 0 : i32
          %dma_wait3A_502 = arith.constant 0 : i32
          %dma_wait3A_503 = tpu.memref_slice %arg9[%dma_wait3A_498, %dma_wait3A_501, %dma_wait3A_502] : memref<3x80x128xf32, #tpu.memory_space<vmem>> -> memref<1x80x128xf32, #tpu.memory_space<vmem>>
          %dma_wait3A_504 = tpu.memref_squeeze %dma_wait3A_503 : memref<1x80x128xf32, #tpu.memory_space<vmem>> -> memref<80x128xf32, #tpu.memory_space<vmem>>
          %dma_wait3A_505 = arith.constant 0 : i32
          %dma_wait3A_506 = tpu.memref_slice %arg8[%dma_wait3A_499, %dma_wait3A_505] : memref<3x80xi32, #tpu.memory_space<vmem>> -> memref<1x80xi32, #tpu.memory_space<vmem>>
          %dma_wait3A_507 = tpu.memref_squeeze %dma_wait3A_506 : memref<1x80xi32, #tpu.memory_space<vmem>> -> memref<80xi32, #tpu.memory_space<vmem>>
          %dma_wait3A_508 = arith.constant 0 : i32
          %dma_wait3A_509 = arith.constant 0 : i32
          %dma_wait3A_510 = tpu.memref_slice %arg10[%dma_wait3A_508, %dma_wait3A_509] : memref<10112x128xf32, #tpu.memory_space<vmem_shared>> -> memref<10112x128xf32, #tpu.memory_space<vmem_shared>>
          %dma_wait3A_511 = tpu.memref_slice %arg15[%dma_wait3A_500] : memref<3x!tpu.dma_semaphore, #tpu.memory_space<semaphore_mem>> -> memref<1x!tpu.dma_semaphore, #tpu.memory_space<semaphore_mem>>
          %dma_wait3A_512 = tpu.memref_squeeze %dma_wait3A_511 : memref<1x!tpu.dma_semaphore, #tpu.memory_space<semaphore_mem>> -> memref<!tpu.dma_semaphore, #tpu.memory_space<semaphore_mem>>
          tpu.wait_indirect_dma semaphore(%dma_wait3A_512 : memref<!tpu.dma_semaphore, #tpu.memory_space<semaphore_mem>>) src(%dma_wait3A_504 : memref<80x128xf32, #tpu.memory_space<vmem>>) dst(%dma_wait3A_510 : memref<10112x128xf32, #tpu.memory_space<vmem_shared>>)
        } else {
        }
        %add3A_454 = arith.constant 2 : i32
        %add3A_455 = arith.addi %add3A_277, %add3A_454 : i32
        %mul3A_456 = arith.constant 80 : i32
        %mul3A_457 = arith.muli %add3A_455, %mul3A_456 : i32
        %add3A_458 = arith.addi %mul3A_4, %mul3A_457 : i32
        %dma_start3A_459 = arith.constant 2 : i32
        %dma_start3A_460 = arith.constant 2 : i32
        %dma_start3A_461 = arith.constant 0 : i32
        %dma_start3A_462 = tpu.memref_slice %arg8[%dma_start3A_459, %dma_start3A_461] : memref<3x80xi32, #tpu.memory_space<vmem>> -> memref<1x80xi32, #tpu.memory_space<vmem>>
        %dma_start3A_463 = tpu.memref_squeeze %dma_start3A_462 : memref<1x80xi32, #tpu.memory_space<vmem>> -> memref<80xi32, #tpu.memory_space<vmem>>
        %dma_start3A_464 = tpu.memref_slice %arg4[%add3A_458] : memref<320000xi32, #tpu.memory_space<hbm>> -> memref<80xi32, #tpu.memory_space<hbm>>
        %dma_start3A_465 = tpu.memref_slice %arg12[%dma_start3A_460] : memref<3x!tpu.dma_semaphore, #tpu.memory_space<semaphore_mem>> -> memref<1x!tpu.dma_semaphore, #tpu.memory_space<semaphore_mem>>
        %dma_start3A_466 = tpu.memref_squeeze %dma_start3A_465 : memref<1x!tpu.dma_semaphore, #tpu.memory_space<semaphore_mem>> -> memref<!tpu.dma_semaphore, #tpu.memory_space<semaphore_mem>>
        %dma_start3A_467 = arith.constant 0 : i32
        %dma_start3A_468 = tpu.memref_slice %arg8[%dma_start3A_459, %dma_start3A_467] : memref<3x80xi32, #tpu.memory_space<vmem>> -> memref<1x80xi32, #tpu.memory_space<vmem>>
        %dma_start3A_469 = tpu.memref_squeeze %dma_start3A_468 : memref<1x80xi32, #tpu.memory_space<vmem>> -> memref<80xi32, #tpu.memory_space<vmem>>
        %dma_start3A_470 = tpu.memref_slice %arg4[%add3A_458] : memref<320000xi32, #tpu.memory_space<hbm>> -> memref<80xi32, #tpu.memory_space<hbm>>
        tpu.enqueue_dma source(%dma_start3A_470 : memref<80xi32, #tpu.memory_space<hbm>>) target(%dma_start3A_469 : memref<80xi32, #tpu.memory_space<vmem>>) target_semaphore(%dma_start3A_466 : memref<!tpu.dma_semaphore, #tpu.memory_space<semaphore_mem>>)
        %dma_wait3A_471 = arith.constant 2 : i32
        %dma_wait3A_472 = arith.constant 2 : i32
        %dma_wait3A_473 = arith.constant 0 : i32
        %dma_wait3A_474 = tpu.memref_slice %arg7[%dma_wait3A_471, %dma_wait3A_473] : memref<3x80xi32, #tpu.memory_space<vmem>> -> memref<1x80xi32, #tpu.memory_space<vmem>>
        %dma_wait3A_475 = tpu.memref_squeeze %dma_wait3A_474 : memref<1x80xi32, #tpu.memory_space<vmem>> -> memref<80xi32, #tpu.memory_space<vmem>>
        %dma_wait3A_476 = tpu.memref_slice %arg3[%mul3A_4] : memref<320000xi32, #tpu.memory_space<hbm>> -> memref<80xi32, #tpu.memory_space<hbm>>
        %dma_wait3A_477 = tpu.memref_slice %arg11[%dma_wait3A_472] : memref<3x!tpu.dma_semaphore, #tpu.memory_space<semaphore_mem>> -> memref<1x!tpu.dma_semaphore, #tpu.memory_space<semaphore_mem>>
        %dma_wait3A_478 = tpu.memref_squeeze %dma_wait3A_477 : memref<1x!tpu.dma_semaphore, #tpu.memory_space<semaphore_mem>> -> memref<!tpu.dma_semaphore, #tpu.memory_space<semaphore_mem>>
        %dma_wait3A_479 = arith.constant 0 : i32
        %dma_wait3A_480 = tpu.memref_slice %arg7[%dma_wait3A_471, %dma_wait3A_479] : memref<3x80xi32, #tpu.memory_space<vmem>> -> memref<1x80xi32, #tpu.memory_space<vmem>>
        %dma_wait3A_481 = tpu.memref_squeeze %dma_wait3A_480 : memref<1x80xi32, #tpu.memory_space<vmem>> -> memref<80xi32, #tpu.memory_space<vmem>>
        %dma_wait3A_482 = tpu.memref_slice %arg3[%mul3A_4] : memref<320000xi32, #tpu.memory_space<hbm>> -> memref<80xi32, #tpu.memory_space<hbm>>
        tpu.wait_dma2 semaphore(%dma_wait3A_478 : memref<!tpu.dma_semaphore, #tpu.memory_space<semaphore_mem>>) src(%dma_wait3A_482 : memref<80xi32, #tpu.memory_space<hbm>>) dst(%dma_wait3A_481 : memref<80xi32, #tpu.memory_space<vmem>>)
        %dma_start3A_483 = arith.constant 2 : i32
        %dma_start3A_484 = arith.constant 2 : i32
        %dma_start3A_485 = arith.constant 2 : i32
        %dma_start3A_486 = arith.constant 0 : i32
        %dma_start3A_487 = arith.constant 0 : i32
        %dma_start3A_488 = tpu.memref_slice %arg9[%dma_start3A_484, %dma_start3A_486, %dma_start3A_487] : memref<3x80x128xf32, #tpu.memory_space<vmem>> -> memref<1x80x128xf32, #tpu.memory_space<vmem>>
        %dma_start3A_489 = tpu.memref_squeeze %dma_start3A_488 : memref<1x80x128xf32, #tpu.memory_space<vmem>> -> memref<80x128xf32, #tpu.memory_space<vmem>>
        %dma_start3A_490 = arith.constant 0 : i32
        %dma_start3A_491 = tpu.memref_slice %arg7[%dma_start3A_483, %dma_start3A_490] : memref<3x80xi32, #tpu.memory_space<vmem>> -> memref<1x80xi32, #tpu.memory_space<vmem>>
        %dma_start3A_492 = tpu.memref_squeeze %dma_start3A_491 : memref<1x80xi32, #tpu.memory_space<vmem>> -> memref<80xi32, #tpu.memory_space<vmem>>
        %dma_start3A_493 = arith.constant 0 : i32
        %dma_start3A_494 = arith.constant 0 : i32
        %dma_start3A_495 = tpu.memref_slice %arg2[%dma_start3A_493, %dma_start3A_494] : memref<10000x128xf32, #tpu.memory_space<hbm>> -> memref<10000x128xf32, #tpu.memory_space<hbm>>
        %dma_start3A_496 = tpu.memref_slice %arg14[%dma_start3A_485] : memref<3x!tpu.dma_semaphore, #tpu.memory_space<semaphore_mem>> -> memref<1x!tpu.dma_semaphore, #tpu.memory_space<semaphore_mem>>
        %dma_start3A_497 = tpu.memref_squeeze %dma_start3A_496 : memref<1x!tpu.dma_semaphore, #tpu.memory_space<semaphore_mem>> -> memref<!tpu.dma_semaphore, #tpu.memory_space<semaphore_mem>>
        tpu.enqueue_indirect_dma source(%dma_start3A_495 : memref<10000x128xf32, #tpu.memory_space<hbm>>) target(%dma_start3A_489 : memref<80x128xf32, #tpu.memory_space<vmem>>) offsets(%dma_start3A_492 : memref<80xi32, #tpu.memory_space<vmem>>) semaphore(%dma_start3A_497 : memref<!tpu.dma_semaphore, #tpu.memory_space<semaphore_mem>>)
      } else {
      }
      %dma_wait3A_285 = arith.constant 0 : i32
      %dma_wait3A_286 = arith.constant 0 : i32
      %dma_wait3A_287 = arith.constant 0 : i32
      %dma_wait3A_288 = arith.constant 0 : i32
      %dma_wait3A_289 = arith.constant 0 : i32
      %dma_wait3A_290 = tpu.memref_slice %arg9[%dma_wait3A_286, %dma_wait3A_288, %dma_wait3A_289] : memref<3x80x128xf32, #tpu.memory_space<vmem>> -> memref<1x80x128xf32, #tpu.memory_space<vmem>>
      %dma_wait3A_291 = tpu.memref_squeeze %dma_wait3A_290 : memref<1x80x128xf32, #tpu.memory_space<vmem>> -> memref<80x128xf32, #tpu.memory_space<vmem>>
      %dma_wait3A_292 = arith.constant 0 : i32
      %dma_wait3A_293 = tpu.memref_slice %arg7[%dma_wait3A_285, %dma_wait3A_292] : memref<3x80xi32, #tpu.memory_space<vmem>> -> memref<1x80xi32, #tpu.memory_space<vmem>>
      %dma_wait3A_294 = tpu.memref_squeeze %dma_wait3A_293 : memref<1x80xi32, #tpu.memory_space<vmem>> -> memref<80xi32, #tpu.memory_space<vmem>>
      %dma_wait3A_295 = arith.constant 0 : i32
      %dma_wait3A_296 = arith.constant 0 : i32
      %dma_wait3A_297 = tpu.memref_slice %arg2[%dma_wait3A_295, %dma_wait3A_296] : memref<10000x128xf32, #tpu.memory_space<hbm>> -> memref<10000x128xf32, #tpu.memory_space<hbm>>
      %dma_wait3A_298 = tpu.memref_slice %arg14[%dma_wait3A_287] : memref<3x!tpu.dma_semaphore, #tpu.memory_space<semaphore_mem>> -> memref<1x!tpu.dma_semaphore, #tpu.memory_space<semaphore_mem>>
      %dma_wait3A_299 = tpu.memref_squeeze %dma_wait3A_298 : memref<1x!tpu.dma_semaphore, #tpu.memory_space<semaphore_mem>> -> memref<!tpu.dma_semaphore, #tpu.memory_space<semaphore_mem>>
      tpu.wait_indirect_dma semaphore(%dma_wait3A_299 : memref<!tpu.dma_semaphore, #tpu.memory_space<semaphore_mem>>) src(%dma_wait3A_297 : memref<10000x128xf32, #tpu.memory_space<hbm>>) dst(%dma_wait3A_291 : memref<80x128xf32, #tpu.memory_space<vmem>>)
      %dma_wait3A_300 = arith.constant 0 : i32
      %dma_wait3A_301 = arith.constant 0 : i32
      %dma_wait3A_302 = arith.constant 0 : i32
      %dma_wait3A_303 = tpu.memref_slice %arg8[%dma_wait3A_300, %dma_wait3A_302] : memref<3x80xi32, #tpu.memory_space<vmem>> -> memref<1x80xi32, #tpu.memory_space<vmem>>
      %dma_wait3A_304 = tpu.memref_squeeze %dma_wait3A_303 : memref<1x80xi32, #tpu.memory_space<vmem>> -> memref<80xi32, #tpu.memory_space<vmem>>
      %dma_wait3A_305 = tpu.memref_slice %arg4[%mul3A_4] : memref<320000xi32, #tpu.memory_space<hbm>> -> memref<80xi32, #tpu.memory_space<hbm>>
      %dma_wait3A_306 = tpu.memref_slice %arg12[%dma_wait3A_301] : memref<3x!tpu.dma_semaphore, #tpu.memory_space<semaphore_mem>> -> memref<1x!tpu.dma_semaphore, #tpu.memory_space<semaphore_mem>>
      %dma_wait3A_307 = tpu.memref_squeeze %dma_wait3A_306 : memref<1x!tpu.dma_semaphore, #tpu.memory_space<semaphore_mem>> -> memref<!tpu.dma_semaphore, #tpu.memory_space<semaphore_mem>>
      %dma_wait3A_308 = arith.constant 0 : i32
      %dma_wait3A_309 = tpu.memref_slice %arg8[%dma_wait3A_300, %dma_wait3A_308] : memref<3x80xi32, #tpu.memory_space<vmem>> -> memref<1x80xi32, #tpu.memory_space<vmem>>
      %dma_wait3A_310 = tpu.memref_squeeze %dma_wait3A_309 : memref<1x80xi32, #tpu.memory_space<vmem>> -> memref<80xi32, #tpu.memory_space<vmem>>
      %dma_wait3A_311 = tpu.memref_slice %arg4[%mul3A_4] : memref<320000xi32, #tpu.memory_space<hbm>> -> memref<80xi32, #tpu.memory_space<hbm>>
      tpu.wait_dma2 semaphore(%dma_wait3A_307 : memref<!tpu.dma_semaphore, #tpu.memory_space<semaphore_mem>>) src(%dma_wait3A_311 : memref<80xi32, #tpu.memory_space<hbm>>) dst(%dma_wait3A_310 : memref<80xi32, #tpu.memory_space<vmem>>)
      %dma_start3A_312 = arith.constant 0 : i32
      %dma_start3A_313 = arith.constant 0 : i32
      %dma_start3A_314 = arith.constant 0 : i32
      %dma_start3A_315 = arith.constant 0 : i32
      %dma_start3A_316 = arith.constant 0 : i32
      %dma_start3A_317 = tpu.memref_slice %arg9[%dma_start3A_312, %dma_start3A_315, %dma_start3A_316] : memref<3x80x128xf32, #tpu.memory_space<vmem>> -> memref<1x80x128xf32, #tpu.memory_space<vmem>>
      %dma_start3A_318 = tpu.memref_squeeze %dma_start3A_317 : memref<1x80x128xf32, #tpu.memory_space<vmem>> -> memref<80x128xf32, #tpu.memory_space<vmem>>
      %dma_start3A_319 = arith.constant 0 : i32
      %dma_start3A_320 = tpu.memref_slice %arg8[%dma_start3A_313, %dma_start3A_319] : memref<3x80xi32, #tpu.memory_space<vmem>> -> memref<1x80xi32, #tpu.memory_space<vmem>>
      %dma_start3A_321 = tpu.memref_squeeze %dma_start3A_320 : memref<1x80xi32, #tpu.memory_space<vmem>> -> memref<80xi32, #tpu.memory_space<vmem>>
      %dma_start3A_322 = arith.constant 0 : i32
      %dma_start3A_323 = arith.constant 0 : i32
      %dma_start3A_324 = tpu.memref_slice %arg10[%dma_start3A_322, %dma_start3A_323] : memref<10112x128xf32, #tpu.memory_space<vmem_shared>> -> memref<10112x128xf32, #tpu.memory_space<vmem_shared>>
      %dma_start3A_325 = tpu.memref_slice %arg15[%dma_start3A_314] : memref<3x!tpu.dma_semaphore, #tpu.memory_space<semaphore_mem>> -> memref<1x!tpu.dma_semaphore, #tpu.memory_space<semaphore_mem>>
      %dma_start3A_326 = tpu.memref_squeeze %dma_start3A_325 : memref<1x!tpu.dma_semaphore, #tpu.memory_space<semaphore_mem>> -> memref<!tpu.dma_semaphore, #tpu.memory_space<semaphore_mem>>
      tpu.enqueue_indirect_dma source(%dma_start3A_318 : memref<80x128xf32, #tpu.memory_space<vmem>>) target(%dma_start3A_324 : memref<10112x128xf32, #tpu.memory_space<vmem_shared>>) offsets(%dma_start3A_321 : memref<80xi32, #tpu.memory_space<vmem>>) semaphore(%dma_start3A_326 : memref<!tpu.dma_semaphore, #tpu.memory_space<semaphore_mem>>) {add = true}
      %add3A_327 = arith.constant 3 : i32
      %add3A_328 = arith.addi %add3A_277, %add3A_327 : i32
      %lt3A_329 = arith.constant 125 : i32
      %lt3A_330 = arith.cmpi slt, %add3A_328, %lt3A_329 : i32
      %convert_element_type3A_331 = arith.extui %lt3A_330 : i1 to i32
      %cond3A_332 = arith.constant 0 : i32
      %cond3A_333 = arith.cmpi ne, %convert_element_type3A_331, %cond3A_332 : i32
      scf.if %cond3A_333 {
        %add3A_450 = arith.constant 3 : i32
        %add3A_451 = arith.addi %add3A_277, %add3A_450 : i32
        %mul3A_452 = arith.constant 80 : i32
        %mul3A_453 = arith.muli %add3A_451, %mul3A_452 : i32
        %add3A_454 = arith.addi %mul3A_4, %mul3A_453 : i32
        %dma_start3A_455 = arith.constant 0 : i32
        %dma_start3A_456 = arith.constant 0 : i32
        %dma_start3A_457 = arith.constant 0 : i32
        %dma_start3A_458 = tpu.memref_slice %arg7[%dma_start3A_455, %dma_start3A_457] : memref<3x80xi32, #tpu.memory_space<vmem>> -> memref<1x80xi32, #tpu.memory_space<vmem>>
        %dma_start3A_459 = tpu.memref_squeeze %dma_start3A_458 : memref<1x80xi32, #tpu.memory_space<vmem>> -> memref<80xi32, #tpu.memory_space<vmem>>
        %dma_start3A_460 = tpu.memref_slice %arg3[%add3A_454] : memref<320000xi32, #tpu.memory_space<hbm>> -> memref<80xi32, #tpu.memory_space<hbm>>
        %dma_start3A_461 = tpu.memref_slice %arg11[%dma_start3A_456] : memref<3x!tpu.dma_semaphore, #tpu.memory_space<semaphore_mem>> -> memref<1x!tpu.dma_semaphore, #tpu.memory_space<semaphore_mem>>
        %dma_start3A_462 = tpu.memref_squeeze %dma_start3A_461 : memref<1x!tpu.dma_semaphore, #tpu.memory_space<semaphore_mem>> -> memref<!tpu.dma_semaphore, #tpu.memory_space<semaphore_mem>>
        %dma_start3A_463 = arith.constant 0 : i32
        %dma_start3A_464 = tpu.memref_slice %arg7[%dma_start3A_455, %dma_start3A_463] : memref<3x80xi32, #tpu.memory_space<vmem>> -> memref<1x80xi32, #tpu.memory_space<vmem>>
        %dma_start3A_465 = tpu.memref_squeeze %dma_start3A_464 : memref<1x80xi32, #tpu.memory_space<vmem>> -> memref<80xi32, #tpu.memory_space<vmem>>
        %dma_start3A_466 = tpu.memref_slice %arg3[%add3A_454] : memref<320000xi32, #tpu.memory_space<hbm>> -> memref<80xi32, #tpu.memory_space<hbm>>
        tpu.enqueue_dma source(%dma_start3A_466 : memref<80xi32, #tpu.memory_space<hbm>>) target(%dma_start3A_465 : memref<80xi32, #tpu.memory_space<vmem>>) target_semaphore(%dma_start3A_462 : memref<!tpu.dma_semaphore, #tpu.memory_space<semaphore_mem>>)
      } else {
      }
      %add3A_334 = arith.constant 1 : i32
      %add3A_335 = arith.addi %add3A_275, %add3A_334 : i32
      %add3A_336 = arith.constant 2 : i32
      %add3A_337 = arith.addi %add3A_335, %add3A_336 : i32
      %lt3A_338 = arith.constant 125 : i32
      %lt3A_339 = arith.cmpi slt, %add3A_337, %lt3A_338 : i32
      %convert_element_type3A_340 = arith.extui %lt3A_339 : i1 to i32
      %cond3A_341 = arith.constant 0 : i32
      %cond3A_342 = arith.cmpi ne, %convert_element_type3A_340, %cond3A_341 : i32
      scf.if %cond3A_342 {
        %ge3A = arith.constant 1 : i32
        %ge3A_450 = arith.cmpi sge, %add3A_335, %ge3A : i32
        %convert_element_type3A_451 = arith.extui %ge3A_450 : i1 to i32
        %cond3A_452 = arith.constant 0 : i32
        %cond3A_453 = arith.cmpi ne, %convert_element_type3A_451, %cond3A_452 : i32
        scf.if %cond3A_453 {
          %dma_wait3A_498 = arith.constant 0 : i32
          %dma_wait3A_499 = arith.constant 1 : i32
          %dma_wait3A_500 = arith.constant 0 : i32
          %dma_wait3A_501 = arith.constant 0 : i32
          %dma_wait3A_502 = arith.constant 0 : i32
          %dma_wait3A_503 = tpu.memref_slice %arg9[%dma_wait3A_498, %dma_wait3A_501, %dma_wait3A_502] : memref<3x80x128xf32, #tpu.memory_space<vmem>> -> memref<1x80x128xf32, #tpu.memory_space<vmem>>
          %dma_wait3A_504 = tpu.memref_squeeze %dma_wait3A_503 : memref<1x80x128xf32, #tpu.memory_space<vmem>> -> memref<80x128xf32, #tpu.memory_space<vmem>>
          %dma_wait3A_505 = arith.constant 0 : i32
          %dma_wait3A_506 = tpu.memref_slice %arg8[%dma_wait3A_499, %dma_wait3A_505] : memref<3x80xi32, #tpu.memory_space<vmem>> -> memref<1x80xi32, #tpu.memory_space<vmem>>
          %dma_wait3A_507 = tpu.memref_squeeze %dma_wait3A_506 : memref<1x80xi32, #tpu.memory_space<vmem>> -> memref<80xi32, #tpu.memory_space<vmem>>
          %dma_wait3A_508 = arith.constant 0 : i32
          %dma_wait3A_509 = arith.constant 0 : i32
          %dma_wait3A_510 = tpu.memref_slice %arg10[%dma_wait3A_508, %dma_wait3A_509] : memref<10112x128xf32, #tpu.memory_space<vmem_shared>> -> memref<10112x128xf32, #tpu.memory_space<vmem_shared>>
          %dma_wait3A_511 = tpu.memref_slice %arg15[%dma_wait3A_500] : memref<3x!tpu.dma_semaphore, #tpu.memory_space<semaphore_mem>> -> memref<1x!tpu.dma_semaphore, #tpu.memory_space<semaphore_mem>>
          %dma_wait3A_512 = tpu.memref_squeeze %dma_wait3A_511 : memref<1x!tpu.dma_semaphore, #tpu.memory_space<semaphore_mem>> -> memref<!tpu.dma_semaphore, #tpu.memory_space<semaphore_mem>>
          tpu.wait_indirect_dma semaphore(%dma_wait3A_512 : memref<!tpu.dma_semaphore, #tpu.memory_space<semaphore_mem>>) src(%dma_wait3A_504 : memref<80x128xf32, #tpu.memory_space<vmem>>) dst(%dma_wait3A_510 : memref<10112x128xf32, #tpu.memory_space<vmem_shared>>)
        } else {
        }
        %add3A_454 = arith.constant 2 : i32
        %add3A_455 = arith.addi %add3A_335, %add3A_454 : i32
        %mul3A_456 = arith.constant 80 : i32
        %mul3A_457 = arith.muli %add3A_455, %mul3A_456 : i32
        %add3A_458 = arith.addi %mul3A_4, %mul3A_457 : i32
        %dma_start3A_459 = arith.constant 0 : i32
        %dma_start3A_460 = arith.constant 0 : i32
        %dma_start3A_461 = arith.constant 0 : i32
        %dma_start3A_462 = tpu.memref_slice %arg8[%dma_start3A_459, %dma_start3A_461] : memref<3x80xi32, #tpu.memory_space<vmem>> -> memref<1x80xi32, #tpu.memory_space<vmem>>
        %dma_start3A_463 = tpu.memref_squeeze %dma_start3A_462 : memref<1x80xi32, #tpu.memory_space<vmem>> -> memref<80xi32, #tpu.memory_space<vmem>>
        %dma_start3A_464 = tpu.memref_slice %arg4[%add3A_458] : memref<320000xi32, #tpu.memory_space<hbm>> -> memref<80xi32, #tpu.memory_space<hbm>>
        %dma_start3A_465 = tpu.memref_slice %arg12[%dma_start3A_460] : memref<3x!tpu.dma_semaphore, #tpu.memory_space<semaphore_mem>> -> memref<1x!tpu.dma_semaphore, #tpu.memory_space<semaphore_mem>>
        %dma_start3A_466 = tpu.memref_squeeze %dma_start3A_465 : memref<1x!tpu.dma_semaphore, #tpu.memory_space<semaphore_mem>> -> memref<!tpu.dma_semaphore, #tpu.memory_space<semaphore_mem>>
        %dma_start3A_467 = arith.constant 0 : i32
        %dma_start3A_468 = tpu.memref_slice %arg8[%dma_start3A_459, %dma_start3A_467] : memref<3x80xi32, #tpu.memory_space<vmem>> -> memref<1x80xi32, #tpu.memory_space<vmem>>
        %dma_start3A_469 = tpu.memref_squeeze %dma_start3A_468 : memref<1x80xi32, #tpu.memory_space<vmem>> -> memref<80xi32, #tpu.memory_space<vmem>>
        %dma_start3A_470 = tpu.memref_slice %arg4[%add3A_458] : memref<320000xi32, #tpu.memory_space<hbm>> -> memref<80xi32, #tpu.memory_space<hbm>>
        tpu.enqueue_dma source(%dma_start3A_470 : memref<80xi32, #tpu.memory_space<hbm>>) target(%dma_start3A_469 : memref<80xi32, #tpu.memory_space<vmem>>) target_semaphore(%dma_start3A_466 : memref<!tpu.dma_semaphore, #tpu.memory_space<semaphore_mem>>)
        %dma_wait3A_471 = arith.constant 0 : i32
        %dma_wait3A_472 = arith.constant 0 : i32
        %dma_wait3A_473 = arith.constant 0 : i32
        %dma_wait3A_474 = tpu.memref_slice %arg7[%dma_wait3A_471, %dma_wait3A_473] : memref<3x80xi32, #tpu.memory_space<vmem>> -> memref<1x80xi32, #tpu.memory_space<vmem>>
        %dma_wait3A_475 = tpu.memref_squeeze %dma_wait3A_474 : memref<1x80xi32, #tpu.memory_space<vmem>> -> memref<80xi32, #tpu.memory_space<vmem>>
        %dma_wait3A_476 = tpu.memref_slice %arg3[%mul3A_4] : memref<320000xi32, #tpu.memory_space<hbm>> -> memref<80xi32, #tpu.memory_space<hbm>>
        %dma_wait3A_477 = tpu.memref_slice %arg11[%dma_wait3A_472] : memref<3x!tpu.dma_semaphore, #tpu.memory_space<semaphore_mem>> -> memref<1x!tpu.dma_semaphore, #tpu.memory_space<semaphore_mem>>
        %dma_wait3A_478 = tpu.memref_squeeze %dma_wait3A_477 : memref<1x!tpu.dma_semaphore, #tpu.memory_space<semaphore_mem>> -> memref<!tpu.dma_semaphore, #tpu.memory_space<semaphore_mem>>
        %dma_wait3A_479 = arith.constant 0 : i32
        %dma_wait3A_480 = tpu.memref_slice %arg7[%dma_wait3A_471, %dma_wait3A_479] : memref<3x80xi32, #tpu.memory_space<vmem>> -> memref<1x80xi32, #tpu.memory_space<vmem>>
        %dma_wait3A_481 = tpu.memref_squeeze %dma_wait3A_480 : memref<1x80xi32, #tpu.memory_space<vmem>> -> memref<80xi32, #tpu.memory_space<vmem>>
        %dma_wait3A_482 = tpu.memref_slice %arg3[%mul3A_4] : memref<320000xi32, #tpu.memory_space<hbm>> -> memref<80xi32, #tpu.memory_space<hbm>>
        tpu.wait_dma2 semaphore(%dma_wait3A_478 : memref<!tpu.dma_semaphore, #tpu.memory_space<semaphore_mem>>) src(%dma_wait3A_482 : memref<80xi32, #tpu.memory_space<hbm>>) dst(%dma_wait3A_481 : memref<80xi32, #tpu.memory_space<vmem>>)
        %dma_start3A_483 = arith.constant 0 : i32
        %dma_start3A_484 = arith.constant 0 : i32
        %dma_start3A_485 = arith.constant 0 : i32
        %dma_start3A_486 = arith.constant 0 : i32
        %dma_start3A_487 = arith.constant 0 : i32
        %dma_start3A_488 = tpu.memref_slice %arg9[%dma_start3A_484, %dma_start3A_486, %dma_start3A_487] : memref<3x80x128xf32, #tpu.memory_space<vmem>> -> memref<1x80x128xf32, #tpu.memory_space<vmem>>
        %dma_start3A_489 = tpu.memref_squeeze %dma_start3A_488 : memref<1x80x128xf32, #tpu.memory_space<vmem>> -> memref<80x128xf32, #tpu.memory_space<vmem>>
        %dma_start3A_490 = arith.constant 0 : i32
        %dma_start3A_491 = tpu.memref_slice %arg7[%dma_start3A_483, %dma_start3A_490] : memref<3x80xi32, #tpu.memory_space<vmem>> -> memref<1x80xi32, #tpu.memory_space<vmem>>
        %dma_start3A_492 = tpu.memref_squeeze %dma_start3A_491 : memref<1x80xi32, #tpu.memory_space<vmem>> -> memref<80xi32, #tpu.memory_space<vmem>>
        %dma_start3A_493 = arith.constant 0 : i32
        %dma_start3A_494 = arith.constant 0 : i32
        %dma_start3A_495 = tpu.memref_slice %arg2[%dma_start3A_493, %dma_start3A_494] : memref<10000x128xf32, #tpu.memory_space<hbm>> -> memref<10000x128xf32, #tpu.memory_space<hbm>>
        %dma_start3A_496 = tpu.memref_slice %arg14[%dma_start3A_485] : memref<3x!tpu.dma_semaphore, #tpu.memory_space<semaphore_mem>> -> memref<1x!tpu.dma_semaphore, #tpu.memory_space<semaphore_mem>>
        %dma_start3A_497 = tpu.memref_squeeze %dma_start3A_496 : memref<1x!tpu.dma_semaphore, #tpu.memory_space<semaphore_mem>> -> memref<!tpu.dma_semaphore, #tpu.memory_space<semaphore_mem>>
        tpu.enqueue_indirect_dma source(%dma_start3A_495 : memref<10000x128xf32, #tpu.memory_space<hbm>>) target(%dma_start3A_489 : memref<80x128xf32, #tpu.memory_space<vmem>>) offsets(%dma_start3A_492 : memref<80xi32, #tpu.memory_space<vmem>>) semaphore(%dma_start3A_497 : memref<!tpu.dma_semaphore, #tpu.memory_space<semaphore_mem>>)
      } else {
      }
      %dma_wait3A_343 = arith.constant 1 : i32
      %dma_wait3A_344 = arith.constant 1 : i32
      %dma_wait3A_345 = arith.constant 1 : i32
      %dma_wait3A_346 = arith.constant 0 : i32
      %dma_wait3A_347 = arith.constant 0 : i32
      %dma_wait3A_348 = tpu.memref_slice %arg9[%dma_wait3A_344, %dma_wait3A_346, %dma_wait3A_347] : memref<3x80x128xf32, #tpu.memory_space<vmem>> -> memref<1x80x128xf32, #tpu.memory_space<vmem>>
      %dma_wait3A_349 = tpu.memref_squeeze %dma_wait3A_348 : memref<1x80x128xf32, #tpu.memory_space<vmem>> -> memref<80x128xf32, #tpu.memory_space<vmem>>
      %dma_wait3A_350 = arith.constant 0 : i32
      %dma_wait3A_351 = tpu.memref_slice %arg7[%dma_wait3A_343, %dma_wait3A_350] : memref<3x80xi32, #tpu.memory_space<vmem>> -> memref<1x80xi32, #tpu.memory_space<vmem>>
      %dma_wait3A_352 = tpu.memref_squeeze %dma_wait3A_351 : memref<1x80xi32, #tpu.memory_space<vmem>> -> memref<80xi32, #tpu.memory_space<vmem>>
      %dma_wait3A_353 = arith.constant 0 : i32
      %dma_wait3A_354 = arith.constant 0 : i32
      %dma_wait3A_355 = tpu.memref_slice %arg2[%dma_wait3A_353, %dma_wait3A_354] : memref<10000x128xf32, #tpu.memory_space<hbm>> -> memref<10000x128xf32, #tpu.memory_space<hbm>>
      %dma_wait3A_356 = tpu.memref_slice %arg14[%dma_wait3A_345] : memref<3x!tpu.dma_semaphore, #tpu.memory_space<semaphore_mem>> -> memref<1x!tpu.dma_semaphore, #tpu.memory_space<semaphore_mem>>
      %dma_wait3A_357 = tpu.memref_squeeze %dma_wait3A_356 : memref<1x!tpu.dma_semaphore, #tpu.memory_space<semaphore_mem>> -> memref<!tpu.dma_semaphore, #tpu.memory_space<semaphore_mem>>
      tpu.wait_indirect_dma semaphore(%dma_wait3A_357 : memref<!tpu.dma_semaphore, #tpu.memory_space<semaphore_mem>>) src(%dma_wait3A_355 : memref<10000x128xf32, #tpu.memory_space<hbm>>) dst(%dma_wait3A_349 : memref<80x128xf32, #tpu.memory_space<vmem>>)
      %dma_wait3A_358 = arith.constant 1 : i32
      %dma_wait3A_359 = arith.constant 1 : i32
      %dma_wait3A_360 = arith.constant 0 : i32
      %dma_wait3A_361 = tpu.memref_slice %arg8[%dma_wait3A_358, %dma_wait3A_360] : memref<3x80xi32, #tpu.memory_space<vmem>> -> memref<1x80xi32, #tpu.memory_space<vmem>>
      %dma_wait3A_362 = tpu.memref_squeeze %dma_wait3A_361 : memref<1x80xi32, #tpu.memory_space<vmem>> -> memref<80xi32, #tpu.memory_space<vmem>>
      %dma_wait3A_363 = tpu.memref_slice %arg4[%mul3A_4] : memref<320000xi32, #tpu.memory_space<hbm>> -> memref<80xi32, #tpu.memory_space<hbm>>
      %dma_wait3A_364 = tpu.memref_slice %arg12[%dma_wait3A_359] : memref<3x!tpu.dma_semaphore, #tpu.memory_space<semaphore_mem>> -> memref<1x!tpu.dma_semaphore, #tpu.memory_space<semaphore_mem>>
      %dma_wait3A_365 = tpu.memref_squeeze %dma_wait3A_364 : memref<1x!tpu.dma_semaphore, #tpu.memory_space<semaphore_mem>> -> memref<!tpu.dma_semaphore, #tpu.memory_space<semaphore_mem>>
      %dma_wait3A_366 = arith.constant 0 : i32
      %dma_wait3A_367 = tpu.memref_slice %arg8[%dma_wait3A_358, %dma_wait3A_366] : memref<3x80xi32, #tpu.memory_space<vmem>> -> memref<1x80xi32, #tpu.memory_space<vmem>>
      %dma_wait3A_368 = tpu.memref_squeeze %dma_wait3A_367 : memref<1x80xi32, #tpu.memory_space<vmem>> -> memref<80xi32, #tpu.memory_space<vmem>>
      %dma_wait3A_369 = tpu.memref_slice %arg4[%mul3A_4] : memref<320000xi32, #tpu.memory_space<hbm>> -> memref<80xi32, #tpu.memory_space<hbm>>
      tpu.wait_dma2 semaphore(%dma_wait3A_365 : memref<!tpu.dma_semaphore, #tpu.memory_space<semaphore_mem>>) src(%dma_wait3A_369 : memref<80xi32, #tpu.memory_space<hbm>>) dst(%dma_wait3A_368 : memref<80xi32, #tpu.memory_space<vmem>>)
      %dma_start3A_370 = arith.constant 1 : i32
      %dma_start3A_371 = arith.constant 1 : i32
      %dma_start3A_372 = arith.constant 1 : i32
      %dma_start3A_373 = arith.constant 0 : i32
      %dma_start3A_374 = arith.constant 0 : i32
      %dma_start3A_375 = tpu.memref_slice %arg9[%dma_start3A_370, %dma_start3A_373, %dma_start3A_374] : memref<3x80x128xf32, #tpu.memory_space<vmem>> -> memref<1x80x128xf32, #tpu.memory_space<vmem>>
      %dma_start3A_376 = tpu.memref_squeeze %dma_start3A_375 : memref<1x80x128xf32, #tpu.memory_space<vmem>> -> memref<80x128xf32, #tpu.memory_space<vmem>>
      %dma_start3A_377 = arith.constant 0 : i32
      %dma_start3A_378 = tpu.memref_slice %arg8[%dma_start3A_371, %dma_start3A_377] : memref<3x80xi32, #tpu.memory_space<vmem>> -> memref<1x80xi32, #tpu.memory_space<vmem>>
      %dma_start3A_379 = tpu.memref_squeeze %dma_start3A_378 : memref<1x80xi32, #tpu.memory_space<vmem>> -> memref<80xi32, #tpu.memory_space<vmem>>
      %dma_start3A_380 = arith.constant 0 : i32
      %dma_start3A_381 = arith.constant 0 : i32
      %dma_start3A_382 = tpu.memref_slice %arg10[%dma_start3A_380, %dma_start3A_381] : memref<10112x128xf32, #tpu.memory_space<vmem_shared>> -> memref<10112x128xf32, #tpu.memory_space<vmem_shared>>
      %dma_start3A_383 = tpu.memref_slice %arg15[%dma_start3A_372] : memref<3x!tpu.dma_semaphore, #tpu.memory_space<semaphore_mem>> -> memref<1x!tpu.dma_semaphore, #tpu.memory_space<semaphore_mem>>
      %dma_start3A_384 = tpu.memref_squeeze %dma_start3A_383 : memref<1x!tpu.dma_semaphore, #tpu.memory_space<semaphore_mem>> -> memref<!tpu.dma_semaphore, #tpu.memory_space<semaphore_mem>>
      tpu.enqueue_indirect_dma source(%dma_start3A_376 : memref<80x128xf32, #tpu.memory_space<vmem>>) target(%dma_start3A_382 : memref<10112x128xf32, #tpu.memory_space<vmem_shared>>) offsets(%dma_start3A_379 : memref<80xi32, #tpu.memory_space<vmem>>) semaphore(%dma_start3A_384 : memref<!tpu.dma_semaphore, #tpu.memory_space<semaphore_mem>>) {add = true}
      %add3A_385 = arith.constant 3 : i32
      %add3A_386 = arith.addi %add3A_335, %add3A_385 : i32
      %lt3A_387 = arith.constant 125 : i32
      %lt3A_388 = arith.cmpi slt, %add3A_386, %lt3A_387 : i32
      %convert_element_type3A_389 = arith.extui %lt3A_388 : i1 to i32
      %cond3A_390 = arith.constant 0 : i32
      %cond3A_391 = arith.cmpi ne, %convert_element_type3A_389, %cond3A_390 : i32
      scf.if %cond3A_391 {
        %add3A_450 = arith.constant 3 : i32
        %add3A_451 = arith.addi %add3A_335, %add3A_450 : i32
        %mul3A_452 = arith.constant 80 : i32
        %mul3A_453 = arith.muli %add3A_451, %mul3A_452 : i32
        %add3A_454 = arith.addi %mul3A_4, %mul3A_453 : i32
        %dma_start3A_455 = arith.constant 1 : i32
        %dma_start3A_456 = arith.constant 1 : i32
        %dma_start3A_457 = arith.constant 0 : i32
        %dma_start3A_458 = tpu.memref_slice %arg7[%dma_start3A_455, %dma_start3A_457] : memref<3x80xi32, #tpu.memory_space<vmem>> -> memref<1x80xi32, #tpu.memory_space<vmem>>
        %dma_start3A_459 = tpu.memref_squeeze %dma_start3A_458 : memref<1x80xi32, #tpu.memory_space<vmem>> -> memref<80xi32, #tpu.memory_space<vmem>>
        %dma_start3A_460 = tpu.memref_slice %arg3[%add3A_454] : memref<320000xi32, #tpu.memory_space<hbm>> -> memref<80xi32, #tpu.memory_space<hbm>>
        %dma_start3A_461 = tpu.memref_slice %arg11[%dma_start3A_456] : memref<3x!tpu.dma_semaphore, #tpu.memory_space<semaphore_mem>> -> memref<1x!tpu.dma_semaphore, #tpu.memory_space<semaphore_mem>>
        %dma_start3A_462 = tpu.memref_squeeze %dma_start3A_461 : memref<1x!tpu.dma_semaphore, #tpu.memory_space<semaphore_mem>> -> memref<!tpu.dma_semaphore, #tpu.memory_space<semaphore_mem>>
        %dma_start3A_463 = arith.constant 0 : i32
        %dma_start3A_464 = tpu.memref_slice %arg7[%dma_start3A_455, %dma_start3A_463] : memref<3x80xi32, #tpu.memory_space<vmem>> -> memref<1x80xi32, #tpu.memory_space<vmem>>
        %dma_start3A_465 = tpu.memref_squeeze %dma_start3A_464 : memref<1x80xi32, #tpu.memory_space<vmem>> -> memref<80xi32, #tpu.memory_space<vmem>>
        %dma_start3A_466 = tpu.memref_slice %arg3[%add3A_454] : memref<320000xi32, #tpu.memory_space<hbm>> -> memref<80xi32, #tpu.memory_space<hbm>>
        tpu.enqueue_dma source(%dma_start3A_466 : memref<80xi32, #tpu.memory_space<hbm>>) target(%dma_start3A_465 : memref<80xi32, #tpu.memory_space<vmem>>) target_semaphore(%dma_start3A_462 : memref<!tpu.dma_semaphore, #tpu.memory_space<semaphore_mem>>)
      } else {
      }
      %add3A_392 = arith.constant 2 : i32
      %add3A_393 = arith.addi %add3A_275, %add3A_392 : i32
      %add3A_394 = arith.constant 2 : i32
      %add3A_395 = arith.addi %add3A_393, %add3A_394 : i32
      %lt3A_396 = arith.constant 125 : i32
      %lt3A_397 = arith.cmpi slt, %add3A_395, %lt3A_396 : i32
      %convert_element_type3A_398 = arith.extui %lt3A_397 : i1 to i32
      %cond3A_399 = arith.constant 0 : i32
      %cond3A_400 = arith.cmpi ne, %convert_element_type3A_398, %cond3A_399 : i32
      scf.if %cond3A_400 {
        %ge3A = arith.constant 1 : i32
        %ge3A_450 = arith.cmpi sge, %add3A_393, %ge3A : i32
        %convert_element_type3A_451 = arith.extui %ge3A_450 : i1 to i32
        %cond3A_452 = arith.constant 0 : i32
        %cond3A_453 = arith.cmpi ne, %convert_element_type3A_451, %cond3A_452 : i32
        scf.if %cond3A_453 {
          %dma_wait3A_498 = arith.constant 1 : i32
          %dma_wait3A_499 = arith.constant 2 : i32
          %dma_wait3A_500 = arith.constant 1 : i32
          %dma_wait3A_501 = arith.constant 0 : i32
          %dma_wait3A_502 = arith.constant 0 : i32
          %dma_wait3A_503 = tpu.memref_slice %arg9[%dma_wait3A_498, %dma_wait3A_501, %dma_wait3A_502] : memref<3x80x128xf32, #tpu.memory_space<vmem>> -> memref<1x80x128xf32, #tpu.memory_space<vmem>>
          %dma_wait3A_504 = tpu.memref_squeeze %dma_wait3A_503 : memref<1x80x128xf32, #tpu.memory_space<vmem>> -> memref<80x128xf32, #tpu.memory_space<vmem>>
          %dma_wait3A_505 = arith.constant 0 : i32
          %dma_wait3A_506 = tpu.memref_slice %arg8[%dma_wait3A_499, %dma_wait3A_505] : memref<3x80xi32, #tpu.memory_space<vmem>> -> memref<1x80xi32, #tpu.memory_space<vmem>>
          %dma_wait3A_507 = tpu.memref_squeeze %dma_wait3A_506 : memref<1x80xi32, #tpu.memory_space<vmem>> -> memref<80xi32, #tpu.memory_space<vmem>>
          %dma_wait3A_508 = arith.constant 0 : i32
          %dma_wait3A_509 = arith.constant 0 : i32
          %dma_wait3A_510 = tpu.memref_slice %arg10[%dma_wait3A_508, %dma_wait3A_509] : memref<10112x128xf32, #tpu.memory_space<vmem_shared>> -> memref<10112x128xf32, #tpu.memory_space<vmem_shared>>
          %dma_wait3A_511 = tpu.memref_slice %arg15[%dma_wait3A_500] : memref<3x!tpu.dma_semaphore, #tpu.memory_space<semaphore_mem>> -> memref<1x!tpu.dma_semaphore, #tpu.memory_space<semaphore_mem>>
          %dma_wait3A_512 = tpu.memref_squeeze %dma_wait3A_511 : memref<1x!tpu.dma_semaphore, #tpu.memory_space<semaphore_mem>> -> memref<!tpu.dma_semaphore, #tpu.memory_space<semaphore_mem>>
          tpu.wait_indirect_dma semaphore(%dma_wait3A_512 : memref<!tpu.dma_semaphore, #tpu.memory_space<semaphore_mem>>) src(%dma_wait3A_504 : memref<80x128xf32, #tpu.memory_space<vmem>>) dst(%dma_wait3A_510 : memref<10112x128xf32, #tpu.memory_space<vmem_shared>>)
        } else {
        }
        %add3A_454 = arith.constant 2 : i32
        %add3A_455 = arith.addi %add3A_393, %add3A_454 : i32
        %mul3A_456 = arith.constant 80 : i32
        %mul3A_457 = arith.muli %add3A_455, %mul3A_456 : i32
        %add3A_458 = arith.addi %mul3A_4, %mul3A_457 : i32
        %dma_start3A_459 = arith.constant 1 : i32
        %dma_start3A_460 = arith.constant 1 : i32
        %dma_start3A_461 = arith.constant 0 : i32
        %dma_start3A_462 = tpu.memref_slice %arg8[%dma_start3A_459, %dma_start3A_461] : memref<3x80xi32, #tpu.memory_space<vmem>> -> memref<1x80xi32, #tpu.memory_space<vmem>>
        %dma_start3A_463 = tpu.memref_squeeze %dma_start3A_462 : memref<1x80xi32, #tpu.memory_space<vmem>> -> memref<80xi32, #tpu.memory_space<vmem>>
        %dma_start3A_464 = tpu.memref_slice %arg4[%add3A_458] : memref<320000xi32, #tpu.memory_space<hbm>> -> memref<80xi32, #tpu.memory_space<hbm>>
        %dma_start3A_465 = tpu.memref_slice %arg12[%dma_start3A_460] : memref<3x!tpu.dma_semaphore, #tpu.memory_space<semaphore_mem>> -> memref<1x!tpu.dma_semaphore, #tpu.memory_space<semaphore_mem>>
        %dma_start3A_466 = tpu.memref_squeeze %dma_start3A_465 : memref<1x!tpu.dma_semaphore, #tpu.memory_space<semaphore_mem>> -> memref<!tpu.dma_semaphore, #tpu.memory_space<semaphore_mem>>
        %dma_start3A_467 = arith.constant 0 : i32
        %dma_start3A_468 = tpu.memref_slice %arg8[%dma_start3A_459, %dma_start3A_467] : memref<3x80xi32, #tpu.memory_space<vmem>> -> memref<1x80xi32, #tpu.memory_space<vmem>>
        %dma_start3A_469 = tpu.memref_squeeze %dma_start3A_468 : memref<1x80xi32, #tpu.memory_space<vmem>> -> memref<80xi32, #tpu.memory_space<vmem>>
        %dma_start3A_470 = tpu.memref_slice %arg4[%add3A_458] : memref<320000xi32, #tpu.memory_space<hbm>> -> memref<80xi32, #tpu.memory_space<hbm>>
        tpu.enqueue_dma source(%dma_start3A_470 : memref<80xi32, #tpu.memory_space<hbm>>) target(%dma_start3A_469 : memref<80xi32, #tpu.memory_space<vmem>>) target_semaphore(%dma_start3A_466 : memref<!tpu.dma_semaphore, #tpu.memory_space<semaphore_mem>>)
        %dma_wait3A_471 = arith.constant 1 : i32
        %dma_wait3A_472 = arith.constant 1 : i32
        %dma_wait3A_473 = arith.constant 0 : i32
        %dma_wait3A_474 = tpu.memref_slice %arg7[%dma_wait3A_471, %dma_wait3A_473] : memref<3x80xi32, #tpu.memory_space<vmem>> -> memref<1x80xi32, #tpu.memory_space<vmem>>
        %dma_wait3A_475 = tpu.memref_squeeze %dma_wait3A_474 : memref<1x80xi32, #tpu.memory_space<vmem>> -> memref<80xi32, #tpu.memory_space<vmem>>
        %dma_wait3A_476 = tpu.memref_slice %arg3[%mul3A_4] : memref<320000xi32, #tpu.memory_space<hbm>> -> memref<80xi32, #tpu.memory_space<hbm>>
        %dma_wait3A_477 = tpu.memref_slice %arg11[%dma_wait3A_472] : memref<3x!tpu.dma_semaphore, #tpu.memory_space<semaphore_mem>> -> memref<1x!tpu.dma_semaphore, #tpu.memory_space<semaphore_mem>>
        %dma_wait3A_478 = tpu.memref_squeeze %dma_wait3A_477 : memref<1x!tpu.dma_semaphore, #tpu.memory_space<semaphore_mem>> -> memref<!tpu.dma_semaphore, #tpu.memory_space<semaphore_mem>>
        %dma_wait3A_479 = arith.constant 0 : i32
        %dma_wait3A_480 = tpu.memref_slice %arg7[%dma_wait3A_471, %dma_wait3A_479] : memref<3x80xi32, #tpu.memory_space<vmem>> -> memref<1x80xi32, #tpu.memory_space<vmem>>
        %dma_wait3A_481 = tpu.memref_squeeze %dma_wait3A_480 : memref<1x80xi32, #tpu.memory_space<vmem>> -> memref<80xi32, #tpu.memory_space<vmem>>
        %dma_wait3A_482 = tpu.memref_slice %arg3[%mul3A_4] : memref<320000xi32, #tpu.memory_space<hbm>> -> memref<80xi32, #tpu.memory_space<hbm>>
        tpu.wait_dma2 semaphore(%dma_wait3A_478 : memref<!tpu.dma_semaphore, #tpu.memory_space<semaphore_mem>>) src(%dma_wait3A_482 : memref<80xi32, #tpu.memory_space<hbm>>) dst(%dma_wait3A_481 : memref<80xi32, #tpu.memory_space<vmem>>)
        %dma_start3A_483 = arith.constant 1 : i32
        %dma_start3A_484 = arith.constant 1 : i32
        %dma_start3A_485 = arith.constant 1 : i32
        %dma_start3A_486 = arith.constant 0 : i32
        %dma_start3A_487 = arith.constant 0 : i32
        %dma_start3A_488 = tpu.memref_slice %arg9[%dma_start3A_484, %dma_start3A_486, %dma_start3A_487] : memref<3x80x128xf32, #tpu.memory_space<vmem>> -> memref<1x80x128xf32, #tpu.memory_space<vmem>>
        %dma_start3A_489 = tpu.memref_squeeze %dma_start3A_488 : memref<1x80x128xf32, #tpu.memory_space<vmem>> -> memref<80x128xf32, #tpu.memory_space<vmem>>
        %dma_start3A_490 = arith.constant 0 : i32
        %dma_start3A_491 = tpu.memref_slice %arg7[%dma_start3A_483, %dma_start3A_490] : memref<3x80xi32, #tpu.memory_space<vmem>> -> memref<1x80xi32, #tpu.memory_space<vmem>>
        %dma_start3A_492 = tpu.memref_squeeze %dma_start3A_491 : memref<1x80xi32, #tpu.memory_space<vmem>> -> memref<80xi32, #tpu.memory_space<vmem>>
        %dma_start3A_493 = arith.constant 0 : i32
        %dma_start3A_494 = arith.constant 0 : i32
        %dma_start3A_495 = tpu.memref_slice %arg2[%dma_start3A_493, %dma_start3A_494] : memref<10000x128xf32, #tpu.memory_space<hbm>> -> memref<10000x128xf32, #tpu.memory_space<hbm>>
        %dma_start3A_496 = tpu.memref_slice %arg14[%dma_start3A_485] : memref<3x!tpu.dma_semaphore, #tpu.memory_space<semaphore_mem>> -> memref<1x!tpu.dma_semaphore, #tpu.memory_space<semaphore_mem>>
        %dma_start3A_497 = tpu.memref_squeeze %dma_start3A_496 : memref<1x!tpu.dma_semaphore, #tpu.memory_space<semaphore_mem>> -> memref<!tpu.dma_semaphore, #tpu.memory_space<semaphore_mem>>
        tpu.enqueue_indirect_dma source(%dma_start3A_495 : memref<10000x128xf32, #tpu.memory_space<hbm>>) target(%dma_start3A_489 : memref<80x128xf32, #tpu.memory_space<vmem>>) offsets(%dma_start3A_492 : memref<80xi32, #tpu.memory_space<vmem>>) semaphore(%dma_start3A_497 : memref<!tpu.dma_semaphore, #tpu.memory_space<semaphore_mem>>)
      } else {
      }
      %dma_wait3A_401 = arith.constant 2 : i32
      %dma_wait3A_402 = arith.constant 2 : i32
      %dma_wait3A_403 = arith.constant 2 : i32
      %dma_wait3A_404 = arith.constant 0 : i32
      %dma_wait3A_405 = arith.constant 0 : i32
      %dma_wait3A_406 = tpu.memref_slice %arg9[%dma_wait3A_402, %dma_wait3A_404, %dma_wait3A_405] : memref<3x80x128xf32, #tpu.memory_space<vmem>> -> memref<1x80x128xf32, #tpu.memory_space<vmem>>
      %dma_wait3A_407 = tpu.memref_squeeze %dma_wait3A_406 : memref<1x80x128xf32, #tpu.memory_space<vmem>> -> memref<80x128xf32, #tpu.memory_space<vmem>>
      %dma_wait3A_408 = arith.constant 0 : i32
      %dma_wait3A_409 = tpu.memref_slice %arg7[%dma_wait3A_401, %dma_wait3A_408] : memref<3x80xi32, #tpu.memory_space<vmem>> -> memref<1x80xi32, #tpu.memory_space<vmem>>
      %dma_wait3A_410 = tpu.memref_squeeze %dma_wait3A_409 : memref<1x80xi32, #tpu.memory_space<vmem>> -> memref<80xi32, #tpu.memory_space<vmem>>
      %dma_wait3A_411 = arith.constant 0 : i32
      %dma_wait3A_412 = arith.constant 0 : i32
      %dma_wait3A_413 = tpu.memref_slice %arg2[%dma_wait3A_411, %dma_wait3A_412] : memref<10000x128xf32, #tpu.memory_space<hbm>> -> memref<10000x128xf32, #tpu.memory_space<hbm>>
      %dma_wait3A_414 = tpu.memref_slice %arg14[%dma_wait3A_403] : memref<3x!tpu.dma_semaphore, #tpu.memory_space<semaphore_mem>> -> memref<1x!tpu.dma_semaphore, #tpu.memory_space<semaphore_mem>>
      %dma_wait3A_415 = tpu.memref_squeeze %dma_wait3A_414 : memref<1x!tpu.dma_semaphore, #tpu.memory_space<semaphore_mem>> -> memref<!tpu.dma_semaphore, #tpu.memory_space<semaphore_mem>>
      tpu.wait_indirect_dma semaphore(%dma_wait3A_415 : memref<!tpu.dma_semaphore, #tpu.memory_space<semaphore_mem>>) src(%dma_wait3A_413 : memref<10000x128xf32, #tpu.memory_space<hbm>>) dst(%dma_wait3A_407 : memref<80x128xf32, #tpu.memory_space<vmem>>)
      %dma_wait3A_416 = arith.constant 2 : i32
      %dma_wait3A_417 = arith.constant 2 : i32
      %dma_wait3A_418 = arith.constant 0 : i32
      %dma_wait3A_419 = tpu.memref_slice %arg8[%dma_wait3A_416, %dma_wait3A_418] : memref<3x80xi32, #tpu.memory_space<vmem>> -> memref<1x80xi32, #tpu.memory_space<vmem>>
      %dma_wait3A_420 = tpu.memref_squeeze %dma_wait3A_419 : memref<1x80xi32, #tpu.memory_space<vmem>> -> memref<80xi32, #tpu.memory_space<vmem>>
      %dma_wait3A_421 = tpu.memref_slice %arg4[%mul3A_4] : memref<320000xi32, #tpu.memory_space<hbm>> -> memref<80xi32, #tpu.memory_space<hbm>>
      %dma_wait3A_422 = tpu.memref_slice %arg12[%dma_wait3A_417] : memref<3x!tpu.dma_semaphore, #tpu.memory_space<semaphore_mem>> -> memref<1x!tpu.dma_semaphore, #tpu.memory_space<semaphore_mem>>
      %dma_wait3A_423 = tpu.memref_squeeze %dma_wait3A_422 : memref<1x!tpu.dma_semaphore, #tpu.memory_space<semaphore_mem>> -> memref<!tpu.dma_semaphore, #tpu.memory_space<semaphore_mem>>
      %dma_wait3A_424 = arith.constant 0 : i32
      %dma_wait3A_425 = tpu.memref_slice %arg8[%dma_wait3A_416, %dma_wait3A_424] : memref<3x80xi32, #tpu.memory_space<vmem>> -> memref<1x80xi32, #tpu.memory_space<vmem>>
      %dma_wait3A_426 = tpu.memref_squeeze %dma_wait3A_425 : memref<1x80xi32, #tpu.memory_space<vmem>> -> memref<80xi32, #tpu.memory_space<vmem>>
      %dma_wait3A_427 = tpu.memref_slice %arg4[%mul3A_4] : memref<320000xi32, #tpu.memory_space<hbm>> -> memref<80xi32, #tpu.memory_space<hbm>>
      tpu.wait_dma2 semaphore(%dma_wait3A_423 : memref<!tpu.dma_semaphore, #tpu.memory_space<semaphore_mem>>) src(%dma_wait3A_427 : memref<80xi32, #tpu.memory_space<hbm>>) dst(%dma_wait3A_426 : memref<80xi32, #tpu.memory_space<vmem>>)
      %dma_start3A_428 = arith.constant 2 : i32
      %dma_start3A_429 = arith.constant 2 : i32
      %dma_start3A_430 = arith.constant 2 : i32
      %dma_start3A_431 = arith.constant 0 : i32
      %dma_start3A_432 = arith.constant 0 : i32
      %dma_start3A_433 = tpu.memref_slice %arg9[%dma_start3A_428, %dma_start3A_431, %dma_start3A_432] : memref<3x80x128xf32, #tpu.memory_space<vmem>> -> memref<1x80x128xf32, #tpu.memory_space<vmem>>
      %dma_start3A_434 = tpu.memref_squeeze %dma_start3A_433 : memref<1x80x128xf32, #tpu.memory_space<vmem>> -> memref<80x128xf32, #tpu.memory_space<vmem>>
      %dma_start3A_435 = arith.constant 0 : i32
      %dma_start3A_436 = tpu.memref_slice %arg8[%dma_start3A_429, %dma_start3A_435] : memref<3x80xi32, #tpu.memory_space<vmem>> -> memref<1x80xi32, #tpu.memory_space<vmem>>
      %dma_start3A_437 = tpu.memref_squeeze %dma_start3A_436 : memref<1x80xi32, #tpu.memory_space<vmem>> -> memref<80xi32, #tpu.memory_space<vmem>>
      %dma_start3A_438 = arith.constant 0 : i32
      %dma_start3A_439 = arith.constant 0 : i32
      %dma_start3A_440 = tpu.memref_slice %arg10[%dma_start3A_438, %dma_start3A_439] : memref<10112x128xf32, #tpu.memory_space<vmem_shared>> -> memref<10112x128xf32, #tpu.memory_space<vmem_shared>>
      %dma_start3A_441 = tpu.memref_slice %arg15[%dma_start3A_430] : memref<3x!tpu.dma_semaphore, #tpu.memory_space<semaphore_mem>> -> memref<1x!tpu.dma_semaphore, #tpu.memory_space<semaphore_mem>>
      %dma_start3A_442 = tpu.memref_squeeze %dma_start3A_441 : memref<1x!tpu.dma_semaphore, #tpu.memory_space<semaphore_mem>> -> memref<!tpu.dma_semaphore, #tpu.memory_space<semaphore_mem>>
      tpu.enqueue_indirect_dma source(%dma_start3A_434 : memref<80x128xf32, #tpu.memory_space<vmem>>) target(%dma_start3A_440 : memref<10112x128xf32, #tpu.memory_space<vmem_shared>>) offsets(%dma_start3A_437 : memref<80xi32, #tpu.memory_space<vmem>>) semaphore(%dma_start3A_442 : memref<!tpu.dma_semaphore, #tpu.memory_space<semaphore_mem>>) {add = true}
      %add3A_443 = arith.constant 3 : i32
      %add3A_444 = arith.addi %add3A_393, %add3A_443 : i32
      %lt3A_445 = arith.constant 125 : i32
      %lt3A_446 = arith.cmpi slt, %add3A_444, %lt3A_445 : i32
      %convert_element_type3A_447 = arith.extui %lt3A_446 : i1 to i32
      %cond3A_448 = arith.constant 0 : i32
      %cond3A_449 = arith.cmpi ne, %convert_element_type3A_447, %cond3A_448 : i32
      scf.if %cond3A_449 {
        %add3A_450 = arith.constant 3 : i32
        %add3A_451 = arith.addi %add3A_393, %add3A_450 : i32
        %mul3A_452 = arith.constant 80 : i32
        %mul3A_453 = arith.muli %add3A_451, %mul3A_452 : i32
        %add3A_454 = arith.addi %mul3A_4, %mul3A_453 : i32
        %dma_start3A_455 = arith.constant 2 : i32
        %dma_start3A_456 = arith.constant 2 : i32
        %dma_start3A_457 = arith.constant 0 : i32
        %dma_start3A_458 = tpu.memref_slice %arg7[%dma_start3A_455, %dma_start3A_457] : memref<3x80xi32, #tpu.memory_space<vmem>> -> memref<1x80xi32, #tpu.memory_space<vmem>>
        %dma_start3A_459 = tpu.memref_squeeze %dma_start3A_458 : memref<1x80xi32, #tpu.memory_space<vmem>> -> memref<80xi32, #tpu.memory_space<vmem>>
        %dma_start3A_460 = tpu.memref_slice %arg3[%add3A_454] : memref<320000xi32, #tpu.memory_space<hbm>> -> memref<80xi32, #tpu.memory_space<hbm>>
        %dma_start3A_461 = tpu.memref_slice %arg11[%dma_start3A_456] : memref<3x!tpu.dma_semaphore, #tpu.memory_space<semaphore_mem>> -> memref<1x!tpu.dma_semaphore, #tpu.memory_space<semaphore_mem>>
        %dma_start3A_462 = tpu.memref_squeeze %dma_start3A_461 : memref<1x!tpu.dma_semaphore, #tpu.memory_space<semaphore_mem>> -> memref<!tpu.dma_semaphore, #tpu.memory_space<semaphore_mem>>
        %dma_start3A_463 = arith.constant 0 : i32
        %dma_start3A_464 = tpu.memref_slice %arg7[%dma_start3A_455, %dma_start3A_463] : memref<3x80xi32, #tpu.memory_space<vmem>> -> memref<1x80xi32, #tpu.memory_space<vmem>>
        %dma_start3A_465 = tpu.memref_squeeze %dma_start3A_464 : memref<1x80xi32, #tpu.memory_space<vmem>> -> memref<80xi32, #tpu.memory_space<vmem>>
        %dma_start3A_466 = tpu.memref_slice %arg3[%add3A_454] : memref<320000xi32, #tpu.memory_space<hbm>> -> memref<80xi32, #tpu.memory_space<hbm>>
        tpu.enqueue_dma source(%dma_start3A_466 : memref<80xi32, #tpu.memory_space<hbm>>) target(%dma_start3A_465 : memref<80xi32, #tpu.memory_space<vmem>>) target_semaphore(%dma_start3A_462 : memref<!tpu.dma_semaphore, #tpu.memory_space<semaphore_mem>>)
      } else {
      }
    }
    %scan3A_134 = arith.constant 41 : i32
    %dma_wait3A_135 = arith.constant 0 : i32
    %dma_wait3A_136 = arith.constant 0 : i32
    %dma_wait3A_137 = arith.constant 0 : i32
    %dma_wait3A_138 = arith.constant 0 : i32
    %dma_wait3A_139 = arith.constant 0 : i32
    %dma_wait3A_140 = tpu.memref_slice %arg9[%dma_wait3A_136, %dma_wait3A_138, %dma_wait3A_139] : memref<3x80x128xf32, #tpu.memory_space<vmem>> -> memref<1x80x128xf32, #tpu.memory_space<vmem>>
    %dma_wait3A_141 = tpu.memref_squeeze %dma_wait3A_140 : memref<1x80x128xf32, #tpu.memory_space<vmem>> -> memref<80x128xf32, #tpu.memory_space<vmem>>
    %dma_wait3A_142 = arith.constant 0 : i32
    %dma_wait3A_143 = tpu.memref_slice %arg7[%dma_wait3A_135, %dma_wait3A_142] : memref<3x80xi32, #tpu.memory_space<vmem>> -> memref<1x80xi32, #tpu.memory_space<vmem>>
    %dma_wait3A_144 = tpu.memref_squeeze %dma_wait3A_143 : memref<1x80xi32, #tpu.memory_space<vmem>> -> memref<80xi32, #tpu.memory_space<vmem>>
    %dma_wait3A_145 = arith.constant 0 : i32
    %dma_wait3A_146 = arith.constant 0 : i32
    %dma_wait3A_147 = tpu.memref_slice %arg2[%dma_wait3A_145, %dma_wait3A_146] : memref<10000x128xf32, #tpu.memory_space<hbm>> -> memref<10000x128xf32, #tpu.memory_space<hbm>>
    %dma_wait3A_148 = tpu.memref_slice %arg14[%dma_wait3A_137] : memref<3x!tpu.dma_semaphore, #tpu.memory_space<semaphore_mem>> -> memref<1x!tpu.dma_semaphore, #tpu.memory_space<semaphore_mem>>
    %dma_wait3A_149 = tpu.memref_squeeze %dma_wait3A_148 : memref<1x!tpu.dma_semaphore, #tpu.memory_space<semaphore_mem>> -> memref<!tpu.dma_semaphore, #tpu.memory_space<semaphore_mem>>
    tpu.wait_indirect_dma semaphore(%dma_wait3A_149 : memref<!tpu.dma_semaphore, #tpu.memory_space<semaphore_mem>>) src(%dma_wait3A_147 : memref<10000x128xf32, #tpu.memory_space<hbm>>) dst(%dma_wait3A_141 : memref<80x128xf32, #tpu.memory_space<vmem>>)
    %dma_wait3A_150 = arith.constant 0 : i32
    %dma_wait3A_151 = arith.constant 0 : i32
    %dma_wait3A_152 = arith.constant 0 : i32
    %dma_wait3A_153 = tpu.memref_slice %arg8[%dma_wait3A_150, %dma_wait3A_152] : memref<3x80xi32, #tpu.memory_space<vmem>> -> memref<1x80xi32, #tpu.memory_space<vmem>>
    %dma_wait3A_154 = tpu.memref_squeeze %dma_wait3A_153 : memref<1x80xi32, #tpu.memory_space<vmem>> -> memref<80xi32, #tpu.memory_space<vmem>>
    %dma_wait3A_155 = tpu.memref_slice %arg4[%mul3A_4] : memref<320000xi32, #tpu.memory_space<hbm>> -> memref<80xi32, #tpu.memory_space<hbm>>
    %dma_wait3A_156 = tpu.memref_slice %arg12[%dma_wait3A_151] : memref<3x!tpu.dma_semaphore, #tpu.memory_space<semaphore_mem>> -> memref<1x!tpu.dma_semaphore, #tpu.memory_space<semaphore_mem>>
    %dma_wait3A_157 = tpu.memref_squeeze %dma_wait3A_156 : memref<1x!tpu.dma_semaphore, #tpu.memory_space<semaphore_mem>> -> memref<!tpu.dma_semaphore, #tpu.memory_space<semaphore_mem>>
    %dma_wait3A_158 = arith.constant 0 : i32
    %dma_wait3A_159 = tpu.memref_slice %arg8[%dma_wait3A_150, %dma_wait3A_158] : memref<3x80xi32, #tpu.memory_space<vmem>> -> memref<1x80xi32, #tpu.memory_space<vmem>>
    %dma_wait3A_160 = tpu.memref_squeeze %dma_wait3A_159 : memref<1x80xi32, #tpu.memory_space<vmem>> -> memref<80xi32, #tpu.memory_space<vmem>>
    %dma_wait3A_161 = tpu.memref_slice %arg4[%mul3A_4] : memref<320000xi32, #tpu.memory_space<hbm>> -> memref<80xi32, #tpu.memory_space<hbm>>
    tpu.wait_dma2 semaphore(%dma_wait3A_157 : memref<!tpu.dma_semaphore, #tpu.memory_space<semaphore_mem>>) src(%dma_wait3A_161 : memref<80xi32, #tpu.memory_space<hbm>>) dst(%dma_wait3A_160 : memref<80xi32, #tpu.memory_space<vmem>>)
    %dma_start3A_162 = arith.constant 0 : i32
    %dma_start3A_163 = arith.constant 0 : i32
    %dma_start3A_164 = arith.constant 0 : i32
    %dma_start3A_165 = arith.constant 0 : i32
    %dma_start3A_166 = arith.constant 0 : i32
    %dma_start3A_167 = tpu.memref_slice %arg9[%dma_start3A_162, %dma_start3A_165, %dma_start3A_166] : memref<3x80x128xf32, #tpu.memory_space<vmem>> -> memref<1x80x128xf32, #tpu.memory_space<vmem>>
    %dma_start3A_168 = tpu.memref_squeeze %dma_start3A_167 : memref<1x80x128xf32, #tpu.memory_space<vmem>> -> memref<80x128xf32, #tpu.memory_space<vmem>>
    %dma_start3A_169 = arith.constant 0 : i32
    %dma_start3A_170 = tpu.memref_slice %arg8[%dma_start3A_163, %dma_start3A_169] : memref<3x80xi32, #tpu.memory_space<vmem>> -> memref<1x80xi32, #tpu.memory_space<vmem>>
    %dma_start3A_171 = tpu.memref_squeeze %dma_start3A_170 : memref<1x80xi32, #tpu.memory_space<vmem>> -> memref<80xi32, #tpu.memory_space<vmem>>
    %dma_start3A_172 = arith.constant 0 : i32
    %dma_start3A_173 = arith.constant 0 : i32
    %dma_start3A_174 = tpu.memref_slice %arg10[%dma_start3A_172, %dma_start3A_173] : memref<10112x128xf32, #tpu.memory_space<vmem_shared>> -> memref<10112x128xf32, #tpu.memory_space<vmem_shared>>
    %dma_start3A_175 = tpu.memref_slice %arg15[%dma_start3A_164] : memref<3x!tpu.dma_semaphore, #tpu.memory_space<semaphore_mem>> -> memref<1x!tpu.dma_semaphore, #tpu.memory_space<semaphore_mem>>
    %dma_start3A_176 = tpu.memref_squeeze %dma_start3A_175 : memref<1x!tpu.dma_semaphore, #tpu.memory_space<semaphore_mem>> -> memref<!tpu.dma_semaphore, #tpu.memory_space<semaphore_mem>>
    tpu.enqueue_indirect_dma source(%dma_start3A_168 : memref<80x128xf32, #tpu.memory_space<vmem>>) target(%dma_start3A_174 : memref<10112x128xf32, #tpu.memory_space<vmem_shared>>) offsets(%dma_start3A_171 : memref<80xi32, #tpu.memory_space<vmem>>) semaphore(%dma_start3A_176 : memref<!tpu.dma_semaphore, #tpu.memory_space<semaphore_mem>>) {add = true}
    %dma_wait3A_177 = arith.constant 1 : i32
    %dma_wait3A_178 = arith.constant 1 : i32
    %dma_wait3A_179 = arith.constant 1 : i32
    %dma_wait3A_180 = arith.constant 0 : i32
    %dma_wait3A_181 = arith.constant 0 : i32
    %dma_wait3A_182 = tpu.memref_slice %arg9[%dma_wait3A_178, %dma_wait3A_180, %dma_wait3A_181] : memref<3x80x128xf32, #tpu.memory_space<vmem>> -> memref<1x80x128xf32, #tpu.memory_space<vmem>>
    %dma_wait3A_183 = tpu.memref_squeeze %dma_wait3A_182 : memref<1x80x128xf32, #tpu.memory_space<vmem>> -> memref<80x128xf32, #tpu.memory_space<vmem>>
    %dma_wait3A_184 = arith.constant 0 : i32
    %dma_wait3A_185 = tpu.memref_slice %arg7[%dma_wait3A_177, %dma_wait3A_184] : memref<3x80xi32, #tpu.memory_space<vmem>> -> memref<1x80xi32, #tpu.memory_space<vmem>>
    %dma_wait3A_186 = tpu.memref_squeeze %dma_wait3A_185 : memref<1x80xi32, #tpu.memory_space<vmem>> -> memref<80xi32, #tpu.memory_space<vmem>>
    %dma_wait3A_187 = arith.constant 0 : i32
    %dma_wait3A_188 = arith.constant 0 : i32
    %dma_wait3A_189 = tpu.memref_slice %arg2[%dma_wait3A_187, %dma_wait3A_188] : memref<10000x128xf32, #tpu.memory_space<hbm>> -> memref<10000x128xf32, #tpu.memory_space<hbm>>
    %dma_wait3A_190 = tpu.memref_slice %arg14[%dma_wait3A_179] : memref<3x!tpu.dma_semaphore, #tpu.memory_space<semaphore_mem>> -> memref<1x!tpu.dma_semaphore, #tpu.memory_space<semaphore_mem>>
    %dma_wait3A_191 = tpu.memref_squeeze %dma_wait3A_190 : memref<1x!tpu.dma_semaphore, #tpu.memory_space<semaphore_mem>> -> memref<!tpu.dma_semaphore, #tpu.memory_space<semaphore_mem>>
    tpu.wait_indirect_dma semaphore(%dma_wait3A_191 : memref<!tpu.dma_semaphore, #tpu.memory_space<semaphore_mem>>) src(%dma_wait3A_189 : memref<10000x128xf32, #tpu.memory_space<hbm>>) dst(%dma_wait3A_183 : memref<80x128xf32, #tpu.memory_space<vmem>>)
    %dma_wait3A_192 = arith.constant 1 : i32
    %dma_wait3A_193 = arith.constant 1 : i32
    %dma_wait3A_194 = arith.constant 0 : i32
    %dma_wait3A_195 = tpu.memref_slice %arg8[%dma_wait3A_192, %dma_wait3A_194] : memref<3x80xi32, #tpu.memory_space<vmem>> -> memref<1x80xi32, #tpu.memory_space<vmem>>
    %dma_wait3A_196 = tpu.memref_squeeze %dma_wait3A_195 : memref<1x80xi32, #tpu.memory_space<vmem>> -> memref<80xi32, #tpu.memory_space<vmem>>
    %dma_wait3A_197 = tpu.memref_slice %arg4[%mul3A_4] : memref<320000xi32, #tpu.memory_space<hbm>> -> memref<80xi32, #tpu.memory_space<hbm>>
    %dma_wait3A_198 = tpu.memref_slice %arg12[%dma_wait3A_193] : memref<3x!tpu.dma_semaphore, #tpu.memory_space<semaphore_mem>> -> memref<1x!tpu.dma_semaphore, #tpu.memory_space<semaphore_mem>>
    %dma_wait3A_199 = tpu.memref_squeeze %dma_wait3A_198 : memref<1x!tpu.dma_semaphore, #tpu.memory_space<semaphore_mem>> -> memref<!tpu.dma_semaphore, #tpu.memory_space<semaphore_mem>>
    %dma_wait3A_200 = arith.constant 0 : i32
    %dma_wait3A_201 = tpu.memref_slice %arg8[%dma_wait3A_192, %dma_wait3A_200] : memref<3x80xi32, #tpu.memory_space<vmem>> -> memref<1x80xi32, #tpu.memory_space<vmem>>
    %dma_wait3A_202 = tpu.memref_squeeze %dma_wait3A_201 : memref<1x80xi32, #tpu.memory_space<vmem>> -> memref<80xi32, #tpu.memory_space<vmem>>
    %dma_wait3A_203 = tpu.memref_slice %arg4[%mul3A_4] : memref<320000xi32, #tpu.memory_space<hbm>> -> memref<80xi32, #tpu.memory_space<hbm>>
    tpu.wait_dma2 semaphore(%dma_wait3A_199 : memref<!tpu.dma_semaphore, #tpu.memory_space<semaphore_mem>>) src(%dma_wait3A_203 : memref<80xi32, #tpu.memory_space<hbm>>) dst(%dma_wait3A_202 : memref<80xi32, #tpu.memory_space<vmem>>)
    %dma_start3A_204 = arith.constant 1 : i32
    %dma_start3A_205 = arith.constant 1 : i32
    %dma_start3A_206 = arith.constant 1 : i32
    %dma_start3A_207 = arith.constant 0 : i32
    %dma_start3A_208 = arith.constant 0 : i32
    %dma_start3A_209 = tpu.memref_slice %arg9[%dma_start3A_204, %dma_start3A_207, %dma_start3A_208] : memref<3x80x128xf32, #tpu.memory_space<vmem>> -> memref<1x80x128xf32, #tpu.memory_space<vmem>>
    %dma_start3A_210 = tpu.memref_squeeze %dma_start3A_209 : memref<1x80x128xf32, #tpu.memory_space<vmem>> -> memref<80x128xf32, #tpu.memory_space<vmem>>
    %dma_start3A_211 = arith.constant 0 : i32
    %dma_start3A_212 = tpu.memref_slice %arg8[%dma_start3A_205, %dma_start3A_211] : memref<3x80xi32, #tpu.memory_space<vmem>> -> memref<1x80xi32, #tpu.memory_space<vmem>>
    %dma_start3A_213 = tpu.memref_squeeze %dma_start3A_212 : memref<1x80xi32, #tpu.memory_space<vmem>> -> memref<80xi32, #tpu.memory_space<vmem>>
    %dma_start3A_214 = arith.constant 0 : i32
    %dma_start3A_215 = arith.constant 0 : i32
    %dma_start3A_216 = tpu.memref_slice %arg10[%dma_start3A_214, %dma_start3A_215] : memref<10112x128xf32, #tpu.memory_space<vmem_shared>> -> memref<10112x128xf32, #tpu.memory_space<vmem_shared>>
    %dma_start3A_217 = tpu.memref_slice %arg15[%dma_start3A_206] : memref<3x!tpu.dma_semaphore, #tpu.memory_space<semaphore_mem>> -> memref<1x!tpu.dma_semaphore, #tpu.memory_space<semaphore_mem>>
    %dma_start3A_218 = tpu.memref_squeeze %dma_start3A_217 : memref<1x!tpu.dma_semaphore, #tpu.memory_space<semaphore_mem>> -> memref<!tpu.dma_semaphore, #tpu.memory_space<semaphore_mem>>
    tpu.enqueue_indirect_dma source(%dma_start3A_210 : memref<80x128xf32, #tpu.memory_space<vmem>>) target(%dma_start3A_216 : memref<10112x128xf32, #tpu.memory_space<vmem_shared>>) offsets(%dma_start3A_213 : memref<80xi32, #tpu.memory_space<vmem>>) semaphore(%dma_start3A_218 : memref<!tpu.dma_semaphore, #tpu.memory_space<semaphore_mem>>) {add = true}
    %dma_wait3A_219 = arith.constant 0 : i32
    %dma_wait3A_220 = arith.constant 0 : i32
    %dma_wait3A_221 = arith.constant 0 : i32
    %dma_wait3A_222 = arith.constant 0 : i32
    %dma_wait3A_223 = arith.constant 0 : i32
    %dma_wait3A_224 = tpu.memref_slice %arg9[%dma_wait3A_219, %dma_wait3A_222, %dma_wait3A_223] : memref<3x80x128xf32, #tpu.memory_space<vmem>> -> memref<1x80x128xf32, #tpu.memory_space<vmem>>
    %dma_wait3A_225 = tpu.memref_squeeze %dma_wait3A_224 : memref<1x80x128xf32, #tpu.memory_space<vmem>> -> memref<80x128xf32, #tpu.memory_space<vmem>>
    %dma_wait3A_226 = arith.constant 0 : i32
    %dma_wait3A_227 = tpu.memref_slice %arg8[%dma_wait3A_220, %dma_wait3A_226] : memref<3x80xi32, #tpu.memory_space<vmem>> -> memref<1x80xi32, #tpu.memory_space<vmem>>
    %dma_wait3A_228 = tpu.memref_squeeze %dma_wait3A_227 : memref<1x80xi32, #tpu.memory_space<vmem>> -> memref<80xi32, #tpu.memory_space<vmem>>
    %dma_wait3A_229 = arith.constant 0 : i32
    %dma_wait3A_230 = arith.constant 0 : i32
    %dma_wait3A_231 = tpu.memref_slice %arg10[%dma_wait3A_229, %dma_wait3A_230] : memref<10112x128xf32, #tpu.memory_space<vmem_shared>> -> memref<10112x128xf32, #tpu.memory_space<vmem_shared>>
    %dma_wait3A_232 = tpu.memref_slice %arg15[%dma_wait3A_221] : memref<3x!tpu.dma_semaphore, #tpu.memory_space<semaphore_mem>> -> memref<1x!tpu.dma_semaphore, #tpu.memory_space<semaphore_mem>>
    %dma_wait3A_233 = tpu.memref_squeeze %dma_wait3A_232 : memref<1x!tpu.dma_semaphore, #tpu.memory_space<semaphore_mem>> -> memref<!tpu.dma_semaphore, #tpu.memory_space<semaphore_mem>>
    tpu.wait_indirect_dma semaphore(%dma_wait3A_233 : memref<!tpu.dma_semaphore, #tpu.memory_space<semaphore_mem>>) src(%dma_wait3A_225 : memref<80x128xf32, #tpu.memory_space<vmem>>) dst(%dma_wait3A_231 : memref<10112x128xf32, #tpu.memory_space<vmem_shared>>)
    %dma_wait3A_234 = arith.constant 1 : i32
    %dma_wait3A_235 = arith.constant 0 : i32
    %dma_wait3A_236 = arith.constant 1 : i32
    %dma_wait3A_237 = arith.constant 0 : i32
    %dma_wait3A_238 = arith.constant 0 : i32
    %dma_wait3A_239 = tpu.memref_slice %arg9[%dma_wait3A_234, %dma_wait3A_237, %dma_wait3A_238] : memref<3x80x128xf32, #tpu.memory_space<vmem>> -> memref<1x80x128xf32, #tpu.memory_space<vmem>>
    %dma_wait3A_240 = tpu.memref_squeeze %dma_wait3A_239 : memref<1x80x128xf32, #tpu.memory_space<vmem>> -> memref<80x128xf32, #tpu.memory_space<vmem>>
    %dma_wait3A_241 = arith.constant 0 : i32
    %dma_wait3A_242 = tpu.memref_slice %arg8[%dma_wait3A_235, %dma_wait3A_241] : memref<3x80xi32, #tpu.memory_space<vmem>> -> memref<1x80xi32, #tpu.memory_space<vmem>>
    %dma_wait3A_243 = tpu.memref_squeeze %dma_wait3A_242 : memref<1x80xi32, #tpu.memory_space<vmem>> -> memref<80xi32, #tpu.memory_space<vmem>>
    %dma_wait3A_244 = arith.constant 0 : i32
    %dma_wait3A_245 = arith.constant 0 : i32
    %dma_wait3A_246 = tpu.memref_slice %arg10[%dma_wait3A_244, %dma_wait3A_245] : memref<10112x128xf32, #tpu.memory_space<vmem_shared>> -> memref<10112x128xf32, #tpu.memory_space<vmem_shared>>
    %dma_wait3A_247 = tpu.memref_slice %arg15[%dma_wait3A_236] : memref<3x!tpu.dma_semaphore, #tpu.memory_space<semaphore_mem>> -> memref<1x!tpu.dma_semaphore, #tpu.memory_space<semaphore_mem>>
    %dma_wait3A_248 = tpu.memref_squeeze %dma_wait3A_247 : memref<1x!tpu.dma_semaphore, #tpu.memory_space<semaphore_mem>> -> memref<!tpu.dma_semaphore, #tpu.memory_space<semaphore_mem>>
    tpu.wait_indirect_dma semaphore(%dma_wait3A_248 : memref<!tpu.dma_semaphore, #tpu.memory_space<semaphore_mem>>) src(%dma_wait3A_240 : memref<80x128xf32, #tpu.memory_space<vmem>>) dst(%dma_wait3A_246 : memref<10112x128xf32, #tpu.memory_space<vmem_shared>>)
    %dma_wait3A_249 = arith.constant 2 : i32
    %dma_wait3A_250 = arith.constant 0 : i32
    %dma_wait3A_251 = arith.constant 2 : i32
    %dma_wait3A_252 = arith.constant 0 : i32
    %dma_wait3A_253 = arith.constant 0 : i32
    %dma_wait3A_254 = tpu.memref_slice %arg9[%dma_wait3A_249, %dma_wait3A_252, %dma_wait3A_253] : memref<3x80x128xf32, #tpu.memory_space<vmem>> -> memref<1x80x128xf32, #tpu.memory_space<vmem>>
    %dma_wait3A_255 = tpu.memref_squeeze %dma_wait3A_254 : memref<1x80x128xf32, #tpu.memory_space<vmem>> -> memref<80x128xf32, #tpu.memory_space<vmem>>
    %dma_wait3A_256 = arith.constant 0 : i32
    %dma_wait3A_257 = tpu.memref_slice %arg8[%dma_wait3A_250, %dma_wait3A_256] : memref<3x80xi32, #tpu.memory_space<vmem>> -> memref<1x80xi32, #tpu.memory_space<vmem>>
    %dma_wait3A_258 = tpu.memref_squeeze %dma_wait3A_257 : memref<1x80xi32, #tpu.memory_space<vmem>> -> memref<80xi32, #tpu.memory_space<vmem>>
    %dma_wait3A_259 = arith.constant 0 : i32
    %dma_wait3A_260 = arith.constant 0 : i32
    %dma_wait3A_261 = tpu.memref_slice %arg10[%dma_wait3A_259, %dma_wait3A_260] : memref<10112x128xf32, #tpu.memory_space<vmem_shared>> -> memref<10112x128xf32, #tpu.memory_space<vmem_shared>>
    %dma_wait3A_262 = tpu.memref_slice %arg15[%dma_wait3A_251] : memref<3x!tpu.dma_semaphore, #tpu.memory_space<semaphore_mem>> -> memref<1x!tpu.dma_semaphore, #tpu.memory_space<semaphore_mem>>
    %dma_wait3A_263 = tpu.memref_squeeze %dma_wait3A_262 : memref<1x!tpu.dma_semaphore, #tpu.memory_space<semaphore_mem>> -> memref<!tpu.dma_semaphore, #tpu.memory_space<semaphore_mem>>
    tpu.wait_indirect_dma semaphore(%dma_wait3A_263 : memref<!tpu.dma_semaphore, #tpu.memory_space<semaphore_mem>>) src(%dma_wait3A_255 : memref<80x128xf32, #tpu.memory_space<vmem>>) dst(%dma_wait3A_261 : memref<10112x128xf32, #tpu.memory_space<vmem_shared>>)
    %barrier3A_264 = arith.constant 0 : index
    tpu.barrier barrier_id(%barrier3A_264)
    %lt3A = arith.constant 15 : i32
    %lt3A_265 = arith.cmpi slt, %arg1, %lt3A : i32
    %convert_element_type3A = arith.extui %lt3A_265 : i1 to i32
    %cond3A = arith.constant 0 : i32
    %cond3A_266 = arith.cmpi ne, %convert_element_type3A, %cond3A : i32
    scf.if %cond3A_266 {
      "tpu.region"() ({
        %run_scoped3A = tpu.sem_alloc : memref<!tpu.dma_semaphore, #tpu.memory_space<semaphore_mem>>
        %dma_start3A_271 = arith.constant 0 : i32
        %dma_start3A_272 = arith.constant 0 : i32
        %dma_start3A_273 = tpu.memref_slice %arg6[%arg0, %dma_start3A_271, %dma_start3A_272] : memref<2x10000x128xf32, #tpu.memory_space<hbm>> -> memref<1x10000x128xf32, #tpu.memory_space<hbm>>
        %dma_start3A_274 = tpu.memref_squeeze %dma_start3A_273 : memref<1x10000x128xf32, #tpu.memory_space<hbm>> -> memref<10000x128xf32, #tpu.memory_space<hbm>>
        %dma_start3A_275 = arith.constant 0 : i32
        %dma_start3A_276 = tpu.memref_slice %dma_start3A_274[%mul3A_2, %dma_start3A_275] : memref<10000x128xf32, #tpu.memory_space<hbm>> -> memref<632x128xf32, #tpu.memory_space<hbm>>
        %dma_start3A_277 = arith.constant 0 : i32
        %dma_start3A_278 = tpu.memref_slice %arg10[%mul3A_2, %dma_start3A_277] : memref<10112x128xf32, #tpu.memory_space<vmem_shared>> -> memref<632x128xf32, #tpu.memory_space<vmem_shared>>
        tpu.enqueue_dma source(%dma_start3A_278 : memref<632x128xf32, #tpu.memory_space<vmem_shared>>) target(%dma_start3A_276 : memref<632x128xf32, #tpu.memory_space<hbm>>) target_semaphore(%run_scoped3A : memref<!tpu.dma_semaphore, #tpu.memory_space<semaphore_mem>>)
        %dma_wait3A_279 = arith.constant 0 : i32
        %dma_wait3A_280 = arith.constant 0 : i32
        %dma_wait3A_281 = tpu.memref_slice %arg6[%arg0, %dma_wait3A_279, %dma_wait3A_280] : memref<2x10000x128xf32, #tpu.memory_space<hbm>> -> memref<1x10000x128xf32, #tpu.memory_space<hbm>>
        %dma_wait3A_282 = tpu.memref_squeeze %dma_wait3A_281 : memref<1x10000x128xf32, #tpu.memory_space<hbm>> -> memref<10000x128xf32, #tpu.memory_space<hbm>>
        %dma_wait3A_283 = arith.constant 0 : i32
        %dma_wait3A_284 = tpu.memref_slice %dma_wait3A_282[%mul3A_2, %dma_wait3A_283] : memref<10000x128xf32, #tpu.memory_space<hbm>> -> memref<632x128xf32, #tpu.memory_space<hbm>>
        %dma_wait3A_285 = arith.constant 0 : i32
        %dma_wait3A_286 = tpu.memref_slice %arg10[%mul3A_2, %dma_wait3A_285] : memref<10112x128xf32, #tpu.memory_space<vmem_shared>> -> memref<632x128xf32, #tpu.memory_space<vmem_shared>>
        tpu.wait_dma2 semaphore(%run_scoped3A : memref<!tpu.dma_semaphore, #tpu.memory_space<semaphore_mem>>) src(%dma_wait3A_286 : memref<632x128xf32, #tpu.memory_space<vmem_shared>>) dst(%dma_wait3A_284 : memref<632x128xf32, #tpu.memory_space<hbm>>)
        tpu.yield
      }) : () -> ()
    } else {
    }
    %eq3A = arith.constant 15 : i32
    %eq3A_267 = arith.cmpi eq, %arg1, %eq3A : i32
    %convert_element_type3A_268 = arith.extui %eq3A_267 : i1 to i32
    %cond3A_269 = arith.constant 0 : i32
    %cond3A_270 = arith.cmpi ne, %convert_element_type3A_268, %cond3A_269 : i32
    scf.if %cond3A_270 {
      "tpu.region"() ({
        %run_scoped3A = tpu.sem_alloc : memref<!tpu.dma_semaphore, #tpu.memory_space<semaphore_mem>>
        %dma_start3A_271 = arith.constant 0 : i32
        %dma_start3A_272 = arith.constant 0 : i32
        %dma_start3A_273 = tpu.memref_slice %arg6[%arg0, %dma_start3A_271, %dma_start3A_272] : memref<2x10000x128xf32, #tpu.memory_space<hbm>> -> memref<1x10000x128xf32, #tpu.memory_space<hbm>>
        %dma_start3A_274 = tpu.memref_squeeze %dma_start3A_273 : memref<1x10000x128xf32, #tpu.memory_space<hbm>> -> memref<10000x128xf32, #tpu.memory_space<hbm>>
        %dma_start3A_275 = arith.constant 9480 : i32
        %dma_start3A_276 = arith.constant 0 : i32
        %dma_start3A_277 = tpu.memref_slice %dma_start3A_274[%dma_start3A_275, %dma_start3A_276] : memref<10000x128xf32, #tpu.memory_space<hbm>> -> memref<520x128xf32, #tpu.memory_space<hbm>>
        %dma_start3A_278 = arith.constant 9480 : i32
        %dma_start3A_279 = arith.constant 0 : i32
        %dma_start3A_280 = tpu.memref_slice %arg10[%dma_start3A_278, %dma_start3A_279] : memref<10112x128xf32, #tpu.memory_space<vmem_shared>> -> memref<520x128xf32, #tpu.memory_space<vmem_shared>>
        tpu.enqueue_dma source(%dma_start3A_280 : memref<520x128xf32, #tpu.memory_space<vmem_shared>>) target(%dma_start3A_277 : memref<520x128xf32, #tpu.memory_space<hbm>>) target_semaphore(%run_scoped3A : memref<!tpu.dma_semaphore, #tpu.memory_space<semaphore_mem>>)
        %dma_wait3A_281 = arith.constant 0 : i32
        %dma_wait3A_282 = arith.constant 0 : i32
        %dma_wait3A_283 = tpu.memref_slice %arg6[%arg0, %dma_wait3A_281, %dma_wait3A_282] : memref<2x10000x128xf32, #tpu.memory_space<hbm>> -> memref<1x10000x128xf32, #tpu.memory_space<hbm>>
        %dma_wait3A_284 = tpu.memref_squeeze %dma_wait3A_283 : memref<1x10000x128xf32, #tpu.memory_space<hbm>> -> memref<10000x128xf32, #tpu.memory_space<hbm>>
        %dma_wait3A_285 = arith.constant 9480 : i32
        %dma_wait3A_286 = arith.constant 0 : i32
        %dma_wait3A_287 = tpu.memref_slice %dma_wait3A_284[%dma_wait3A_285, %dma_wait3A_286] : memref<10000x128xf32, #tpu.memory_space<hbm>> -> memref<520x128xf32, #tpu.memory_space<hbm>>
        %dma_wait3A_288 = arith.constant 9480 : i32
        %dma_wait3A_289 = arith.constant 0 : i32
        %dma_wait3A_290 = tpu.memref_slice %arg10[%dma_wait3A_288, %dma_wait3A_289] : memref<10112x128xf32, #tpu.memory_space<vmem_shared>> -> memref<520x128xf32, #tpu.memory_space<vmem_shared>>
        tpu.wait_dma2 semaphore(%run_scoped3A : memref<!tpu.dma_semaphore, #tpu.memory_space<semaphore_mem>>) src(%dma_wait3A_290 : memref<520x128xf32, #tpu.memory_space<vmem_shared>>) dst(%dma_wait3A_287 : memref<520x128xf32, #tpu.memory_space<hbm>>)
        tpu.yield
      }) : () -> ()
    } else {
    }
    return
  }
}

#map = affine_map<(d0, d1) -> (0, 0)>
#map1 = affine_map<(d0, d1) -> (0)>
#map2 = affine_map<(d0, d1) -> (0, 0, 0)>
module attributes {stable_mosaic.version = 14 : i64} {
  func.func @k(%arg0: i32, %arg1: i32, %arg2: memref<10000x128xf32, #tpu.memory_space<hbm>>, %arg3: memref<320000xi32, #tpu.memory_space<hbm>>, %arg4: memref<320000xi32, #tpu.memory_space<hbm>>, %arg5: memref<632x128xf32, #tpu.memory_space<hbm>>, %arg6: memref<2x10000x128xf32, #tpu.memory_space<hbm>>, %arg7: memref<3x80xi32, #tpu.memory_space<vmem>>, %arg8: memref<3x80xi32, #tpu.memory_space<vmem>>, %arg9: memref<3x80x128xf32, #tpu.memory_space<vmem>>, %arg10: memref<10112x128xf32, #tpu.memory_space<vmem_shared>>, %arg11: memref<3x!tpu.dma_semaphore, #tpu.memory_space<semaphore_mem>>, %arg12: memref<3x!tpu.dma_semaphore, #tpu.memory_space<semaphore_mem>>, %arg13: memref<!tpu.dma_semaphore, #tpu.memory_space<semaphore_mem>>, %arg14: memref<3x!tpu.dma_semaphore, #tpu.memory_space<semaphore_mem>>, %arg15: memref<3x!tpu.dma_semaphore, #tpu.memory_space<semaphore_mem>>) attributes {dimension_semantics = [#tpu.dimension_semantics<core_parallel>, #tpu.dimension_semantics<subcore_parallel>], iteration_bounds = array<i64: 2, 16>, scalar_prefetch = 0 : i64, scratch_operands = 9 : i64, tpu.core_type = #tpu.core_type<sc_vector_subcore>, window_params = [{transform_indices = #map}, {transform_indices = #map1}, {transform_indices = #map1}, {transform_indices = #map}, {transform_indices = #map2}]} {
    %mul3A = arith.constant 2 : i32
    %mul3A_0 = arith.muli %arg1, %mul3A : i32
    %add3A = arith.addi %mul3A_0, %arg0 : i32
    %mul3A_1 = arith.constant 632 : i32
    %mul3A_2 = arith.muli %arg1, %mul3A_1 : i32
    %mul3A_3 = arith.constant 10000 : i32
    %mul3A_4 = arith.muli %add3A, %mul3A_3 : i32
    %add3A_5 = arith.constant 0 : i32
    %add3A_6 = arith.addi %mul3A_4, %add3A_5 : i32
    %dma_start3A = arith.constant 0 : i32
    %dma_start3A_7 = arith.constant 0 : i32
    %dma_start3A_8 = arith.constant 0 : i32
    %dma_start3A_9 = tpu.memref_slice %arg7[%dma_start3A, %dma_start3A_8] : memref<3x80xi32, #tpu.memory_space<vmem>> -> memref<1x80xi32, #tpu.memory_space<vmem>>
    %dma_start3A_10 = tpu.memref_squeeze %dma_start3A_9 : memref<1x80xi32, #tpu.memory_space<vmem>> -> memref<80xi32, #tpu.memory_space<vmem>>
    %dma_start3A_11 = tpu.memref_slice %arg3[%add3A_6] : memref<320000xi32, #tpu.memory_space<hbm>> -> memref<80xi32, #tpu.memory_space<hbm>>
    %dma_start3A_12 = tpu.memref_slice %arg11[%dma_start3A_7] : memref<3x!tpu.dma_semaphore, #tpu.memory_space<semaphore_mem>> -> memref<1x!tpu.dma_semaphore, #tpu.memory_space<semaphore_mem>>
    %dma_start3A_13 = tpu.memref_squeeze %dma_start3A_12 : memref<1x!tpu.dma_semaphore, #tpu.memory_space<semaphore_mem>> -> memref<!tpu.dma_semaphore, #tpu.memory_space<semaphore_mem>>
    %dma_start3A_14 = arith.constant 0 : i32
    %dma_start3A_15 = tpu.memref_slice %arg7[%dma_start3A, %dma_start3A_14] : memref<3x80xi32, #tpu.memory_space<vmem>> -> memref<1x80xi32, #tpu.memory_space<vmem>>
    %dma_start3A_16 = tpu.memref_squeeze %dma_start3A_15 : memref<1x80xi32, #tpu.memory_space<vmem>> -> memref<80xi32, #tpu.memory_space<vmem>>
    %dma_start3A_17 = tpu.memref_slice %arg3[%add3A_6] : memref<320000xi32, #tpu.memory_space<hbm>> -> memref<80xi32, #tpu.memory_space<hbm>>
    tpu.enqueue_dma source(%dma_start3A_17 : memref<80xi32, #tpu.memory_space<hbm>>) target(%dma_start3A_16 : memref<80xi32, #tpu.memory_space<vmem>>) target_semaphore(%dma_start3A_13 : memref<!tpu.dma_semaphore, #tpu.memory_space<semaphore_mem>>)
    %add3A_18 = arith.constant 80 : i32
    %add3A_19 = arith.addi %mul3A_4, %add3A_18 : i32
    %dma_start3A_20 = arith.constant 1 : i32
    %dma_start3A_21 = arith.constant 1 : i32
    %dma_start3A_22 = arith.constant 0 : i32
    %dma_start3A_23 = tpu.memref_slice %arg7[%dma_start3A_20, %dma_start3A_22] : memref<3x80xi32, #tpu.memory_space<vmem>> -> memref<1x80xi32, #tpu.memory_space<vmem>>
    %dma_start3A_24 = tpu.memref_squeeze %dma_start3A_23 : memref<1x80xi32, #tpu.memory_space<vmem>> -> memref<80xi32, #tpu.memory_space<vmem>>
    %dma_start3A_25 = tpu.memref_slice %arg3[%add3A_19] : memref<320000xi32, #tpu.memory_space<hbm>> -> memref<80xi32, #tpu.memory_space<hbm>>
    %dma_start3A_26 = tpu.memref_slice %arg11[%dma_start3A_21] : memref<3x!tpu.dma_semaphore, #tpu.memory_space<semaphore_mem>> -> memref<1x!tpu.dma_semaphore, #tpu.memory_space<semaphore_mem>>
    %dma_start3A_27 = tpu.memref_squeeze %dma_start3A_26 : memref<1x!tpu.dma_semaphore, #tpu.memory_space<semaphore_mem>> -> memref<!tpu.dma_semaphore, #tpu.memory_space<semaphore_mem>>
    %dma_start3A_28 = arith.constant 0 : i32
    %dma_start3A_29 = tpu.memref_slice %arg7[%dma_start3A_20, %dma_start3A_28] : memref<3x80xi32, #tpu.memory_space<vmem>> -> memref<1x80xi32, #tpu.memory_space<vmem>>
    %dma_start3A_30 = tpu.memref_squeeze %dma_start3A_29 : memref<1x80xi32, #tpu.memory_space<vmem>> -> memref<80xi32, #tpu.memory_space<vmem>>
    %dma_start3A_31 = tpu.memref_slice %arg3[%add3A_19] : memref<320000xi32, #tpu.memory_space<hbm>> -> memref<80xi32, #tpu.memory_space<hbm>>
    tpu.enqueue_dma source(%dma_start3A_31 : memref<80xi32, #tpu.memory_space<hbm>>) target(%dma_start3A_30 : memref<80xi32, #tpu.memory_space<vmem>>) target_semaphore(%dma_start3A_27 : memref<!tpu.dma_semaphore, #tpu.memory_space<semaphore_mem>>)
    %add3A_32 = arith.constant 160 : i32
    %add3A_33 = arith.addi %mul3A_4, %add3A_32 : i32
    %dma_start3A_34 = arith.constant 2 : i32
    %dma_start3A_35 = arith.constant 2 : i32
    %dma_start3A_36 = arith.constant 0 : i32
    %dma_start3A_37 = tpu.memref_slice %arg7[%dma_start3A_34, %dma_start3A_36] : memref<3x80xi32, #tpu.memory_space<vmem>> -> memref<1x80xi32, #tpu.memory_space<vmem>>
    %dma_start3A_38 = tpu.memref_squeeze %dma_start3A_37 : memref<1x80xi32, #tpu.memory_space<vmem>> -> memref<80xi32, #tpu.memory_space<vmem>>
    %dma_start3A_39 = tpu.memref_slice %arg3[%add3A_33] : memref<320000xi32, #tpu.memory_space<hbm>> -> memref<80xi32, #tpu.memory_space<hbm>>
    %dma_start3A_40 = tpu.memref_slice %arg11[%dma_start3A_35] : memref<3x!tpu.dma_semaphore, #tpu.memory_space<semaphore_mem>> -> memref<1x!tpu.dma_semaphore, #tpu.memory_space<semaphore_mem>>
    %dma_start3A_41 = tpu.memref_squeeze %dma_start3A_40 : memref<1x!tpu.dma_semaphore, #tpu.memory_space<semaphore_mem>> -> memref<!tpu.dma_semaphore, #tpu.memory_space<semaphore_mem>>
    %dma_start3A_42 = arith.constant 0 : i32
    %dma_start3A_43 = tpu.memref_slice %arg7[%dma_start3A_34, %dma_start3A_42] : memref<3x80xi32, #tpu.memory_space<vmem>> -> memref<1x80xi32, #tpu.memory_space<vmem>>
    %dma_start3A_44 = tpu.memref_squeeze %dma_start3A_43 : memref<1x80xi32, #tpu.memory_space<vmem>> -> memref<80xi32, #tpu.memory_space<vmem>>
    %dma_start3A_45 = tpu.memref_slice %arg3[%add3A_33] : memref<320000xi32, #tpu.memory_space<hbm>> -> memref<80xi32, #tpu.memory_space<hbm>>
    tpu.enqueue_dma source(%dma_start3A_45 : memref<80xi32, #tpu.memory_space<hbm>>) target(%dma_start3A_44 : memref<80xi32, #tpu.memory_space<vmem>>) target_semaphore(%dma_start3A_41 : memref<!tpu.dma_semaphore, #tpu.memory_space<semaphore_mem>>)
    %add3A_46 = arith.constant 0 : i32
    %add3A_47 = arith.addi %mul3A_4, %add3A_46 : i32
    %dma_start3A_48 = arith.constant 0 : i32
    %dma_start3A_49 = arith.constant 0 : i32
    %dma_start3A_50 = arith.constant 0 : i32
    %dma_start3A_51 = tpu.memref_slice %arg8[%dma_start3A_48, %dma_start3A_50] : memref<3x80xi32, #tpu.memory_space<vmem>> -> memref<1x80xi32, #tpu.memory_space<vmem>>
    %dma_start3A_52 = tpu.memref_squeeze %dma_start3A_51 : memref<1x80xi32, #tpu.memory_space<vmem>> -> memref<80xi32, #tpu.memory_space<vmem>>
    %dma_start3A_53 = tpu.memref_slice %arg4[%add3A_47] : memref<320000xi32, #tpu.memory_space<hbm>> -> memref<80xi32, #tpu.memory_space<hbm>>
    %dma_start3A_54 = tpu.memref_slice %arg12[%dma_start3A_49] : memref<3x!tpu.dma_semaphore, #tpu.memory_space<semaphore_mem>> -> memref<1x!tpu.dma_semaphore, #tpu.memory_space<semaphore_mem>>
    %dma_start3A_55 = tpu.memref_squeeze %dma_start3A_54 : memref<1x!tpu.dma_semaphore, #tpu.memory_space<semaphore_mem>> -> memref<!tpu.dma_semaphore, #tpu.memory_space<semaphore_mem>>
    %dma_start3A_56 = arith.constant 0 : i32
    %dma_start3A_57 = tpu.memref_slice %arg8[%dma_start3A_48, %dma_start3A_56] : memref<3x80xi32, #tpu.memory_space<vmem>> -> memref<1x80xi32, #tpu.memory_space<vmem>>
    %dma_start3A_58 = tpu.memref_squeeze %dma_start3A_57 : memref<1x80xi32, #tpu.memory_space<vmem>> -> memref<80xi32, #tpu.memory_space<vmem>>
    %dma_start3A_59 = tpu.memref_slice %arg4[%add3A_47] : memref<320000xi32, #tpu.memory_space<hbm>> -> memref<80xi32, #tpu.memory_space<hbm>>
    tpu.enqueue_dma source(%dma_start3A_59 : memref<80xi32, #tpu.memory_space<hbm>>) target(%dma_start3A_58 : memref<80xi32, #tpu.memory_space<vmem>>) target_semaphore(%dma_start3A_55 : memref<!tpu.dma_semaphore, #tpu.memory_space<semaphore_mem>>)
    %add3A_60 = arith.constant 80 : i32
    %add3A_61 = arith.addi %mul3A_4, %add3A_60 : i32
    %dma_start3A_62 = arith.constant 1 : i32
    %dma_start3A_63 = arith.constant 1 : i32
    %dma_start3A_64 = arith.constant 0 : i32
    %dma_start3A_65 = tpu.memref_slice %arg8[%dma_start3A_62, %dma_start3A_64] : memref<3x80xi32, #tpu.memory_space<vmem>> -> memref<1x80xi32, #tpu.memory_space<vmem>>
    %dma_start3A_66 = tpu.memref_squeeze %dma_start3A_65 : memref<1x80xi32, #tpu.memory_space<vmem>> -> memref<80xi32, #tpu.memory_space<vmem>>
    %dma_start3A_67 = tpu.memref_slice %arg4[%add3A_61] : memref<320000xi32, #tpu.memory_space<hbm>> -> memref<80xi32, #tpu.memory_space<hbm>>
    %dma_start3A_68 = tpu.memref_slice %arg12[%dma_start3A_63] : memref<3x!tpu.dma_semaphore, #tpu.memory_space<semaphore_mem>> -> memref<1x!tpu.dma_semaphore, #tpu.memory_space<semaphore_mem>>
    %dma_start3A_69 = tpu.memref_squeeze %dma_start3A_68 : memref<1x!tpu.dma_semaphore, #tpu.memory_space<semaphore_mem>> -> memref<!tpu.dma_semaphore, #tpu.memory_space<semaphore_mem>>
    %dma_start3A_70 = arith.constant 0 : i32
    %dma_start3A_71 = tpu.memref_slice %arg8[%dma_start3A_62, %dma_start3A_70] : memref<3x80xi32, #tpu.memory_space<vmem>> -> memref<1x80xi32, #tpu.memory_space<vmem>>
    %dma_start3A_72 = tpu.memref_squeeze %dma_start3A_71 : memref<1x80xi32, #tpu.memory_space<vmem>> -> memref<80xi32, #tpu.memory_space<vmem>>
    %dma_start3A_73 = tpu.memref_slice %arg4[%add3A_61] : memref<320000xi32, #tpu.memory_space<hbm>> -> memref<80xi32, #tpu.memory_space<hbm>>
    tpu.enqueue_dma source(%dma_start3A_73 : memref<80xi32, #tpu.memory_space<hbm>>) target(%dma_start3A_72 : memref<80xi32, #tpu.memory_space<vmem>>) target_semaphore(%dma_start3A_69 : memref<!tpu.dma_semaphore, #tpu.memory_space<semaphore_mem>>)
    %dma_start3A_74 = arith.constant 0 : i32
    %dma_start3A_75 = tpu.memref_slice %arg10[%mul3A_2, %dma_start3A_74] : memref<10112x128xf32, #tpu.memory_space<vmem_shared>> -> memref<632x128xf32, #tpu.memory_space<vmem_shared>>
    tpu.enqueue_dma source(%arg5 : memref<632x128xf32, #tpu.memory_space<hbm>>) target(%dma_start3A_75 : memref<632x128xf32, #tpu.memory_space<vmem_shared>>) target_semaphore(%arg13 : memref<!tpu.dma_semaphore, #tpu.memory_space<semaphore_mem>>)
    %dma_wait3A = arith.constant 0 : i32
    %dma_wait3A_76 = arith.constant 0 : i32
    %dma_wait3A_77 = arith.constant 0 : i32
    %dma_wait3A_78 = tpu.memref_slice %arg7[%dma_wait3A, %dma_wait3A_77] : memref<3x80xi32, #tpu.memory_space<vmem>> -> memref<1x80xi32, #tpu.memory_space<vmem>>
    %dma_wait3A_79 = tpu.memref_squeeze %dma_wait3A_78 : memref<1x80xi32, #tpu.memory_space<vmem>> -> memref<80xi32, #tpu.memory_space<vmem>>
    %dma_wait3A_80 = tpu.memref_slice %arg3[%mul3A_4] : memref<320000xi32, #tpu.memory_space<hbm>> -> memref<80xi32, #tpu.memory_space<hbm>>
    %dma_wait3A_81 = tpu.memref_slice %arg11[%dma_wait3A_76] : memref<3x!tpu.dma_semaphore, #tpu.memory_space<semaphore_mem>> -> memref<1x!tpu.dma_semaphore, #tpu.memory_space<semaphore_mem>>
    %dma_wait3A_82 = tpu.memref_squeeze %dma_wait3A_81 : memref<1x!tpu.dma_semaphore, #tpu.memory_space<semaphore_mem>> -> memref<!tpu.dma_semaphore, #tpu.memory_space<semaphore_mem>>
    %dma_wait3A_83 = arith.constant 0 : i32
    %dma_wait3A_84 = tpu.memref_slice %arg7[%dma_wait3A, %dma_wait3A_83] : memref<3x80xi32, #tpu.memory_space<vmem>> -> memref<1x80xi32, #tpu.memory_space<vmem>>
    %dma_wait3A_85 = tpu.memref_squeeze %dma_wait3A_84 : memref<1x80xi32, #tpu.memory_space<vmem>> -> memref<80xi32, #tpu.memory_space<vmem>>
    %dma_wait3A_86 = tpu.memref_slice %arg3[%mul3A_4] : memref<320000xi32, #tpu.memory_space<hbm>> -> memref<80xi32, #tpu.memory_space<hbm>>
    tpu.wait_dma2 semaphore(%dma_wait3A_82 : memref<!tpu.dma_semaphore, #tpu.memory_space<semaphore_mem>>) src(%dma_wait3A_86 : memref<80xi32, #tpu.memory_space<hbm>>) dst(%dma_wait3A_85 : memref<80xi32, #tpu.memory_space<vmem>>)
    %dma_start3A_87 = arith.constant 0 : i32
    %dma_start3A_88 = arith.constant 0 : i32
    %dma_start3A_89 = arith.constant 0 : i32
    %dma_start3A_90 = arith.constant 0 : i32
    %dma_start3A_91 = arith.constant 0 : i32
    %dma_start3A_92 = tpu.memref_slice %arg9[%dma_start3A_88, %dma_start3A_90, %dma_start3A_91] : memref<3x80x128xf32, #tpu.memory_space<vmem>> -> memref<1x80x128xf32, #tpu.memory_space<vmem>>
    %dma_start3A_93 = tpu.memref_squeeze %dma_start3A_92 : memref<1x80x128xf32, #tpu.memory_space<vmem>> -> memref<80x128xf32, #tpu.memory_space<vmem>>
    %dma_start3A_94 = arith.constant 0 : i32
    %dma_start3A_95 = tpu.memref_slice %arg7[%dma_start3A_87, %dma_start3A_94] : memref<3x80xi32, #tpu.memory_space<vmem>> -> memref<1x80xi32, #tpu.memory_space<vmem>>
    %dma_start3A_96 = tpu.memref_squeeze %dma_start3A_95 : memref<1x80xi32, #tpu.memory_space<vmem>> -> memref<80xi32, #tpu.memory_space<vmem>>
    %dma_start3A_97 = arith.constant 0 : i32
    %dma_start3A_98 = arith.constant 0 : i32
    %dma_start3A_99 = tpu.memref_slice %arg2[%dma_start3A_97, %dma_start3A_98] : memref<10000x128xf32, #tpu.memory_space<hbm>> -> memref<10000x128xf32, #tpu.memory_space<hbm>>
    %dma_start3A_100 = tpu.memref_slice %arg14[%dma_start3A_89] : memref<3x!tpu.dma_semaphore, #tpu.memory_space<semaphore_mem>> -> memref<1x!tpu.dma_semaphore, #tpu.memory_space<semaphore_mem>>
    %dma_start3A_101 = tpu.memref_squeeze %dma_start3A_100 : memref<1x!tpu.dma_semaphore, #tpu.memory_space<semaphore_mem>> -> memref<!tpu.dma_semaphore, #tpu.memory_space<semaphore_mem>>
    tpu.enqueue_indirect_dma source(%dma_start3A_99 : memref<10000x128xf32, #tpu.memory_space<hbm>>) target(%dma_start3A_93 : memref<80x128xf32, #tpu.memory_space<vmem>>) offsets(%dma_start3A_96 : memref<80xi32, #tpu.memory_space<vmem>>) semaphore(%dma_start3A_101 : memref<!tpu.dma_semaphore, #tpu.memory_space<semaphore_mem>>)
    %dma_wait3A_102 = arith.constant 1 : i32
    %dma_wait3A_103 = arith.constant 1 : i32
    %dma_wait3A_104 = arith.constant 0 : i32
    %dma_wait3A_105 = tpu.memref_slice %arg7[%dma_wait3A_102, %dma_wait3A_104] : memref<3x80xi32, #tpu.memory_space<vmem>> -> memref<1x80xi32, #tpu.memory_space<vmem>>
    %dma_wait3A_106 = tpu.memref_squeeze %dma_wait3A_105 : memref<1x80xi32, #tpu.memory_space<vmem>> -> memref<80xi32, #tpu.memory_space<vmem>>
    %dma_wait3A_107 = tpu.memref_slice %arg3[%mul3A_4] : memref<320000xi32, #tpu.memory_space<hbm>> -> memref<80xi32, #tpu.memory_space<hbm>>
    %dma_wait3A_108 = tpu.memref_slice %arg11[%dma_wait3A_103] : memref<3x!tpu.dma_semaphore, #tpu.memory_space<semaphore_mem>> -> memref<1x!tpu.dma_semaphore, #tpu.memory_space<semaphore_mem>>
    %dma_wait3A_109 = tpu.memref_squeeze %dma_wait3A_108 : memref<1x!tpu.dma_semaphore, #tpu.memory_space<semaphore_mem>> -> memref<!tpu.dma_semaphore, #tpu.memory_space<semaphore_mem>>
    %dma_wait3A_110 = arith.constant 0 : i32
    %dma_wait3A_111 = tpu.memref_slice %arg7[%dma_wait3A_102, %dma_wait3A_110] : memref<3x80xi32, #tpu.memory_space<vmem>> -> memref<1x80xi32, #tpu.memory_space<vmem>>
    %dma_wait3A_112 = tpu.memref_squeeze %dma_wait3A_111 : memref<1x80xi32, #tpu.memory_space<vmem>> -> memref<80xi32, #tpu.memory_space<vmem>>
    %dma_wait3A_113 = tpu.memref_slice %arg3[%mul3A_4] : memref<320000xi32, #tpu.memory_space<hbm>> -> memref<80xi32, #tpu.memory_space<hbm>>
    tpu.wait_dma2 semaphore(%dma_wait3A_109 : memref<!tpu.dma_semaphore, #tpu.memory_space<semaphore_mem>>) src(%dma_wait3A_113 : memref<80xi32, #tpu.memory_space<hbm>>) dst(%dma_wait3A_112 : memref<80xi32, #tpu.memory_space<vmem>>)
    %dma_start3A_114 = arith.constant 1 : i32
    %dma_start3A_115 = arith.constant 1 : i32
    %dma_start3A_116 = arith.constant 1 : i32
    %dma_start3A_117 = arith.constant 0 : i32
    %dma_start3A_118 = arith.constant 0 : i32
    %dma_start3A_119 = tpu.memref_slice %arg9[%dma_start3A_115, %dma_start3A_117, %dma_start3A_118] : memref<3x80x128xf32, #tpu.memory_space<vmem>> -> memref<1x80x128xf32, #tpu.memory_space<vmem>>
    %dma_start3A_120 = tpu.memref_squeeze %dma_start3A_119 : memref<1x80x128xf32, #tpu.memory_space<vmem>> -> memref<80x128xf32, #tpu.memory_space<vmem>>
    %dma_start3A_121 = arith.constant 0 : i32
    %dma_start3A_122 = tpu.memref_slice %arg7[%dma_start3A_114, %dma_start3A_121] : memref<3x80xi32, #tpu.memory_space<vmem>> -> memref<1x80xi32, #tpu.memory_space<vmem>>
    %dma_start3A_123 = tpu.memref_squeeze %dma_start3A_122 : memref<1x80xi32, #tpu.memory_space<vmem>> -> memref<80xi32, #tpu.memory_space<vmem>>
    %dma_start3A_124 = arith.constant 0 : i32
    %dma_start3A_125 = arith.constant 0 : i32
    %dma_start3A_126 = tpu.memref_slice %arg2[%dma_start3A_124, %dma_start3A_125] : memref<10000x128xf32, #tpu.memory_space<hbm>> -> memref<10000x128xf32, #tpu.memory_space<hbm>>
    %dma_start3A_127 = tpu.memref_slice %arg14[%dma_start3A_116] : memref<3x!tpu.dma_semaphore, #tpu.memory_space<semaphore_mem>> -> memref<1x!tpu.dma_semaphore, #tpu.memory_space<semaphore_mem>>
    %dma_start3A_128 = tpu.memref_squeeze %dma_start3A_127 : memref<1x!tpu.dma_semaphore, #tpu.memory_space<semaphore_mem>> -> memref<!tpu.dma_semaphore, #tpu.memory_space<semaphore_mem>>
    tpu.enqueue_indirect_dma source(%dma_start3A_126 : memref<10000x128xf32, #tpu.memory_space<hbm>>) target(%dma_start3A_120 : memref<80x128xf32, #tpu.memory_space<vmem>>) offsets(%dma_start3A_123 : memref<80xi32, #tpu.memory_space<vmem>>) semaphore(%dma_start3A_128 : memref<!tpu.dma_semaphore, #tpu.memory_space<semaphore_mem>>)
    %dma_wait3A_129 = arith.constant 0 : i32
    %dma_wait3A_130 = tpu.memref_slice %arg10[%mul3A_2, %dma_wait3A_129] : memref<10112x128xf32, #tpu.memory_space<vmem_shared>> -> memref<632x128xf32, #tpu.memory_space<vmem_shared>>
    tpu.wait_dma2 semaphore(%arg13 : memref<!tpu.dma_semaphore, #tpu.memory_space<semaphore_mem>>) src(%arg5 : memref<632x128xf32, #tpu.memory_space<hbm>>) dst(%dma_wait3A_130 : memref<632x128xf32, #tpu.memory_space<vmem_shared>>)
    %barrier3A = arith.constant 0 : index
    tpu.barrier barrier_id(%barrier3A)
    %scan3A = arith.constant 0 : i32
    %scan3A_131 = arith.constant 41 : i32
    %scan3A_132 = arith.addi %scan3A, %scan3A_131 : i32
    %scan3A_133 = arith.constant 1 : i32
    scf.for %scan3A_271 = %scan3A to %scan3A_132 step %scan3A_133  : i32 {
      %mul3A_272 = arith.constant 3 : i32
      %mul3A_273 = arith.muli %scan3A_271, %mul3A_272 : i32
      %add3A_274 = arith.constant 0 : i32
      %add3A_275 = arith.addi %add3A_274, %mul3A_273 : i32
      %add3A_276 = arith.constant 0 : i32
      %add3A_277 = arith.addi %add3A_275, %add3A_276 : i32
      %add3A_278 = arith.constant 2 : i32
      %add3A_279 = arith.addi %add3A_277, %add3A_278 : i32
      %lt3A_280 = arith.constant 125 : i32
      %lt3A_281 = arith.cmpi slt, %add3A_279, %lt3A_280 : i32
      %convert_element_type3A_282 = arith.extui %lt3A_281 : i1 to i32
      %cond3A_283 = arith.constant 0 : i32
      %cond3A_284 = arith.cmpi ne, %convert_element_type3A_282, %cond3A_283 : i32
      scf.if %cond3A_284 {
        %ge3A = arith.constant 1 : i32
        %ge3A_450 = arith.cmpi sge, %add3A_277, %ge3A : i32
        %convert_element_type3A_451 = arith.extui %ge3A_450 : i1 to i32
        %cond3A_452 = arith.constant 0 : i32
        %cond3A_453 = arith.cmpi ne, %convert_element_type3A_451, %cond3A_452 : i32
        scf.if %cond3A_453 {
          %dma_wait3A_498 = arith.constant 2 : i32
          %dma_wait3A_499 = arith.constant 0 : i32
          %dma_wait3A_500 = arith.constant 2 : i32
          %dma_wait3A_501 = arith.constant 0 : i32
          %dma_wait3A_502 = arith.constant 0 : i32
          %dma_wait3A_503 = tpu.memref_slice %arg9[%dma_wait3A_498, %dma_wait3A_501, %dma_wait3A_502] : memref<3x80x128xf32, #tpu.memory_space<vmem>> -> memref<1x80x128xf32, #tpu.memory_space<vmem>>
          %dma_wait3A_504 = tpu.memref_squeeze %dma_wait3A_503 : memref<1x80x128xf32, #tpu.memory_space<vmem>> -> memref<80x128xf32, #tpu.memory_space<vmem>>
          %dma_wait3A_505 = arith.constant 0 : i32
          %dma_wait3A_506 = tpu.memref_slice %arg8[%dma_wait3A_499, %dma_wait3A_505] : memref<3x80xi32, #tpu.memory_space<vmem>> -> memref<1x80xi32, #tpu.memory_space<vmem>>
          %dma_wait3A_507 = tpu.memref_squeeze %dma_wait3A_506 : memref<1x80xi32, #tpu.memory_space<vmem>> -> memref<80xi32, #tpu.memory_space<vmem>>
          %dma_wait3A_508 = arith.constant 0 : i32
          %dma_wait3A_509 = arith.constant 0 : i32
          %dma_wait3A_510 = tpu.memref_slice %arg10[%dma_wait3A_508, %dma_wait3A_509] : memref<10112x128xf32, #tpu.memory_space<vmem_shared>> -> memref<10112x128xf32, #tpu.memory_space<vmem_shared>>
          %dma_wait3A_511 = tpu.memref_slice %arg15[%dma_wait3A_500] : memref<3x!tpu.dma_semaphore, #tpu.memory_space<semaphore_mem>> -> memref<1x!tpu.dma_semaphore, #tpu.memory_space<semaphore_mem>>
          %dma_wait3A_512 = tpu.memref_squeeze %dma_wait3A_511 : memref<1x!tpu.dma_semaphore, #tpu.memory_space<semaphore_mem>> -> memref<!tpu.dma_semaphore, #tpu.memory_space<semaphore_mem>>
          tpu.wait_indirect_dma semaphore(%dma_wait3A_512 : memref<!tpu.dma_semaphore, #tpu.memory_space<semaphore_mem>>) src(%dma_wait3A_504 : memref<80x128xf32, #tpu.memory_space<vmem>>) dst(%dma_wait3A_510 : memref<10112x128xf32, #tpu.memory_space<vmem_shared>>)
        } else {
        }
        %add3A_454 = arith.constant 2 : i32
        %add3A_455 = arith.addi %add3A_277, %add3A_454 : i32
        %mul3A_456 = arith.constant 80 : i32
        %mul3A_457 = arith.muli %add3A_455, %mul3A_456 : i32
        %add3A_458 = arith.addi %mul3A_4, %mul3A_457 : i32
        %dma_start3A_459 = arith.constant 2 : i32
        %dma_start3A_460 = arith.constant 2 : i32
        %dma_start3A_461 = arith.constant 0 : i32
        %dma_start3A_462 = tpu.memref_slice %arg8[%dma_start3A_459, %dma_start3A_461] : memref<3x80xi32, #tpu.memory_space<vmem>> -> memref<1x80xi32, #tpu.memory_space<vmem>>
        %dma_start3A_463 = tpu.memref_squeeze %dma_start3A_462 : memref<1x80xi32, #tpu.memory_space<vmem>> -> memref<80xi32, #tpu.memory_space<vmem>>
        %dma_start3A_464 = tpu.memref_slice %arg4[%add3A_458] : memref<320000xi32, #tpu.memory_space<hbm>> -> memref<80xi32, #tpu.memory_space<hbm>>
        %dma_start3A_465 = tpu.memref_slice %arg12[%dma_start3A_460] : memref<3x!tpu.dma_semaphore, #tpu.memory_space<semaphore_mem>> -> memref<1x!tpu.dma_semaphore, #tpu.memory_space<semaphore_mem>>
        %dma_start3A_466 = tpu.memref_squeeze %dma_start3A_465 : memref<1x!tpu.dma_semaphore, #tpu.memory_space<semaphore_mem>> -> memref<!tpu.dma_semaphore, #tpu.memory_space<semaphore_mem>>
        %dma_start3A_467 = arith.constant 0 : i32
        %dma_start3A_468 = tpu.memref_slice %arg8[%dma_start3A_459, %dma_start3A_467] : memref<3x80xi32, #tpu.memory_space<vmem>> -> memref<1x80xi32, #tpu.memory_space<vmem>>
        %dma_start3A_469 = tpu.memref_squeeze %dma_start3A_468 : memref<1x80xi32, #tpu.memory_space<vmem>> -> memref<80xi32, #tpu.memory_space<vmem>>
        %dma_start3A_470 = tpu.memref_slice %arg4[%add3A_458] : memref<320000xi32, #tpu.memory_space<hbm>> -> memref<80xi32, #tpu.memory_space<hbm>>
        tpu.enqueue_dma source(%dma_start3A_470 : memref<80xi32, #tpu.memory_space<hbm>>) target(%dma_start3A_469 : memref<80xi32, #tpu.memory_space<vmem>>) target_semaphore(%dma_start3A_466 : memref<!tpu.dma_semaphore, #tpu.memory_space<semaphore_mem>>)
        %dma_wait3A_471 = arith.constant 2 : i32
        %dma_wait3A_472 = arith.constant 2 : i32
        %dma_wait3A_473 = arith.constant 0 : i32
        %dma_wait3A_474 = tpu.memref_slice %arg7[%dma_wait3A_471, %dma_wait3A_473] : memref<3x80xi32, #tpu.memory_space<vmem>> -> memref<1x80xi32, #tpu.memory_space<vmem>>
        %dma_wait3A_475 = tpu.memref_squeeze %dma_wait3A_474 : memref<1x80xi32, #tpu.memory_space<vmem>> -> memref<80xi32, #tpu.memory_space<vmem>>
        %dma_wait3A_476 = tpu.memref_slice %arg3[%mul3A_4] : memref<320000xi32, #tpu.memory_space<hbm>> -> memref<80xi32, #tpu.memory_space<hbm>>
        %dma_wait3A_477 = tpu.memref_slice %arg11[%dma_wait3A_472] : memref<3x!tpu.dma_semaphore, #tpu.memory_space<semaphore_mem>> -> memref<1x!tpu.dma_semaphore, #tpu.memory_space<semaphore_mem>>
        %dma_wait3A_478 = tpu.memref_squeeze %dma_wait3A_477 : memref<1x!tpu.dma_semaphore, #tpu.memory_space<semaphore_mem>> -> memref<!tpu.dma_semaphore, #tpu.memory_space<semaphore_mem>>
        %dma_wait3A_479 = arith.constant 0 : i32
        %dma_wait3A_480 = tpu.memref_slice %arg7[%dma_wait3A_471, %dma_wait3A_479] : memref<3x80xi32, #tpu.memory_space<vmem>> -> memref<1x80xi32, #tpu.memory_space<vmem>>
        %dma_wait3A_481 = tpu.memref_squeeze %dma_wait3A_480 : memref<1x80xi32, #tpu.memory_space<vmem>> -> memref<80xi32, #tpu.memory_space<vmem>>
        %dma_wait3A_482 = tpu.memref_slice %arg3[%mul3A_4] : memref<320000xi32, #tpu.memory_space<hbm>> -> memref<80xi32, #tpu.memory_space<hbm>>
        tpu.wait_dma2 semaphore(%dma_wait3A_478 : memref<!tpu.dma_semaphore, #tpu.memory_space<semaphore_mem>>) src(%dma_wait3A_482 : memref<80xi32, #tpu.memory_space<hbm>>) dst(%dma_wait3A_481 : memref<80xi32, #tpu.memory_space<vmem>>)
        %dma_start3A_483 = arith.constant 2 : i32
        %dma_start3A_484 = arith.constant 2 : i32
        %dma_start3A_485 = arith.constant 2 : i32
        %dma_start3A_486 = arith.constant 0 : i32
        %dma_start3A_487 = arith.constant 0 : i32
        %dma_start3A_488 = tpu.memref_slice %arg9[%dma_start3A_484, %dma_start3A_486, %dma_start3A_487] : memref<3x80x128xf32, #tpu.memory_space<vmem>> -> memref<1x80x128xf32, #tpu.memory_space<vmem>>
        %dma_start3A_489 = tpu.memref_squeeze %dma_start3A_488 : memref<1x80x128xf32, #tpu.memory_space<vmem>> -> memref<80x128xf32, #tpu.memory_space<vmem>>
        %dma_start3A_490 = arith.constant 0 : i32
        %dma_start3A_491 = tpu.memref_slice %arg7[%dma_start3A_483, %dma_start3A_490] : memref<3x80xi32, #tpu.memory_space<vmem>> -> memref<1x80xi32, #tpu.memory_space<vmem>>
        %dma_start3A_492 = tpu.memref_squeeze %dma_start3A_491 : memref<1x80xi32, #tpu.memory_space<vmem>> -> memref<80xi32, #tpu.memory_space<vmem>>
        %dma_start3A_493 = arith.constant 0 : i32
        %dma_start3A_494 = arith.constant 0 : i32
        %dma_start3A_495 = tpu.memref_slice %arg2[%dma_start3A_493, %dma_start3A_494] : memref<10000x128xf32, #tpu.memory_space<hbm>> -> memref<10000x128xf32, #tpu.memory_space<hbm>>
        %dma_start3A_496 = tpu.memref_slice %arg14[%dma_start3A_485] : memref<3x!tpu.dma_semaphore, #tpu.memory_space<semaphore_mem>> -> memref<1x!tpu.dma_semaphore, #tpu.memory_space<semaphore_mem>>
        %dma_start3A_497 = tpu.memref_squeeze %dma_start3A_496 : memref<1x!tpu.dma_semaphore, #tpu.memory_space<semaphore_mem>> -> memref<!tpu.dma_semaphore, #tpu.memory_space<semaphore_mem>>
        tpu.enqueue_indirect_dma source(%dma_start3A_495 : memref<10000x128xf32, #tpu.memory_space<hbm>>) target(%dma_start3A_489 : memref<80x128xf32, #tpu.memory_space<vmem>>) offsets(%dma_start3A_492 : memref<80xi32, #tpu.memory_space<vmem>>) semaphore(%dma_start3A_497 : memref<!tpu.dma_semaphore, #tpu.memory_space<semaphore_mem>>)
      } else {
      }
      %dma_wait3A_285 = arith.constant 0 : i32
      %dma_wait3A_286 = arith.constant 0 : i32
      %dma_wait3A_287 = arith.constant 0 : i32
      %dma_wait3A_288 = arith.constant 0 : i32
      %dma_wait3A_289 = arith.constant 0 : i32
      %dma_wait3A_290 = tpu.memref_slice %arg9[%dma_wait3A_286, %dma_wait3A_288, %dma_wait3A_289] : memref<3x80x128xf32, #tpu.memory_space<vmem>> -> memref<1x80x128xf32, #tpu.memory_space<vmem>>
      %dma_wait3A_291 = tpu.memref_squeeze %dma_wait3A_290 : memref<1x80x128xf32, #tpu.memory_space<vmem>> -> memref<80x128xf32, #tpu.memory_space<vmem>>
      %dma_wait3A_292 = arith.constant 0 : i32
      %dma_wait3A_293 = tpu.memref_slice %arg7[%dma_wait3A_285, %dma_wait3A_292] : memref<3x80xi32, #tpu.memory_space<vmem>> -> memref<1x80xi32, #tpu.memory_space<vmem>>
      %dma_wait3A_294 = tpu.memref_squeeze %dma_wait3A_293 : memref<1x80xi32, #tpu.memory_space<vmem>> -> memref<80xi32, #tpu.memory_space<vmem>>
      %dma_wait3A_295 = arith.constant 0 : i32
      %dma_wait3A_296 = arith.constant 0 : i32
      %dma_wait3A_297 = tpu.memref_slice %arg2[%dma_wait3A_295, %dma_wait3A_296] : memref<10000x128xf32, #tpu.memory_space<hbm>> -> memref<10000x128xf32, #tpu.memory_space<hbm>>
      %dma_wait3A_298 = tpu.memref_slice %arg14[%dma_wait3A_287] : memref<3x!tpu.dma_semaphore, #tpu.memory_space<semaphore_mem>> -> memref<1x!tpu.dma_semaphore, #tpu.memory_space<semaphore_mem>>
      %dma_wait3A_299 = tpu.memref_squeeze %dma_wait3A_298 : memref<1x!tpu.dma_semaphore, #tpu.memory_space<semaphore_mem>> -> memref<!tpu.dma_semaphore, #tpu.memory_space<semaphore_mem>>
      tpu.wait_indirect_dma semaphore(%dma_wait3A_299 : memref<!tpu.dma_semaphore, #tpu.memory_space<semaphore_mem>>) src(%dma_wait3A_297 : memref<10000x128xf32, #tpu.memory_space<hbm>>) dst(%dma_wait3A_291 : memref<80x128xf32, #tpu.memory_space<vmem>>)
      %dma_wait3A_300 = arith.constant 0 : i32
      %dma_wait3A_301 = arith.constant 0 : i32
      %dma_wait3A_302 = arith.constant 0 : i32
      %dma_wait3A_303 = tpu.memref_slice %arg8[%dma_wait3A_300, %dma_wait3A_302] : memref<3x80xi32, #tpu.memory_space<vmem>> -> memref<1x80xi32, #tpu.memory_space<vmem>>
      %dma_wait3A_304 = tpu.memref_squeeze %dma_wait3A_303 : memref<1x80xi32, #tpu.memory_space<vmem>> -> memref<80xi32, #tpu.memory_space<vmem>>
      %dma_wait3A_305 = tpu.memref_slice %arg4[%mul3A_4] : memref<320000xi32, #tpu.memory_space<hbm>> -> memref<80xi32, #tpu.memory_space<hbm>>
      %dma_wait3A_306 = tpu.memref_slice %arg12[%dma_wait3A_301] : memref<3x!tpu.dma_semaphore, #tpu.memory_space<semaphore_mem>> -> memref<1x!tpu.dma_semaphore, #tpu.memory_space<semaphore_mem>>
      %dma_wait3A_307 = tpu.memref_squeeze %dma_wait3A_306 : memref<1x!tpu.dma_semaphore, #tpu.memory_space<semaphore_mem>> -> memref<!tpu.dma_semaphore, #tpu.memory_space<semaphore_mem>>
      %dma_wait3A_308 = arith.constant 0 : i32
      %dma_wait3A_309 = tpu.memref_slice %arg8[%dma_wait3A_300, %dma_wait3A_308] : memref<3x80xi32, #tpu.memory_space<vmem>> -> memref<1x80xi32, #tpu.memory_space<vmem>>
      %dma_wait3A_310 = tpu.memref_squeeze %dma_wait3A_309 : memref<1x80xi32, #tpu.memory_space<vmem>> -> memref<80xi32, #tpu.memory_space<vmem>>
      %dma_wait3A_311 = tpu.memref_slice %arg4[%mul3A_4] : memref<320000xi32, #tpu.memory_space<hbm>> -> memref<80xi32, #tpu.memory_space<hbm>>
      tpu.wait_dma2 semaphore(%dma_wait3A_307 : memref<!tpu.dma_semaphore, #tpu.memory_space<semaphore_mem>>) src(%dma_wait3A_311 : memref<80xi32, #tpu.memory_space<hbm>>) dst(%dma_wait3A_310 : memref<80xi32, #tpu.memory_space<vmem>>)
      %dma_start3A_312 = arith.constant 0 : i32
      %dma_start3A_313 = arith.constant 0 : i32
      %dma_start3A_314 = arith.constant 0 : i32
      %dma_start3A_315 = arith.constant 0 : i32
      %dma_start3A_316 = arith.constant 0 : i32
      %dma_start3A_317 = tpu.memref_slice %arg9[%dma_start3A_312, %dma_start3A_315, %dma_start3A_316] : memref<3x80x128xf32, #tpu.memory_space<vmem>> -> memref<1x80x128xf32, #tpu.memory_space<vmem>>
      %dma_start3A_318 = tpu.memref_squeeze %dma_start3A_317 : memref<1x80x128xf32, #tpu.memory_space<vmem>> -> memref<80x128xf32, #tpu.memory_space<vmem>>
      %dma_start3A_319 = arith.constant 0 : i32
      %dma_start3A_320 = tpu.memref_slice %arg8[%dma_start3A_313, %dma_start3A_319] : memref<3x80xi32, #tpu.memory_space<vmem>> -> memref<1x80xi32, #tpu.memory_space<vmem>>
      %dma_start3A_321 = tpu.memref_squeeze %dma_start3A_320 : memref<1x80xi32, #tpu.memory_space<vmem>> -> memref<80xi32, #tpu.memory_space<vmem>>
      %dma_start3A_322 = arith.constant 0 : i32
      %dma_start3A_323 = arith.constant 0 : i32
      %dma_start3A_324 = tpu.memref_slice %arg10[%dma_start3A_322, %dma_start3A_323] : memref<10112x128xf32, #tpu.memory_space<vmem_shared>> -> memref<10112x128xf32, #tpu.memory_space<vmem_shared>>
      %dma_start3A_325 = tpu.memref_slice %arg15[%dma_start3A_314] : memref<3x!tpu.dma_semaphore, #tpu.memory_space<semaphore_mem>> -> memref<1x!tpu.dma_semaphore, #tpu.memory_space<semaphore_mem>>
      %dma_start3A_326 = tpu.memref_squeeze %dma_start3A_325 : memref<1x!tpu.dma_semaphore, #tpu.memory_space<semaphore_mem>> -> memref<!tpu.dma_semaphore, #tpu.memory_space<semaphore_mem>>
      tpu.enqueue_indirect_dma source(%dma_start3A_318 : memref<80x128xf32, #tpu.memory_space<vmem>>) target(%dma_start3A_324 : memref<10112x128xf32, #tpu.memory_space<vmem_shared>>) offsets(%dma_start3A_321 : memref<80xi32, #tpu.memory_space<vmem>>) semaphore(%dma_start3A_326 : memref<!tpu.dma_semaphore, #tpu.memory_space<semaphore_mem>>) {add = true}
      %add3A_327 = arith.constant 3 : i32
      %add3A_328 = arith.addi %add3A_277, %add3A_327 : i32
      %lt3A_329 = arith.constant 125 : i32
      %lt3A_330 = arith.cmpi slt, %add3A_328, %lt3A_329 : i32
      %convert_element_type3A_331 = arith.extui %lt3A_330 : i1 to i32
      %cond3A_332 = arith.constant 0 : i32
      %cond3A_333 = arith.cmpi ne, %convert_element_type3A_331, %cond3A_332 : i32
      scf.if %cond3A_333 {
        %add3A_450 = arith.constant 3 : i32
        %add3A_451 = arith.addi %add3A_277, %add3A_450 : i32
        %mul3A_452 = arith.constant 80 : i32
        %mul3A_453 = arith.muli %add3A_451, %mul3A_452 : i32
        %add3A_454 = arith.addi %mul3A_4, %mul3A_453 : i32
        %dma_start3A_455 = arith.constant 0 : i32
        %dma_start3A_456 = arith.constant 0 : i32
        %dma_start3A_457 = arith.constant 0 : i32
        %dma_start3A_458 = tpu.memref_slice %arg7[%dma_start3A_455, %dma_start3A_457] : memref<3x80xi32, #tpu.memory_space<vmem>> -> memref<1x80xi32, #tpu.memory_space<vmem>>
        %dma_start3A_459 = tpu.memref_squeeze %dma_start3A_458 : memref<1x80xi32, #tpu.memory_space<vmem>> -> memref<80xi32, #tpu.memory_space<vmem>>
        %dma_start3A_460 = tpu.memref_slice %arg3[%add3A_454] : memref<320000xi32, #tpu.memory_space<hbm>> -> memref<80xi32, #tpu.memory_space<hbm>>
        %dma_start3A_461 = tpu.memref_slice %arg11[%dma_start3A_456] : memref<3x!tpu.dma_semaphore, #tpu.memory_space<semaphore_mem>> -> memref<1x!tpu.dma_semaphore, #tpu.memory_space<semaphore_mem>>
        %dma_start3A_462 = tpu.memref_squeeze %dma_start3A_461 : memref<1x!tpu.dma_semaphore, #tpu.memory_space<semaphore_mem>> -> memref<!tpu.dma_semaphore, #tpu.memory_space<semaphore_mem>>
        %dma_start3A_463 = arith.constant 0 : i32
        %dma_start3A_464 = tpu.memref_slice %arg7[%dma_start3A_455, %dma_start3A_463] : memref<3x80xi32, #tpu.memory_space<vmem>> -> memref<1x80xi32, #tpu.memory_space<vmem>>
        %dma_start3A_465 = tpu.memref_squeeze %dma_start3A_464 : memref<1x80xi32, #tpu.memory_space<vmem>> -> memref<80xi32, #tpu.memory_space<vmem>>
        %dma_start3A_466 = tpu.memref_slice %arg3[%add3A_454] : memref<320000xi32, #tpu.memory_space<hbm>> -> memref<80xi32, #tpu.memory_space<hbm>>
        tpu.enqueue_dma source(%dma_start3A_466 : memref<80xi32, #tpu.memory_space<hbm>>) target(%dma_start3A_465 : memref<80xi32, #tpu.memory_space<vmem>>) target_semaphore(%dma_start3A_462 : memref<!tpu.dma_semaphore, #tpu.memory_space<semaphore_mem>>)
      } else {
      }
      %add3A_334 = arith.constant 1 : i32
      %add3A_335 = arith.addi %add3A_275, %add3A_334 : i32
      %add3A_336 = arith.constant 2 : i32
      %add3A_337 = arith.addi %add3A_335, %add3A_336 : i32
      %lt3A_338 = arith.constant 125 : i32
      %lt3A_339 = arith.cmpi slt, %add3A_337, %lt3A_338 : i32
      %convert_element_type3A_340 = arith.extui %lt3A_339 : i1 to i32
      %cond3A_341 = arith.constant 0 : i32
      %cond3A_342 = arith.cmpi ne, %convert_element_type3A_340, %cond3A_341 : i32
      scf.if %cond3A_342 {
        %ge3A = arith.constant 1 : i32
        %ge3A_450 = arith.cmpi sge, %add3A_335, %ge3A : i32
        %convert_element_type3A_451 = arith.extui %ge3A_450 : i1 to i32
        %cond3A_452 = arith.constant 0 : i32
        %cond3A_453 = arith.cmpi ne, %convert_element_type3A_451, %cond3A_452 : i32
        scf.if %cond3A_453 {
          %dma_wait3A_498 = arith.constant 0 : i32
          %dma_wait3A_499 = arith.constant 1 : i32
          %dma_wait3A_500 = arith.constant 0 : i32
          %dma_wait3A_501 = arith.constant 0 : i32
          %dma_wait3A_502 = arith.constant 0 : i32
          %dma_wait3A_503 = tpu.memref_slice %arg9[%dma_wait3A_498, %dma_wait3A_501, %dma_wait3A_502] : memref<3x80x128xf32, #tpu.memory_space<vmem>> -> memref<1x80x128xf32, #tpu.memory_space<vmem>>
          %dma_wait3A_504 = tpu.memref_squeeze %dma_wait3A_503 : memref<1x80x128xf32, #tpu.memory_space<vmem>> -> memref<80x128xf32, #tpu.memory_space<vmem>>
          %dma_wait3A_505 = arith.constant 0 : i32
          %dma_wait3A_506 = tpu.memref_slice %arg8[%dma_wait3A_499, %dma_wait3A_505] : memref<3x80xi32, #tpu.memory_space<vmem>> -> memref<1x80xi32, #tpu.memory_space<vmem>>
          %dma_wait3A_507 = tpu.memref_squeeze %dma_wait3A_506 : memref<1x80xi32, #tpu.memory_space<vmem>> -> memref<80xi32, #tpu.memory_space<vmem>>
          %dma_wait3A_508 = arith.constant 0 : i32
          %dma_wait3A_509 = arith.constant 0 : i32
          %dma_wait3A_510 = tpu.memref_slice %arg10[%dma_wait3A_508, %dma_wait3A_509] : memref<10112x128xf32, #tpu.memory_space<vmem_shared>> -> memref<10112x128xf32, #tpu.memory_space<vmem_shared>>
          %dma_wait3A_511 = tpu.memref_slice %arg15[%dma_wait3A_500] : memref<3x!tpu.dma_semaphore, #tpu.memory_space<semaphore_mem>> -> memref<1x!tpu.dma_semaphore, #tpu.memory_space<semaphore_mem>>
          %dma_wait3A_512 = tpu.memref_squeeze %dma_wait3A_511 : memref<1x!tpu.dma_semaphore, #tpu.memory_space<semaphore_mem>> -> memref<!tpu.dma_semaphore, #tpu.memory_space<semaphore_mem>>
          tpu.wait_indirect_dma semaphore(%dma_wait3A_512 : memref<!tpu.dma_semaphore, #tpu.memory_space<semaphore_mem>>) src(%dma_wait3A_504 : memref<80x128xf32, #tpu.memory_space<vmem>>) dst(%dma_wait3A_510 : memref<10112x128xf32, #tpu.memory_space<vmem_shared>>)
        } else {
        }
        %add3A_454 = arith.constant 2 : i32
        %add3A_455 = arith.addi %add3A_335, %add3A_454 : i32
        %mul3A_456 = arith.constant 80 : i32
        %mul3A_457 = arith.muli %add3A_455, %mul3A_456 : i32
        %add3A_458 = arith.addi %mul3A_4, %mul3A_457 : i32
        %dma_start3A_459 = arith.constant 0 : i32
        %dma_start3A_460 = arith.constant 0 : i32
        %dma_start3A_461 = arith.constant 0 : i32
        %dma_start3A_462 = tpu.memref_slice %arg8[%dma_start3A_459, %dma_start3A_461] : memref<3x80xi32, #tpu.memory_space<vmem>> -> memref<1x80xi32, #tpu.memory_space<vmem>>
        %dma_start3A_463 = tpu.memref_squeeze %dma_start3A_462 : memref<1x80xi32, #tpu.memory_space<vmem>> -> memref<80xi32, #tpu.memory_space<vmem>>
        %dma_start3A_464 = tpu.memref_slice %arg4[%add3A_458] : memref<320000xi32, #tpu.memory_space<hbm>> -> memref<80xi32, #tpu.memory_space<hbm>>
        %dma_start3A_465 = tpu.memref_slice %arg12[%dma_start3A_460] : memref<3x!tpu.dma_semaphore, #tpu.memory_space<semaphore_mem>> -> memref<1x!tpu.dma_semaphore, #tpu.memory_space<semaphore_mem>>
        %dma_start3A_466 = tpu.memref_squeeze %dma_start3A_465 : memref<1x!tpu.dma_semaphore, #tpu.memory_space<semaphore_mem>> -> memref<!tpu.dma_semaphore, #tpu.memory_space<semaphore_mem>>
        %dma_start3A_467 = arith.constant 0 : i32
        %dma_start3A_468 = tpu.memref_slice %arg8[%dma_start3A_459, %dma_start3A_467] : memref<3x80xi32, #tpu.memory_space<vmem>> -> memref<1x80xi32, #tpu.memory_space<vmem>>
        %dma_start3A_469 = tpu.memref_squeeze %dma_start3A_468 : memref<1x80xi32, #tpu.memory_space<vmem>> -> memref<80xi32, #tpu.memory_space<vmem>>
        %dma_start3A_470 = tpu.memref_slice %arg4[%add3A_458] : memref<320000xi32, #tpu.memory_space<hbm>> -> memref<80xi32, #tpu.memory_space<hbm>>
        tpu.enqueue_dma source(%dma_start3A_470 : memref<80xi32, #tpu.memory_space<hbm>>) target(%dma_start3A_469 : memref<80xi32, #tpu.memory_space<vmem>>) target_semaphore(%dma_start3A_466 : memref<!tpu.dma_semaphore, #tpu.memory_space<semaphore_mem>>)
        %dma_wait3A_471 = arith.constant 0 : i32
        %dma_wait3A_472 = arith.constant 0 : i32
        %dma_wait3A_473 = arith.constant 0 : i32
        %dma_wait3A_474 = tpu.memref_slice %arg7[%dma_wait3A_471, %dma_wait3A_473] : memref<3x80xi32, #tpu.memory_space<vmem>> -> memref<1x80xi32, #tpu.memory_space<vmem>>
        %dma_wait3A_475 = tpu.memref_squeeze %dma_wait3A_474 : memref<1x80xi32, #tpu.memory_space<vmem>> -> memref<80xi32, #tpu.memory_space<vmem>>
        %dma_wait3A_476 = tpu.memref_slice %arg3[%mul3A_4] : memref<320000xi32, #tpu.memory_space<hbm>> -> memref<80xi32, #tpu.memory_space<hbm>>
        %dma_wait3A_477 = tpu.memref_slice %arg11[%dma_wait3A_472] : memref<3x!tpu.dma_semaphore, #tpu.memory_space<semaphore_mem>> -> memref<1x!tpu.dma_semaphore, #tpu.memory_space<semaphore_mem>>
        %dma_wait3A_478 = tpu.memref_squeeze %dma_wait3A_477 : memref<1x!tpu.dma_semaphore, #tpu.memory_space<semaphore_mem>> -> memref<!tpu.dma_semaphore, #tpu.memory_space<semaphore_mem>>
        %dma_wait3A_479 = arith.constant 0 : i32
        %dma_wait3A_480 = tpu.memref_slice %arg7[%dma_wait3A_471, %dma_wait3A_479] : memref<3x80xi32, #tpu.memory_space<vmem>> -> memref<1x80xi32, #tpu.memory_space<vmem>>
        %dma_wait3A_481 = tpu.memref_squeeze %dma_wait3A_480 : memref<1x80xi32, #tpu.memory_space<vmem>> -> memref<80xi32, #tpu.memory_space<vmem>>
        %dma_wait3A_482 = tpu.memref_slice %arg3[%mul3A_4] : memref<320000xi32, #tpu.memory_space<hbm>> -> memref<80xi32, #tpu.memory_space<hbm>>
        tpu.wait_dma2 semaphore(%dma_wait3A_478 : memref<!tpu.dma_semaphore, #tpu.memory_space<semaphore_mem>>) src(%dma_wait3A_482 : memref<80xi32, #tpu.memory_space<hbm>>) dst(%dma_wait3A_481 : memref<80xi32, #tpu.memory_space<vmem>>)
        %dma_start3A_483 = arith.constant 0 : i32
        %dma_start3A_484 = arith.constant 0 : i32
        %dma_start3A_485 = arith.constant 0 : i32
        %dma_start3A_486 = arith.constant 0 : i32
        %dma_start3A_487 = arith.constant 0 : i32
        %dma_start3A_488 = tpu.memref_slice %arg9[%dma_start3A_484, %dma_start3A_486, %dma_start3A_487] : memref<3x80x128xf32, #tpu.memory_space<vmem>> -> memref<1x80x128xf32, #tpu.memory_space<vmem>>
        %dma_start3A_489 = tpu.memref_squeeze %dma_start3A_488 : memref<1x80x128xf32, #tpu.memory_space<vmem>> -> memref<80x128xf32, #tpu.memory_space<vmem>>
        %dma_start3A_490 = arith.constant 0 : i32
        %dma_start3A_491 = tpu.memref_slice %arg7[%dma_start3A_483, %dma_start3A_490] : memref<3x80xi32, #tpu.memory_space<vmem>> -> memref<1x80xi32, #tpu.memory_space<vmem>>
        %dma_start3A_492 = tpu.memref_squeeze %dma_start3A_491 : memref<1x80xi32, #tpu.memory_space<vmem>> -> memref<80xi32, #tpu.memory_space<vmem>>
        %dma_start3A_493 = arith.constant 0 : i32
        %dma_start3A_494 = arith.constant 0 : i32
        %dma_start3A_495 = tpu.memref_slice %arg2[%dma_start3A_493, %dma_start3A_494] : memref<10000x128xf32, #tpu.memory_space<hbm>> -> memref<10000x128xf32, #tpu.memory_space<hbm>>
        %dma_start3A_496 = tpu.memref_slice %arg14[%dma_start3A_485] : memref<3x!tpu.dma_semaphore, #tpu.memory_space<semaphore_mem>> -> memref<1x!tpu.dma_semaphore, #tpu.memory_space<semaphore_mem>>
        %dma_start3A_497 = tpu.memref_squeeze %dma_start3A_496 : memref<1x!tpu.dma_semaphore, #tpu.memory_space<semaphore_mem>> -> memref<!tpu.dma_semaphore, #tpu.memory_space<semaphore_mem>>
        tpu.enqueue_indirect_dma source(%dma_start3A_495 : memref<10000x128xf32, #tpu.memory_space<hbm>>) target(%dma_start3A_489 : memref<80x128xf32, #tpu.memory_space<vmem>>) offsets(%dma_start3A_492 : memref<80xi32, #tpu.memory_space<vmem>>) semaphore(%dma_start3A_497 : memref<!tpu.dma_semaphore, #tpu.memory_space<semaphore_mem>>)
      } else {
      }
      %dma_wait3A_343 = arith.constant 1 : i32
      %dma_wait3A_344 = arith.constant 1 : i32
      %dma_wait3A_345 = arith.constant 1 : i32
      %dma_wait3A_346 = arith.constant 0 : i32
      %dma_wait3A_347 = arith.constant 0 : i32
      %dma_wait3A_348 = tpu.memref_slice %arg9[%dma_wait3A_344, %dma_wait3A_346, %dma_wait3A_347] : memref<3x80x128xf32, #tpu.memory_space<vmem>> -> memref<1x80x128xf32, #tpu.memory_space<vmem>>
      %dma_wait3A_349 = tpu.memref_squeeze %dma_wait3A_348 : memref<1x80x128xf32, #tpu.memory_space<vmem>> -> memref<80x128xf32, #tpu.memory_space<vmem>>
      %dma_wait3A_350 = arith.constant 0 : i32
      %dma_wait3A_351 = tpu.memref_slice %arg7[%dma_wait3A_343, %dma_wait3A_350] : memref<3x80xi32, #tpu.memory_space<vmem>> -> memref<1x80xi32, #tpu.memory_space<vmem>>
      %dma_wait3A_352 = tpu.memref_squeeze %dma_wait3A_351 : memref<1x80xi32, #tpu.memory_space<vmem>> -> memref<80xi32, #tpu.memory_space<vmem>>
      %dma_wait3A_353 = arith.constant 0 : i32
      %dma_wait3A_354 = arith.constant 0 : i32
      %dma_wait3A_355 = tpu.memref_slice %arg2[%dma_wait3A_353, %dma_wait3A_354] : memref<10000x128xf32, #tpu.memory_space<hbm>> -> memref<10000x128xf32, #tpu.memory_space<hbm>>
      %dma_wait3A_356 = tpu.memref_slice %arg14[%dma_wait3A_345] : memref<3x!tpu.dma_semaphore, #tpu.memory_space<semaphore_mem>> -> memref<1x!tpu.dma_semaphore, #tpu.memory_space<semaphore_mem>>
      %dma_wait3A_357 = tpu.memref_squeeze %dma_wait3A_356 : memref<1x!tpu.dma_semaphore, #tpu.memory_space<semaphore_mem>> -> memref<!tpu.dma_semaphore, #tpu.memory_space<semaphore_mem>>
      tpu.wait_indirect_dma semaphore(%dma_wait3A_357 : memref<!tpu.dma_semaphore, #tpu.memory_space<semaphore_mem>>) src(%dma_wait3A_355 : memref<10000x128xf32, #tpu.memory_space<hbm>>) dst(%dma_wait3A_349 : memref<80x128xf32, #tpu.memory_space<vmem>>)
      %dma_wait3A_358 = arith.constant 1 : i32
      %dma_wait3A_359 = arith.constant 1 : i32
      %dma_wait3A_360 = arith.constant 0 : i32
      %dma_wait3A_361 = tpu.memref_slice %arg8[%dma_wait3A_358, %dma_wait3A_360] : memref<3x80xi32, #tpu.memory_space<vmem>> -> memref<1x80xi32, #tpu.memory_space<vmem>>
      %dma_wait3A_362 = tpu.memref_squeeze %dma_wait3A_361 : memref<1x80xi32, #tpu.memory_space<vmem>> -> memref<80xi32, #tpu.memory_space<vmem>>
      %dma_wait3A_363 = tpu.memref_slice %arg4[%mul3A_4] : memref<320000xi32, #tpu.memory_space<hbm>> -> memref<80xi32, #tpu.memory_space<hbm>>
      %dma_wait3A_364 = tpu.memref_slice %arg12[%dma_wait3A_359] : memref<3x!tpu.dma_semaphore, #tpu.memory_space<semaphore_mem>> -> memref<1x!tpu.dma_semaphore, #tpu.memory_space<semaphore_mem>>
      %dma_wait3A_365 = tpu.memref_squeeze %dma_wait3A_364 : memref<1x!tpu.dma_semaphore, #tpu.memory_space<semaphore_mem>> -> memref<!tpu.dma_semaphore, #tpu.memory_space<semaphore_mem>>
      %dma_wait3A_366 = arith.constant 0 : i32
      %dma_wait3A_367 = tpu.memref_slice %arg8[%dma_wait3A_358, %dma_wait3A_366] : memref<3x80xi32, #tpu.memory_space<vmem>> -> memref<1x80xi32, #tpu.memory_space<vmem>>
      %dma_wait3A_368 = tpu.memref_squeeze %dma_wait3A_367 : memref<1x80xi32, #tpu.memory_space<vmem>> -> memref<80xi32, #tpu.memory_space<vmem>>
      %dma_wait3A_369 = tpu.memref_slice %arg4[%mul3A_4] : memref<320000xi32, #tpu.memory_space<hbm>> -> memref<80xi32, #tpu.memory_space<hbm>>
      tpu.wait_dma2 semaphore(%dma_wait3A_365 : memref<!tpu.dma_semaphore, #tpu.memory_space<semaphore_mem>>) src(%dma_wait3A_369 : memref<80xi32, #tpu.memory_space<hbm>>) dst(%dma_wait3A_368 : memref<80xi32, #tpu.memory_space<vmem>>)
      %dma_start3A_370 = arith.constant 1 : i32
      %dma_start3A_371 = arith.constant 1 : i32
      %dma_start3A_372 = arith.constant 1 : i32
      %dma_start3A_373 = arith.constant 0 : i32
      %dma_start3A_374 = arith.constant 0 : i32
      %dma_start3A_375 = tpu.memref_slice %arg9[%dma_start3A_370, %dma_start3A_373, %dma_start3A_374] : memref<3x80x128xf32, #tpu.memory_space<vmem>> -> memref<1x80x128xf32, #tpu.memory_space<vmem>>
      %dma_start3A_376 = tpu.memref_squeeze %dma_start3A_375 : memref<1x80x128xf32, #tpu.memory_space<vmem>> -> memref<80x128xf32, #tpu.memory_space<vmem>>
      %dma_start3A_377 = arith.constant 0 : i32
      %dma_start3A_378 = tpu.memref_slice %arg8[%dma_start3A_371, %dma_start3A_377] : memref<3x80xi32, #tpu.memory_space<vmem>> -> memref<1x80xi32, #tpu.memory_space<vmem>>
      %dma_start3A_379 = tpu.memref_squeeze %dma_start3A_378 : memref<1x80xi32, #tpu.memory_space<vmem>> -> memref<80xi32, #tpu.memory_space<vmem>>
      %dma_start3A_380 = arith.constant 0 : i32
      %dma_start3A_381 = arith.constant 0 : i32
      %dma_start3A_382 = tpu.memref_slice %arg10[%dma_start3A_380, %dma_start3A_381] : memref<10112x128xf32, #tpu.memory_space<vmem_shared>> -> memref<10112x128xf32, #tpu.memory_space<vmem_shared>>
      %dma_start3A_383 = tpu.memref_slice %arg15[%dma_start3A_372] : memref<3x!tpu.dma_semaphore, #tpu.memory_space<semaphore_mem>> -> memref<1x!tpu.dma_semaphore, #tpu.memory_space<semaphore_mem>>
      %dma_start3A_384 = tpu.memref_squeeze %dma_start3A_383 : memref<1x!tpu.dma_semaphore, #tpu.memory_space<semaphore_mem>> -> memref<!tpu.dma_semaphore, #tpu.memory_space<semaphore_mem>>
      tpu.enqueue_indirect_dma source(%dma_start3A_376 : memref<80x128xf32, #tpu.memory_space<vmem>>) target(%dma_start3A_382 : memref<10112x128xf32, #tpu.memory_space<vmem_shared>>) offsets(%dma_start3A_379 : memref<80xi32, #tpu.memory_space<vmem>>) semaphore(%dma_start3A_384 : memref<!tpu.dma_semaphore, #tpu.memory_space<semaphore_mem>>) {add = true}
      %add3A_385 = arith.constant 3 : i32
      %add3A_386 = arith.addi %add3A_335, %add3A_385 : i32
      %lt3A_387 = arith.constant 125 : i32
      %lt3A_388 = arith.cmpi slt, %add3A_386, %lt3A_387 : i32
      %convert_element_type3A_389 = arith.extui %lt3A_388 : i1 to i32
      %cond3A_390 = arith.constant 0 : i32
      %cond3A_391 = arith.cmpi ne, %convert_element_type3A_389, %cond3A_390 : i32
      scf.if %cond3A_391 {
        %add3A_450 = arith.constant 3 : i32
        %add3A_451 = arith.addi %add3A_335, %add3A_450 : i32
        %mul3A_452 = arith.constant 80 : i32
        %mul3A_453 = arith.muli %add3A_451, %mul3A_452 : i32
        %add3A_454 = arith.addi %mul3A_4, %mul3A_453 : i32
        %dma_start3A_455 = arith.constant 1 : i32
        %dma_start3A_456 = arith.constant 1 : i32
        %dma_start3A_457 = arith.constant 0 : i32
        %dma_start3A_458 = tpu.memref_slice %arg7[%dma_start3A_455, %dma_start3A_457] : memref<3x80xi32, #tpu.memory_space<vmem>> -> memref<1x80xi32, #tpu.memory_space<vmem>>
        %dma_start3A_459 = tpu.memref_squeeze %dma_start3A_458 : memref<1x80xi32, #tpu.memory_space<vmem>> -> memref<80xi32, #tpu.memory_space<vmem>>
        %dma_start3A_460 = tpu.memref_slice %arg3[%add3A_454] : memref<320000xi32, #tpu.memory_space<hbm>> -> memref<80xi32, #tpu.memory_space<hbm>>
        %dma_start3A_461 = tpu.memref_slice %arg11[%dma_start3A_456] : memref<3x!tpu.dma_semaphore, #tpu.memory_space<semaphore_mem>> -> memref<1x!tpu.dma_semaphore, #tpu.memory_space<semaphore_mem>>
        %dma_start3A_462 = tpu.memref_squeeze %dma_start3A_461 : memref<1x!tpu.dma_semaphore, #tpu.memory_space<semaphore_mem>> -> memref<!tpu.dma_semaphore, #tpu.memory_space<semaphore_mem>>
        %dma_start3A_463 = arith.constant 0 : i32
        %dma_start3A_464 = tpu.memref_slice %arg7[%dma_start3A_455, %dma_start3A_463] : memref<3x80xi32, #tpu.memory_space<vmem>> -> memref<1x80xi32, #tpu.memory_space<vmem>>
        %dma_start3A_465 = tpu.memref_squeeze %dma_start3A_464 : memref<1x80xi32, #tpu.memory_space<vmem>> -> memref<80xi32, #tpu.memory_space<vmem>>
        %dma_start3A_466 = tpu.memref_slice %arg3[%add3A_454] : memref<320000xi32, #tpu.memory_space<hbm>> -> memref<80xi32, #tpu.memory_space<hbm>>
        tpu.enqueue_dma source(%dma_start3A_466 : memref<80xi32, #tpu.memory_space<hbm>>) target(%dma_start3A_465 : memref<80xi32, #tpu.memory_space<vmem>>) target_semaphore(%dma_start3A_462 : memref<!tpu.dma_semaphore, #tpu.memory_space<semaphore_mem>>)
      } else {
      }
      %add3A_392 = arith.constant 2 : i32
      %add3A_393 = arith.addi %add3A_275, %add3A_392 : i32
      %add3A_394 = arith.constant 2 : i32
      %add3A_395 = arith.addi %add3A_393, %add3A_394 : i32
      %lt3A_396 = arith.constant 125 : i32
      %lt3A_397 = arith.cmpi slt, %add3A_395, %lt3A_396 : i32
      %convert_element_type3A_398 = arith.extui %lt3A_397 : i1 to i32
      %cond3A_399 = arith.constant 0 : i32
      %cond3A_400 = arith.cmpi ne, %convert_element_type3A_398, %cond3A_399 : i32
      scf.if %cond3A_400 {
        %ge3A = arith.constant 1 : i32
        %ge3A_450 = arith.cmpi sge, %add3A_393, %ge3A : i32
        %convert_element_type3A_451 = arith.extui %ge3A_450 : i1 to i32
        %cond3A_452 = arith.constant 0 : i32
        %cond3A_453 = arith.cmpi ne, %convert_element_type3A_451, %cond3A_452 : i32
        scf.if %cond3A_453 {
          %dma_wait3A_498 = arith.constant 1 : i32
          %dma_wait3A_499 = arith.constant 2 : i32
          %dma_wait3A_500 = arith.constant 1 : i32
          %dma_wait3A_501 = arith.constant 0 : i32
          %dma_wait3A_502 = arith.constant 0 : i32
          %dma_wait3A_503 = tpu.memref_slice %arg9[%dma_wait3A_498, %dma_wait3A_501, %dma_wait3A_502] : memref<3x80x128xf32, #tpu.memory_space<vmem>> -> memref<1x80x128xf32, #tpu.memory_space<vmem>>
          %dma_wait3A_504 = tpu.memref_squeeze %dma_wait3A_503 : memref<1x80x128xf32, #tpu.memory_space<vmem>> -> memref<80x128xf32, #tpu.memory_space<vmem>>
          %dma_wait3A_505 = arith.constant 0 : i32
          %dma_wait3A_506 = tpu.memref_slice %arg8[%dma_wait3A_499, %dma_wait3A_505] : memref<3x80xi32, #tpu.memory_space<vmem>> -> memref<1x80xi32, #tpu.memory_space<vmem>>
          %dma_wait3A_507 = tpu.memref_squeeze %dma_wait3A_506 : memref<1x80xi32, #tpu.memory_space<vmem>> -> memref<80xi32, #tpu.memory_space<vmem>>
          %dma_wait3A_508 = arith.constant 0 : i32
          %dma_wait3A_509 = arith.constant 0 : i32
          %dma_wait3A_510 = tpu.memref_slice %arg10[%dma_wait3A_508, %dma_wait3A_509] : memref<10112x128xf32, #tpu.memory_space<vmem_shared>> -> memref<10112x128xf32, #tpu.memory_space<vmem_shared>>
          %dma_wait3A_511 = tpu.memref_slice %arg15[%dma_wait3A_500] : memref<3x!tpu.dma_semaphore, #tpu.memory_space<semaphore_mem>> -> memref<1x!tpu.dma_semaphore, #tpu.memory_space<semaphore_mem>>
          %dma_wait3A_512 = tpu.memref_squeeze %dma_wait3A_511 : memref<1x!tpu.dma_semaphore, #tpu.memory_space<semaphore_mem>> -> memref<!tpu.dma_semaphore, #tpu.memory_space<semaphore_mem>>
          tpu.wait_indirect_dma semaphore(%dma_wait3A_512 : memref<!tpu.dma_semaphore, #tpu.memory_space<semaphore_mem>>) src(%dma_wait3A_504 : memref<80x128xf32, #tpu.memory_space<vmem>>) dst(%dma_wait3A_510 : memref<10112x128xf32, #tpu.memory_space<vmem_shared>>)
        } else {
        }
        %add3A_454 = arith.constant 2 : i32
        %add3A_455 = arith.addi %add3A_393, %add3A_454 : i32
        %mul3A_456 = arith.constant 80 : i32
        %mul3A_457 = arith.muli %add3A_455, %mul3A_456 : i32
        %add3A_458 = arith.addi %mul3A_4, %mul3A_457 : i32
        %dma_start3A_459 = arith.constant 1 : i32
        %dma_start3A_460 = arith.constant 1 : i32
        %dma_start3A_461 = arith.constant 0 : i32
        %dma_start3A_462 = tpu.memref_slice %arg8[%dma_start3A_459, %dma_start3A_461] : memref<3x80xi32, #tpu.memory_space<vmem>> -> memref<1x80xi32, #tpu.memory_space<vmem>>
        %dma_start3A_463 = tpu.memref_squeeze %dma_start3A_462 : memref<1x80xi32, #tpu.memory_space<vmem>> -> memref<80xi32, #tpu.memory_space<vmem>>
        %dma_start3A_464 = tpu.memref_slice %arg4[%add3A_458] : memref<320000xi32, #tpu.memory_space<hbm>> -> memref<80xi32, #tpu.memory_space<hbm>>
        %dma_start3A_465 = tpu.memref_slice %arg12[%dma_start3A_460] : memref<3x!tpu.dma_semaphore, #tpu.memory_space<semaphore_mem>> -> memref<1x!tpu.dma_semaphore, #tpu.memory_space<semaphore_mem>>
        %dma_start3A_466 = tpu.memref_squeeze %dma_start3A_465 : memref<1x!tpu.dma_semaphore, #tpu.memory_space<semaphore_mem>> -> memref<!tpu.dma_semaphore, #tpu.memory_space<semaphore_mem>>
        %dma_start3A_467 = arith.constant 0 : i32
        %dma_start3A_468 = tpu.memref_slice %arg8[%dma_start3A_459, %dma_start3A_467] : memref<3x80xi32, #tpu.memory_space<vmem>> -> memref<1x80xi32, #tpu.memory_space<vmem>>
        %dma_start3A_469 = tpu.memref_squeeze %dma_start3A_468 : memref<1x80xi32, #tpu.memory_space<vmem>> -> memref<80xi32, #tpu.memory_space<vmem>>
        %dma_start3A_470 = tpu.memref_slice %arg4[%add3A_458] : memref<320000xi32, #tpu.memory_space<hbm>> -> memref<80xi32, #tpu.memory_space<hbm>>
        tpu.enqueue_dma source(%dma_start3A_470 : memref<80xi32, #tpu.memory_space<hbm>>) target(%dma_start3A_469 : memref<80xi32, #tpu.memory_space<vmem>>) target_semaphore(%dma_start3A_466 : memref<!tpu.dma_semaphore, #tpu.memory_space<semaphore_mem>>)
        %dma_wait3A_471 = arith.constant 1 : i32
        %dma_wait3A_472 = arith.constant 1 : i32
        %dma_wait3A_473 = arith.constant 0 : i32
        %dma_wait3A_474 = tpu.memref_slice %arg7[%dma_wait3A_471, %dma_wait3A_473] : memref<3x80xi32, #tpu.memory_space<vmem>> -> memref<1x80xi32, #tpu.memory_space<vmem>>
        %dma_wait3A_475 = tpu.memref_squeeze %dma_wait3A_474 : memref<1x80xi32, #tpu.memory_space<vmem>> -> memref<80xi32, #tpu.memory_space<vmem>>
        %dma_wait3A_476 = tpu.memref_slice %arg3[%mul3A_4] : memref<320000xi32, #tpu.memory_space<hbm>> -> memref<80xi32, #tpu.memory_space<hbm>>
        %dma_wait3A_477 = tpu.memref_slice %arg11[%dma_wait3A_472] : memref<3x!tpu.dma_semaphore, #tpu.memory_space<semaphore_mem>> -> memref<1x!tpu.dma_semaphore, #tpu.memory_space<semaphore_mem>>
        %dma_wait3A_478 = tpu.memref_squeeze %dma_wait3A_477 : memref<1x!tpu.dma_semaphore, #tpu.memory_space<semaphore_mem>> -> memref<!tpu.dma_semaphore, #tpu.memory_space<semaphore_mem>>
        %dma_wait3A_479 = arith.constant 0 : i32
        %dma_wait3A_480 = tpu.memref_slice %arg7[%dma_wait3A_471, %dma_wait3A_479] : memref<3x80xi32, #tpu.memory_space<vmem>> -> memref<1x80xi32, #tpu.memory_space<vmem>>
        %dma_wait3A_481 = tpu.memref_squeeze %dma_wait3A_480 : memref<1x80xi32, #tpu.memory_space<vmem>> -> memref<80xi32, #tpu.memory_space<vmem>>
        %dma_wait3A_482 = tpu.memref_slice %arg3[%mul3A_4] : memref<320000xi32, #tpu.memory_space<hbm>> -> memref<80xi32, #tpu.memory_space<hbm>>
        tpu.wait_dma2 semaphore(%dma_wait3A_478 : memref<!tpu.dma_semaphore, #tpu.memory_space<semaphore_mem>>) src(%dma_wait3A_482 : memref<80xi32, #tpu.memory_space<hbm>>) dst(%dma_wait3A_481 : memref<80xi32, #tpu.memory_space<vmem>>)
        %dma_start3A_483 = arith.constant 1 : i32
        %dma_start3A_484 = arith.constant 1 : i32
        %dma_start3A_485 = arith.constant 1 : i32
        %dma_start3A_486 = arith.constant 0 : i32
        %dma_start3A_487 = arith.constant 0 : i32
        %dma_start3A_488 = tpu.memref_slice %arg9[%dma_start3A_484, %dma_start3A_486, %dma_start3A_487] : memref<3x80x128xf32, #tpu.memory_space<vmem>> -> memref<1x80x128xf32, #tpu.memory_space<vmem>>
        %dma_start3A_489 = tpu.memref_squeeze %dma_start3A_488 : memref<1x80x128xf32, #tpu.memory_space<vmem>> -> memref<80x128xf32, #tpu.memory_space<vmem>>
        %dma_start3A_490 = arith.constant 0 : i32
        %dma_start3A_491 = tpu.memref_slice %arg7[%dma_start3A_483, %dma_start3A_490] : memref<3x80xi32, #tpu.memory_space<vmem>> -> memref<1x80xi32, #tpu.memory_space<vmem>>
        %dma_start3A_492 = tpu.memref_squeeze %dma_start3A_491 : memref<1x80xi32, #tpu.memory_space<vmem>> -> memref<80xi32, #tpu.memory_space<vmem>>
        %dma_start3A_493 = arith.constant 0 : i32
        %dma_start3A_494 = arith.constant 0 : i32
        %dma_start3A_495 = tpu.memref_slice %arg2[%dma_start3A_493, %dma_start3A_494] : memref<10000x128xf32, #tpu.memory_space<hbm>> -> memref<10000x128xf32, #tpu.memory_space<hbm>>
        %dma_start3A_496 = tpu.memref_slice %arg14[%dma_start3A_485] : memref<3x!tpu.dma_semaphore, #tpu.memory_space<semaphore_mem>> -> memref<1x!tpu.dma_semaphore, #tpu.memory_space<semaphore_mem>>
        %dma_start3A_497 = tpu.memref_squeeze %dma_start3A_496 : memref<1x!tpu.dma_semaphore, #tpu.memory_space<semaphore_mem>> -> memref<!tpu.dma_semaphore, #tpu.memory_space<semaphore_mem>>
        tpu.enqueue_indirect_dma source(%dma_start3A_495 : memref<10000x128xf32, #tpu.memory_space<hbm>>) target(%dma_start3A_489 : memref<80x128xf32, #tpu.memory_space<vmem>>) offsets(%dma_start3A_492 : memref<80xi32, #tpu.memory_space<vmem>>) semaphore(%dma_start3A_497 : memref<!tpu.dma_semaphore, #tpu.memory_space<semaphore_mem>>)
      } else {
      }
      %dma_wait3A_401 = arith.constant 2 : i32
      %dma_wait3A_402 = arith.constant 2 : i32
      %dma_wait3A_403 = arith.constant 2 : i32
      %dma_wait3A_404 = arith.constant 0 : i32
      %dma_wait3A_405 = arith.constant 0 : i32
      %dma_wait3A_406 = tpu.memref_slice %arg9[%dma_wait3A_402, %dma_wait3A_404, %dma_wait3A_405] : memref<3x80x128xf32, #tpu.memory_space<vmem>> -> memref<1x80x128xf32, #tpu.memory_space<vmem>>
      %dma_wait3A_407 = tpu.memref_squeeze %dma_wait3A_406 : memref<1x80x128xf32, #tpu.memory_space<vmem>> -> memref<80x128xf32, #tpu.memory_space<vmem>>
      %dma_wait3A_408 = arith.constant 0 : i32
      %dma_wait3A_409 = tpu.memref_slice %arg7[%dma_wait3A_401, %dma_wait3A_408] : memref<3x80xi32, #tpu.memory_space<vmem>> -> memref<1x80xi32, #tpu.memory_space<vmem>>
      %dma_wait3A_410 = tpu.memref_squeeze %dma_wait3A_409 : memref<1x80xi32, #tpu.memory_space<vmem>> -> memref<80xi32, #tpu.memory_space<vmem>>
      %dma_wait3A_411 = arith.constant 0 : i32
      %dma_wait3A_412 = arith.constant 0 : i32
      %dma_wait3A_413 = tpu.memref_slice %arg2[%dma_wait3A_411, %dma_wait3A_412] : memref<10000x128xf32, #tpu.memory_space<hbm>> -> memref<10000x128xf32, #tpu.memory_space<hbm>>
      %dma_wait3A_414 = tpu.memref_slice %arg14[%dma_wait3A_403] : memref<3x!tpu.dma_semaphore, #tpu.memory_space<semaphore_mem>> -> memref<1x!tpu.dma_semaphore, #tpu.memory_space<semaphore_mem>>
      %dma_wait3A_415 = tpu.memref_squeeze %dma_wait3A_414 : memref<1x!tpu.dma_semaphore, #tpu.memory_space<semaphore_mem>> -> memref<!tpu.dma_semaphore, #tpu.memory_space<semaphore_mem>>
      tpu.wait_indirect_dma semaphore(%dma_wait3A_415 : memref<!tpu.dma_semaphore, #tpu.memory_space<semaphore_mem>>) src(%dma_wait3A_413 : memref<10000x128xf32, #tpu.memory_space<hbm>>) dst(%dma_wait3A_407 : memref<80x128xf32, #tpu.memory_space<vmem>>)
      %dma_wait3A_416 = arith.constant 2 : i32
      %dma_wait3A_417 = arith.constant 2 : i32
      %dma_wait3A_418 = arith.constant 0 : i32
      %dma_wait3A_419 = tpu.memref_slice %arg8[%dma_wait3A_416, %dma_wait3A_418] : memref<3x80xi32, #tpu.memory_space<vmem>> -> memref<1x80xi32, #tpu.memory_space<vmem>>
      %dma_wait3A_420 = tpu.memref_squeeze %dma_wait3A_419 : memref<1x80xi32, #tpu.memory_space<vmem>> -> memref<80xi32, #tpu.memory_space<vmem>>
      %dma_wait3A_421 = tpu.memref_slice %arg4[%mul3A_4] : memref<320000xi32, #tpu.memory_space<hbm>> -> memref<80xi32, #tpu.memory_space<hbm>>
      %dma_wait3A_422 = tpu.memref_slice %arg12[%dma_wait3A_417] : memref<3x!tpu.dma_semaphore, #tpu.memory_space<semaphore_mem>> -> memref<1x!tpu.dma_semaphore, #tpu.memory_space<semaphore_mem>>
      %dma_wait3A_423 = tpu.memref_squeeze %dma_wait3A_422 : memref<1x!tpu.dma_semaphore, #tpu.memory_space<semaphore_mem>> -> memref<!tpu.dma_semaphore, #tpu.memory_space<semaphore_mem>>
      %dma_wait3A_424 = arith.constant 0 : i32
      %dma_wait3A_425 = tpu.memref_slice %arg8[%dma_wait3A_416, %dma_wait3A_424] : memref<3x80xi32, #tpu.memory_space<vmem>> -> memref<1x80xi32, #tpu.memory_space<vmem>>
      %dma_wait3A_426 = tpu.memref_squeeze %dma_wait3A_425 : memref<1x80xi32, #tpu.memory_space<vmem>> -> memref<80xi32, #tpu.memory_space<vmem>>
      %dma_wait3A_427 = tpu.memref_slice %arg4[%mul3A_4] : memref<320000xi32, #tpu.memory_space<hbm>> -> memref<80xi32, #tpu.memory_space<hbm>>
      tpu.wait_dma2 semaphore(%dma_wait3A_423 : memref<!tpu.dma_semaphore, #tpu.memory_space<semaphore_mem>>) src(%dma_wait3A_427 : memref<80xi32, #tpu.memory_space<hbm>>) dst(%dma_wait3A_426 : memref<80xi32, #tpu.memory_space<vmem>>)
      %dma_start3A_428 = arith.constant 2 : i32
      %dma_start3A_429 = arith.constant 2 : i32
      %dma_start3A_430 = arith.constant 2 : i32
      %dma_start3A_431 = arith.constant 0 : i32
      %dma_start3A_432 = arith.constant 0 : i32
      %dma_start3A_433 = tpu.memref_slice %arg9[%dma_start3A_428, %dma_start3A_431, %dma_start3A_432] : memref<3x80x128xf32, #tpu.memory_space<vmem>> -> memref<1x80x128xf32, #tpu.memory_space<vmem>>
      %dma_start3A_434 = tpu.memref_squeeze %dma_start3A_433 : memref<1x80x128xf32, #tpu.memory_space<vmem>> -> memref<80x128xf32, #tpu.memory_space<vmem>>
      %dma_start3A_435 = arith.constant 0 : i32
      %dma_start3A_436 = tpu.memref_slice %arg8[%dma_start3A_429, %dma_start3A_435] : memref<3x80xi32, #tpu.memory_space<vmem>> -> memref<1x80xi32, #tpu.memory_space<vmem>>
      %dma_start3A_437 = tpu.memref_squeeze %dma_start3A_436 : memref<1x80xi32, #tpu.memory_space<vmem>> -> memref<80xi32, #tpu.memory_space<vmem>>
      %dma_start3A_438 = arith.constant 0 : i32
      %dma_start3A_439 = arith.constant 0 : i32
      %dma_start3A_440 = tpu.memref_slice %arg10[%dma_start3A_438, %dma_start3A_439] : memref<10112x128xf32, #tpu.memory_space<vmem_shared>> -> memref<10112x128xf32, #tpu.memory_space<vmem_shared>>
      %dma_start3A_441 = tpu.memref_slice %arg15[%dma_start3A_430] : memref<3x!tpu.dma_semaphore, #tpu.memory_space<semaphore_mem>> -> memref<1x!tpu.dma_semaphore, #tpu.memory_space<semaphore_mem>>
      %dma_start3A_442 = tpu.memref_squeeze %dma_start3A_441 : memref<1x!tpu.dma_semaphore, #tpu.memory_space<semaphore_mem>> -> memref<!tpu.dma_semaphore, #tpu.memory_space<semaphore_mem>>
      tpu.enqueue_indirect_dma source(%dma_start3A_434 : memref<80x128xf32, #tpu.memory_space<vmem>>) target(%dma_start3A_440 : memref<10112x128xf32, #tpu.memory_space<vmem_shared>>) offsets(%dma_start3A_437 : memref<80xi32, #tpu.memory_space<vmem>>) semaphore(%dma_start3A_442 : memref<!tpu.dma_semaphore, #tpu.memory_space<semaphore_mem>>) {add = true}
      %add3A_443 = arith.constant 3 : i32
      %add3A_444 = arith.addi %add3A_393, %add3A_443 : i32
      %lt3A_445 = arith.constant 125 : i32
      %lt3A_446 = arith.cmpi slt, %add3A_444, %lt3A_445 : i32
      %convert_element_type3A_447 = arith.extui %lt3A_446 : i1 to i32
      %cond3A_448 = arith.constant 0 : i32
      %cond3A_449 = arith.cmpi ne, %convert_element_type3A_447, %cond3A_448 : i32
      scf.if %cond3A_449 {
        %add3A_450 = arith.constant 3 : i32
        %add3A_451 = arith.addi %add3A_393, %add3A_450 : i32
        %mul3A_452 = arith.constant 80 : i32
        %mul3A_453 = arith.muli %add3A_451, %mul3A_452 : i32
        %add3A_454 = arith.addi %mul3A_4, %mul3A_453 : i32
        %dma_start3A_455 = arith.constant 2 : i32
        %dma_start3A_456 = arith.constant 2 : i32
        %dma_start3A_457 = arith.constant 0 : i32
        %dma_start3A_458 = tpu.memref_slice %arg7[%dma_start3A_455, %dma_start3A_457] : memref<3x80xi32, #tpu.memory_space<vmem>> -> memref<1x80xi32, #tpu.memory_space<vmem>>
        %dma_start3A_459 = tpu.memref_squeeze %dma_start3A_458 : memref<1x80xi32, #tpu.memory_space<vmem>> -> memref<80xi32, #tpu.memory_space<vmem>>
        %dma_start3A_460 = tpu.memref_slice %arg3[%add3A_454] : memref<320000xi32, #tpu.memory_space<hbm>> -> memref<80xi32, #tpu.memory_space<hbm>>
        %dma_start3A_461 = tpu.memref_slice %arg11[%dma_start3A_456] : memref<3x!tpu.dma_semaphore, #tpu.memory_space<semaphore_mem>> -> memref<1x!tpu.dma_semaphore, #tpu.memory_space<semaphore_mem>>
        %dma_start3A_462 = tpu.memref_squeeze %dma_start3A_461 : memref<1x!tpu.dma_semaphore, #tpu.memory_space<semaphore_mem>> -> memref<!tpu.dma_semaphore, #tpu.memory_space<semaphore_mem>>
        %dma_start3A_463 = arith.constant 0 : i32
        %dma_start3A_464 = tpu.memref_slice %arg7[%dma_start3A_455, %dma_start3A_463] : memref<3x80xi32, #tpu.memory_space<vmem>> -> memref<1x80xi32, #tpu.memory_space<vmem>>
        %dma_start3A_465 = tpu.memref_squeeze %dma_start3A_464 : memref<1x80xi32, #tpu.memory_space<vmem>> -> memref<80xi32, #tpu.memory_space<vmem>>
        %dma_start3A_466 = tpu.memref_slice %arg3[%add3A_454] : memref<320000xi32, #tpu.memory_space<hbm>> -> memref<80xi32, #tpu.memory_space<hbm>>
        tpu.enqueue_dma source(%dma_start3A_466 : memref<80xi32, #tpu.memory_space<hbm>>) target(%dma_start3A_465 : memref<80xi32, #tpu.memory_space<vmem>>) target_semaphore(%dma_start3A_462 : memref<!tpu.dma_semaphore, #tpu.memory_space<semaphore_mem>>)
      } else {
      }
    }
    %scan3A_134 = arith.constant 41 : i32
    %dma_wait3A_135 = arith.constant 0 : i32
    %dma_wait3A_136 = arith.constant 0 : i32
    %dma_wait3A_137 = arith.constant 0 : i32
    %dma_wait3A_138 = arith.constant 0 : i32
    %dma_wait3A_139 = arith.constant 0 : i32
    %dma_wait3A_140 = tpu.memref_slice %arg9[%dma_wait3A_136, %dma_wait3A_138, %dma_wait3A_139] : memref<3x80x128xf32, #tpu.memory_space<vmem>> -> memref<1x80x128xf32, #tpu.memory_space<vmem>>
    %dma_wait3A_141 = tpu.memref_squeeze %dma_wait3A_140 : memref<1x80x128xf32, #tpu.memory_space<vmem>> -> memref<80x128xf32, #tpu.memory_space<vmem>>
    %dma_wait3A_142 = arith.constant 0 : i32
    %dma_wait3A_143 = tpu.memref_slice %arg7[%dma_wait3A_135, %dma_wait3A_142] : memref<3x80xi32, #tpu.memory_space<vmem>> -> memref<1x80xi32, #tpu.memory_space<vmem>>
    %dma_wait3A_144 = tpu.memref_squeeze %dma_wait3A_143 : memref<1x80xi32, #tpu.memory_space<vmem>> -> memref<80xi32, #tpu.memory_space<vmem>>
    %dma_wait3A_145 = arith.constant 0 : i32
    %dma_wait3A_146 = arith.constant 0 : i32
    %dma_wait3A_147 = tpu.memref_slice %arg2[%dma_wait3A_145, %dma_wait3A_146] : memref<10000x128xf32, #tpu.memory_space<hbm>> -> memref<10000x128xf32, #tpu.memory_space<hbm>>
    %dma_wait3A_148 = tpu.memref_slice %arg14[%dma_wait3A_137] : memref<3x!tpu.dma_semaphore, #tpu.memory_space<semaphore_mem>> -> memref<1x!tpu.dma_semaphore, #tpu.memory_space<semaphore_mem>>
    %dma_wait3A_149 = tpu.memref_squeeze %dma_wait3A_148 : memref<1x!tpu.dma_semaphore, #tpu.memory_space<semaphore_mem>> -> memref<!tpu.dma_semaphore, #tpu.memory_space<semaphore_mem>>
    tpu.wait_indirect_dma semaphore(%dma_wait3A_149 : memref<!tpu.dma_semaphore, #tpu.memory_space<semaphore_mem>>) src(%dma_wait3A_147 : memref<10000x128xf32, #tpu.memory_space<hbm>>) dst(%dma_wait3A_141 : memref<80x128xf32, #tpu.memory_space<vmem>>)
    %dma_wait3A_150 = arith.constant 0 : i32
    %dma_wait3A_151 = arith.constant 0 : i32
    %dma_wait3A_152 = arith.constant 0 : i32
    %dma_wait3A_153 = tpu.memref_slice %arg8[%dma_wait3A_150, %dma_wait3A_152] : memref<3x80xi32, #tpu.memory_space<vmem>> -> memref<1x80xi32, #tpu.memory_space<vmem>>
    %dma_wait3A_154 = tpu.memref_squeeze %dma_wait3A_153 : memref<1x80xi32, #tpu.memory_space<vmem>> -> memref<80xi32, #tpu.memory_space<vmem>>
    %dma_wait3A_155 = tpu.memref_slice %arg4[%mul3A_4] : memref<320000xi32, #tpu.memory_space<hbm>> -> memref<80xi32, #tpu.memory_space<hbm>>
    %dma_wait3A_156 = tpu.memref_slice %arg12[%dma_wait3A_151] : memref<3x!tpu.dma_semaphore, #tpu.memory_space<semaphore_mem>> -> memref<1x!tpu.dma_semaphore, #tpu.memory_space<semaphore_mem>>
    %dma_wait3A_157 = tpu.memref_squeeze %dma_wait3A_156 : memref<1x!tpu.dma_semaphore, #tpu.memory_space<semaphore_mem>> -> memref<!tpu.dma_semaphore, #tpu.memory_space<semaphore_mem>>
    %dma_wait3A_158 = arith.constant 0 : i32
    %dma_wait3A_159 = tpu.memref_slice %arg8[%dma_wait3A_150, %dma_wait3A_158] : memref<3x80xi32, #tpu.memory_space<vmem>> -> memref<1x80xi32, #tpu.memory_space<vmem>>
    %dma_wait3A_160 = tpu.memref_squeeze %dma_wait3A_159 : memref<1x80xi32, #tpu.memory_space<vmem>> -> memref<80xi32, #tpu.memory_space<vmem>>
    %dma_wait3A_161 = tpu.memref_slice %arg4[%mul3A_4] : memref<320000xi32, #tpu.memory_space<hbm>> -> memref<80xi32, #tpu.memory_space<hbm>>
    tpu.wait_dma2 semaphore(%dma_wait3A_157 : memref<!tpu.dma_semaphore, #tpu.memory_space<semaphore_mem>>) src(%dma_wait3A_161 : memref<80xi32, #tpu.memory_space<hbm>>) dst(%dma_wait3A_160 : memref<80xi32, #tpu.memory_space<vmem>>)
    %dma_start3A_162 = arith.constant 0 : i32
    %dma_start3A_163 = arith.constant 0 : i32
    %dma_start3A_164 = arith.constant 0 : i32
    %dma_start3A_165 = arith.constant 0 : i32
    %dma_start3A_166 = arith.constant 0 : i32
    %dma_start3A_167 = tpu.memref_slice %arg9[%dma_start3A_162, %dma_start3A_165, %dma_start3A_166] : memref<3x80x128xf32, #tpu.memory_space<vmem>> -> memref<1x80x128xf32, #tpu.memory_space<vmem>>
    %dma_start3A_168 = tpu.memref_squeeze %dma_start3A_167 : memref<1x80x128xf32, #tpu.memory_space<vmem>> -> memref<80x128xf32, #tpu.memory_space<vmem>>
    %dma_start3A_169 = arith.constant 0 : i32
    %dma_start3A_170 = tpu.memref_slice %arg8[%dma_start3A_163, %dma_start3A_169] : memref<3x80xi32, #tpu.memory_space<vmem>> -> memref<1x80xi32, #tpu.memory_space<vmem>>
    %dma_start3A_171 = tpu.memref_squeeze %dma_start3A_170 : memref<1x80xi32, #tpu.memory_space<vmem>> -> memref<80xi32, #tpu.memory_space<vmem>>
    %dma_start3A_172 = arith.constant 0 : i32
    %dma_start3A_173 = arith.constant 0 : i32
    %dma_start3A_174 = tpu.memref_slice %arg10[%dma_start3A_172, %dma_start3A_173] : memref<10112x128xf32, #tpu.memory_space<vmem_shared>> -> memref<10112x128xf32, #tpu.memory_space<vmem_shared>>
    %dma_start3A_175 = tpu.memref_slice %arg15[%dma_start3A_164] : memref<3x!tpu.dma_semaphore, #tpu.memory_space<semaphore_mem>> -> memref<1x!tpu.dma_semaphore, #tpu.memory_space<semaphore_mem>>
    %dma_start3A_176 = tpu.memref_squeeze %dma_start3A_175 : memref<1x!tpu.dma_semaphore, #tpu.memory_space<semaphore_mem>> -> memref<!tpu.dma_semaphore, #tpu.memory_space<semaphore_mem>>
    tpu.enqueue_indirect_dma source(%dma_start3A_168 : memref<80x128xf32, #tpu.memory_space<vmem>>) target(%dma_start3A_174 : memref<10112x128xf32, #tpu.memory_space<vmem_shared>>) offsets(%dma_start3A_171 : memref<80xi32, #tpu.memory_space<vmem>>) semaphore(%dma_start3A_176 : memref<!tpu.dma_semaphore, #tpu.memory_space<semaphore_mem>>) {add = true}
    %dma_wait3A_177 = arith.constant 1 : i32
    %dma_wait3A_178 = arith.constant 1 : i32
    %dma_wait3A_179 = arith.constant 1 : i32
    %dma_wait3A_180 = arith.constant 0 : i32
    %dma_wait3A_181 = arith.constant 0 : i32
    %dma_wait3A_182 = tpu.memref_slice %arg9[%dma_wait3A_178, %dma_wait3A_180, %dma_wait3A_181] : memref<3x80x128xf32, #tpu.memory_space<vmem>> -> memref<1x80x128xf32, #tpu.memory_space<vmem>>
    %dma_wait3A_183 = tpu.memref_squeeze %dma_wait3A_182 : memref<1x80x128xf32, #tpu.memory_space<vmem>> -> memref<80x128xf32, #tpu.memory_space<vmem>>
    %dma_wait3A_184 = arith.constant 0 : i32
    %dma_wait3A_185 = tpu.memref_slice %arg7[%dma_wait3A_177, %dma_wait3A_184] : memref<3x80xi32, #tpu.memory_space<vmem>> -> memref<1x80xi32, #tpu.memory_space<vmem>>
    %dma_wait3A_186 = tpu.memref_squeeze %dma_wait3A_185 : memref<1x80xi32, #tpu.memory_space<vmem>> -> memref<80xi32, #tpu.memory_space<vmem>>
    %dma_wait3A_187 = arith.constant 0 : i32
    %dma_wait3A_188 = arith.constant 0 : i32
    %dma_wait3A_189 = tpu.memref_slice %arg2[%dma_wait3A_187, %dma_wait3A_188] : memref<10000x128xf32, #tpu.memory_space<hbm>> -> memref<10000x128xf32, #tpu.memory_space<hbm>>
    %dma_wait3A_190 = tpu.memref_slice %arg14[%dma_wait3A_179] : memref<3x!tpu.dma_semaphore, #tpu.memory_space<semaphore_mem>> -> memref<1x!tpu.dma_semaphore, #tpu.memory_space<semaphore_mem>>
    %dma_wait3A_191 = tpu.memref_squeeze %dma_wait3A_190 : memref<1x!tpu.dma_semaphore, #tpu.memory_space<semaphore_mem>> -> memref<!tpu.dma_semaphore, #tpu.memory_space<semaphore_mem>>
    tpu.wait_indirect_dma semaphore(%dma_wait3A_191 : memref<!tpu.dma_semaphore, #tpu.memory_space<semaphore_mem>>) src(%dma_wait3A_189 : memref<10000x128xf32, #tpu.memory_space<hbm>>) dst(%dma_wait3A_183 : memref<80x128xf32, #tpu.memory_space<vmem>>)
    %dma_wait3A_192 = arith.constant 1 : i32
    %dma_wait3A_193 = arith.constant 1 : i32
    %dma_wait3A_194 = arith.constant 0 : i32
    %dma_wait3A_195 = tpu.memref_slice %arg8[%dma_wait3A_192, %dma_wait3A_194] : memref<3x80xi32, #tpu.memory_space<vmem>> -> memref<1x80xi32, #tpu.memory_space<vmem>>
    %dma_wait3A_196 = tpu.memref_squeeze %dma_wait3A_195 : memref<1x80xi32, #tpu.memory_space<vmem>> -> memref<80xi32, #tpu.memory_space<vmem>>
    %dma_wait3A_197 = tpu.memref_slice %arg4[%mul3A_4] : memref<320000xi32, #tpu.memory_space<hbm>> -> memref<80xi32, #tpu.memory_space<hbm>>
    %dma_wait3A_198 = tpu.memref_slice %arg12[%dma_wait3A_193] : memref<3x!tpu.dma_semaphore, #tpu.memory_space<semaphore_mem>> -> memref<1x!tpu.dma_semaphore, #tpu.memory_space<semaphore_mem>>
    %dma_wait3A_199 = tpu.memref_squeeze %dma_wait3A_198 : memref<1x!tpu.dma_semaphore, #tpu.memory_space<semaphore_mem>> -> memref<!tpu.dma_semaphore, #tpu.memory_space<semaphore_mem>>
    %dma_wait3A_200 = arith.constant 0 : i32
    %dma_wait3A_201 = tpu.memref_slice %arg8[%dma_wait3A_192, %dma_wait3A_200] : memref<3x80xi32, #tpu.memory_space<vmem>> -> memref<1x80xi32, #tpu.memory_space<vmem>>
    %dma_wait3A_202 = tpu.memref_squeeze %dma_wait3A_201 : memref<1x80xi32, #tpu.memory_space<vmem>> -> memref<80xi32, #tpu.memory_space<vmem>>
    %dma_wait3A_203 = tpu.memref_slice %arg4[%mul3A_4] : memref<320000xi32, #tpu.memory_space<hbm>> -> memref<80xi32, #tpu.memory_space<hbm>>
    tpu.wait_dma2 semaphore(%dma_wait3A_199 : memref<!tpu.dma_semaphore, #tpu.memory_space<semaphore_mem>>) src(%dma_wait3A_203 : memref<80xi32, #tpu.memory_space<hbm>>) dst(%dma_wait3A_202 : memref<80xi32, #tpu.memory_space<vmem>>)
    %dma_start3A_204 = arith.constant 1 : i32
    %dma_start3A_205 = arith.constant 1 : i32
    %dma_start3A_206 = arith.constant 1 : i32
    %dma_start3A_207 = arith.constant 0 : i32
    %dma_start3A_208 = arith.constant 0 : i32
    %dma_start3A_209 = tpu.memref_slice %arg9[%dma_start3A_204, %dma_start3A_207, %dma_start3A_208] : memref<3x80x128xf32, #tpu.memory_space<vmem>> -> memref<1x80x128xf32, #tpu.memory_space<vmem>>
    %dma_start3A_210 = tpu.memref_squeeze %dma_start3A_209 : memref<1x80x128xf32, #tpu.memory_space<vmem>> -> memref<80x128xf32, #tpu.memory_space<vmem>>
    %dma_start3A_211 = arith.constant 0 : i32
    %dma_start3A_212 = tpu.memref_slice %arg8[%dma_start3A_205, %dma_start3A_211] : memref<3x80xi32, #tpu.memory_space<vmem>> -> memref<1x80xi32, #tpu.memory_space<vmem>>
    %dma_start3A_213 = tpu.memref_squeeze %dma_start3A_212 : memref<1x80xi32, #tpu.memory_space<vmem>> -> memref<80xi32, #tpu.memory_space<vmem>>
    %dma_start3A_214 = arith.constant 0 : i32
    %dma_start3A_215 = arith.constant 0 : i32
    %dma_start3A_216 = tpu.memref_slice %arg10[%dma_start3A_214, %dma_start3A_215] : memref<10112x128xf32, #tpu.memory_space<vmem_shared>> -> memref<10112x128xf32, #tpu.memory_space<vmem_shared>>
    %dma_start3A_217 = tpu.memref_slice %arg15[%dma_start3A_206] : memref<3x!tpu.dma_semaphore, #tpu.memory_space<semaphore_mem>> -> memref<1x!tpu.dma_semaphore, #tpu.memory_space<semaphore_mem>>
    %dma_start3A_218 = tpu.memref_squeeze %dma_start3A_217 : memref<1x!tpu.dma_semaphore, #tpu.memory_space<semaphore_mem>> -> memref<!tpu.dma_semaphore, #tpu.memory_space<semaphore_mem>>
    tpu.enqueue_indirect_dma source(%dma_start3A_210 : memref<80x128xf32, #tpu.memory_space<vmem>>) target(%dma_start3A_216 : memref<10112x128xf32, #tpu.memory_space<vmem_shared>>) offsets(%dma_start3A_213 : memref<80xi32, #tpu.memory_space<vmem>>) semaphore(%dma_start3A_218 : memref<!tpu.dma_semaphore, #tpu.memory_space<semaphore_mem>>) {add = true}
    %dma_wait3A_219 = arith.constant 0 : i32
    %dma_wait3A_220 = arith.constant 0 : i32
    %dma_wait3A_221 = arith.constant 0 : i32
    %dma_wait3A_222 = arith.constant 0 : i32
    %dma_wait3A_223 = arith.constant 0 : i32
    %dma_wait3A_224 = tpu.memref_slice %arg9[%dma_wait3A_219, %dma_wait3A_222, %dma_wait3A_223] : memref<3x80x128xf32, #tpu.memory_space<vmem>> -> memref<1x80x128xf32, #tpu.memory_space<vmem>>
    %dma_wait3A_225 = tpu.memref_squeeze %dma_wait3A_224 : memref<1x80x128xf32, #tpu.memory_space<vmem>> -> memref<80x128xf32, #tpu.memory_space<vmem>>
    %dma_wait3A_226 = arith.constant 0 : i32
    %dma_wait3A_227 = tpu.memref_slice %arg8[%dma_wait3A_220, %dma_wait3A_226] : memref<3x80xi32, #tpu.memory_space<vmem>> -> memref<1x80xi32, #tpu.memory_space<vmem>>
    %dma_wait3A_228 = tpu.memref_squeeze %dma_wait3A_227 : memref<1x80xi32, #tpu.memory_space<vmem>> -> memref<80xi32, #tpu.memory_space<vmem>>
    %dma_wait3A_229 = arith.constant 0 : i32
    %dma_wait3A_230 = arith.constant 0 : i32
    %dma_wait3A_231 = tpu.memref_slice %arg10[%dma_wait3A_229, %dma_wait3A_230] : memref<10112x128xf32, #tpu.memory_space<vmem_shared>> -> memref<10112x128xf32, #tpu.memory_space<vmem_shared>>
    %dma_wait3A_232 = tpu.memref_slice %arg15[%dma_wait3A_221] : memref<3x!tpu.dma_semaphore, #tpu.memory_space<semaphore_mem>> -> memref<1x!tpu.dma_semaphore, #tpu.memory_space<semaphore_mem>>
    %dma_wait3A_233 = tpu.memref_squeeze %dma_wait3A_232 : memref<1x!tpu.dma_semaphore, #tpu.memory_space<semaphore_mem>> -> memref<!tpu.dma_semaphore, #tpu.memory_space<semaphore_mem>>
    tpu.wait_indirect_dma semaphore(%dma_wait3A_233 : memref<!tpu.dma_semaphore, #tpu.memory_space<semaphore_mem>>) src(%dma_wait3A_225 : memref<80x128xf32, #tpu.memory_space<vmem>>) dst(%dma_wait3A_231 : memref<10112x128xf32, #tpu.memory_space<vmem_shared>>)
    %dma_wait3A_234 = arith.constant 1 : i32
    %dma_wait3A_235 = arith.constant 0 : i32
    %dma_wait3A_236 = arith.constant 1 : i32
    %dma_wait3A_237 = arith.constant 0 : i32
    %dma_wait3A_238 = arith.constant 0 : i32
    %dma_wait3A_239 = tpu.memref_slice %arg9[%dma_wait3A_234, %dma_wait3A_237, %dma_wait3A_238] : memref<3x80x128xf32, #tpu.memory_space<vmem>> -> memref<1x80x128xf32, #tpu.memory_space<vmem>>
    %dma_wait3A_240 = tpu.memref_squeeze %dma_wait3A_239 : memref<1x80x128xf32, #tpu.memory_space<vmem>> -> memref<80x128xf32, #tpu.memory_space<vmem>>
    %dma_wait3A_241 = arith.constant 0 : i32
    %dma_wait3A_242 = tpu.memref_slice %arg8[%dma_wait3A_235, %dma_wait3A_241] : memref<3x80xi32, #tpu.memory_space<vmem>> -> memref<1x80xi32, #tpu.memory_space<vmem>>
    %dma_wait3A_243 = tpu.memref_squeeze %dma_wait3A_242 : memref<1x80xi32, #tpu.memory_space<vmem>> -> memref<80xi32, #tpu.memory_space<vmem>>
    %dma_wait3A_244 = arith.constant 0 : i32
    %dma_wait3A_245 = arith.constant 0 : i32
    %dma_wait3A_246 = tpu.memref_slice %arg10[%dma_wait3A_244, %dma_wait3A_245] : memref<10112x128xf32, #tpu.memory_space<vmem_shared>> -> memref<10112x128xf32, #tpu.memory_space<vmem_shared>>
    %dma_wait3A_247 = tpu.memref_slice %arg15[%dma_wait3A_236] : memref<3x!tpu.dma_semaphore, #tpu.memory_space<semaphore_mem>> -> memref<1x!tpu.dma_semaphore, #tpu.memory_space<semaphore_mem>>
    %dma_wait3A_248 = tpu.memref_squeeze %dma_wait3A_247 : memref<1x!tpu.dma_semaphore, #tpu.memory_space<semaphore_mem>> -> memref<!tpu.dma_semaphore, #tpu.memory_space<semaphore_mem>>
    tpu.wait_indirect_dma semaphore(%dma_wait3A_248 : memref<!tpu.dma_semaphore, #tpu.memory_space<semaphore_mem>>) src(%dma_wait3A_240 : memref<80x128xf32, #tpu.memory_space<vmem>>) dst(%dma_wait3A_246 : memref<10112x128xf32, #tpu.memory_space<vmem_shared>>)
    %dma_wait3A_249 = arith.constant 2 : i32
    %dma_wait3A_250 = arith.constant 0 : i32
    %dma_wait3A_251 = arith.constant 2 : i32
    %dma_wait3A_252 = arith.constant 0 : i32
    %dma_wait3A_253 = arith.constant 0 : i32
    %dma_wait3A_254 = tpu.memref_slice %arg9[%dma_wait3A_249, %dma_wait3A_252, %dma_wait3A_253] : memref<3x80x128xf32, #tpu.memory_space<vmem>> -> memref<1x80x128xf32, #tpu.memory_space<vmem>>
    %dma_wait3A_255 = tpu.memref_squeeze %dma_wait3A_254 : memref<1x80x128xf32, #tpu.memory_space<vmem>> -> memref<80x128xf32, #tpu.memory_space<vmem>>
    %dma_wait3A_256 = arith.constant 0 : i32
    %dma_wait3A_257 = tpu.memref_slice %arg8[%dma_wait3A_250, %dma_wait3A_256] : memref<3x80xi32, #tpu.memory_space<vmem>> -> memref<1x80xi32, #tpu.memory_space<vmem>>
    %dma_wait3A_258 = tpu.memref_squeeze %dma_wait3A_257 : memref<1x80xi32, #tpu.memory_space<vmem>> -> memref<80xi32, #tpu.memory_space<vmem>>
    %dma_wait3A_259 = arith.constant 0 : i32
    %dma_wait3A_260 = arith.constant 0 : i32
    %dma_wait3A_261 = tpu.memref_slice %arg10[%dma_wait3A_259, %dma_wait3A_260] : memref<10112x128xf32, #tpu.memory_space<vmem_shared>> -> memref<10112x128xf32, #tpu.memory_space<vmem_shared>>
    %dma_wait3A_262 = tpu.memref_slice %arg15[%dma_wait3A_251] : memref<3x!tpu.dma_semaphore, #tpu.memory_space<semaphore_mem>> -> memref<1x!tpu.dma_semaphore, #tpu.memory_space<semaphore_mem>>
    %dma_wait3A_263 = tpu.memref_squeeze %dma_wait3A_262 : memref<1x!tpu.dma_semaphore, #tpu.memory_space<semaphore_mem>> -> memref<!tpu.dma_semaphore, #tpu.memory_space<semaphore_mem>>
    tpu.wait_indirect_dma semaphore(%dma_wait3A_263 : memref<!tpu.dma_semaphore, #tpu.memory_space<semaphore_mem>>) src(%dma_wait3A_255 : memref<80x128xf32, #tpu.memory_space<vmem>>) dst(%dma_wait3A_261 : memref<10112x128xf32, #tpu.memory_space<vmem_shared>>)
    %barrier3A_264 = arith.constant 0 : index
    tpu.barrier barrier_id(%barrier3A_264)
    %lt3A = arith.constant 15 : i32
    %lt3A_265 = arith.cmpi slt, %arg1, %lt3A : i32
    %convert_element_type3A = arith.extui %lt3A_265 : i1 to i32
    %cond3A = arith.constant 0 : i32
    %cond3A_266 = arith.cmpi ne, %convert_element_type3A, %cond3A : i32
    scf.if %cond3A_266 {
      "tpu.region"() ({
        %run_scoped3A = tpu.sem_alloc : memref<!tpu.dma_semaphore, #tpu.memory_space<semaphore_mem>>
        %dma_start3A_271 = arith.constant 0 : i32
        %dma_start3A_272 = arith.constant 0 : i32
        %dma_start3A_273 = tpu.memref_slice %arg6[%arg0, %dma_start3A_271, %dma_start3A_272] : memref<2x10000x128xf32, #tpu.memory_space<hbm>> -> memref<1x10000x128xf32, #tpu.memory_space<hbm>>
        %dma_start3A_274 = tpu.memref_squeeze %dma_start3A_273 : memref<1x10000x128xf32, #tpu.memory_space<hbm>> -> memref<10000x128xf32, #tpu.memory_space<hbm>>
        %dma_start3A_275 = arith.constant 0 : i32
        %dma_start3A_276 = tpu.memref_slice %dma_start3A_274[%mul3A_2, %dma_start3A_275] : memref<10000x128xf32, #tpu.memory_space<hbm>> -> memref<632x128xf32, #tpu.memory_space<hbm>>
        %dma_start3A_277 = arith.constant 0 : i32
        %dma_start3A_278 = tpu.memref_slice %arg10[%mul3A_2, %dma_start3A_277] : memref<10112x128xf32, #tpu.memory_space<vmem_shared>> -> memref<632x128xf32, #tpu.memory_space<vmem_shared>>
        tpu.enqueue_dma source(%dma_start3A_278 : memref<632x128xf32, #tpu.memory_space<vmem_shared>>) target(%dma_start3A_276 : memref<632x128xf32, #tpu.memory_space<hbm>>) target_semaphore(%run_scoped3A : memref<!tpu.dma_semaphore, #tpu.memory_space<semaphore_mem>>)
        %dma_wait3A_279 = arith.constant 0 : i32
        %dma_wait3A_280 = arith.constant 0 : i32
        %dma_wait3A_281 = tpu.memref_slice %arg6[%arg0, %dma_wait3A_279, %dma_wait3A_280] : memref<2x10000x128xf32, #tpu.memory_space<hbm>> -> memref<1x10000x128xf32, #tpu.memory_space<hbm>>
        %dma_wait3A_282 = tpu.memref_squeeze %dma_wait3A_281 : memref<1x10000x128xf32, #tpu.memory_space<hbm>> -> memref<10000x128xf32, #tpu.memory_space<hbm>>
        %dma_wait3A_283 = arith.constant 0 : i32
        %dma_wait3A_284 = tpu.memref_slice %dma_wait3A_282[%mul3A_2, %dma_wait3A_283] : memref<10000x128xf32, #tpu.memory_space<hbm>> -> memref<632x128xf32, #tpu.memory_space<hbm>>
        %dma_wait3A_285 = arith.constant 0 : i32
        %dma_wait3A_286 = tpu.memref_slice %arg10[%mul3A_2, %dma_wait3A_285] : memref<10112x128xf32, #tpu.memory_space<vmem_shared>> -> memref<632x128xf32, #tpu.memory_space<vmem_shared>>
        tpu.wait_dma2 semaphore(%run_scoped3A : memref<!tpu.dma_semaphore, #tpu.memory_space<semaphore_mem>>) src(%dma_wait3A_286 : memref<632x128xf32, #tpu.memory_space<vmem_shared>>) dst(%dma_wait3A_284 : memref<632x128xf32, #tpu.memory_space<hbm>>)
        tpu.yield
      }) : () -> ()
    } else {
    }
    %eq3A = arith.constant 15 : i32
    %eq3A_267 = arith.cmpi eq, %arg1, %eq3A : i32
    %convert_element_type3A_268 = arith.extui %eq3A_267 : i1 to i32
    %cond3A_269 = arith.constant 0 : i32
    %cond3A_270 = arith.cmpi ne, %convert_element_type3A_268, %cond3A_269 : i32
    scf.if %cond3A_270 {
      "tpu.region"() ({
        %run_scoped3A = tpu.sem_alloc : memref<!tpu.dma_semaphore, #tpu.memory_space<semaphore_mem>>
        %dma_start3A_271 = arith.constant 0 : i32
        %dma_start3A_272 = arith.constant 0 : i32
        %dma_start3A_273 = tpu.memref_slice %arg6[%arg0, %dma_start3A_271, %dma_start3A_272] : memref<2x10000x128xf32, #tpu.memory_space<hbm>> -> memref<1x10000x128xf32, #tpu.memory_space<hbm>>
        %dma_start3A_274 = tpu.memref_squeeze %dma_start3A_273 : memref<1x10000x128xf32, #tpu.memory_space<hbm>> -> memref<10000x128xf32, #tpu.memory_space<hbm>>
        %dma_start3A_275 = arith.constant 9480 : i32
        %dma_start3A_276 = arith.constant 0 : i32
        %dma_start3A_277 = tpu.memref_slice %dma_start3A_274[%dma_start3A_275, %dma_start3A_276] : memref<10000x128xf32, #tpu.memory_space<hbm>> -> memref<520x128xf32, #tpu.memory_space<hbm>>
        %dma_start3A_278 = arith.constant 9480 : i32
        %dma_start3A_279 = arith.constant 0 : i32
        %dma_start3A_280 = tpu.memref_slice %arg10[%dma_start3A_278, %dma_start3A_279] : memref<10112x128xf32, #tpu.memory_space<vmem_shared>> -> memref<520x128xf32, #tpu.memory_space<vmem_shared>>
        tpu.enqueue_dma source(%dma_start3A_280 : memref<520x128xf32, #tpu.memory_space<vmem_shared>>) target(%dma_start3A_277 : memref<520x128xf32, #tpu.memory_space<hbm>>) target_semaphore(%run_scoped3A : memref<!tpu.dma_semaphore, #tpu.memory_space<semaphore_mem>>)
        %dma_wait3A_281 = arith.constant 0 : i32
        %dma_wait3A_282 = arith.constant 0 : i32
        %dma_wait3A_283 = tpu.memref_slice %arg6[%arg0, %dma_wait3A_281, %dma_wait3A_282] : memref<2x10000x128xf32, #tpu.memory_space<hbm>> -> memref<1x10000x128xf32, #tpu.memory_space<hbm>>
        %dma_wait3A_284 = tpu.memref_squeeze %dma_wait3A_283 : memref<1x10000x128xf32, #tpu.memory_space<hbm>> -> memref<10000x128xf32, #tpu.memory_space<hbm>>
        %dma_wait3A_285 = arith.constant 9480 : i32
        %dma_wait3A_286 = arith.constant 0 : i32
        %dma_wait3A_287 = tpu.memref_slice %dma_wait3A_284[%dma_wait3A_285, %dma_wait3A_286] : memref<10000x128xf32, #tpu.memory_space<hbm>> -> memref<520x128xf32, #tpu.memory_space<hbm>>
        %dma_wait3A_288 = arith.constant 9480 : i32
        %dma_wait3A_289 = arith.constant 0 : i32
        %dma_wait3A_290 = tpu.memref_slice %arg10[%dma_wait3A_288, %dma_wait3A_289] : memref<10112x128xf32, #tpu.memory_space<vmem_shared>> -> memref<520x128xf32, #tpu.memory_space<vmem_shared>>
        tpu.wait_dma2 semaphore(%run_scoped3A : memref<!tpu.dma_semaphore, #tpu.memory_space<semaphore_mem>>) src(%dma_wait3A_290 : memref<520x128xf32, #tpu.memory_space<vmem_shared>>) dst(%dma_wait3A_287 : memref<520x128xf32, #tpu.memory_space<hbm>>)
        tpu.yield
      }) : () -> ()
    } else {
    }
    return
  }
}

module attributes {stable_mosaic.version = 14 : i64} {
  func.func @body(%arg0: memref<10000x128xf32, #tpu.memory_space<vmem>>, %arg1: memref<128x128xf32, #tpu.memory_space<vmem>>, %arg2: memref<128x128xf32, #tpu.memory_space<vmem>>, %arg3: memref<1x128xf32, #tpu.memory_space<vmem>>, %arg4: memref<2x320000xi32, #tpu.memory_space<vmem>>, %arg5: memref<10000x128xf32, #tpu.memory_space<vmem>>, %arg6: memref<10000x128xf32, #tpu.memory_space<vmem>>, %arg7: memref<320000xi32, #tpu.memory_space<vmem>>, %arg8: memref<320000xi32, #tpu.memory_space<vmem>>) attributes {dimension_semantics = [], scalar_prefetch = 0 : i64, scratch_operands = 0 : i64, tpu.core_type = #tpu.core_type<tc>} {
    %get3A = arith.constant 0 : index
    %get3A_0 = arith.constant 0 : index
    %get3A_1 = vector.load %arg0[%get3A, %get3A_0] : memref<10000x128xf32, #tpu.memory_space<vmem>>, vector<10000x128xf32>
    %get3A_2 = arith.constant 0 : index
    %get3A_3 = arith.constant 0 : index
    %get3A_4 = vector.load %arg1[%get3A_2, %get3A_3] : memref<128x128xf32, #tpu.memory_space<vmem>>, vector<128x128xf32>
    %dot_general3A = arith.constant dense<0.000000e+00> : vector<10000x128xf32>
    %dot_general3A_5 = tpu.matmul %get3A_1, %get3A_4, %dot_general3A {dimension_numbers = #tpu.dot_dimension_numbers<[1], [1], [0], [0], [0, 0, 1, 0], [], []>, transpose_lhs_hint = false} : vector<10000x128xf32>, vector<128x128xf32>, vector<10000x128xf32> -> vector<10000x128xf32>
    %swap3A = arith.constant 0 : index
    %swap3A_6 = arith.constant 0 : index
    %swap3A_7 = vector.load %arg5[%swap3A, %swap3A_6] : memref<10000x128xf32, #tpu.memory_space<vmem>>, vector<10000x128xf32>
    tpu.vector_store %arg5[%swap3A, %swap3A_6], %dot_general3A_5 {strides = array<i32>} : memref<10000x128xf32, #tpu.memory_space<vmem>>, vector<10000x128xf32>,
    %get3A_8 = arith.constant 0 : index
    %get3A_9 = arith.constant 0 : index
    %get3A_10 = vector.load %arg2[%get3A_8, %get3A_9] : memref<128x128xf32, #tpu.memory_space<vmem>>, vector<128x128xf32>
    %dot_general3A_11 = arith.constant dense<0.000000e+00> : vector<10000x128xf32>
    %dot_general3A_12 = tpu.matmul %get3A_1, %get3A_10, %dot_general3A_11 {dimension_numbers = #tpu.dot_dimension_numbers<[1], [1], [0], [0], [0, 0, 1, 0], [], []>, transpose_lhs_hint = false} : vector<10000x128xf32>, vector<128x128xf32>, vector<10000x128xf32> -> vector<10000x128xf32>
    %get3A_13 = arith.constant 0 : index
    %get3A_14 = arith.constant 0 : index
    %get3A_15 = vector.load %arg3[%get3A_13, %get3A_14] : memref<1x128xf32, #tpu.memory_space<vmem>>, vector<1x128xf32>
    %add3A = vector.broadcast %get3A_15 : vector<1x128xf32> to vector<10000x128xf32>
    %add3A_16 = arith.addf %dot_general3A_12, %add3A : vector<10000x128xf32>
    %swap3A_17 = arith.constant 0 : index
    %swap3A_18 = arith.constant 0 : index
    %swap3A_19 = vector.load %arg6[%swap3A_17, %swap3A_18] : memref<10000x128xf32, #tpu.memory_space<vmem>>, vector<10000x128xf32>
    tpu.vector_store %arg6[%swap3A_17, %swap3A_18], %add3A_16 {strides = array<i32>} : memref<10000x128xf32, #tpu.memory_space<vmem>>, vector<10000x128xf32>,
    %get3A_20 = arith.constant 0 : index
    %get3A_21 = arith.constant 0 : index
    %get3A_22 = vector.load %arg4[%get3A_20, %get3A_21] : memref<2x320000xi32, #tpu.memory_space<vmem>>, vector<1x320000xi32>
    %get3A_23 = vector.shape_cast %get3A_22 : vector<1x320000xi32> to vector<320000xi32>
    %swap3A_24 = arith.constant 0 : index
    %swap3A_25 = vector.load %arg7[%swap3A_24] : memref<320000xi32, #tpu.memory_space<vmem>>, vector<320000xi32>
    tpu.vector_store %arg7[%swap3A_24], %get3A_23 {strides = array<i32>} : memref<320000xi32, #tpu.memory_space<vmem>>, vector<320000xi32>,
    %get3A_26 = arith.constant 1 : index
    %get3A_27 = arith.constant 0 : index
    %get3A_28 = vector.load %arg4[%get3A_26, %get3A_27] : memref<2x320000xi32, #tpu.memory_space<vmem>>, vector<1x320000xi32>
    %get3A_29 = vector.shape_cast %get3A_28 : vector<1x320000xi32> to vector<320000xi32>
    %swap3A_30 = arith.constant 0 : index
    %swap3A_31 = vector.load %arg8[%swap3A_30] : memref<320000xi32, #tpu.memory_space<vmem>>, vector<320000xi32>
    tpu.vector_store %arg8[%swap3A_30], %get3A_29 {strides = array<i32>} : memref<320000xi32, #tpu.memory_space<vmem>>, vector<320000xi32>,
    return
  }
}

module attributes {stable_mosaic.version = 14 : i64} {
  func.func @body(%arg0: memref<2x10000x128xf32, #tpu.memory_space<vmem>>, %arg1: memref<10000x128xf32, #tpu.memory_space<vmem>>, %arg2: memref<10x128xf32, #tpu.memory_space<vmem>>, %arg3: memref<1x10xf32, #tpu.memory_space<vmem>>, %arg4: memref<1x10xf32, #tpu.memory_space<vmem>>) attributes {dimension_semantics = [], scalar_prefetch = 0 : i64, scratch_operands = 0 : i64, tpu.core_type = #tpu.core_type<tc>} {
    %get3A = arith.constant 0 : index
    %get3A_0 = arith.constant 0 : index
    %get3A_1 = arith.constant 0 : index
    %get3A_2 = vector.load %arg0[%get3A, %get3A_0, %get3A_1] : memref<2x10000x128xf32, #tpu.memory_space<vmem>>, vector<1x10000x128xf32>
    %get3A_3 = vector.shape_cast %get3A_2 : vector<1x10000x128xf32> to vector<10000x128xf32>
    %get3A_4 = arith.constant 1 : index
    %get3A_5 = arith.constant 0 : index
    %get3A_6 = arith.constant 0 : index
    %get3A_7 = vector.load %arg0[%get3A_4, %get3A_5, %get3A_6] : memref<2x10000x128xf32, #tpu.memory_space<vmem>>, vector<1x10000x128xf32>
    %get3A_8 = vector.shape_cast %get3A_7 : vector<1x10000x128xf32> to vector<10000x128xf32>
    %add3A = arith.addf %get3A_3, %get3A_8 : vector<10000x128xf32>
    %get3A_9 = arith.constant 0 : index
    %get3A_10 = arith.constant 0 : index
    %get3A_11 = vector.load %arg1[%get3A_9, %get3A_10] : memref<10000x128xf32, #tpu.memory_space<vmem>>, vector<10000x128xf32>
    %add3A_12 = arith.addf %add3A, %get3A_11 : vector<10000x128xf32>
    %max3A = arith.constant 0.000000e+00 : f32
    %max3A_13 = vector.broadcast %max3A : f32 to vector<10000x128xf32>
    %max3A_14 = arith.maximumf %add3A_12, %max3A_13 : vector<10000x128xf32>
    %reduce_sum3A = arith.constant dense<0.000000e+00> : vector<128xf32>
    %reduce_sum3A_15 = vector.multi_reduction <add>, %max3A_14, %reduce_sum3A [0] : vector<10000x128xf32> to vector<128xf32>
    %broadcast_in_dim3A = vector.shape_cast %reduce_sum3A_15 : vector<128xf32> to vector<1x128xf32>
    %mul3A = arith.constant 9.99999974E-5 : f32
    %mul3A_16 = vector.broadcast %mul3A : f32 to vector<1x128xf32>
    %mul3A_17 = arith.mulf %broadcast_in_dim3A, %mul3A_16 : vector<1x128xf32>
    %get3A_18 = arith.constant 0 : index
    %get3A_19 = arith.constant 0 : index
    %get3A_20 = vector.load %arg2[%get3A_18, %get3A_19] : memref<10x128xf32, #tpu.memory_space<vmem>>, vector<10x128xf32>
    %dot_general3A = arith.constant dense<0.000000e+00> : vector<1x10xf32>
    %dot_general3A_21 = tpu.matmul %mul3A_17, %get3A_20, %dot_general3A {dimension_numbers = #tpu.dot_dimension_numbers<[1], [1], [0], [0], [0, 0, 1, 0], [], []>, transpose_lhs_hint = false} : vector<1x128xf32>, vector<10x128xf32>, vector<1x10xf32> -> vector<1x10xf32>
    %get3A_22 = arith.constant 0 : index
    %get3A_23 = arith.constant 0 : index
    %get3A_24 = vector.load %arg3[%get3A_22, %get3A_23] : memref<1x10xf32, #tpu.memory_space<vmem>>, vector<1x10xf32>
    %add3A_25 = arith.addf %dot_general3A_21, %get3A_24 : vector<1x10xf32>
    %swap3A = arith.constant 0 : index
    %swap3A_26 = arith.constant 0 : index
    %swap3A_27 = vector.load %arg4[%swap3A, %swap3A_26] : memref<1x10xf32, #tpu.memory_space<vmem>>, vector<1x10xf32>
    tpu.vector_store %arg4[%swap3A, %swap3A_26], %add3A_25 {strides = array<i32>} : memref<1x10xf32, #tpu.memory_space<vmem>>, vector<1x10xf32>,
    return
  }
}

module attributes {stable_mosaic.version = 14 : i64} {
  func.func @body(%arg0: memref<2x10000x128xf32, #tpu.memory_space<vmem>>, %arg1: memref<10000x128xf32, #tpu.memory_space<vmem>>, %arg2: memref<128x128xf32, #tpu.memory_space<vmem>>, %arg3: memref<128x128xf32, #tpu.memory_space<vmem>>, %arg4: memref<1x128xf32, #tpu.memory_space<vmem>>, %arg5: memref<10000x128xf32, #tpu.memory_space<vmem>>, %arg6: memref<10000x128xf32, #tpu.memory_space<vmem>>) attributes {dimension_semantics = [], scalar_prefetch = 0 : i64, scratch_operands = 0 : i64, tpu.core_type = #tpu.core_type<tc>} {
    %get3A = arith.constant 0 : index
    %get3A_0 = arith.constant 0 : index
    %get3A_1 = arith.constant 0 : index
    %get3A_2 = vector.load %arg0[%get3A, %get3A_0, %get3A_1] : memref<2x10000x128xf32, #tpu.memory_space<vmem>>, vector<1x10000x128xf32>
    %get3A_3 = vector.shape_cast %get3A_2 : vector<1x10000x128xf32> to vector<10000x128xf32>
    %get3A_4 = arith.constant 1 : index
    %get3A_5 = arith.constant 0 : index
    %get3A_6 = arith.constant 0 : index
    %get3A_7 = vector.load %arg0[%get3A_4, %get3A_5, %get3A_6] : memref<2x10000x128xf32, #tpu.memory_space<vmem>>, vector<1x10000x128xf32>
    %get3A_8 = vector.shape_cast %get3A_7 : vector<1x10000x128xf32> to vector<10000x128xf32>
    %add3A = arith.addf %get3A_3, %get3A_8 : vector<10000x128xf32>
    %get3A_9 = arith.constant 0 : index
    %get3A_10 = arith.constant 0 : index
    %get3A_11 = vector.load %arg1[%get3A_9, %get3A_10] : memref<10000x128xf32, #tpu.memory_space<vmem>>, vector<10000x128xf32>
    %add3A_12 = arith.addf %add3A, %get3A_11 : vector<10000x128xf32>
    %max3A = arith.constant 0.000000e+00 : f32
    %max3A_13 = vector.broadcast %max3A : f32 to vector<10000x128xf32>
    %max3A_14 = arith.maximumf %add3A_12, %max3A_13 : vector<10000x128xf32>
    %get3A_15 = arith.constant 0 : index
    %get3A_16 = arith.constant 0 : index
    %get3A_17 = vector.load %arg2[%get3A_15, %get3A_16] : memref<128x128xf32, #tpu.memory_space<vmem>>, vector<128x128xf32>
    %dot_general3A = arith.constant dense<0.000000e+00> : vector<10000x128xf32>
    %dot_general3A_18 = tpu.matmul %max3A_14, %get3A_17, %dot_general3A {dimension_numbers = #tpu.dot_dimension_numbers<[1], [1], [0], [0], [0, 0, 1, 0], [], []>, transpose_lhs_hint = false} : vector<10000x128xf32>, vector<128x128xf32>, vector<10000x128xf32> -> vector<10000x128xf32>
    %swap3A = arith.constant 0 : index
    %swap3A_19 = arith.constant 0 : index
    %swap3A_20 = vector.load %arg5[%swap3A, %swap3A_19] : memref<10000x128xf32, #tpu.memory_space<vmem>>, vector<10000x128xf32>
    tpu.vector_store %arg5[%swap3A, %swap3A_19], %dot_general3A_18 {strides = array<i32>} : memref<10000x128xf32, #tpu.memory_space<vmem>>, vector<10000x128xf32>,
    %get3A_21 = arith.constant 0 : index
    %get3A_22 = arith.constant 0 : index
    %get3A_23 = vector.load %arg3[%get3A_21, %get3A_22] : memref<128x128xf32, #tpu.memory_space<vmem>>, vector<128x128xf32>
    %dot_general3A_24 = arith.constant dense<0.000000e+00> : vector<10000x128xf32>
    %dot_general3A_25 = tpu.matmul %max3A_14, %get3A_23, %dot_general3A_24 {dimension_numbers = #tpu.dot_dimension_numbers<[1], [1], [0], [0], [0, 0, 1, 0], [], []>, transpose_lhs_hint = false} : vector<10000x128xf32>, vector<128x128xf32>, vector<10000x128xf32> -> vector<10000x128xf32>
    %get3A_26 = arith.constant 0 : index
    %get3A_27 = arith.constant 0 : index
    %get3A_28 = vector.load %arg4[%get3A_26, %get3A_27] : memref<1x128xf32, #tpu.memory_space<vmem>>, vector<1x128xf32>
    %add3A_29 = vector.broadcast %get3A_28 : vector<1x128xf32> to vector<10000x128xf32>
    %add3A_30 = arith.addf %dot_general3A_25, %add3A_29 : vector<10000x128xf32>
    %swap3A_31 = arith.constant 0 : index
    %swap3A_32 = arith.constant 0 : index
    %swap3A_33 = vector.load %arg6[%swap3A_31, %swap3A_32] : memref<10000x128xf32, #tpu.memory_space<vmem>>, vector<10000x128xf32>
    tpu.vector_store %arg6[%swap3A_31, %swap3A_32], %add3A_30 {strides = array<i32>} : memref<10000x128xf32, #tpu.memory_space<vmem>>, vector<10000x128xf32>,
    return
  }
}

</mosaic_0001>

<sc_bundles>
// kernel: kernel.12.cloned.1.call-start
scs
__scs_entry_jumppad:
0x0: {  	(pc) =	sbr.rel $0x88, $3  }
0x1: {  	(tag) =	ssettag $0x0;
	lr =	simm.s32 $0x1  }
0x2: {  	[smem:$0x3F94] =	sst lr;
	_ =	strace $0xD0000000  }
0x3: {  	_ = 	snop  }
0x4: {  	_ = 	snop  }
0x5: {  	_ = 	snop  }
0x6: {  	_ = 	snop  }
0x7: {  	_ = 	snop  }
__scs_overlays_trampoline_lowered:
0x8: {  	[smem:$0x3FA3] =	sst s0  }
0x9: {  	[smem:$0x3FA4] =	sst s1  }
0xa: {  	[smem:$0x3FA5] =	sst s2  }
0xb: {  	[smem:$0x3FA6] =	sst s3  }
0xc: {  	[smem:$0x3FA7] =	sst s4  }
0xd: {  	[smem:$0x3FA8] =	sst s5  }
0xe: {  	[smem:$0x3FA9] =	sst s6  }
0xf: {  	[smem:$0x3FAA] =	sst s7  }
0x10: {  	[smem:$0x3FAB] =	sst s8  }
0x11: {  	[smem:$0x3FAC] =	sst s9;
	s0 =	simm.s32 @!p0 $0x0  }
0x12: {  	s1 =	sld [smem:$0x3F92];
	s0 =	simm.s32 @p0 $0x1  }
0x13: {  	[smem:$0x3FAD] =	sst s0;
	s0 =	simm.s32 @!p1 $0x0  }
0x14: {  	s2 =	sld [smem:$0x3F91];
	s0 =	simm.s32 @p1 $0x1  }
0x15: {  	[smem:$0x3FAE] =	sst s0;
	s0 =	simm.s32 @!p2 $0x0  }
0x16: {  	s3 =	sld [smem:$0x3FDB];
	s0 =	simm.s32 @p2 $0x1  }
0x17: {  	s4 =	simm.s32 $0x1BF5;
	[smem:$0x3FB0] =	sst s0  }
0x18: {  	s0 =	sld [smem:$0x3F93];
	_ =	swait.ge [sflag:s4], $0x0  }
0x19: {  	s7 =	sld [smem:$0x3F94]  }
0x1a: {  	s8 =	sadd.s32 $0xFFFFE003, lr  }
0x1b: {  	s9 =	sadd.s32 $0xFFFFFEF7, lr;
	s5 =	simm.s32 $0xFFFFFFFF;
	p2 =	slt.u32 s8, $0xFFFFF086  }
0x1c: {  	p1 =	slt.u32 s9, $0xF7A;
	s5 =	simm.s32 @!p2 $0x0  }
0x1d: {  	s5 =	simm.s32 @p1 $0x1;
	p0 =	seq.s32 s7, s2  }
0x1e: {  	s7 =	smul.u32 @!p0 $0xF7A, s2;
	p2 =	seq.s32 @!p0 s5, $0x0  }
0x1f: {  	s9 =	smul.u32 $0xF7A, s1;
	s8 =	simm.s32 @!p0 $0x1BF5;
	p2 =	por !p2, p0  }
0x20: {  	[sflag:s8] =	ssyncset.s32 @!p0 $0xFFFFF086;
	s6 =	sadd.s32 @!p0 s3, s7;
	s7 =	simm.s32 @!p0 $0x108  }
0x21: {  	s3 =	sadd.s32 s3, s9;
	s6 =	sadd.s32 @!p0 $0x88, s6;
	s7 =	simm.s32 @p2 $0x1082  }
0x22: {  	[simem:s7], [sflag:s8] =	dma.local @!p0 [hbm:s6], $0xF7A  }
0x23: {  	s9 =	sor.u32 $0xD0000000, s2;
	s6 =	simm.s32 $0x108;
	_ =	swait.ge @!p0 [sflag:s8], $0x0  }
0x24: {  	s3 =	sadd.s32 $0x88, s3;
	s6 =	simm.s32 @!p1 $0x1082;
	[sflag:s4] =	ssyncset.s32 $0xFFFFF086  }
0x25: {  	[simem:s6], [sflag:s4] =	dma.local [hbm:s3], $0xF7A  }
0x26: {  	[smem:$0x3F94] =	sst s1;
	(tag) =	ssettag s2;
	_ =	strace s9  }
0x27: {  	s1 =	sld [smem:$0x3FA4]  }
0x28: {  	s2 =	sld [smem:$0x3FA5]  }
0x29: {  	s4 =	sld [smem:$0x3FA7]  }
0x2a: {  	p0 =	seq.s32 s5, $0x0;
	s5 =	sld [smem:$0x3FA8]  }
0x2b: {  	s6 =	sld [smem:$0x3FA9]  }
0x2c: {  	s7 =	sld [smem:$0x3FAA]  }
0x2d: {  	s3 =	simm.s32 $0x108;
	s8 =	sld [smem:$0x3FAB]  }
0x2e: {  	s3 =	simm.s32 @!p0 $0x1082;
	s9 =	sld [smem:$0x3FAC]  }
0x2f: {  	lr =	sadd.s32 s0, s3;
	s0 =	sld [smem:$0x3FA3]  }
0x30: {  	s3 =	sld [smem:$0x3FA6]  }
0x31: {  	[smem:$0x3FAF] =	sst s10  }
0x32: {  	s10 =	sld [smem:$0x3FAD];
	_ =	sdelay $0x3  }
0x33: {  	p0 =	seq.s32 s10, $0x1;
	s10 =	sld [smem:$0x3FAF];
	_ =	sdelay $0x3  }
0x34: {  	[smem:$0x3FAF] =	sst s10  }
0x35: {  	s10 =	sld [smem:$0x3FAE];
	_ =	sdelay $0x3  }
0x36: {  	p1 =	seq.s32 s10, $0x1;
	s10 =	sld [smem:$0x3FAF];
	_ =	sdelay $0x3  }
0x37: {  	[smem:$0x3FAF] =	sst s10  }
0x38: {  	s10 =	sld [smem:$0x3FB0]  }
0x39: {  	_ = 	snop;
	(pc) =	sbr.ind lr, $3  }
0x3a: {  	_ = 	snop  }
0x3b: {  	_ = 	snop  }
0x3c: {  	p2 =	seq.s32 s10, $0x1;
	s10 =	sld [smem:$0x3FAF]  }
0x3d: {  	_ =	shalt  }
0x3e: {  	_ =	shalt  }
0x3f: {  	_ =	shalt  }
0x40: {  	_ =	shalt  }
0x41: {  	_ =	shalt  }
0x42: {  	_ =	shalt  }
0x43: {  	_ =	shalt  }
0x44: {  	_ =	shalt  }
0x45: {  	_ =	shalt  }
0x46: {  	_ =	shalt  }
0x47: {  	_ =	shalt  }
0x48: {  	_ =	shalt  }
0x49: {  	_ =	shalt  }
0x4a: {  	_ =	shalt  }
0x4b: {  	_ =	shalt  }
0x4c: {  	_ =	shalt  }
0x4d: {  	_ =	shalt  }
0x4e: {  	_ =	shalt  }
0x4f: {  	_ =	shalt  }
0x50: {  	_ =	shalt  }
0x51: {  	_ =	shalt  }
0x52: {  	_ =	shalt  }
0x53: {  	_ =	shalt  }
0x54: {  	_ =	shalt  }
0x55: {  	_ =	shalt  }
0x56: {  	_ =	shalt  }
0x57: {  	_ =	shalt  }
0x58: {  	_ =	shalt  }
0x59: {  	_ =	shalt  }
0x5a: {  	_ =	shalt  }
0x5b: {  	_ =	shalt  }
0x5c: {  	_ =	shalt  }
0x5d: {  	_ =	shalt  }
0x5e: {  	_ =	shalt  }
0x5f: {  	_ =	shalt  }
0x60: {  	_ =	shalt  }
0x61: {  	_ =	shalt  }
0x62: {  	_ =	shalt  }
0x63: {  	_ =	shalt  }
0x64: {  	_ =	shalt  }
0x65: {  	_ =	shalt  }
0x66: {  	_ =	shalt  }
0x67: {  	_ =	shalt  }
0x68: {  	_ =	shalt  }
0x69: {  	_ =	shalt  }
0x6a: {  	_ =	shalt  }
0x6b: {  	_ =	shalt  }
0x6c: {  	_ =	shalt  }
0x6d: {  	_ =	shalt  }
0x6e: {  	_ =	shalt  }
0x6f: {  	_ =	shalt  }
0x70: {  	_ =	shalt  }
0x71: {  	_ =	shalt  }
0x72: {  	_ =	shalt  }
0x73: {  	_ =	shalt  }
0x74: {  	_ =	shalt  }
0x75: {  	_ =	shalt  }
0x76: {  	_ =	shalt  }
0x77: {  	_ =	shalt  }
0x78: {  	_ =	shalt  }
0x79: {  	_ =	shalt  }
0x7a: {  	_ =	shalt  }
0x7b: {  	_ =	shalt  }
0x7c: {  	_ =	shalt  }
0x7d: {  	_ =	shalt  }
0x7e: {  	_ =	shalt  }
0x7f: {  	_ =	shalt  }
0x80: {  	_ =	shalt  }
0x81: {  	_ =	shalt  }
0x82: {  	_ =	shalt  }
0x83: {  	_ =	shalt  }
0x84: {  	_ =	shalt  }
0x85: {  	_ =	shalt  }
0x86: {  	_ =	shalt  }
0x87: {  	_ =	shalt  }
.Lfunc_end0:
.L_simem_size_0:
called_computation.1_lowered:
.L_overlay_start_0:
0x88: {  	s2 =	sld [smem:$0x3FD9]  }
0x89: {  	s3 =	sld [smem:$0x3FFE];
	_ =	sdelay $0x1  }
0x8a: {  	s1 =	srdreg.scid  }
0x8b: {  	s0 =	sand.u32 $0x1, s1  }
0x8c: {  	s16 =	sshll.u32 s0, $0xA;
	s2 =	sadd.s32 s3, s2  }
0x8d: {  	s2 =	sadd.s32 s2, s16  }
0x8e: {  	[smem:$0x3FBB] =	sst s2  }
0x8f: {  	_ = 	snop  }
0x90: {  	(tm) =	ssettm $0x1  }
0x91: {  	s17 =	sld [smem:$0x3FFB];
	_ =	sdelay $0x3  }
0x92: {  	_ =	strace s17  }
0x93: {  	s2 =	sld [smem:$0x3FFC];
	_ =	sdelay $0x3  }
0x94: {  	_ =	strace s2  }
0x95: {  	s2 =	sld [smem:$0x3FFD];
	_ =	sdelay $0x3  }
0x96: {  	_ =	strace s2  }
0x97: {  	_ =	strace $0x8FFFFFFF  }
0x98: {  	s18 =	sld [smem:$0x3FDB];
	_ =	sdelay $0x1  }
0x99: {  	s19 =	simm.s32 $_scs_section_size  }
0x9a: {  	s4 =	simm.s32 $_size__tile_overlayer_lowered;
	s5 =	simm.s32 $_tile_overlayer_lowered  }
0x9b: {  	s22 =	simm.s32 $0x1BFF;
	s21 =	sshll.u32 s5, $0x1;
	s2 =	sadd.s32 s19, s18  }
0x9c: {  	s6 =	simm.s32 $0x0;
	s20 =	sshll.u32 s4, $0x1;
	s4 =	sadd.s32 s21, s2  }
0x9d: {  	[timem:s6], [sflag:s22] =	dma.local [hbm:s4], s20  }
0x9e: {  	_ =	swait.ge [sflag:s22], s20  }
0x9f: {  	s3 =	ssub.s32 $0x0, s20;
	[sflag:s22] =	ssyncset.done $0x0  }
0xa0: {  	[sflag:s22] =	ssyncadd.s32 s3;
	_ =	sdelay $0x1  }
0xa1: {  	s23 =	simm.s32 $0x1B8B  }
0xa2: {  	_ =	swait.ge [sflag:s23], $0x1  }
0xa3: {  	[sflag:s23] =	ssyncset.done $0x0  }
0xa4: {  	s25 =	simm.s32 $0x1B8E;
	s24 =	sld [smem:$0x3FFE];
	[sflag:s23] =	ssyncadd.s32 $0xFFFFFFFF  }
0xa5: {  	s26 =	simm.s32 $execute0_lowered;
	[smem:$0x3FD2] =	sst s25  }
0xa6: {  	s4 =	sshll.u32 s26, $0x1;
	_ =	strace $0x80000049;
	[dreg:$0x1] =	wrdreg $0xFFFFFFFF  }
0xa7: {  	s28 =	simm.s32 $_size_execute0_lowered;
	s2 =	sadd.s32 s2, s4;
	[dreg:$0x0] =	wrdreg $0x0  }
0xa8: {  	s4 =	sshll.u32 s28, $0x1;
	[dreg:$0x2] =	wrdreg s2  }
0xa9: {  	[dreg:$0x3] =	wrdreg s4  }
0xaa: {  	[dreg:$0x4] =	wrdreg $0xC0  }
0xab: {  	_ =	task [dreg:s6], $0x5FFFF  }
0xac: {  	[dreg:$0x1] =	wrdreg $0xFFFFFFFF  }
0xad: {  	[dreg:$0x0] =	wrdreg $0x60  }
0xae: {  	[dreg:$0x2] =	wrdreg s24  }
0xaf: {  	[dreg:$0x3] =	wrdreg $0x7C000  }
0xb0: {  	[dreg:$0x4] =	wrdreg $0x9  }
0xb1: {  	_ =	task.clear_ibuf [dreg:s6], $0x5FFFF;
	_ =	strace $0x90000049  }
0xb2: {  	s29 =	simm.s32 $0x9;
	_ =	strace $0x8000004B  }
0xb3: {  	_ =	swait.ge [sflag:s29], $0x1  }
0xb4: {  	[sflag:s29] =	ssyncadd.s32 $0xFFFFFFFF  }
0xb5: {  	_ =	strace $0x9000004B  }
0xb6: {  	_ =	sfence  }
0xb7: {  	s30 =	sld [smem:$0x0];
	_ =	sdelay $0x2  }
0xb8: {  	s31 =	sshll.u32 s1, $0xD;
	s1 =	sshrl.u32 s1, $0x2  }
0xb9: {  	s3 =	sand.u32 $0x4000, s31;
	s1 =	sadd.s32 s1, s30  }
0xba: {  	s0 =	sor.u32 s3, s0;
	s1 =	sshll.u32 s1, $0x11  }
0xbb: {  	s0 =	sor.u32 s1, s0  }
0xbc: {  	s0 =	sadd.s32 $0x8F2B, s0  }
0xbd: {  	[sflag:s0] =	ssyncadd.remote.s32 $0x1  }
0xbe: {  	_ =	sfence.sel $0xFFFF  }
0xbf: {  	[dreg:$0x0] =	wrdreg $0xFFFFFFFF;
	(pc) =	sbr.abs _section_cstart, $3  }
0xc0: {  	[dreg:$0x1] =	wrdreg $0xFFFFFFFF  }
0xc1: {  	_ =	task.clear_ibuf [dreg:s6], $0x2FFFF;
	_ =	strace $0x9FFFFFFF  }
0xc2: {  	(tm) =	ssettm $0x7FFFFFFF  }
0xc3: {  	_ =	shalt  }
tec
execute0_lowered:
.L_overlay_start_1:
0x0: {  	(tag) =	ssettag $0x1  }
0x1: {  	s0 =	rddreg [dreg:$0x0]  }
0x2: {  	s2 =	rddreg [dreg:$0x1]  }
0x3: {  	s3 =	simm.s32 $0x0;
	s1 =	srdreg.scid;
	s5 =	stileid.u32  }
0x4: {  	s28 =	simm.s32 $0x280;
	s29 =	simm.s32 $0x1;
	s30 =	simm.s32 $0x50  }
0x5: {  	s31 =	simm.s32 $0x400;
	[smem:$0x7FF] =	sst s3;
	s1 =	sand.u32 $0x1, s1  }
0x6: {  	s4 =	sshll.u32 s5, $0x1;
	s12 =	sadd.s32 $0x3800, s0;
	s16 =	smul.u32 $0x4F000, s5  }
0x7: {  	s10 =	sadd.s32 $0x3E600, s0;
	s17 =	smul.u32 $0x4E20, s5;
	s18 =	sshll.u32 s5, $0x6  }
0x8: {  	p0 =	seq.s32 s5, $0xF;
	_ =	strace $0x8000004A;
	s6 =	sor.u32 s1, s4  }
0x9: {  	s4 =	sadd.s32 $0x17400, s0;
	s8 =	smul.u32 $0x27100, s1;
	s9 =	ssub.s32 $0x2, s1  }
0xa: {  	[dreg:$0x3] =	wrdreg s10;
	s1 =	smul.u32 $0x2710, s1;
	s19 =	sor.u32 $0x1C07, s18  }
0xb: {  	s7 =	smul.u32 $0x2710, s6;
	s6 =	sadd.s32 $0xD600, s0;
	s25 =	sshrl.u32 s9, $0x1  }
0xc: {  	s10 =	sshrl.u32 s16, $0x2;
	[dreg:$0xa] =	wrdreg s19;
	s16 =	simm.s32 $0x5  }
0xd: {  	s0 =	sadd.s32 s8, s0;
	s26 =	ssub.s32 s9, s25;
	s13 =	sadd.s32 s10, s2  }
0xe: {  	s1 =	sadd.s32 s1, s17;
	s17 =	smov.u32 s12;
	s18 =	smov.u32 s6  }
0xf: {  	s10 =	simm.s32 $0x3;
	s7 =	sshrl.u32 s7, $0x3;
	s20 =	sadd.s32 $0x190, s1  }
0x10: {  	s21 =	sadd.s32 $0x140, s1;
	s8 =	smax.u32 s26, $0x1;
	s25 =	sadd.s32 $0xA0, s1  }
0x11: {  	s1 =	sadd.s32 $0xF0, s1;
	[dreg:$0x9] =	wrdreg s13;
	s14 =	sadd.s32 $0xA, s7  }
0x12: {  	s11 =	sadd.s32 s12, s7;
	s7 =	sadd.s32 s6, s7;
	[dreg:$0xc] =	wrdreg s8  }
0x13: {  	s22 =	sshrl.u32 s20, $0x3;
	s23 =	sshrl.u32 s21, $0x3;
	[dreg:$0xf] =	wrdreg s1  }
0x14: {  	s26 =	sshrl.u32 s25, $0x3;
	s20 =	simm.s32 $0xC;
	s25 =	simm.s32 $0x6  }
0x15: {  	s15 =	sadd.s32 s12, s14;
	[dreg:$0x4] =	wrdreg s11;
	s11 =	sadd.s32 $0x14, s11  }
0x16: {  	[dreg:$0x7] =	wrdreg s7;
	s9 =	sadd.s32 s6, s14;
	s7 =	sadd.s32 $0x128400, s2  }
0x17: {  	s8 =	sadd.s32 s22, s12;
	s24 =	sadd.s32 s23, s6;
	s19 =	sadd.s32 s23, s12  }
0x18: {  	s21 =	sadd.s32 s26, s6;
	s22 =	simm.s32 $0x80;
	[dreg:$0x5] =	wrdreg s15  }
0x19: {  	s23 =	simm.s32 $0x100;
	s26 =	simm.s32 $0x200;
	[dreg:$0x6] =	wrdreg s11  }
0x1a: {  	s12 =	simm.s32 $0x4;
	s14 =	simm.s32 $0xB;
	[dreg:$0x8] =	wrdreg s9  }
0x1b: {  	s11 =	sadd.s32 $0x40E00, s0;
	s0 =	smul.u32 $0x2780, s5;
	[dreg:$0xd] =	wrdreg s8  }
.Ltmp0:
0x1c: {  	[dreg:$0xe] =	wrdreg s24;
	s1 =	sshrl.u32 @p0 s7, $0x3;
	(pc) =	sbr.rel .LBB2_1-.Ltmp0, $4  }
0x1d: {  	s9 =	simm.s32 $0x300;
	s8 =	simm.s32 $0x8;
	s15 =	simm.s32 $0x9  }
0x1e: {  	s24 =	simm.s32 $0xA;
	s7 =	simm.s32 $0x0;
	[dreg:$0x10] =	wrdreg s1  }
0x1f: {  	[dreg:$0xb] =	wrdreg s11;
	s1 =	simm.s32 $0x2C00;
	s0 =	sadd.s32 @!p0 s0, s11  }
0x20: {  	s11 =	simm.s32 $0x5400;
	[dreg:$0x11] =	wrdreg s0;
	s0 =	simm.s32 $0x2  }
.LBB2_4:
0x21: {  	_ =	swait.ge [sflag:s8], $0x2800  }
0x22: {  	[sflag:s8] =	ssyncset.done $0x0  }
0x23: {  	[sflag:s8] =	ssyncadd.s32 $0xFFFFD800  }
0x24: {  	_ =	swait.ge [sflag:s12], $0x50  }
0x25: {  	[sflag:s12] =	ssyncset.done $0x0  }
0x26: {  	[sflag:s12] =	ssyncadd.s32 $0xFFFFFFB0  }
0x27: {  	[spmem:s2] =	stream.indirect.scatter.add.f32 [tilespmem:s31], [sflag:$0xB], $0x80, s26, s30, $0xb8;
	[tilespmem:$0x1B800] =	vst v63  }
0x28: {  	_ =	swait.ge [sflag:s15], $0x2800  }
0x29: {  	[sflag:s15] =	ssyncset.done $0x0  }
0x2a: {  	[sflag:s15] =	ssyncadd.s32 $0xFFFFD800  }
0x2b: {  	_ =	swait.ge [sflag:s16], $0x50  }
0x2c: {  	[sflag:s16] =	ssyncset.done $0x0  }
0x2d: {  	[sflag:s16] =	ssyncadd.s32 $0xFFFFFFB0  }
0x2e: {  	[spmem:s2] =	stream.indirect.scatter.add.f32 [tilespmem:s1], [sflag:$0xC], $0x80, s28, s30, $0xb8;
	[tilespmem:$0x1B800] =	vst v63  }
0x2f: {  	_ =	swait.ge [sflag:s14], $0x2800  }
0x30: {  	[sflag:s14] =	ssyncset.done $0x0  }
0x31: {  	[sflag:s14] =	ssyncadd.s32 $0xFFFFD800  }
0x32: {  	_ =	swait.ge [sflag:s20], $0x2800  }
0x33: {  	[sflag:s20] =	ssyncset.done $0x0  }
0x34: {  	s5 =	simm.s32 $0xD;
	[sflag:s20] =	ssyncadd.s32 $0xFFFFD800  }
0x35: {  	_ =	swait.ge [sflag:s5], $0x2800  }
0x36: {  	[sflag:s5] =	ssyncset.done $0x0  }
0x37: {  	[sflag:s5] =	ssyncadd.s32 $0xFFFFD800  }
0x38: {  	[bflag:$0x0] =	sbarrier.arrive $0xFFFF  }
0x39: {  	s5 =	rddreg [dreg:$0xb]  }
0x3a: {  	s6 =	simm.s32 @p0 $0x1FCE;
	s7 =	rddreg [dreg:$0x10];
	s5 =	sadd.s32 @p0 $0x25080, s5  }
0x3b: {  	[hbm:s5], [sflag:s6] =	dma.local @p0 [spmem:s7], $0x2080  }
0x3c: {  	s5 =	simm.s32 @p0 $0xE  }
0x3d: {  	_ =	swait.ge @p0 [sflag:s5], $0x2080  }
0x3e: {  	s6 =	stileid.u32;
	s13 =	rddreg [dreg:$0x9]  }
0x3f: {  	s6 =	sshll.u32 @!p0 s6, $0x6;
	[sflag:s5] =	ssyncset.done @p0 $0x0;
	s7 =	rddreg [dreg:$0x11]  }
0x40: {  	[sflag:s5] =	ssyncadd.s32 @p0 $0xFFFFDF80;
	s5 =	sor.u32 @!p0 $0x1C0E, s6;
	s6 =	sshrl.u32 @!p0 s13, $0x3  }
0x41: {  	[hbm:s7], [sflag:s5] =	dma.local @!p0 [spmem:s6], $0x2780  }
0x42: {  	s5 =	simm.s32 @!p0 $0xE  }
0x43: {  	_ =	swait.ge @!p0 [sflag:s5], $0x2780  }
0x44: {  	s6 =	rddreg [dreg:$0x12]  }
0x45: {  	s7 =	sadd.s32 $0x1, s6;
	s6 =	rddreg [dreg:$0xc]  }
0x46: {  	p1 =	sne.s32 s7, s6  }
.Ltmp1:
0x47: {  	_ = 	snop;
	(pc) =	sbr.rel @!p1 .LBB2_5-.Ltmp1, $3  }
0x48: {  	_ =	sdelay $0x1  }
0x49: {  	[sflag:s5] =	ssyncset.done @!p0 $0x0  }
0x4a: {  	[sflag:s5] =	ssyncadd.s32 @!p0 $0xFFFFD880  }
.LBB2_1:
0x4b: {  	[dreg:$0x12] =	wrdreg s7  }
0x4c: {  	s5 =	rddreg [dreg:$0x4]  }
0x4d: {  	s6 =	rddreg [dreg:$0x5]  }
0x4e: {  	s7 =	rddreg [dreg:$0x6]  }
0x4f: {  	[tilespmem:s3], [sflag:$0x1] =	stream.linear.gather [hbm4b:s5+s3], $0x50, $0x38;
	[tilespmem:$0x1B800] =	vst v63  }
0x50: {  	s5 =	sshrl.u32 s13, $0x3;
	s13 =	rddreg [dreg:$0x3]  }
0x51: {  	[tilespmem:s22], [sflag:$0x2] =	stream.linear.gather [hbm4b:s6+s3], $0x50, $0x38;
	[tilespmem:$0x1B800] =	vst v63  }
0x52: {  	s6 =	rddreg [dreg:$0x7]  }
0x53: {  	[tilespmem:s23], [sflag:$0x3] =	stream.linear.gather [hbm4b:s7+s3], $0x50, $0x38;
	[tilespmem:$0x1B800] =	vst v63  }
0x54: {  	s7 =	rddreg [dreg:$0x8]  }
0x55: {  	[tilespmem:s26], [sflag:$0x4] =	stream.linear.gather [hbm4b:s6+s3], $0x50, $0x38;
	[tilespmem:$0x1B800] =	vst v63  }
0x56: {  	s6 =	rddreg [dreg:$0xa]  }
0x57: {  	[tilespmem:s28], [sflag:$0x5] =	stream.linear.gather [hbm4b:s7+s3], $0x50, $0x38;
	[tilespmem:$0x1B800] =	vst v63  }
0x58: {  	[spmem:s5], [sflag:s6] =	dma.local [hbm:s13], $0x2780  }
0x59: {  	_ =	swait.ge [sflag:s29], $0x50  }
0x5a: {  	[sflag:s29] =	ssyncset.done $0x0  }
0x5b: {  	[sflag:s29] =	ssyncadd.s32 $0xFFFFFFB0  }
0x5c: {  	[tilespmem:s31], [sflag:$0x8] =	stream.indirect.gather [hbm4b:s4+s30], $0x80, s3, s30, $0xb8;
	[tilespmem:$0x1B800] =	vst v63  }
0x5d: {  	_ =	swait.ge [sflag:s0], $0x50  }
0x5e: {  	[sflag:s0] =	ssyncset.done $0x0  }
0x5f: {  	s13 =	simm.s32 $0x7;
	[sflag:s0] =	ssyncadd.s32 $0xFFFFFFB0  }
0x60: {  	[tilespmem:s1], [sflag:$0x9] =	stream.indirect.gather [hbm4b:s4+s30], $0x80, s22, s30, $0xb8;
	[tilespmem:$0x1B800] =	vst v63  }
0x61: {  	_ =	swait.ge [sflag:s13], $0x2780  }
0x62: {  	[sflag:s13] =	ssyncset.done $0x0  }
0x63: {  	[sflag:s13] =	ssyncadd.s32 $0xFFFFD880  }
0x64: {  	[bflag:$0x0] =	sbarrier.arrive $0xFFFF  }
0x65: {  	s7 =	simm.s32 $0x0;
	s13 =	rddreg [dreg:$0xf]  }
.LBB2_2:
0x66: {  	p1 =	seq.s32 s7, $0x0  }
0x67: {  	s5 =	simm.s32 @!p1 $0xD  }
0x68: {  	_ =	swait.ge @!p1 [sflag:s5], $0x2800  }
0x69: {  	[sflag:s5] =	ssyncset.done @!p1 $0x0  }
0x6a: {  	s6 =	sadd.s32 s7, s21;
	[sflag:s5] =	ssyncadd.s32 @!p1 $0xFFFFD800  }
0x6b: {  	[tilespmem:s9], [sflag:$0x6] =	stream.linear.gather [hbm4b:s6+s3], $0x50, $0x38;
	[tilespmem:$0x1B800] =	vst v63  }
0x6c: {  	_ =	swait.ge [sflag:s10], $0x50  }
0x6d: {  	[sflag:s10] =	ssyncset.done $0x0  }
0x6e: {  	[sflag:s10] =	ssyncadd.s32 $0xFFFFFFB0  }
0x6f: {  	[tilespmem:s11], [sflag:$0xA] =	stream.indirect.gather [hbm4b:s4+s30], $0x80, s23, s30, $0xb8;
	[tilespmem:$0x1B800] =	vst v63  }
0x70: {  	_ =	swait.ge [sflag:s8], $0x2800  }
0x71: {  	[sflag:s8] =	ssyncset.done $0x0  }
0x72: {  	[sflag:s8] =	ssyncadd.s32 $0xFFFFD800  }
0x73: {  	_ =	swait.ge [sflag:s12], $0x50  }
0x74: {  	[sflag:s12] =	ssyncset.done $0x0  }
0x75: {  	s5 =	sshrl.u32 s13, $0x3;
	[sflag:s12] =	ssyncadd.s32 $0xFFFFFFB0  }
0x76: {  	[spmem:s2] =	stream.indirect.scatter.add.f32 [tilespmem:s31], [sflag:$0xB], $0x80, s26, s30, $0xb8;
	[tilespmem:$0x1B800] =	vst v63  }
0x77: {  	s6 =	sadd.s32 s17, s5  }
0x78: {  	[tilespmem:s3], [sflag:$0x1] =	stream.linear.gather [hbm4b:s6+s3], $0x50, $0x38;
	[tilespmem:$0x1B800] =	vst v63  }
0x79: {  	_ =	swait.ge [sflag:s14], $0x2800  }
0x7a: {  	[sflag:s14] =	ssyncset.done $0x0  }
0x7b: {  	s5 =	sadd.s32 s18, s5;
	[sflag:s14] =	ssyncadd.s32 $0xFFFFD800  }
0x7c: {  	[tilespmem:s26], [sflag:$0x4] =	stream.linear.gather [hbm4b:s5+s3], $0x50, $0x38;
	[tilespmem:$0x1B800] =	vst v63  }
0x7d: {  	_ =	swait.ge [sflag:s29], $0x50  }
0x7e: {  	[sflag:s29] =	ssyncset.done $0x0  }
0x7f: {  	[sflag:s29] =	ssyncadd.s32 $0xFFFFFFB0  }
0x80: {  	[tilespmem:s31], [sflag:$0x8] =	stream.indirect.gather [hbm4b:s4+s30], $0x80, s3, s30, $0xb8;
	[tilespmem:$0x1B800] =	vst v63  }
0x81: {  	_ =	swait.ge [sflag:s15], $0x2800  }
0x82: {  	[sflag:s15] =	ssyncset.done $0x0  }
0x83: {  	[sflag:s15] =	ssyncadd.s32 $0xFFFFD800  }
0x84: {  	_ =	swait.ge [sflag:s16], $0x50  }
0x85: {  	[sflag:s16] =	ssyncset.done $0x0  }
0x86: {  	[sflag:s16] =	ssyncadd.s32 $0xFFFFFFB0  }
0x87: {  	[spmem:s2] =	stream.indirect.scatter.add.f32 [tilespmem:s1], [sflag:$0xC], $0x80, s28, s30, $0xb8;
	[tilespmem:$0x1B800] =	vst v63  }
0x88: {  	s6 =	sadd.s32 s7, s19  }
0x89: {  	[tilespmem:s22], [sflag:$0x2] =	stream.linear.gather [hbm4b:s6+s3], $0x50, $0x38;
	[tilespmem:$0x1B800] =	vst v63  }
0x8a: {  	_ =	swait.ge [sflag:s20], $0x2800  }
0x8b: {  	[sflag:s20] =	ssyncset.done $0x0;
	s6 =	rddreg [dreg:$0xe]  }
0x8c: {  	[sflag:s20] =	ssyncadd.s32 $0xFFFFD800;
	s5 =	sadd.s32 s7, s6  }
0x8d: {  	[tilespmem:s28], [sflag:$0x5] =	stream.linear.gather [hbm4b:s5+s3], $0x50, $0x38;
	[tilespmem:$0x1B800] =	vst v63  }
0x8e: {  	_ =	swait.ge [sflag:s0], $0x50  }
0x8f: {  	[sflag:s0] =	ssyncset.done $0x0  }
0x90: {  	[sflag:s0] =	ssyncadd.s32 $0xFFFFFFB0  }
0x91: {  	[tilespmem:s1], [sflag:$0x9] =	stream.indirect.gather [hbm4b:s4+s30], $0x80, s22, s30, $0xb8;
	[tilespmem:$0x1B800] =	vst v63  }
0x92: {  	_ =	swait.ge [sflag:s24], $0x2800  }
0x93: {  	p1 =	seq.s32 s7, $0x4B0;
	[sflag:s24] =	ssyncset.done $0x0  }
.Ltmp2:
0x94: {  	[sflag:s24] =	ssyncadd.s32 $0xFFFFD800;
	(pc) =	sbr.rel @p1 .LBB2_4-.Ltmp2, $4  }
0x95: {  	_ =	swait.ge [sflag:s25], $0x50  }
0x96: {  	[sflag:s25] =	ssyncset.done $0x0  }
0x97: {  	[sflag:s25] =	ssyncadd.s32 $0xFFFFFFB0  }
0x98: {  	[spmem:s2] =	stream.indirect.scatter.add.f32 [tilespmem:s11], [sflag:$0xD], $0x80, s9, s30, $0xb8;
	[tilespmem:$0x1B800] =	vst v63  }
.Ltmp3:
0x99: {  	(pc) =	sbr.rel .LBB2_2-.Ltmp3, $4  }
0x9a: {  	_ = 	snop  }
0x9b: {  	s5 =	rddreg [dreg:$0xd]  }
0x9c: {  	s13 =	sadd.s32 $0xF0, s13;
	s5 =	sadd.s32 s7, s5;
	s7 =	sadd.s32 $0x1E, s7  }
0x9d: {  	[tilespmem:s23], [sflag:$0x3] =	stream.linear.gather [hbm4b:s5+s3], $0x50, $0x38;
	[tilespmem:$0x1B800] =	vst v63  }
.LBB2_5:
0x9e: {  	_ =	sfence.sel $0x180000  }
0x9f: {  	[bflag:$0x0] =	sbarrier.arrive $0xFFFF  }
0xa0: {  	_ =	strace $0x9000004A  }
0xa1: {  	s0 =	stileid.u32;
	[bflag:$0x2] =	sbarrier.arrive $0xFFFF  }
0xa2: {  	p0 =	sne.s32 s0, $0x0;
	s0 =	rddreg [dreg:$0x2]  }
0xa3: {  	s0 =	sadd.s32 @!p0 $0x100000, s0  }
0xa4: {  	[sflag:s0] =	ssyncadd.tile.s32 @!p0 $0x1;
	_ =	shalt  }
.Lfunc_end2:
_tile_overlayer_lowered:
.L_overlay_start_2:
0xa5: {  	(tag) =	ssettag $0x2  }
0xa6: {  	s0 =	rddreg [dreg:$0x0];
	s2 =	stileid.u32  }
0xa7: {  	s1 =	rddreg [dreg:$0x1];
	p0 =	sne.s32 s2, $0x0  }
0xa8: {  	s3 =	rddreg [dreg:$0x2];
	[bflag:$0x3] =	sbarrier.arrive $0xFFFF;
	s2 =	simm.s32 @!p0 $0x1C0E  }
0xa9: {  	[timem:s3], [sflag:s2] =	dma.local @!p0 [hbm:s0], s1  }
0xaa: {  	s0 =	simm.s32 @!p0 $0xE  }
0xab: {  	_ =	swait.ge @!p0 [sflag:s0], s1  }
0xac: {  	s1 =	ssub.s32 @!p0 $0x0, s1;
	[sflag:s0] =	ssyncset.done @!p0 $0x0  }
0xad: {  	[sflag:s0] =	ssyncadd.s32 @!p0 s1  }
0xae: {  	[bflag:$0x3] =	sbarrier.arrive $0xFFFF  }
0xaf: {  	_ =	shalt  }

// kernel: kernel.15.cloned.1.call-start
scs
__scs_entry_jumppad:
0x0: {  	(pc) =	sbr.rel $0x88, $3  }
0x1: {  	(tag) =	ssettag $0x0;
	lr =	simm.s32 $0x1  }
0x2: {  	[smem:$0x3F94] =	sst lr;
	_ =	strace $0xD0000000  }
0x3: {  	_ = 	snop  }
0x4: {  	_ = 	snop  }
0x5: {  	_ = 	snop  }
0x6: {  	_ = 	snop  }
0x7: {  	_ = 	snop  }
__scs_overlays_trampoline_lowered:
0x8: {  	[smem:$0x3FA3] =	sst s0  }
0x9: {  	[smem:$0x3FA4] =	sst s1  }
0xa: {  	[smem:$0x3FA5] =	sst s2  }
0xb: {  	[smem:$0x3FA6] =	sst s3  }
0xc: {  	[smem:$0x3FA7] =	sst s4  }
0xd: {  	[smem:$0x3FA8] =	sst s5  }
0xe: {  	[smem:$0x3FA9] =	sst s6  }
0xf: {  	[smem:$0x3FAA] =	sst s7  }
0x10: {  	[smem:$0x3FAB] =	sst s8  }
0x11: {  	[smem:$0x3FAC] =	sst s9;
	s0 =	simm.s32 @!p0 $0x0  }
0x12: {  	s1 =	sld [smem:$0x3F92];
	s0 =	simm.s32 @p0 $0x1  }
0x13: {  	[smem:$0x3FAD] =	sst s0;
	s0 =	simm.s32 @!p1 $0x0  }
0x14: {  	s2 =	sld [smem:$0x3F91];
	s0 =	simm.s32 @p1 $0x1  }
0x15: {  	[smem:$0x3FAE] =	sst s0;
	s0 =	simm.s32 @!p2 $0x0  }
0x16: {  	s3 =	sld [smem:$0x3FDB];
	s0 =	simm.s32 @p2 $0x1  }
0x17: {  	s4 =	simm.s32 $0x1BF5;
	[smem:$0x3FB0] =	sst s0  }
0x18: {  	s0 =	sld [smem:$0x3F93];
	_ =	swait.ge [sflag:s4], $0x0  }
0x19: {  	s7 =	sld [smem:$0x3F94]  }
0x1a: {  	s8 =	sadd.s32 $0xFFFFE003, lr  }
0x1b: {  	s9 =	sadd.s32 $0xFFFFFEF7, lr;
	s5 =	simm.s32 $0xFFFFFFFF;
	p2 =	slt.u32 s8, $0xFFFFF086  }
0x1c: {  	p1 =	slt.u32 s9, $0xF7A;
	s5 =	simm.s32 @!p2 $0x0  }
0x1d: {  	s5 =	simm.s32 @p1 $0x1;
	p0 =	seq.s32 s7, s2  }
0x1e: {  	s7 =	smul.u32 @!p0 $0xF7A, s2;
	p2 =	seq.s32 @!p0 s5, $0x0  }
0x1f: {  	s9 =	smul.u32 $0xF7A, s1;
	s8 =	simm.s32 @!p0 $0x1BF5;
	p2 =	por !p2, p0  }
0x20: {  	[sflag:s8] =	ssyncset.s32 @!p0 $0xFFFFF086;
	s6 =	sadd.s32 @!p0 s3, s7;
	s7 =	simm.s32 @!p0 $0x108  }
0x21: {  	s3 =	sadd.s32 s3, s9;
	s6 =	sadd.s32 @!p0 $0x88, s6;
	s7 =	simm.s32 @p2 $0x1082  }
0x22: {  	[simem:s7], [sflag:s8] =	dma.local @!p0 [hbm:s6], $0xF7A  }
0x23: {  	s9 =	sor.u32 $0xD0000000, s2;
	s6 =	simm.s32 $0x108;
	_ =	swait.ge @!p0 [sflag:s8], $0x0  }
0x24: {  	s3 =	sadd.s32 $0x88, s3;
	s6 =	simm.s32 @!p1 $0x1082;
	[sflag:s4] =	ssyncset.s32 $0xFFFFF086  }
0x25: {  	[simem:s6], [sflag:s4] =	dma.local [hbm:s3], $0xF7A  }
0x26: {  	[smem:$0x3F94] =	sst s1;
	(tag) =	ssettag s2;
	_ =	strace s9  }
0x27: {  	s1 =	sld [smem:$0x3FA4]  }
0x28: {  	s2 =	sld [smem:$0x3FA5]  }
0x29: {  	s4 =	sld [smem:$0x3FA7]  }
0x2a: {  	p0 =	seq.s32 s5, $0x0;
	s5 =	sld [smem:$0x3FA8]  }
0x2b: {  	s6 =	sld [smem:$0x3FA9]  }
0x2c: {  	s7 =	sld [smem:$0x3FAA]  }
0x2d: {  	s3 =	simm.s32 $0x108;
	s8 =	sld [smem:$0x3FAB]  }
0x2e: {  	s3 =	simm.s32 @!p0 $0x1082;
	s9 =	sld [smem:$0x3FAC]  }
0x2f: {  	lr =	sadd.s32 s0, s3;
	s0 =	sld [smem:$0x3FA3]  }
0x30: {  	s3 =	sld [smem:$0x3FA6]  }
0x31: {  	[smem:$0x3FAF] =	sst s10  }
0x32: {  	s10 =	sld [smem:$0x3FAD];
	_ =	sdelay $0x3  }
0x33: {  	p0 =	seq.s32 s10, $0x1;
	s10 =	sld [smem:$0x3FAF];
	_ =	sdelay $0x3  }
0x34: {  	[smem:$0x3FAF] =	sst s10  }
0x35: {  	s10 =	sld [smem:$0x3FAE];
	_ =	sdelay $0x3  }
0x36: {  	p1 =	seq.s32 s10, $0x1;
	s10 =	sld [smem:$0x3FAF];
	_ =	sdelay $0x3  }
0x37: {  	[smem:$0x3FAF] =	sst s10  }
0x38: {  	s10 =	sld [smem:$0x3FB0]  }
0x39: {  	_ = 	snop;
	(pc) =	sbr.ind lr, $3  }
0x3a: {  	_ = 	snop  }
0x3b: {  	_ = 	snop  }
0x3c: {  	p2 =	seq.s32 s10, $0x1;
	s10 =	sld [smem:$0x3FAF]  }
0x3d: {  	_ =	shalt  }
0x3e: {  	_ =	shalt  }
0x3f: {  	_ =	shalt  }
0x40: {  	_ =	shalt  }
0x41: {  	_ =	shalt  }
0x42: {  	_ =	shalt  }
0x43: {  	_ =	shalt  }
0x44: {  	_ =	shalt  }
0x45: {  	_ =	shalt  }
0x46: {  	_ =	shalt  }
0x47: {  	_ =	shalt  }
0x48: {  	_ =	shalt  }
0x49: {  	_ =	shalt  }
0x4a: {  	_ =	shalt  }
0x4b: {  	_ =	shalt  }
0x4c: {  	_ =	shalt  }
0x4d: {  	_ =	shalt  }
0x4e: {  	_ =	shalt  }
0x4f: {  	_ =	shalt  }
0x50: {  	_ =	shalt  }
0x51: {  	_ =	shalt  }
0x52: {  	_ =	shalt  }
0x53: {  	_ =	shalt  }
0x54: {  	_ =	shalt  }
0x55: {  	_ =	shalt  }
0x56: {  	_ =	shalt  }
0x57: {  	_ =	shalt  }
0x58: {  	_ =	shalt  }
0x59: {  	_ =	shalt  }
0x5a: {  	_ =	shalt  }
0x5b: {  	_ =	shalt  }
0x5c: {  	_ =	shalt  }
0x5d: {  	_ =	shalt  }
0x5e: {  	_ =	shalt  }
0x5f: {  	_ =	shalt  }
0x60: {  	_ =	shalt  }
0x61: {  	_ =	shalt  }
0x62: {  	_ =	shalt  }
0x63: {  	_ =	shalt  }
0x64: {  	_ =	shalt  }
0x65: {  	_ =	shalt  }
0x66: {  	_ =	shalt  }
0x67: {  	_ =	shalt  }
0x68: {  	_ =	shalt  }
0x69: {  	_ =	shalt  }
0x6a: {  	_ =	shalt  }
0x6b: {  	_ =	shalt  }
0x6c: {  	_ =	shalt  }
0x6d: {  	_ =	shalt  }
0x6e: {  	_ =	shalt  }
0x6f: {  	_ =	shalt  }
0x70: {  	_ =	shalt  }
0x71: {  	_ =	shalt  }
0x72: {  	_ =	shalt  }
0x73: {  	_ =	shalt  }
0x74: {  	_ =	shalt  }
0x75: {  	_ =	shalt  }
0x76: {  	_ =	shalt  }
0x77: {  	_ =	shalt  }
0x78: {  	_ =	shalt  }
0x79: {  	_ =	shalt  }
0x7a: {  	_ =	shalt  }
0x7b: {  	_ =	shalt  }
0x7c: {  	_ =	shalt  }
0x7d: {  	_ =	shalt  }
0x7e: {  	_ =	shalt  }
0x7f: {  	_ =	shalt  }
0x80: {  	_ =	shalt  }
0x81: {  	_ =	shalt  }
0x82: {  	_ =	shalt  }
0x83: {  	_ =	shalt  }
0x84: {  	_ =	shalt  }
0x85: {  	_ =	shalt  }
0x86: {  	_ =	shalt  }
0x87: {  	_ =	shalt  }
.Lfunc_end0:
.L_simem_size_0:
called_computation.2_lowered:
.L_overlay_start_0:
0x88: {  	s2 =	sld [smem:$0x3FD9]  }
0x89: {  	s3 =	sld [smem:$0x3FFE];
	_ =	sdelay $0x1  }
0x8a: {  	s1 =	srdreg.scid  }
0x8b: {  	s0 =	sand.u32 $0x1, s1  }
0x8c: {  	s16 =	sshll.u32 s0, $0xA;
	s2 =	sadd.s32 s3, s2  }
0x8d: {  	s2 =	sadd.s32 s2, s16  }
0x8e: {  	[smem:$0x3FBB] =	sst s2  }
0x8f: {  	_ = 	snop  }
0x90: {  	(tm) =	ssettm $0x1  }
0x91: {  	s17 =	sld [smem:$0x3FFB];
	_ =	sdelay $0x3  }
0x92: {  	_ =	strace s17  }
0x93: {  	s2 =	sld [smem:$0x3FFC];
	_ =	sdelay $0x3  }
0x94: {  	_ =	strace s2  }
0x95: {  	s2 =	sld [smem:$0x3FFD];
	_ =	sdelay $0x3  }
0x96: {  	_ =	strace s2  }
0x97: {  	_ =	strace $0x8FFFFFFF  }
0x98: {  	s18 =	sld [smem:$0x3FDB];
	_ =	sdelay $0x1  }
0x99: {  	s19 =	simm.s32 $_scs_section_size  }
0x9a: {  	s4 =	simm.s32 $_size__tile_overlayer_lowered;
	s5 =	simm.s32 $_tile_overlayer_lowered  }
0x9b: {  	s22 =	simm.s32 $0x1BFF;
	s21 =	sshll.u32 s5, $0x1;
	s2 =	sadd.s32 s19, s18  }
0x9c: {  	s6 =	simm.s32 $0x0;
	s20 =	sshll.u32 s4, $0x1;
	s4 =	sadd.s32 s21, s2  }
0x9d: {  	[timem:s6], [sflag:s22] =	dma.local [hbm:s4], s20  }
0x9e: {  	_ =	swait.ge [sflag:s22], s20  }
0x9f: {  	s3 =	ssub.s32 $0x0, s20;
	[sflag:s22] =	ssyncset.done $0x0  }
0xa0: {  	[sflag:s22] =	ssyncadd.s32 s3;
	_ =	sdelay $0x1  }
0xa1: {  	s23 =	simm.s32 $0x1B8B  }
0xa2: {  	_ =	swait.ge [sflag:s23], $0x1  }
0xa3: {  	[sflag:s23] =	ssyncset.done $0x0  }
0xa4: {  	s25 =	simm.s32 $0x1B8E;
	s24 =	sld [smem:$0x3FFE];
	[sflag:s23] =	ssyncadd.s32 $0xFFFFFFFF  }
0xa5: {  	s26 =	simm.s32 $execute0_lowered;
	[smem:$0x3FD2] =	sst s25  }
0xa6: {  	s4 =	sshll.u32 s26, $0x1;
	_ =	strace $0x8000004C;
	[dreg:$0x1] =	wrdreg $0xFFFFFFFF  }
0xa7: {  	s28 =	simm.s32 $_size_execute0_lowered;
	s2 =	sadd.s32 s2, s4;
	[dreg:$0x0] =	wrdreg $0x0  }
0xa8: {  	s4 =	sshll.u32 s28, $0x1;
	[dreg:$0x2] =	wrdreg s2  }
0xa9: {  	[dreg:$0x3] =	wrdreg s4  }
0xaa: {  	[dreg:$0x4] =	wrdreg $0xC0  }
0xab: {  	_ =	task [dreg:s6], $0x5FFFF  }
0xac: {  	[dreg:$0x1] =	wrdreg $0xFFFFFFFF  }
0xad: {  	[dreg:$0x0] =	wrdreg $0x60  }
0xae: {  	[dreg:$0x2] =	wrdreg s24  }
0xaf: {  	[dreg:$0x3] =	wrdreg $0x7C000  }
0xb0: {  	[dreg:$0x4] =	wrdreg $0x9  }
0xb1: {  	_ =	task.clear_ibuf [dreg:s6], $0x5FFFF;
	_ =	strace $0x9000004C  }
0xb2: {  	s29 =	simm.s32 $0x9;
	_ =	strace $0x8000004E  }
0xb3: {  	_ =	swait.ge [sflag:s29], $0x1  }
0xb4: {  	[sflag:s29] =	ssyncadd.s32 $0xFFFFFFFF  }
0xb5: {  	_ =	strace $0x9000004E  }
0xb6: {  	_ =	sfence  }
0xb7: {  	s30 =	sld [smem:$0x0];
	_ =	sdelay $0x2  }
0xb8: {  	s31 =	sshll.u32 s1, $0xD;
	s1 =	sshrl.u32 s1, $0x2  }
0xb9: {  	s3 =	sand.u32 $0x4000, s31;
	s1 =	sadd.s32 s1, s30  }
0xba: {  	s0 =	sor.u32 s3, s0;
	s1 =	sshll.u32 s1, $0x11  }
0xbb: {  	s0 =	sor.u32 s1, s0  }
0xbc: {  	s0 =	sadd.s32 $0x8F2B, s0  }
0xbd: {  	[sflag:s0] =	ssyncadd.remote.s32 $0x1  }
0xbe: {  	_ =	sfence.sel $0xFFFF  }
0xbf: {  	[dreg:$0x0] =	wrdreg $0xFFFFFFFF;
	(pc) =	sbr.abs _section_cstart, $3  }
0xc0: {  	[dreg:$0x1] =	wrdreg $0xFFFFFFFF  }
0xc1: {  	_ =	task.clear_ibuf [dreg:s6], $0x2FFFF;
	_ =	strace $0x9FFFFFFF  }
0xc2: {  	(tm) =	ssettm $0x7FFFFFFF  }
0xc3: {  	_ =	shalt  }
tec
execute0_lowered:
.L_overlay_start_1:
0x0: {  	(tag) =	ssettag $0x1  }
0x1: {  	s0 =	rddreg [dreg:$0x0]  }
0x2: {  	s2 =	rddreg [dreg:$0x1]  }
0x3: {  	s3 =	simm.s32 $0x0;
	s1 =	srdreg.scid;
	s5 =	stileid.u32  }
0x4: {  	s28 =	simm.s32 $0x280;
	s29 =	simm.s32 $0x1;
	s30 =	simm.s32 $0x50  }
0x5: {  	s31 =	simm.s32 $0x400;
	[smem:$0x7FF] =	sst s3;
	s1 =	sand.u32 $0x1, s1  }
0x6: {  	s4 =	sshll.u32 s5, $0x1;
	s12 =	sadd.s32 $0x3800, s0;
	s16 =	smul.u32 $0x4F000, s5  }
0x7: {  	s10 =	sadd.s32 $0x3E600, s0;
	s17 =	smul.u32 $0x4E20, s5;
	s18 =	sshll.u32 s5, $0x6  }
0x8: {  	p0 =	seq.s32 s5, $0xF;
	_ =	strace $0x8000004D;
	s6 =	sor.u32 s1, s4  }
0x9: {  	s4 =	sadd.s32 $0x17400, s0;
	s8 =	smul.u32 $0x27100, s1;
	s9 =	ssub.s32 $0x2, s1  }
0xa: {  	[dreg:$0x3] =	wrdreg s10;
	s1 =	smul.u32 $0x2710, s1;
	s19 =	sor.u32 $0x1C07, s18  }
0xb: {  	s7 =	smul.u32 $0x2710, s6;
	s6 =	sadd.s32 $0xD600, s0;
	s25 =	sshrl.u32 s9, $0x1  }
0xc: {  	s10 =	sshrl.u32 s16, $0x2;
	[dreg:$0xa] =	wrdreg s19;
	s16 =	simm.s32 $0x5  }
0xd: {  	s0 =	sadd.s32 s8, s0;
	s26 =	ssub.s32 s9, s25;
	s13 =	sadd.s32 s10, s2  }
0xe: {  	s1 =	sadd.s32 s1, s17;
	s17 =	smov.u32 s12;
	s18 =	smov.u32 s6  }
0xf: {  	s10 =	simm.s32 $0x3;
	s7 =	sshrl.u32 s7, $0x3;
	s20 =	sadd.s32 $0x190, s1  }
0x10: {  	s21 =	sadd.s32 $0x140, s1;
	s8 =	smax.u32 s26, $0x1;
	s25 =	sadd.s32 $0xA0, s1  }
0x11: {  	s1 =	sadd.s32 $0xF0, s1;
	[dreg:$0x9] =	wrdreg s13;
	s14 =	sadd.s32 $0xA, s7  }
0x12: {  	s11 =	sadd.s32 s12, s7;
	s7 =	sadd.s32 s6, s7;
	[dreg:$0xc] =	wrdreg s8  }
0x13: {  	s22 =	sshrl.u32 s20, $0x3;
	s23 =	sshrl.u32 s21, $0x3;
	[dreg:$0xf] =	wrdreg s1  }
0x14: {  	s26 =	sshrl.u32 s25, $0x3;
	s20 =	simm.s32 $0xC;
	s25 =	simm.s32 $0x6  }
0x15: {  	s15 =	sadd.s32 s12, s14;
	[dreg:$0x4] =	wrdreg s11;
	s11 =	sadd.s32 $0x14, s11  }
0x16: {  	[dreg:$0x7] =	wrdreg s7;
	s9 =	sadd.s32 s6, s14;
	s7 =	sadd.s32 $0x128400, s2  }
0x17: {  	s8 =	sadd.s32 s22, s12;
	s24 =	sadd.s32 s23, s6;
	s19 =	sadd.s32 s23, s12  }
0x18: {  	s21 =	sadd.s32 s26, s6;
	s22 =	simm.s32 $0x80;
	[dreg:$0x5] =	wrdreg s15  }
0x19: {  	s23 =	simm.s32 $0x100;
	s26 =	simm.s32 $0x200;
	[dreg:$0x6] =	wrdreg s11  }
0x1a: {  	s12 =	simm.s32 $0x4;
	s14 =	simm.s32 $0xB;
	[dreg:$0x8] =	wrdreg s9  }
0x1b: {  	s11 =	sadd.s32 $0x40E00, s0;
	s0 =	smul.u32 $0x2780, s5;
	[dreg:$0xd] =	wrdreg s8  }
.Ltmp0:
0x1c: {  	[dreg:$0xe] =	wrdreg s24;
	s1 =	sshrl.u32 @p0 s7, $0x3;
	(pc) =	sbr.rel .LBB2_1-.Ltmp0, $4  }
0x1d: {  	s9 =	simm.s32 $0x300;
	s8 =	simm.s32 $0x8;
	s15 =	simm.s32 $0x9  }
0x1e: {  	s24 =	simm.s32 $0xA;
	s7 =	simm.s32 $0x0;
	[dreg:$0x10] =	wrdreg s1  }
0x1f: {  	[dreg:$0xb] =	wrdreg s11;
	s1 =	simm.s32 $0x2C00;
	s0 =	sadd.s32 @!p0 s0, s11  }
0x20: {  	s11 =	simm.s32 $0x5400;
	[dreg:$0x11] =	wrdreg s0;
	s0 =	simm.s32 $0x2  }
.LBB2_4:
0x21: {  	_ =	swait.ge [sflag:s8], $0x2800  }
0x22: {  	[sflag:s8] =	ssyncset.done $0x0  }
0x23: {  	[sflag:s8] =	ssyncadd.s32 $0xFFFFD800  }
0x24: {  	_ =	swait.ge [sflag:s12], $0x50  }
0x25: {  	[sflag:s12] =	ssyncset.done $0x0  }
0x26: {  	[sflag:s12] =	ssyncadd.s32 $0xFFFFFFB0  }
0x27: {  	[spmem:s2] =	stream.indirect.scatter.add.f32 [tilespmem:s31], [sflag:$0xB], $0x80, s26, s30, $0xb8;
	[tilespmem:$0x1B800] =	vst v63  }
0x28: {  	_ =	swait.ge [sflag:s15], $0x2800  }
0x29: {  	[sflag:s15] =	ssyncset.done $0x0  }
0x2a: {  	[sflag:s15] =	ssyncadd.s32 $0xFFFFD800  }
0x2b: {  	_ =	swait.ge [sflag:s16], $0x50  }
0x2c: {  	[sflag:s16] =	ssyncset.done $0x0  }
0x2d: {  	[sflag:s16] =	ssyncadd.s32 $0xFFFFFFB0  }
0x2e: {  	[spmem:s2] =	stream.indirect.scatter.add.f32 [tilespmem:s1], [sflag:$0xC], $0x80, s28, s30, $0xb8;
	[tilespmem:$0x1B800] =	vst v63  }
0x2f: {  	_ =	swait.ge [sflag:s14], $0x2800  }
0x30: {  	[sflag:s14] =	ssyncset.done $0x0  }
0x31: {  	[sflag:s14] =	ssyncadd.s32 $0xFFFFD800  }
0x32: {  	_ =	swait.ge [sflag:s20], $0x2800  }
0x33: {  	[sflag:s20] =	ssyncset.done $0x0  }
0x34: {  	s5 =	simm.s32 $0xD;
	[sflag:s20] =	ssyncadd.s32 $0xFFFFD800  }
0x35: {  	_ =	swait.ge [sflag:s5], $0x2800  }
0x36: {  	[sflag:s5] =	ssyncset.done $0x0  }
0x37: {  	[sflag:s5] =	ssyncadd.s32 $0xFFFFD800  }
0x38: {  	[bflag:$0x0] =	sbarrier.arrive $0xFFFF  }
0x39: {  	s5 =	rddreg [dreg:$0xb]  }
0x3a: {  	s6 =	simm.s32 @p0 $0x1FCE;
	s7 =	rddreg [dreg:$0x10];
	s5 =	sadd.s32 @p0 $0x25080, s5  }
0x3b: {  	[hbm:s5], [sflag:s6] =	dma.local @p0 [spmem:s7], $0x2080  }
0x3c: {  	s5 =	simm.s32 @p0 $0xE  }
0x3d: {  	_ =	swait.ge @p0 [sflag:s5], $0x2080  }
0x3e: {  	s6 =	stileid.u32;
	s13 =	rddreg [dreg:$0x9]  }
0x3f: {  	s6 =	sshll.u32 @!p0 s6, $0x6;
	[sflag:s5] =	ssyncset.done @p0 $0x0;
	s7 =	rddreg [dreg:$0x11]  }
0x40: {  	[sflag:s5] =	ssyncadd.s32 @p0 $0xFFFFDF80;
	s5 =	sor.u32 @!p0 $0x1C0E, s6;
	s6 =	sshrl.u32 @!p0 s13, $0x3  }
0x41: {  	[hbm:s7], [sflag:s5] =	dma.local @!p0 [spmem:s6], $0x2780  }
0x42: {  	s5 =	simm.s32 @!p0 $0xE  }
0x43: {  	_ =	swait.ge @!p0 [sflag:s5], $0x2780  }
0x44: {  	s6 =	rddreg [dreg:$0x12]  }
0x45: {  	s7 =	sadd.s32 $0x1, s6;
	s6 =	rddreg [dreg:$0xc]  }
0x46: {  	p1 =	sne.s32 s7, s6  }
.Ltmp1:
0x47: {  	_ = 	snop;
	(pc) =	sbr.rel @!p1 .LBB2_5-.Ltmp1, $3  }
0x48: {  	_ =	sdelay $0x1  }
0x49: {  	[sflag:s5] =	ssyncset.done @!p0 $0x0  }
0x4a: {  	[sflag:s5] =	ssyncadd.s32 @!p0 $0xFFFFD880  }
.LBB2_1:
0x4b: {  	[dreg:$0x12] =	wrdreg s7  }
0x4c: {  	s5 =	rddreg [dreg:$0x4]  }
0x4d: {  	s6 =	rddreg [dreg:$0x5]  }
0x4e: {  	s7 =	rddreg [dreg:$0x6]  }
0x4f: {  	[tilespmem:s3], [sflag:$0x1] =	stream.linear.gather [hbm4b:s5+s3], $0x50, $0x38;
	[tilespmem:$0x1B800] =	vst v63  }
0x50: {  	s5 =	sshrl.u32 s13, $0x3;
	s13 =	rddreg [dreg:$0x3]  }
0x51: {  	[tilespmem:s22], [sflag:$0x2] =	stream.linear.gather [hbm4b:s6+s3], $0x50, $0x38;
	[tilespmem:$0x1B800] =	vst v63  }
0x52: {  	s6 =	rddreg [dreg:$0x7]  }
0x53: {  	[tilespmem:s23], [sflag:$0x3] =	stream.linear.gather [hbm4b:s7+s3], $0x50, $0x38;
	[tilespmem:$0x1B800] =	vst v63  }
0x54: {  	s7 =	rddreg [dreg:$0x8]  }
0x55: {  	[tilespmem:s26], [sflag:$0x4] =	stream.linear.gather [hbm4b:s6+s3], $0x50, $0x38;
	[tilespmem:$0x1B800] =	vst v63  }
0x56: {  	s6 =	rddreg [dreg:$0xa]  }
0x57: {  	[tilespmem:s28], [sflag:$0x5] =	stream.linear.gather [hbm4b:s7+s3], $0x50, $0x38;
	[tilespmem:$0x1B800] =	vst v63  }
0x58: {  	[spmem:s5], [sflag:s6] =	dma.local [hbm:s13], $0x2780  }
0x59: {  	_ =	swait.ge [sflag:s29], $0x50  }
0x5a: {  	[sflag:s29] =	ssyncset.done $0x0  }
0x5b: {  	[sflag:s29] =	ssyncadd.s32 $0xFFFFFFB0  }
0x5c: {  	[tilespmem:s31], [sflag:$0x8] =	stream.indirect.gather [hbm4b:s4+s30], $0x80, s3, s30, $0xb8;
	[tilespmem:$0x1B800] =	vst v63  }
0x5d: {  	_ =	swait.ge [sflag:s0], $0x50  }
0x5e: {  	[sflag:s0] =	ssyncset.done $0x0  }
0x5f: {  	s13 =	simm.s32 $0x7;
	[sflag:s0] =	ssyncadd.s32 $0xFFFFFFB0  }
0x60: {  	[tilespmem:s1], [sflag:$0x9] =	stream.indirect.gather [hbm4b:s4+s30], $0x80, s22, s30, $0xb8;
	[tilespmem:$0x1B800] =	vst v63  }
0x61: {  	_ =	swait.ge [sflag:s13], $0x2780  }
0x62: {  	[sflag:s13] =	ssyncset.done $0x0  }
0x63: {  	[sflag:s13] =	ssyncadd.s32 $0xFFFFD880  }
0x64: {  	[bflag:$0x0] =	sbarrier.arrive $0xFFFF  }
0x65: {  	s7 =	simm.s32 $0x0;
	s13 =	rddreg [dreg:$0xf]  }
.LBB2_2:
0x66: {  	p1 =	seq.s32 s7, $0x0  }
0x67: {  	s5 =	simm.s32 @!p1 $0xD  }
0x68: {  	_ =	swait.ge @!p1 [sflag:s5], $0x2800  }
0x69: {  	[sflag:s5] =	ssyncset.done @!p1 $0x0  }
0x6a: {  	s6 =	sadd.s32 s7, s21;
	[sflag:s5] =	ssyncadd.s32 @!p1 $0xFFFFD800  }
0x6b: {  	[tilespmem:s9], [sflag:$0x6] =	stream.linear.gather [hbm4b:s6+s3], $0x50, $0x38;
	[tilespmem:$0x1B800] =	vst v63  }
0x6c: {  	_ =	swait.ge [sflag:s10], $0x50  }
0x6d: {  	[sflag:s10] =	ssyncset.done $0x0  }
0x6e: {  	[sflag:s10] =	ssyncadd.s32 $0xFFFFFFB0  }
0x6f: {  	[tilespmem:s11], [sflag:$0xA] =	stream.indirect.gather [hbm4b:s4+s30], $0x80, s23, s30, $0xb8;
	[tilespmem:$0x1B800] =	vst v63  }
0x70: {  	_ =	swait.ge [sflag:s8], $0x2800  }
0x71: {  	[sflag:s8] =	ssyncset.done $0x0  }
0x72: {  	[sflag:s8] =	ssyncadd.s32 $0xFFFFD800  }
0x73: {  	_ =	swait.ge [sflag:s12], $0x50  }
0x74: {  	[sflag:s12] =	ssyncset.done $0x0  }
0x75: {  	s5 =	sshrl.u32 s13, $0x3;
	[sflag:s12] =	ssyncadd.s32 $0xFFFFFFB0  }
0x76: {  	[spmem:s2] =	stream.indirect.scatter.add.f32 [tilespmem:s31], [sflag:$0xB], $0x80, s26, s30, $0xb8;
	[tilespmem:$0x1B800] =	vst v63  }
0x77: {  	s6 =	sadd.s32 s17, s5  }
0x78: {  	[tilespmem:s3], [sflag:$0x1] =	stream.linear.gather [hbm4b:s6+s3], $0x50, $0x38;
	[tilespmem:$0x1B800] =	vst v63  }
0x79: {  	_ =	swait.ge [sflag:s14], $0x2800  }
0x7a: {  	[sflag:s14] =	ssyncset.done $0x0  }
0x7b: {  	s5 =	sadd.s32 s18, s5;
	[sflag:s14] =	ssyncadd.s32 $0xFFFFD800  }
0x7c: {  	[tilespmem:s26], [sflag:$0x4] =	stream.linear.gather [hbm4b:s5+s3], $0x50, $0x38;
	[tilespmem:$0x1B800] =	vst v63  }
0x7d: {  	_ =	swait.ge [sflag:s29], $0x50  }
0x7e: {  	[sflag:s29] =	ssyncset.done $0x0  }
0x7f: {  	[sflag:s29] =	ssyncadd.s32 $0xFFFFFFB0  }
0x80: {  	[tilespmem:s31], [sflag:$0x8] =	stream.indirect.gather [hbm4b:s4+s30], $0x80, s3, s30, $0xb8;
	[tilespmem:$0x1B800] =	vst v63  }
0x81: {  	_ =	swait.ge [sflag:s15], $0x2800  }
0x82: {  	[sflag:s15] =	ssyncset.done $0x0  }
0x83: {  	[sflag:s15] =	ssyncadd.s32 $0xFFFFD800  }
0x84: {  	_ =	swait.ge [sflag:s16], $0x50  }
0x85: {  	[sflag:s16] =	ssyncset.done $0x0  }
0x86: {  	[sflag:s16] =	ssyncadd.s32 $0xFFFFFFB0  }
0x87: {  	[spmem:s2] =	stream.indirect.scatter.add.f32 [tilespmem:s1], [sflag:$0xC], $0x80, s28, s30, $0xb8;
	[tilespmem:$0x1B800] =	vst v63  }
0x88: {  	s6 =	sadd.s32 s7, s19  }
0x89: {  	[tilespmem:s22], [sflag:$0x2] =	stream.linear.gather [hbm4b:s6+s3], $0x50, $0x38;
	[tilespmem:$0x1B800] =	vst v63  }
0x8a: {  	_ =	swait.ge [sflag:s20], $0x2800  }
0x8b: {  	[sflag:s20] =	ssyncset.done $0x0;
	s6 =	rddreg [dreg:$0xe]  }
0x8c: {  	[sflag:s20] =	ssyncadd.s32 $0xFFFFD800;
	s5 =	sadd.s32 s7, s6  }
0x8d: {  	[tilespmem:s28], [sflag:$0x5] =	stream.linear.gather [hbm4b:s5+s3], $0x50, $0x38;
	[tilespmem:$0x1B800] =	vst v63  }
0x8e: {  	_ =	swait.ge [sflag:s0], $0x50  }
0x8f: {  	[sflag:s0] =	ssyncset.done $0x0  }
0x90: {  	[sflag:s0] =	ssyncadd.s32 $0xFFFFFFB0  }
0x91: {  	[tilespmem:s1], [sflag:$0x9] =	stream.indirect.gather [hbm4b:s4+s30], $0x80, s22, s30, $0xb8;
	[tilespmem:$0x1B800] =	vst v63  }
0x92: {  	_ =	swait.ge [sflag:s24], $0x2800  }
0x93: {  	p1 =	seq.s32 s7, $0x4B0;
	[sflag:s24] =	ssyncset.done $0x0  }
.Ltmp2:
0x94: {  	[sflag:s24] =	ssyncadd.s32 $0xFFFFD800;
	(pc) =	sbr.rel @p1 .LBB2_4-.Ltmp2, $4  }
0x95: {  	_ =	swait.ge [sflag:s25], $0x50  }
0x96: {  	[sflag:s25] =	ssyncset.done $0x0  }
0x97: {  	[sflag:s25] =	ssyncadd.s32 $0xFFFFFFB0  }
0x98: {  	[spmem:s2] =	stream.indirect.scatter.add.f32 [tilespmem:s11], [sflag:$0xD], $0x80, s9, s30, $0xb8;
	[tilespmem:$0x1B800] =	vst v63  }
.Ltmp3:
0x99: {  	(pc) =	sbr.rel .LBB2_2-.Ltmp3, $4  }
0x9a: {  	_ = 	snop  }
0x9b: {  	s5 =	rddreg [dreg:$0xd]  }
0x9c: {  	s13 =	sadd.s32 $0xF0, s13;
	s5 =	sadd.s32 s7, s5;
	s7 =	sadd.s32 $0x1E, s7  }
0x9d: {  	[tilespmem:s23], [sflag:$0x3] =	stream.linear.gather [hbm4b:s5+s3], $0x50, $0x38;
	[tilespmem:$0x1B800] =	vst v63  }
.LBB2_5:
0x9e: {  	_ =	sfence.sel $0x180000  }
0x9f: {  	[bflag:$0x0] =	sbarrier.arrive $0xFFFF  }
0xa0: {  	_ =	strace $0x9000004D  }
0xa1: {  	s0 =	stileid.u32;
	[bflag:$0x2] =	sbarrier.arrive $0xFFFF  }
0xa2: {  	p0 =	sne.s32 s0, $0x0;
	s0 =	rddreg [dreg:$0x2]  }
0xa3: {  	s0 =	sadd.s32 @!p0 $0x100000, s0  }
0xa4: {  	[sflag:s0] =	ssyncadd.tile.s32 @!p0 $0x1;
	_ =	shalt  }
.Lfunc_end2:
_tile_overlayer_lowered:
.L_overlay_start_2:
0xa5: {  	(tag) =	ssettag $0x2  }
0xa6: {  	s0 =	rddreg [dreg:$0x0];
	s2 =	stileid.u32  }
0xa7: {  	s1 =	rddreg [dreg:$0x1];
	p0 =	sne.s32 s2, $0x0  }
0xa8: {  	s3 =	rddreg [dreg:$0x2];
	[bflag:$0x3] =	sbarrier.arrive $0xFFFF;
	s2 =	simm.s32 @!p0 $0x1C0E  }
0xa9: {  	[timem:s3], [sflag:s2] =	dma.local @!p0 [hbm:s0], s1  }
0xaa: {  	s0 =	simm.s32 @!p0 $0xE  }
0xab: {  	_ =	swait.ge @!p0 [sflag:s0], s1  }
0xac: {  	s1 =	ssub.s32 @!p0 $0x0, s1;
	[sflag:s0] =	ssyncset.done @!p0 $0x0  }
0xad: {  	[sflag:s0] =	ssyncadd.s32 @!p0 s1  }
0xae: {  	[bflag:$0x3] =	sbarrier.arrive $0xFFFF  }
0xaf: {  	_ =	shalt  }

// kernel: kernel.9.cloned.1.call-start
scs
__scs_entry_jumppad:
0x0: {  	(pc) =	sbr.rel $0x88, $3  }
0x1: {  	(tag) =	ssettag $0x0;
	lr =	simm.s32 $0x1  }
0x2: {  	[smem:$0x3F94] =	sst lr;
	_ =	strace $0xD0000000  }
0x3: {  	_ = 	snop  }
0x4: {  	_ = 	snop  }
0x5: {  	_ = 	snop  }
0x6: {  	_ = 	snop  }
0x7: {  	_ = 	snop  }
__scs_overlays_trampoline_lowered:
0x8: {  	[smem:$0x3FA3] =	sst s0  }
0x9: {  	[smem:$0x3FA4] =	sst s1  }
0xa: {  	[smem:$0x3FA5] =	sst s2  }
0xb: {  	[smem:$0x3FA6] =	sst s3  }
0xc: {  	[smem:$0x3FA7] =	sst s4  }
0xd: {  	[smem:$0x3FA8] =	sst s5  }
0xe: {  	[smem:$0x3FA9] =	sst s6  }
0xf: {  	[smem:$0x3FAA] =	sst s7  }
0x10: {  	[smem:$0x3FAB] =	sst s8  }
0x11: {  	[smem:$0x3FAC] =	sst s9;
	s0 =	simm.s32 @!p0 $0x0  }
0x12: {  	s1 =	sld [smem:$0x3F92];
	s0 =	simm.s32 @p0 $0x1  }
0x13: {  	[smem:$0x3FAD] =	sst s0;
	s0 =	simm.s32 @!p1 $0x0  }
0x14: {  	s2 =	sld [smem:$0x3F91];
	s0 =	simm.s32 @p1 $0x1  }
0x15: {  	[smem:$0x3FAE] =	sst s0;
	s0 =	simm.s32 @!p2 $0x0  }
0x16: {  	s3 =	sld [smem:$0x3FDB];
	s0 =	simm.s32 @p2 $0x1  }
0x17: {  	s4 =	simm.s32 $0x1BF5;
	[smem:$0x3FB0] =	sst s0  }
0x18: {  	s0 =	sld [smem:$0x3F93];
	_ =	swait.ge [sflag:s4], $0x0  }
0x19: {  	s7 =	sld [smem:$0x3F94]  }
0x1a: {  	s8 =	sadd.s32 $0xFFFFE003, lr  }
0x1b: {  	s9 =	sadd.s32 $0xFFFFFEF7, lr;
	s5 =	simm.s32 $0xFFFFFFFF;
	p2 =	slt.u32 s8, $0xFFFFF086  }
0x1c: {  	p1 =	slt.u32 s9, $0xF7A;
	s5 =	simm.s32 @!p2 $0x0  }
0x1d: {  	s5 =	simm.s32 @p1 $0x1;
	p0 =	seq.s32 s7, s2  }
0x1e: {  	s7 =	smul.u32 @!p0 $0xF7A, s2;
	p2 =	seq.s32 @!p0 s5, $0x0  }
0x1f: {  	s9 =	smul.u32 $0xF7A, s1;
	s8 =	simm.s32 @!p0 $0x1BF5;
	p2 =	por !p2, p0  }
0x20: {  	[sflag:s8] =	ssyncset.s32 @!p0 $0xFFFFF086;
	s6 =	sadd.s32 @!p0 s3, s7;
	s7 =	simm.s32 @!p0 $0x108  }
0x21: {  	s3 =	sadd.s32 s3, s9;
	s6 =	sadd.s32 @!p0 $0x88, s6;
	s7 =	simm.s32 @p2 $0x1082  }
0x22: {  	[simem:s7], [sflag:s8] =	dma.local @!p0 [hbm:s6], $0xF7A  }
0x23: {  	s9 =	sor.u32 $0xD0000000, s2;
	s6 =	simm.s32 $0x108;
	_ =	swait.ge @!p0 [sflag:s8], $0x0  }
0x24: {  	s3 =	sadd.s32 $0x88, s3;
	s6 =	simm.s32 @!p1 $0x1082;
	[sflag:s4] =	ssyncset.s32 $0xFFFFF086  }
0x25: {  	[simem:s6], [sflag:s4] =	dma.local [hbm:s3], $0xF7A  }
0x26: {  	[smem:$0x3F94] =	sst s1;
	(tag) =	ssettag s2;
	_ =	strace s9  }
0x27: {  	s1 =	sld [smem:$0x3FA4]  }
0x28: {  	s2 =	sld [smem:$0x3FA5]  }
0x29: {  	s4 =	sld [smem:$0x3FA7]  }
0x2a: {  	p0 =	seq.s32 s5, $0x0;
	s5 =	sld [smem:$0x3FA8]  }
0x2b: {  	s6 =	sld [smem:$0x3FA9]  }
0x2c: {  	s7 =	sld [smem:$0x3FAA]  }
0x2d: {  	s3 =	simm.s32 $0x108;
	s8 =	sld [smem:$0x3FAB]  }
0x2e: {  	s3 =	simm.s32 @!p0 $0x1082;
	s9 =	sld [smem:$0x3FAC]  }
0x2f: {  	lr =	sadd.s32 s0, s3;
	s0 =	sld [smem:$0x3FA3]  }
0x30: {  	s3 =	sld [smem:$0x3FA6]  }
0x31: {  	[smem:$0x3FAF] =	sst s10  }
0x32: {  	s10 =	sld [smem:$0x3FAD];
	_ =	sdelay $0x3  }
0x33: {  	p0 =	seq.s32 s10, $0x1;
	s10 =	sld [smem:$0x3FAF];
	_ =	sdelay $0x3  }
0x34: {  	[smem:$0x3FAF] =	sst s10  }
0x35: {  	s10 =	sld [smem:$0x3FAE];
	_ =	sdelay $0x3  }
0x36: {  	p1 =	seq.s32 s10, $0x1;
	s10 =	sld [smem:$0x3FAF];
	_ =	sdelay $0x3  }
0x37: {  	[smem:$0x3FAF] =	sst s10  }
0x38: {  	s10 =	sld [smem:$0x3FB0]  }
0x39: {  	_ = 	snop;
	(pc) =	sbr.ind lr, $3  }
0x3a: {  	_ = 	snop  }
0x3b: {  	_ = 	snop  }
0x3c: {  	p2 =	seq.s32 s10, $0x1;
	s10 =	sld [smem:$0x3FAF]  }
0x3d: {  	_ =	shalt  }
0x3e: {  	_ =	shalt  }
0x3f: {  	_ =	shalt  }
0x40: {  	_ =	shalt  }
0x41: {  	_ =	shalt  }
0x42: {  	_ =	shalt  }
0x43: {  	_ =	shalt  }
0x44: {  	_ =	shalt  }
0x45: {  	_ =	shalt  }
0x46: {  	_ =	shalt  }
0x47: {  	_ =	shalt  }
0x48: {  	_ =	shalt  }
0x49: {  	_ =	shalt  }
0x4a: {  	_ =	shalt  }
0x4b: {  	_ =	shalt  }
0x4c: {  	_ =	shalt  }
0x4d: {  	_ =	shalt  }
0x4e: {  	_ =	shalt  }
0x4f: {  	_ =	shalt  }
0x50: {  	_ =	shalt  }
0x51: {  	_ =	shalt  }
0x52: {  	_ =	shalt  }
0x53: {  	_ =	shalt  }
0x54: {  	_ =	shalt  }
0x55: {  	_ =	shalt  }
0x56: {  	_ =	shalt  }
0x57: {  	_ =	shalt  }
0x58: {  	_ =	shalt  }
0x59: {  	_ =	shalt  }
0x5a: {  	_ =	shalt  }
0x5b: {  	_ =	shalt  }
0x5c: {  	_ =	shalt  }
0x5d: {  	_ =	shalt  }
0x5e: {  	_ =	shalt  }
0x5f: {  	_ =	shalt  }
0x60: {  	_ =	shalt  }
0x61: {  	_ =	shalt  }
0x62: {  	_ =	shalt  }
0x63: {  	_ =	shalt  }
0x64: {  	_ =	shalt  }
0x65: {  	_ =	shalt  }
0x66: {  	_ =	shalt  }
0x67: {  	_ =	shalt  }
0x68: {  	_ =	shalt  }
0x69: {  	_ =	shalt  }
0x6a: {  	_ =	shalt  }
0x6b: {  	_ =	shalt  }
0x6c: {  	_ =	shalt  }
0x6d: {  	_ =	shalt  }
0x6e: {  	_ =	shalt  }
0x6f: {  	_ =	shalt  }
0x70: {  	_ =	shalt  }
0x71: {  	_ =	shalt  }
0x72: {  	_ =	shalt  }
0x73: {  	_ =	shalt  }
0x74: {  	_ =	shalt  }
0x75: {  	_ =	shalt  }
0x76: {  	_ =	shalt  }
0x77: {  	_ =	shalt  }
0x78: {  	_ =	shalt  }
0x79: {  	_ =	shalt  }
0x7a: {  	_ =	shalt  }
0x7b: {  	_ =	shalt  }
0x7c: {  	_ =	shalt  }
0x7d: {  	_ =	shalt  }
0x7e: {  	_ =	shalt  }
0x7f: {  	_ =	shalt  }
0x80: {  	_ =	shalt  }
0x81: {  	_ =	shalt  }
0x82: {  	_ =	shalt  }
0x83: {  	_ =	shalt  }
0x84: {  	_ =	shalt  }
0x85: {  	_ =	shalt  }
0x86: {  	_ =	shalt  }
0x87: {  	_ =	shalt  }
.Lfunc_end0:
.L_simem_size_0:
called_computation_lowered:
.L_overlay_start_0:
0x88: {  	s2 =	sld [smem:$0x3FD9]  }
0x89: {  	s3 =	sld [smem:$0x3FFE];
	_ =	sdelay $0x1  }
0x8a: {  	s1 =	srdreg.scid  }
0x8b: {  	s0 =	sand.u32 $0x1, s1  }
0x8c: {  	s16 =	sshll.u32 s0, $0xA;
	s2 =	sadd.s32 s3, s2  }
0x8d: {  	s2 =	sadd.s32 s2, s16  }
0x8e: {  	[smem:$0x3FBB] =	sst s2  }
0x8f: {  	_ = 	snop  }
0x90: {  	(tm) =	ssettm $0x1  }
0x91: {  	s17 =	sld [smem:$0x3FFB];
	_ =	sdelay $0x3  }
0x92: {  	_ =	strace s17  }
0x93: {  	s2 =	sld [smem:$0x3FFC];
	_ =	sdelay $0x3  }
0x94: {  	_ =	strace s2  }
0x95: {  	s2 =	sld [smem:$0x3FFD];
	_ =	sdelay $0x3  }
0x96: {  	_ =	strace s2  }
0x97: {  	_ =	strace $0x8FFFFFFF  }
0x98: {  	s18 =	sld [smem:$0x3FDB];
	_ =	sdelay $0x1  }
0x99: {  	s19 =	simm.s32 $_scs_section_size  }
0x9a: {  	s4 =	simm.s32 $_size__tile_overlayer_lowered;
	s5 =	simm.s32 $_tile_overlayer_lowered  }
0x9b: {  	s22 =	simm.s32 $0x1BFF;
	s21 =	sshll.u32 s5, $0x1;
	s2 =	sadd.s32 s19, s18  }
0x9c: {  	s6 =	simm.s32 $0x0;
	s20 =	sshll.u32 s4, $0x1;
	s4 =	sadd.s32 s21, s2  }
0x9d: {  	[timem:s6], [sflag:s22] =	dma.local [hbm:s4], s20  }
0x9e: {  	_ =	swait.ge [sflag:s22], s20  }
0x9f: {  	s3 =	ssub.s32 $0x0, s20;
	[sflag:s22] =	ssyncset.done $0x0  }
0xa0: {  	[sflag:s22] =	ssyncadd.s32 s3;
	_ =	sdelay $0x1  }
0xa1: {  	s23 =	simm.s32 $0x1B8B  }
0xa2: {  	_ =	swait.ge [sflag:s23], $0x1  }
0xa3: {  	[sflag:s23] =	ssyncset.done $0x0  }
0xa4: {  	s25 =	simm.s32 $0x1B8E;
	s24 =	sld [smem:$0x3FFE];
	[sflag:s23] =	ssyncadd.s32 $0xFFFFFFFF  }
0xa5: {  	s26 =	simm.s32 $execute0_lowered;
	[smem:$0x3FD2] =	sst s25  }
0xa6: {  	s4 =	sshll.u32 s26, $0x1;
	_ =	strace $0x80000046;
	[dreg:$0x1] =	wrdreg $0xFFFFFFFF  }
0xa7: {  	s28 =	simm.s32 $_size_execute0_lowered;
	s2 =	sadd.s32 s2, s4;
	[dreg:$0x0] =	wrdreg $0x0  }
0xa8: {  	s4 =	sshll.u32 s28, $0x1;
	[dreg:$0x2] =	wrdreg s2  }
0xa9: {  	[dreg:$0x3] =	wrdreg s4  }
0xaa: {  	[dreg:$0x4] =	wrdreg $0xC0  }
0xab: {  	_ =	task [dreg:s6], $0x5FFFF  }
0xac: {  	[dreg:$0x1] =	wrdreg $0xFFFFFFFF  }
0xad: {  	[dreg:$0x0] =	wrdreg $0x60  }
0xae: {  	[dreg:$0x2] =	wrdreg s24  }
0xaf: {  	[dreg:$0x3] =	wrdreg $0x7C000  }
0xb0: {  	[dreg:$0x4] =	wrdreg $0x9  }
0xb1: {  	_ =	task.clear_ibuf [dreg:s6], $0x5FFFF;
	_ =	strace $0x90000046  }
0xb2: {  	s29 =	simm.s32 $0x9;
	_ =	strace $0x80000048  }
0xb3: {  	_ =	swait.ge [sflag:s29], $0x1  }
0xb4: {  	[sflag:s29] =	ssyncadd.s32 $0xFFFFFFFF  }
0xb5: {  	_ =	strace $0x90000048  }
0xb6: {  	_ =	sfence  }
0xb7: {  	s30 =	sld [smem:$0x0];
	_ =	sdelay $0x2  }
0xb8: {  	s31 =	sshll.u32 s1, $0xD;
	s1 =	sshrl.u32 s1, $0x2  }
0xb9: {  	s3 =	sand.u32 $0x4000, s31;
	s1 =	sadd.s32 s1, s30  }
0xba: {  	s0 =	sor.u32 s3, s0;
	s1 =	sshll.u32 s1, $0x11  }
0xbb: {  	s0 =	sor.u32 s1, s0  }
0xbc: {  	s0 =	sadd.s32 $0x8F2B, s0  }
0xbd: {  	[sflag:s0] =	ssyncadd.remote.s32 $0x1  }
0xbe: {  	_ =	sfence.sel $0xFFFF  }
0xbf: {  	[dreg:$0x0] =	wrdreg $0xFFFFFFFF;
	(pc) =	sbr.abs _section_cstart, $3  }
0xc0: {  	[dreg:$0x1] =	wrdreg $0xFFFFFFFF  }
0xc1: {  	_ =	task.clear_ibuf [dreg:s6], $0x2FFFF;
	_ =	strace $0x9FFFFFFF  }
0xc2: {  	(tm) =	ssettm $0x7FFFFFFF  }
0xc3: {  	_ =	shalt  }
tec
execute0_lowered:
.L_overlay_start_1:
0x0: {  	(tag) =	ssettag $0x1  }
0x1: {  	s0 =	rddreg [dreg:$0x0]  }
0x2: {  	s2 =	rddreg [dreg:$0x1]  }
0x3: {  	s3 =	simm.s32 $0x0;
	s1 =	srdreg.scid;
	s5 =	stileid.u32  }
0x4: {  	s28 =	simm.s32 $0x280;
	s29 =	simm.s32 $0x1;
	s30 =	simm.s32 $0x50  }
0x5: {  	s31 =	simm.s32 $0x400;
	[smem:$0x7FF] =	sst s3;
	s1 =	sand.u32 $0x1, s1  }
0x6: {  	s4 =	sshll.u32 s5, $0x1;
	s12 =	sadd.s32 $0x3800, s0;
	s16 =	smul.u32 $0x4F000, s5  }
0x7: {  	s10 =	sadd.s32 $0x3E600, s0;
	s17 =	smul.u32 $0x4E20, s5;
	s18 =	sshll.u32 s5, $0x6  }
0x8: {  	p0 =	seq.s32 s5, $0xF;
	_ =	strace $0x80000047;
	s6 =	sor.u32 s1, s4  }
0x9: {  	s4 =	sadd.s32 $0x17400, s0;
	s8 =	smul.u32 $0x27100, s1;
	s9 =	ssub.s32 $0x2, s1  }
0xa: {  	[dreg:$0x3] =	wrdreg s10;
	s1 =	smul.u32 $0x2710, s1;
	s19 =	sor.u32 $0x1C07, s18  }
0xb: {  	s7 =	smul.u32 $0x2710, s6;
	s6 =	sadd.s32 $0xD600, s0;
	s25 =	sshrl.u32 s9, $0x1  }
0xc: {  	s10 =	sshrl.u32 s16, $0x2;
	[dreg:$0xa] =	wrdreg s19;
	s16 =	simm.s32 $0x5  }
0xd: {  	s0 =	sadd.s32 s8, s0;
	s26 =	ssub.s32 s9, s25;
	s13 =	sadd.s32 s10, s2  }
0xe: {  	s1 =	sadd.s32 s1, s17;
	s17 =	smov.u32 s12;
	s18 =	smov.u32 s6  }
0xf: {  	s10 =	simm.s32 $0x3;
	s7 =	sshrl.u32 s7, $0x3;
	s20 =	sadd.s32 $0x190, s1  }
0x10: {  	s21 =	sadd.s32 $0x140, s1;
	s8 =	smax.u32 s26, $0x1;
	s25 =	sadd.s32 $0xA0, s1  }
0x11: {  	s1 =	sadd.s32 $0xF0, s1;
	[dreg:$0x9] =	wrdreg s13;
	s14 =	sadd.s32 $0xA, s7  }
0x12: {  	s11 =	sadd.s32 s12, s7;
	s7 =	sadd.s32 s6, s7;
	[dreg:$0xc] =	wrdreg s8  }
0x13: {  	s22 =	sshrl.u32 s20, $0x3;
	s23 =	sshrl.u32 s21, $0x3;
	[dreg:$0xf] =	wrdreg s1  }
0x14: {  	s26 =	sshrl.u32 s25, $0x3;
	s20 =	simm.s32 $0xC;
	s25 =	simm.s32 $0x6  }
0x15: {  	s15 =	sadd.s32 s12, s14;
	[dreg:$0x4] =	wrdreg s11;
	s11 =	sadd.s32 $0x14, s11  }
0x16: {  	[dreg:$0x7] =	wrdreg s7;
	s9 =	sadd.s32 s6, s14;
	s7 =	sadd.s32 $0x128400, s2  }
0x17: {  	s8 =	sadd.s32 s22, s12;
	s24 =	sadd.s32 s23, s6;
	s19 =	sadd.s32 s23, s12  }
0x18: {  	s21 =	sadd.s32 s26, s6;
	s22 =	simm.s32 $0x80;
	[dreg:$0x5] =	wrdreg s15  }
0x19: {  	s23 =	simm.s32 $0x100;
	s26 =	simm.s32 $0x200;
	[dreg:$0x6] =	wrdreg s11  }
0x1a: {  	s12 =	simm.s32 $0x4;
	s14 =	simm.s32 $0xB;
	[dreg:$0x8] =	wrdreg s9  }
0x1b: {  	s11 =	sadd.s32 $0x40E00, s0;
	s0 =	smul.u32 $0x2780, s5;
	[dreg:$0xd] =	wrdreg s8  }
.Ltmp0:
0x1c: {  	[dreg:$0xe] =	wrdreg s24;
	s1 =	sshrl.u32 @p0 s7, $0x3;
	(pc) =	sbr.rel .LBB2_1-.Ltmp0, $4  }
0x1d: {  	s9 =	simm.s32 $0x300;
	s8 =	simm.s32 $0x8;
	s15 =	simm.s32 $0x9  }
0x1e: {  	s24 =	simm.s32 $0xA;
	s7 =	simm.s32 $0x0;
	[dreg:$0x10] =	wrdreg s1  }
0x1f: {  	[dreg:$0xb] =	wrdreg s11;
	s1 =	simm.s32 $0x2C00;
	s0 =	sadd.s32 @!p0 s0, s11  }
0x20: {  	s11 =	simm.s32 $0x5400;
	[dreg:$0x11] =	wrdreg s0;
	s0 =	simm.s32 $0x2  }
.LBB2_4:
0x21: {  	_ =	swait.ge [sflag:s8], $0x2800  }
0x22: {  	[sflag:s8] =	ssyncset.done $0x0  }
0x23: {  	[sflag:s8] =	ssyncadd.s32 $0xFFFFD800  }
0x24: {  	_ =	swait.ge [sflag:s12], $0x50  }
0x25: {  	[sflag:s12] =	ssyncset.done $0x0  }
0x26: {  	[sflag:s12] =	ssyncadd.s32 $0xFFFFFFB0  }
0x27: {  	[spmem:s2] =	stream.indirect.scatter.add.f32 [tilespmem:s31], [sflag:$0xB], $0x80, s26, s30, $0xb8;
	[tilespmem:$0x1B800] =	vst v63  }
0x28: {  	_ =	swait.ge [sflag:s15], $0x2800  }
0x29: {  	[sflag:s15] =	ssyncset.done $0x0  }
0x2a: {  	[sflag:s15] =	ssyncadd.s32 $0xFFFFD800  }
0x2b: {  	_ =	swait.ge [sflag:s16], $0x50  }
0x2c: {  	[sflag:s16] =	ssyncset.done $0x0  }
0x2d: {  	[sflag:s16] =	ssyncadd.s32 $0xFFFFFFB0  }
0x2e: {  	[spmem:s2] =	stream.indirect.scatter.add.f32 [tilespmem:s1], [sflag:$0xC], $0x80, s28, s30, $0xb8;
	[tilespmem:$0x1B800] =	vst v63  }
0x2f: {  	_ =	swait.ge [sflag:s14], $0x2800  }
0x30: {  	[sflag:s14] =	ssyncset.done $0x0  }
0x31: {  	[sflag:s14] =	ssyncadd.s32 $0xFFFFD800  }
0x32: {  	_ =	swait.ge [sflag:s20], $0x2800  }
0x33: {  	[sflag:s20] =	ssyncset.done $0x0  }
0x34: {  	s5 =	simm.s32 $0xD;
	[sflag:s20] =	ssyncadd.s32 $0xFFFFD800  }
0x35: {  	_ =	swait.ge [sflag:s5], $0x2800  }
0x36: {  	[sflag:s5] =	ssyncset.done $0x0  }
0x37: {  	[sflag:s5] =	ssyncadd.s32 $0xFFFFD800  }
0x38: {  	[bflag:$0x0] =	sbarrier.arrive $0xFFFF  }
0x39: {  	s5 =	rddreg [dreg:$0xb]  }
0x3a: {  	s6 =	simm.s32 @p0 $0x1FCE;
	s7 =	rddreg [dreg:$0x10];
	s5 =	sadd.s32 @p0 $0x25080, s5  }
0x3b: {  	[hbm:s5], [sflag:s6] =	dma.local @p0 [spmem:s7], $0x2080  }
0x3c: {  	s5 =	simm.s32 @p0 $0xE  }
0x3d: {  	_ =	swait.ge @p0 [sflag:s5], $0x2080  }
0x3e: {  	s6 =	stileid.u32;
	s13 =	rddreg [dreg:$0x9]  }
0x3f: {  	s6 =	sshll.u32 @!p0 s6, $0x6;
	[sflag:s5] =	ssyncset.done @p0 $0x0;
	s7 =	rddreg [dreg:$0x11]  }
0x40: {  	[sflag:s5] =	ssyncadd.s32 @p0 $0xFFFFDF80;
	s5 =	sor.u32 @!p0 $0x1C0E, s6;
	s6 =	sshrl.u32 @!p0 s13, $0x3  }
0x41: {  	[hbm:s7], [sflag:s5] =	dma.local @!p0 [spmem:s6], $0x2780  }
0x42: {  	s5 =	simm.s32 @!p0 $0xE  }
0x43: {  	_ =	swait.ge @!p0 [sflag:s5], $0x2780  }
0x44: {  	s6 =	rddreg [dreg:$0x12]  }
0x45: {  	s7 =	sadd.s32 $0x1, s6;
	s6 =	rddreg [dreg:$0xc]  }
0x46: {  	p1 =	sne.s32 s7, s6  }
.Ltmp1:
0x47: {  	_ = 	snop;
	(pc) =	sbr.rel @!p1 .LBB2_5-.Ltmp1, $3  }
0x48: {  	_ =	sdelay $0x1  }
0x49: {  	[sflag:s5] =	ssyncset.done @!p0 $0x0  }
0x4a: {  	[sflag:s5] =	ssyncadd.s32 @!p0 $0xFFFFD880  }
.LBB2_1:
0x4b: {  	[dreg:$0x12] =	wrdreg s7  }
0x4c: {  	s5 =	rddreg [dreg:$0x4]  }
0x4d: {  	s6 =	rddreg [dreg:$0x5]  }
0x4e: {  	s7 =	rddreg [dreg:$0x6]  }
0x4f: {  	[tilespmem:s3], [sflag:$0x1] =	stream.linear.gather [hbm4b:s5+s3], $0x50, $0x38;
	[tilespmem:$0x1B800] =	vst v63  }
0x50: {  	s5 =	sshrl.u32 s13, $0x3;
	s13 =	rddreg [dreg:$0x3]  }
0x51: {  	[tilespmem:s22], [sflag:$0x2] =	stream.linear.gather [hbm4b:s6+s3], $0x50, $0x38;
	[tilespmem:$0x1B800] =	vst v63  }
0x52: {  	s6 =	rddreg [dreg:$0x7]  }
0x53: {  	[tilespmem:s23], [sflag:$0x3] =	stream.linear.gather [hbm4b:s7+s3], $0x50, $0x38;
	[tilespmem:$0x1B800] =	vst v63  }
0x54: {  	s7 =	rddreg [dreg:$0x8]  }
0x55: {  	[tilespmem:s26], [sflag:$0x4] =	stream.linear.gather [hbm4b:s6+s3], $0x50, $0x38;
	[tilespmem:$0x1B800] =	vst v63  }
0x56: {  	s6 =	rddreg [dreg:$0xa]  }
0x57: {  	[tilespmem:s28], [sflag:$0x5] =	stream.linear.gather [hbm4b:s7+s3], $0x50, $0x38;
	[tilespmem:$0x1B800] =	vst v63  }
0x58: {  	[spmem:s5], [sflag:s6] =	dma.local [hbm:s13], $0x2780  }
0x59: {  	_ =	swait.ge [sflag:s29], $0x50  }
0x5a: {  	[sflag:s29] =	ssyncset.done $0x0  }
0x5b: {  	[sflag:s29] =	ssyncadd.s32 $0xFFFFFFB0  }
0x5c: {  	[tilespmem:s31], [sflag:$0x8] =	stream.indirect.gather [hbm4b:s4+s30], $0x80, s3, s30, $0xb8;
	[tilespmem:$0x1B800] =	vst v63  }
0x5d: {  	_ =	swait.ge [sflag:s0], $0x50  }
0x5e: {  	[sflag:s0] =	ssyncset.done $0x0  }
0x5f: {  	s13 =	simm.s32 $0x7;
	[sflag:s0] =	ssyncadd.s32 $0xFFFFFFB0  }
0x60: {  	[tilespmem:s1], [sflag:$0x9] =	stream.indirect.gather [hbm4b:s4+s30], $0x80, s22, s30, $0xb8;
	[tilespmem:$0x1B800] =	vst v63  }
0x61: {  	_ =	swait.ge [sflag:s13], $0x2780  }
0x62: {  	[sflag:s13] =	ssyncset.done $0x0  }
0x63: {  	[sflag:s13] =	ssyncadd.s32 $0xFFFFD880  }
0x64: {  	[bflag:$0x0] =	sbarrier.arrive $0xFFFF  }
0x65: {  	s7 =	simm.s32 $0x0;
	s13 =	rddreg [dreg:$0xf]  }
.LBB2_2:
0x66: {  	p1 =	seq.s32 s7, $0x0  }
0x67: {  	s5 =	simm.s32 @!p1 $0xD  }
0x68: {  	_ =	swait.ge @!p1 [sflag:s5], $0x2800  }
0x69: {  	[sflag:s5] =	ssyncset.done @!p1 $0x0  }
0x6a: {  	s6 =	sadd.s32 s7, s21;
	[sflag:s5] =	ssyncadd.s32 @!p1 $0xFFFFD800  }
0x6b: {  	[tilespmem:s9], [sflag:$0x6] =	stream.linear.gather [hbm4b:s6+s3], $0x50, $0x38;
	[tilespmem:$0x1B800] =	vst v63  }
0x6c: {  	_ =	swait.ge [sflag:s10], $0x50  }
0x6d: {  	[sflag:s10] =	ssyncset.done $0x0  }
0x6e: {  	[sflag:s10] =	ssyncadd.s32 $0xFFFFFFB0  }
0x6f: {  	[tilespmem:s11], [sflag:$0xA] =	stream.indirect.gather [hbm4b:s4+s30], $0x80, s23, s30, $0xb8;
	[tilespmem:$0x1B800] =	vst v63  }
0x70: {  	_ =	swait.ge [sflag:s8], $0x2800  }
0x71: {  	[sflag:s8] =	ssyncset.done $0x0  }
0x72: {  	[sflag:s8] =	ssyncadd.s32 $0xFFFFD800  }
0x73: {  	_ =	swait.ge [sflag:s12], $0x50  }
0x74: {  	[sflag:s12] =	ssyncset.done $0x0  }
0x75: {  	s5 =	sshrl.u32 s13, $0x3;
	[sflag:s12] =	ssyncadd.s32 $0xFFFFFFB0  }
0x76: {  	[spmem:s2] =	stream.indirect.scatter.add.f32 [tilespmem:s31], [sflag:$0xB], $0x80, s26, s30, $0xb8;
	[tilespmem:$0x1B800] =	vst v63  }
0x77: {  	s6 =	sadd.s32 s17, s5  }
0x78: {  	[tilespmem:s3], [sflag:$0x1] =	stream.linear.gather [hbm4b:s6+s3], $0x50, $0x38;
	[tilespmem:$0x1B800] =	vst v63  }
0x79: {  	_ =	swait.ge [sflag:s14], $0x2800  }
0x7a: {  	[sflag:s14] =	ssyncset.done $0x0  }
0x7b: {  	s5 =	sadd.s32 s18, s5;
	[sflag:s14] =	ssyncadd.s32 $0xFFFFD800  }
0x7c: {  	[tilespmem:s26], [sflag:$0x4] =	stream.linear.gather [hbm4b:s5+s3], $0x50, $0x38;
	[tilespmem:$0x1B800] =	vst v63  }
0x7d: {  	_ =	swait.ge [sflag:s29], $0x50  }
0x7e: {  	[sflag:s29] =	ssyncset.done $0x0  }
0x7f: {  	[sflag:s29] =	ssyncadd.s32 $0xFFFFFFB0  }
0x80: {  	[tilespmem:s31], [sflag:$0x8] =	stream.indirect.gather [hbm4b:s4+s30], $0x80, s3, s30, $0xb8;
	[tilespmem:$0x1B800] =	vst v63  }
0x81: {  	_ =	swait.ge [sflag:s15], $0x2800  }
0x82: {  	[sflag:s15] =	ssyncset.done $0x0  }
0x83: {  	[sflag:s15] =	ssyncadd.s32 $0xFFFFD800  }
0x84: {  	_ =	swait.ge [sflag:s16], $0x50  }
0x85: {  	[sflag:s16] =	ssyncset.done $0x0  }
0x86: {  	[sflag:s16] =	ssyncadd.s32 $0xFFFFFFB0  }
0x87: {  	[spmem:s2] =	stream.indirect.scatter.add.f32 [tilespmem:s1], [sflag:$0xC], $0x80, s28, s30, $0xb8;
	[tilespmem:$0x1B800] =	vst v63  }
0x88: {  	s6 =	sadd.s32 s7, s19  }
0x89: {  	[tilespmem:s22], [sflag:$0x2] =	stream.linear.gather [hbm4b:s6+s3], $0x50, $0x38;
	[tilespmem:$0x1B800] =	vst v63  }
0x8a: {  	_ =	swait.ge [sflag:s20], $0x2800  }
0x8b: {  	[sflag:s20] =	ssyncset.done $0x0;
	s6 =	rddreg [dreg:$0xe]  }
0x8c: {  	[sflag:s20] =	ssyncadd.s32 $0xFFFFD800;
	s5 =	sadd.s32 s7, s6  }
0x8d: {  	[tilespmem:s28], [sflag:$0x5] =	stream.linear.gather [hbm4b:s5+s3], $0x50, $0x38;
	[tilespmem:$0x1B800] =	vst v63  }
0x8e: {  	_ =	swait.ge [sflag:s0], $0x50  }
0x8f: {  	[sflag:s0] =	ssyncset.done $0x0  }
0x90: {  	[sflag:s0] =	ssyncadd.s32 $0xFFFFFFB0  }
0x91: {  	[tilespmem:s1], [sflag:$0x9] =	stream.indirect.gather [hbm4b:s4+s30], $0x80, s22, s30, $0xb8;
	[tilespmem:$0x1B800] =	vst v63  }
0x92: {  	_ =	swait.ge [sflag:s24], $0x2800  }
0x93: {  	p1 =	seq.s32 s7, $0x4B0;
	[sflag:s24] =	ssyncset.done $0x0  }
.Ltmp2:
0x94: {  	[sflag:s24] =	ssyncadd.s32 $0xFFFFD800;
	(pc) =	sbr.rel @p1 .LBB2_4-.Ltmp2, $4  }
0x95: {  	_ =	swait.ge [sflag:s25], $0x50  }
0x96: {  	[sflag:s25] =	ssyncset.done $0x0  }
0x97: {  	[sflag:s25] =	ssyncadd.s32 $0xFFFFFFB0  }
0x98: {  	[spmem:s2] =	stream.indirect.scatter.add.f32 [tilespmem:s11], [sflag:$0xD], $0x80, s9, s30, $0xb8;
	[tilespmem:$0x1B800] =	vst v63  }
.Ltmp3:
0x99: {  	(pc) =	sbr.rel .LBB2_2-.Ltmp3, $4  }
0x9a: {  	_ = 	snop  }
0x9b: {  	s5 =	rddreg [dreg:$0xd]  }
0x9c: {  	s13 =	sadd.s32 $0xF0, s13;
	s5 =	sadd.s32 s7, s5;
	s7 =	sadd.s32 $0x1E, s7  }
0x9d: {  	[tilespmem:s23], [sflag:$0x3] =	stream.linear.gather [hbm4b:s5+s3], $0x50, $0x38;
	[tilespmem:$0x1B800] =	vst v63  }
.LBB2_5:
0x9e: {  	_ =	sfence.sel $0x180000  }
0x9f: {  	[bflag:$0x0] =	sbarrier.arrive $0xFFFF  }
0xa0: {  	_ =	strace $0x90000047  }
0xa1: {  	s0 =	stileid.u32;
	[bflag:$0x2] =	sbarrier.arrive $0xFFFF  }
0xa2: {  	p0 =	sne.s32 s0, $0x0;
	s0 =	rddreg [dreg:$0x2]  }
0xa3: {  	s0 =	sadd.s32 @!p0 $0x100000, s0  }
0xa4: {  	[sflag:s0] =	ssyncadd.tile.s32 @!p0 $0x1;
	_ =	shalt  }
.Lfunc_end2:
_tile_overlayer_lowered:
.L_overlay_start_2:
0xa5: {  	(tag) =	ssettag $0x2  }
0xa6: {  	s0 =	rddreg [dreg:$0x0];
	s2 =	stileid.u32  }
0xa7: {  	s1 =	rddreg [dreg:$0x1];
	p0 =	sne.s32 s2, $0x0  }
0xa8: {  	s3 =	rddreg [dreg:$0x2];
	[bflag:$0x3] =	sbarrier.arrive $0xFFFF;
	s2 =	simm.s32 @!p0 $0x1C0E  }
0xa9: {  	[timem:s3], [sflag:s2] =	dma.local @!p0 [hbm:s0], s1  }
0xaa: {  	s0 =	simm.s32 @!p0 $0xE  }
0xab: {  	_ =	swait.ge @!p0 [sflag:s0], s1  }
0xac: {  	s1 =	ssub.s32 @!p0 $0x0, s1;
	[sflag:s0] =	ssyncset.done @!p0 $0x0  }
0xad: {  	[sflag:s0] =	ssyncadd.s32 @!p0 s1  }
0xae: {  	[bflag:$0x3] =	sbarrier.arrive $0xFFFF  }
0xaf: {  	_ =	shalt  }

</sc_bundles>
